<compile_context>
chip_gen: v7x
topology: tpu7x:2x2x1
jax: 0.10.2.dev20260603
libtpu: 0.0.44.dev20260713+nightly
codegen_flags: <defaults>
</compile_context>

<pallas_src>
import functools

import jax
import jax.numpy as jnp
from jax import lax
from jax.experimental import pallas as pl
from jax.experimental.pallas import tpu as pltpu
from jax.experimental.pallas import tpu_sc as plsc

L = 16
NC, NS = 2, 16
NTEC = NC * NS
K = 2048
NEL = 16 * 512 * 512
NROW, NCOL = 8192, 512
ROWS_PER_TEC = NROW // NTEC
CROWS = 8
CHUNK = CROWS * NCOL
NCH = ROWS_PER_TEC // CROWS
NJ = NCOL // L
UNROLL = 2


def _sc_histogram_body(x_hbm, m_hbm, cnt_out, sum_out, s_out,
                       xb0, mb0, xb1, mb1, cnt_h, sum_h,
                       stmp, sx0, sm0, sx1, sm1):
    wid = lax.axis_index("s") * NC + lax.axis_index("c")
    zeros16 = jnp.zeros((L,), jnp.float32)
    ones16 = jnp.ones((L,), jnp.float32)

    @plsc.parallel_loop(0, K // L, step=1, unroll=8)
    def _zero(i):
        cnt_h[pl.ds(i * L, L)] = zeros16
        sum_h[pl.ds(i * L, L)] = zeros16

    base0 = wid * ROWS_PER_TEC

    def start_fetch(c, xb, mb, sx, sm_):
        pltpu.async_copy(x_hbm.at[pl.ds(base0 + c * CROWS, CROWS)], xb, sx)
        pltpu.async_copy(m_hbm.at[pl.ds(base0 + c * CROWS, CROWS)], mb, sm_)

    def wait_fetch(c, xb, mb, sx, sm_):
        pltpu.make_async_copy(
            x_hbm.at[pl.ds(base0 + c * CROWS, CROWS)], xb, sx).wait()
        pltpu.make_async_copy(
            m_hbm.at[pl.ds(base0 + c * CROWS, CROWS)], mb, sm_).wait()

    def process(xb, mb, acc):
        @plsc.parallel_loop(0, NJ, step=1, unroll=UNROLL, carry=acc)
        def vbody(j, a):
            for r in range(CROWS):
                x = xb[r, pl.ds(j * L, L)]
                mi = mb[r, pl.ds(j * L, L)]
                s = 1.0 / (1.0 + jnp.exp(-x))
                e = jnp.minimum(1.0 + s, 1.9999999)
                idx = (plsc.bitcast(e, jnp.int32) >> 12) - 0x3F800
                neg = mi == 0
                plsc.addupdate_scatter(cnt_h, [idx], ones16, mask=neg)
                plsc.addupdate_scatter(sum_h, [idx], e, mask=neg)
                a = a + s
            return a
        return vbody

    start_fetch(0, xb0, mb0, sx0, sm0)
    start_fetch(1, xb1, mb1, sx1, sm1)

    def chunk_body(i, acc):
        c0 = 2 * i
        wait_fetch(c0, xb0, mb0, sx0, sm0)
        acc = process(xb0, mb0, acc)

        @pl.when(c0 + 2 < NCH)
        def _():
            start_fetch(c0 + 2, xb0, mb0, sx0, sm0)

        wait_fetch(c0 + 1, xb1, mb1, sx1, sm1)
        acc = process(xb1, mb1, acc)

        @pl.when(c0 + 3 < NCH)
        def _():
            start_fetch(c0 + 3, xb1, mb1, sx1, sm1)

        return acc

    accs = lax.fori_loop(0, NCH // 2, chunk_body, zeros16)

    stmp[...] = accs
    pltpu.sync_copy(cnt_h, cnt_out.at[wid])
    pltpu.sync_copy(sum_h, sum_out.at[wid])
    pltpu.sync_copy(stmp, s_out.at[wid])


@functools.cache
def _sc_histogram():
    return pl.kernel(
        _sc_histogram_body,
        out_type=(
            jax.ShapeDtypeStruct((NTEC, K), jnp.float32),
            jax.ShapeDtypeStruct((NTEC, K), jnp.float32),
            jax.ShapeDtypeStruct((NTEC, L), jnp.float32),
        ),
        mesh=plsc.VectorSubcoreMesh(
            core_axis_name="c", subcore_axis_name="s",
            num_cores=NC, num_subcores=NS),
        compiler_params=pltpu.CompilerParams(needs_layout_passes=False),
        scratch_types=[
            pltpu.VMEM((CROWS, NCOL), jnp.float32),
            pltpu.VMEM((CROWS, NCOL), jnp.int32),
            pltpu.VMEM((CROWS, NCOL), jnp.float32),
            pltpu.VMEM((CROWS, NCOL), jnp.int32),
            pltpu.VMEM((K,), jnp.float32),
            pltpu.VMEM((K,), jnp.float32),
            pltpu.VMEM((L,), jnp.float32),
            pltpu.SemaphoreType.DMA,
            pltpu.SemaphoreType.DMA,
            pltpu.SemaphoreType.DMA,
            pltpu.SemaphoreType.DMA,
        ],
    )


def _tc_finish_body(cnt_ref, sum_ref, s_ref, out_ref):
    cnt1 = jnp.sum(cnt_ref[...], axis=0, keepdims=True)
    sum1 = jnp.sum(sum_ref[...], axis=0, keepdims=True)
    R, C = K // 128, 128
    cnt2d = jnp.concatenate([cnt1[:, i * C:(i + 1) * C] for i in range(R)],
                            axis=0)
    sum2d = jnp.concatenate([sum1[:, i * C:(i + 1) * C] for i in range(R)],
                            axis=0)
    N = float(NEL)
    M = jnp.sum(cnt2d)
    Stot = jnp.sum(sum2d)
    Sall = jnp.sum(s_ref[...])
    G = N - M
    P = N - Sall - 2.0 * M + Stot

    kk = lax.broadcasted_iota(jnp.int32, (C, C), 0)
    jj = lax.broadcasted_iota(jnp.int32, (C, C), 1)
    A = (kk >= jj).astype(jnp.float32)
    inrow = jnp.dot(cnt2d, A, preferred_element_type=jnp.float32)
    rowsum = jnp.sum(cnt2d, axis=1, keepdims=True)
    rr = lax.broadcasted_iota(jnp.int32, (R, R), 0)
    cc = lax.broadcasted_iota(jnp.int32, (R, R), 1)
    B = (cc > rr).astype(jnp.float32)
    ra = jnp.dot(B, rowsum, preferred_element_type=jnp.float32)
    r_hi = inrow + ra
    r_lo = r_hi - cnt2d

    denom = (G + r_lo) * (G + r_hi)
    W = jnp.where(cnt2d > 0, G * cnt2d / jnp.maximum(denom, 1.0), 0.0)
    W = W + jnp.where((G == 0.0) & (r_lo == 0.0) & (cnt2d > 0), 1.0, 0.0)
    ebar = sum2d / jnp.maximum(cnt2d, 1.0)
    loss = P * (1.0 / N) + jnp.sum(ebar * W)
    out_ref[0, 0] = loss


def _tc_finish(cnt, sm, sacc):
    return pl.pallas_call(
        _tc_finish_body,
        out_shape=jax.ShapeDtypeStruct((1, 1), jnp.float32),
        in_specs=[pl.BlockSpec(memory_space=pltpu.VMEM)] * 3,
        out_specs=pl.BlockSpec(memory_space=pltpu.SMEM),
    )(cnt, sm, sacc)


def kernel(outputs, masks):
    x = outputs.reshape(NROW, NCOL)
    m = masks.reshape(NROW, NCOL).astype(jnp.int32)
    cnt, sm, sacc = _sc_histogram()(x, m)
    return _tc_finish(cnt, sm, sacc).reshape(())

# --- scband reference (transcript-rebuilt; emitter-appended) ---
"""Pipeline reference for scband-lovasz-hinge-loss-7009386627185 (READ-ONLY COPY).

The authoritative reference and input builder live on the scoring server;
editing this copy changes nothing except your own understanding.
"""

import jax, jax.numpy as jnp
import numpy as np


def setup_inputs(seed: int = 0) -> dict:
    key = jax.random.key(seed)
    k1, k2 = jax.random.split(key)
    outputs = jax.random.normal(k1, (16, 512, 512), dtype=jnp.float32)
    masks = jax.random.randint(k2, (16, 512, 512), 0, 2, dtype=jnp.int64)
    return {"outputs": outputs, "masks": masks}


def _lovasz_grad(gt_sorted):
    # gt_sorted: float32 [P], binary 0/1 sorted by descending errors
    gts = gt_sorted.sum()
    intersection = gts - jnp.cumsum(gt_sorted, axis=0)
    union = gts + jnp.cumsum(1.0 - gt_sorted, axis=0)
    jaccard = 1.0 - intersection / union
    # jaccard[1:] = jaccard[1:] - jaccard[:-1]
    grad = jnp.concatenate([jaccard[:1], jaccard[1:] - jaccard[:-1]], axis=0)
    return grad


def reference(outputs, masks):
    # outputs: float32 [B, H, W] raw scores; masks: int [B, H, W] binary {0,1}
    probs = jax.nn.sigmoid(outputs)
    scores = probs.reshape(-1)
    labels = masks.reshape(-1).astype(jnp.float32)
    # lovasz_hinge_flat (per_image=False, ignore=None)
    signs = 2.0 * labels - 1.0
    errors = 1.0 - scores * signs
    # sort descending; perm is treated as data (non-differentiable)
    perm = jnp.argsort(-errors)
    errors_sorted = errors[perm]
    gt_sorted = labels[perm]
    grad = _lovasz_grad(gt_sorted)
    loss = jnp.dot(jax.nn.relu(errors_sorted), grad)
    return loss

if __name__ == "__main__":
    import jax
    _d = setup_inputs()
    print(jax.jit(kernel)(*tuple(_d.values())))

</pallas_src>

<mosaic_0001>
#map = affine_map<(d0, d1) -> (0, 0)>
module attributes {stable_mosaic.version = 14 : i64} {
  func.func @_sc_histogram_body(%arg0: i32, %arg1: i32, %arg2: memref<8192x512xf32, #tpu.memory_space<hbm>>, %arg3: memref<8192x512xi32, #tpu.memory_space<hbm>>, %arg4: memref<32x2048xf32, #tpu.memory_space<hbm>>, %arg5: memref<32x2048xf32, #tpu.memory_space<hbm>>, %arg6: memref<32x16xf32, #tpu.memory_space<hbm>>, %arg7: memref<8x512xf32, #tpu.memory_space<vmem>>, %arg8: memref<8x512xi32, #tpu.memory_space<vmem>>, %arg9: memref<8x512xf32, #tpu.memory_space<vmem>>, %arg10: memref<8x512xi32, #tpu.memory_space<vmem>>, %arg11: memref<2048xf32, #tpu.memory_space<vmem>>, %arg12: memref<2048xf32, #tpu.memory_space<vmem>>, %arg13: memref<16xf32, #tpu.memory_space<vmem>>, %arg14: memref<!tpu.dma_semaphore, #tpu.memory_space<semaphore_mem>>, %arg15: memref<!tpu.dma_semaphore, #tpu.memory_space<semaphore_mem>>, %arg16: memref<!tpu.dma_semaphore, #tpu.memory_space<semaphore_mem>>, %arg17: memref<!tpu.dma_semaphore, #tpu.memory_space<semaphore_mem>>) attributes {dimension_semantics = [#tpu.dimension_semantics<core_parallel>, #tpu.dimension_semantics<subcore_parallel>], iteration_bounds = array<i64: 2, 16>, scalar_prefetch = 0 : i64, scratch_operands = 11 : i64, tpu.core_type = #tpu.core_type<sc_vector_subcore>, window_params = [{transform_indices = #map}, {transform_indices = #map}, {transform_indices = #map}, {transform_indices = #map}, {transform_indices = #map}]} {
    %mul3A = arith.constant 2 : i32
    %mul3A_0 = arith.muli %arg1, %mul3A : i32
    %add3A = arith.addi %mul3A_0, %arg0 : i32
    %broadcast_in_dim3A = arith.constant 0.000000e+00 : f32
    %broadcast_in_dim3A_1 = vector.broadcast %broadcast_in_dim3A : f32 to vector<16xf32>
    %broadcast_in_dim3A_2 = arith.constant 1.000000e+00 : f32
    %broadcast_in_dim3A_3 = vector.broadcast %broadcast_in_dim3A_2 : f32 to vector<16xf32>
    %parallel_loop3A = arith.constant 0 : i32
    %parallel_loop3A_4 = arith.constant 128 : i32
    %parallel_loop3A_5 = arith.constant 1 : i32
    scf.for %parallel_loop3A_37 = %parallel_loop3A to %parallel_loop3A_4 step %parallel_loop3A_5  : i32 {
      %parallel_loop3A_38 = arith.constant 16 : i32
      %parallel_loop3A_39 = arith.muli %parallel_loop3A_37, %parallel_loop3A_38 : i32
      %parallel_loop3A_40 = arith.index_cast %parallel_loop3A_39 : i32 to index
      %parallel_loop3A_41 = tpu.vector_load %arg11[%parallel_loop3A_40] {strides = array<i32>} : memref<2048xf32, #tpu.memory_space<vmem>>, vector<16xf32>,
      tpu.vector_store %arg11[%parallel_loop3A_40], %broadcast_in_dim3A_1 {strides = array<i32>} : memref<2048xf32, #tpu.memory_space<vmem>>, vector<16xf32>,
      %parallel_loop3A_42 = arith.constant 16 : i32
      %parallel_loop3A_43 = arith.muli %parallel_loop3A_37, %parallel_loop3A_42 : i32
      %parallel_loop3A_44 = arith.index_cast %parallel_loop3A_43 : i32 to index
      %parallel_loop3A_45 = tpu.vector_load %arg12[%parallel_loop3A_44] {strides = array<i32>} : memref<2048xf32, #tpu.memory_space<vmem>>, vector<16xf32>,
      tpu.vector_store %arg12[%parallel_loop3A_44], %broadcast_in_dim3A_1 {strides = array<i32>} : memref<2048xf32, #tpu.memory_space<vmem>>, vector<16xf32>,
    } {sc.loop_unroll_factor = 8 : i64, sc.parallel_access}
    %mul3A_6 = arith.constant 256 : i32
    %mul3A_7 = arith.muli %add3A, %mul3A_6 : i32
    %add3A_8 = arith.constant 0 : i32
    %add3A_9 = arith.addi %mul3A_7, %add3A_8 : i32
    %dma_start3A = arith.constant 0 : i32
    %dma_start3A_10 = tpu.memref_slice %arg2[%add3A_9, %dma_start3A] : memref<8192x512xf32, #tpu.memory_space<hbm>> -> memref<8x512xf32, #tpu.memory_space<hbm>>
    %dma_start3A_11 = arith.constant 0 : i32
    %dma_start3A_12 = tpu.memref_slice %arg2[%add3A_9, %dma_start3A_11] : memref<8192x512xf32, #tpu.memory_space<hbm>> -> memref<8x512xf32, #tpu.memory_space<hbm>>
    tpu.enqueue_dma source(%dma_start3A_12 : memref<8x512xf32, #tpu.memory_space<hbm>>) target(%arg7 : memref<8x512xf32, #tpu.memory_space<vmem>>) target_semaphore(%arg14 : memref<!tpu.dma_semaphore, #tpu.memory_space<semaphore_mem>>)
    %add3A_13 = arith.constant 0 : i32
    %add3A_14 = arith.addi %mul3A_7, %add3A_13 : i32
    %dma_start3A_15 = arith.constant 0 : i32
    %dma_start3A_16 = tpu.memref_slice %arg3[%add3A_14, %dma_start3A_15] : memref<8192x512xi32, #tpu.memory_space<hbm>> -> memref<8x512xi32, #tpu.memory_space<hbm>>
    %dma_start3A_17 = arith.constant 0 : i32
    %dma_start3A_18 = tpu.memref_slice %arg3[%add3A_14, %dma_start3A_17] : memref<8192x512xi32, #tpu.memory_space<hbm>> -> memref<8x512xi32, #tpu.memory_space<hbm>>
    tpu.enqueue_dma source(%dma_start3A_18 : memref<8x512xi32, #tpu.memory_space<hbm>>) target(%arg8 : memref<8x512xi32, #tpu.memory_space<vmem>>) target_semaphore(%arg15 : memref<!tpu.dma_semaphore, #tpu.memory_space<semaphore_mem>>)
    %add3A_19 = arith.constant 8 : i32
    %add3A_20 = arith.addi %mul3A_7, %add3A_19 : i32
    %dma_start3A_21 = arith.constant 0 : i32
    %dma_start3A_22 = tpu.memref_slice %arg2[%add3A_20, %dma_start3A_21] : memref<8192x512xf32, #tpu.memory_space<hbm>> -> memref<8x512xf32, #tpu.memory_space<hbm>>
    %dma_start3A_23 = arith.constant 0 : i32
    %dma_start3A_24 = tpu.memref_slice %arg2[%add3A_20, %dma_start3A_23] : memref<8192x512xf32, #tpu.memory_space<hbm>> -> memref<8x512xf32, #tpu.memory_space<hbm>>
    tpu.enqueue_dma source(%dma_start3A_24 : memref<8x512xf32, #tpu.memory_space<hbm>>) target(%arg9 : memref<8x512xf32, #tpu.memory_space<vmem>>) target_semaphore(%arg16 : memref<!tpu.dma_semaphore, #tpu.memory_space<semaphore_mem>>)
    %add3A_25 = arith.constant 8 : i32
    %add3A_26 = arith.addi %mul3A_7, %add3A_25 : i32
    %dma_start3A_27 = arith.constant 0 : i32
    %dma_start3A_28 = tpu.memref_slice %arg3[%add3A_26, %dma_start3A_27] : memref<8192x512xi32, #tpu.memory_space<hbm>> -> memref<8x512xi32, #tpu.memory_space<hbm>>
    %dma_start3A_29 = arith.constant 0 : i32
    %dma_start3A_30 = tpu.memref_slice %arg3[%add3A_26, %dma_start3A_29] : memref<8192x512xi32, #tpu.memory_space<hbm>> -> memref<8x512xi32, #tpu.memory_space<hbm>>
    tpu.enqueue_dma source(%dma_start3A_30 : memref<8x512xi32, #tpu.memory_space<hbm>>) target(%arg10 : memref<8x512xi32, #tpu.memory_space<vmem>>) target_semaphore(%arg17 : memref<!tpu.dma_semaphore, #tpu.memory_space<semaphore_mem>>)
    %scan3A = arith.constant 0 : i32
    %scan3A_31 = arith.constant 16 : i32
    %scan3A_32 = arith.addi %scan3A, %scan3A_31 : i32
    %scan3A_33 = arith.constant 1 : i32
    %scan3A_34 = scf.for %scan3A_37 = %scan3A to %scan3A_32 step %scan3A_33 iter_args(%scan3A_38 = %broadcast_in_dim3A_1) -> (vector<16xf32>)  : i32 {
      %mul3A_39 = arith.constant 2 : i32
      %mul3A_40 = arith.muli %mul3A_39, %scan3A_37 : i32
      %mul3A_41 = arith.constant 8 : i32
      %mul3A_42 = arith.muli %mul3A_40, %mul3A_41 : i32
      %add3A_43 = arith.addi %mul3A_7, %mul3A_42 : i32
      %dma_wait3A = arith.constant 0 : i32
      %dma_wait3A_44 = tpu.memref_slice %arg2[%add3A_43, %dma_wait3A] : memref<8192x512xf32, #tpu.memory_space<hbm>> -> memref<8x512xf32, #tpu.memory_space<hbm>>
      %dma_wait3A_45 = arith.constant 0 : i32
      %dma_wait3A_46 = tpu.memref_slice %arg2[%add3A_43, %dma_wait3A_45] : memref<8192x512xf32, #tpu.memory_space<hbm>> -> memref<8x512xf32, #tpu.memory_space<hbm>>
      tpu.wait_dma2 semaphore(%arg14 : memref<!tpu.dma_semaphore, #tpu.memory_space<semaphore_mem>>) src(%dma_wait3A_46 : memref<8x512xf32, #tpu.memory_space<hbm>>) dst(%arg7 : memref<8x512xf32, #tpu.memory_space<vmem>>)
      %mul3A_47 = arith.constant 8 : i32
      %mul3A_48 = arith.muli %mul3A_40, %mul3A_47 : i32
      %add3A_49 = arith.addi %mul3A_7, %mul3A_48 : i32
      %dma_wait3A_50 = arith.constant 0 : i32
      %dma_wait3A_51 = tpu.memref_slice %arg3[%add3A_49, %dma_wait3A_50] : memref<8192x512xi32, #tpu.memory_space<hbm>> -> memref<8x512xi32, #tpu.memory_space<hbm>>
      %dma_wait3A_52 = arith.constant 0 : i32
      %dma_wait3A_53 = tpu.memref_slice %arg3[%add3A_49, %dma_wait3A_52] : memref<8192x512xi32, #tpu.memory_space<hbm>> -> memref<8x512xi32, #tpu.memory_space<hbm>>
      tpu.wait_dma2 semaphore(%arg15 : memref<!tpu.dma_semaphore, #tpu.memory_space<semaphore_mem>>) src(%dma_wait3A_53 : memref<8x512xi32, #tpu.memory_space<hbm>>) dst(%arg8 : memref<8x512xi32, #tpu.memory_space<vmem>>)
      %parallel_loop3A_54 = arith.constant 0 : i32
      %parallel_loop3A_55 = arith.constant 32 : i32
      %parallel_loop3A_56 = arith.constant 1 : i32
      %parallel_loop3A_57 = scf.for %parallel_loop3A_89 = %parallel_loop3A_54 to %parallel_loop3A_55 step %parallel_loop3A_56 iter_args(%parallel_loop3A_90 = %scan3A_38) -> (vector<16xf32>)  : i32 {
        %parallel_loop3A_91 = arith.constant 16 : i32
        %parallel_loop3A_92 = arith.muli %parallel_loop3A_89, %parallel_loop3A_91 : i32
        %parallel_loop3A_93 = arith.constant 0 : i32
        %parallel_loop3A_94 = arith.index_cast %parallel_loop3A_93 : i32 to index
        %parallel_loop3A_95 = arith.index_cast %parallel_loop3A_92 : i32 to index
        %parallel_loop3A_96 = tpu.vector_load %arg7[%parallel_loop3A_94, %parallel_loop3A_95] {strides = array<i32>} : memref<8x512xf32, #tpu.memory_space<vmem>>, vector<16xf32>,
        %parallel_loop3A_97 = arith.constant 16 : i32
        %parallel_loop3A_98 = arith.muli %parallel_loop3A_89, %parallel_loop3A_97 : i32
        %parallel_loop3A_99 = arith.constant 0 : i32
        %parallel_loop3A_100 = arith.index_cast %parallel_loop3A_99 : i32 to index
        %parallel_loop3A_101 = arith.index_cast %parallel_loop3A_98 : i32 to index
        %parallel_loop3A_102 = tpu.vector_load %arg8[%parallel_loop3A_100, %parallel_loop3A_101] {strides = array<i32>} : memref<8x512xi32, #tpu.memory_space<vmem>>, vector<16xi32>,
        %parallel_loop3A_103 = arith.constant 0.000000e+00 : f32
        %parallel_loop3A_104 = vector.broadcast %parallel_loop3A_103 : f32 to vector<16xf32>
        %parallel_loop3A_105 = arith.subf %parallel_loop3A_104, %parallel_loop3A_96 : vector<16xf32>
        %parallel_loop3A_106 = math.exp %parallel_loop3A_105 : vector<16xf32>
        %parallel_loop3A_107 = arith.constant 1.000000e+00 : f32
        %parallel_loop3A_108 = vector.broadcast %parallel_loop3A_107 : f32 to vector<16xf32>
        %parallel_loop3A_109 = arith.addf %parallel_loop3A_108, %parallel_loop3A_106 : vector<16xf32>
        %parallel_loop3A_110 = arith.constant 1.000000e+00 : f32
        %parallel_loop3A_111 = vector.broadcast %parallel_loop3A_110 : f32 to vector<16xf32>
        %parallel_loop3A_112 = arith.divf %parallel_loop3A_111, %parallel_loop3A_109 : vector<16xf32>
        %parallel_loop3A_113 = arith.constant 1.000000e+00 : f32
        %parallel_loop3A_114 = vector.broadcast %parallel_loop3A_113 : f32 to vector<16xf32>
        %parallel_loop3A_115 = arith.addf %parallel_loop3A_114, %parallel_loop3A_112 : vector<16xf32>
        %parallel_loop3A_116 = arith.constant 1.99999988 : f32
        %parallel_loop3A_117 = vector.broadcast %parallel_loop3A_116 : f32 to vector<16xf32>
        %parallel_loop3A_118 = arith.minimumf %parallel_loop3A_115, %parallel_loop3A_117 : vector<16xf32>
        %parallel_loop3A_119 = vector.bitcast %parallel_loop3A_118 : vector<16xf32> to vector<16xi32>
        %parallel_loop3A_120 = arith.constant 12 : i32
        %parallel_loop3A_121 = vector.broadcast %parallel_loop3A_120 : i32 to vector<16xi32>
        %parallel_loop3A_122 = arith.shrsi %parallel_loop3A_119, %parallel_loop3A_121 : vector<16xi32>
        %parallel_loop3A_123 = arith.constant 260096 : i32
        %parallel_loop3A_124 = vector.broadcast %parallel_loop3A_123 : i32 to vector<16xi32>
        %parallel_loop3A_125 = arith.subi %parallel_loop3A_122, %parallel_loop3A_124 : vector<16xi32>
        %parallel_loop3A_126 = arith.constant 0 : i32
        %parallel_loop3A_127 = vector.broadcast %parallel_loop3A_126 : i32 to vector<16xi32>
        %parallel_loop3A_128 = arith.cmpi eq, %parallel_loop3A_102, %parallel_loop3A_127 : vector<16xi32>
        tpu.vector_store_idx %arg11[%parallel_loop3A_125], %broadcast_in_dim3A_3 masked %parallel_loop3A_128 {add = true} : memref<2048xf32, #tpu.memory_space<vmem>>[vector<16xi32>], vector<16xf32>, vector<16xi1>
        tpu.vector_store_idx %arg12[%parallel_loop3A_125], %parallel_loop3A_118 masked %parallel_loop3A_128 {add = true} : memref<2048xf32, #tpu.memory_space<vmem>>[vector<16xi32>], vector<16xf32>, vector<16xi1>
        %parallel_loop3A_129 = arith.addf %parallel_loop3A_90, %parallel_loop3A_112 : vector<16xf32>
        %parallel_loop3A_130 = arith.constant 16 : i32
        %parallel_loop3A_131 = arith.muli %parallel_loop3A_89, %parallel_loop3A_130 : i32
        %parallel_loop3A_132 = arith.constant 1 : i32
        %parallel_loop3A_133 = arith.index_cast %parallel_loop3A_132 : i32 to index
        %parallel_loop3A_134 = arith.index_cast %parallel_loop3A_131 : i32 to index
        %parallel_loop3A_135 = tpu.vector_load %arg7[%parallel_loop3A_133, %parallel_loop3A_134] {strides = array<i32>} : memref<8x512xf32, #tpu.memory_space<vmem>>, vector<16xf32>,
        %parallel_loop3A_136 = arith.constant 16 : i32
        %parallel_loop3A_137 = arith.muli %parallel_loop3A_89, %parallel_loop3A_136 : i32
        %parallel_loop3A_138 = arith.constant 1 : i32
        %parallel_loop3A_139 = arith.index_cast %parallel_loop3A_138 : i32 to index
        %parallel_loop3A_140 = arith.index_cast %parallel_loop3A_137 : i32 to index
        %parallel_loop3A_141 = tpu.vector_load %arg8[%parallel_loop3A_139, %parallel_loop3A_140] {strides = array<i32>} : memref<8x512xi32, #tpu.memory_space<vmem>>, vector<16xi32>,
        %parallel_loop3A_142 = arith.constant 0.000000e+00 : f32
        %parallel_loop3A_143 = vector.broadcast %parallel_loop3A_142 : f32 to vector<16xf32>
        %parallel_loop3A_144 = arith.subf %parallel_loop3A_143, %parallel_loop3A_135 : vector<16xf32>
        %parallel_loop3A_145 = math.exp %parallel_loop3A_144 : vector<16xf32>
        %parallel_loop3A_146 = arith.constant 1.000000e+00 : f32
        %parallel_loop3A_147 = vector.broadcast %parallel_loop3A_146 : f32 to vector<16xf32>
        %parallel_loop3A_148 = arith.addf %parallel_loop3A_147, %parallel_loop3A_145 : vector<16xf32>
        %parallel_loop3A_149 = arith.constant 1.000000e+00 : f32
        %parallel_loop3A_150 = vector.broadcast %parallel_loop3A_149 : f32 to vector<16xf32>
        %parallel_loop3A_151 = arith.divf %parallel_loop3A_150, %parallel_loop3A_148 : vector<16xf32>
        %parallel_loop3A_152 = arith.constant 1.000000e+00 : f32
        %parallel_loop3A_153 = vector.broadcast %parallel_loop3A_152 : f32 to vector<16xf32>
        %parallel_loop3A_154 = arith.addf %parallel_loop3A_153, %parallel_loop3A_151 : vector<16xf32>
        %parallel_loop3A_155 = arith.constant 1.99999988 : f32
        %parallel_loop3A_156 = vector.broadcast %parallel_loop3A_155 : f32 to vector<16xf32>
        %parallel_loop3A_157 = arith.minimumf %parallel_loop3A_154, %parallel_loop3A_156 : vector<16xf32>
        %parallel_loop3A_158 = vector.bitcast %parallel_loop3A_157 : vector<16xf32> to vector<16xi32>
        %parallel_loop3A_159 = arith.constant 12 : i32
        %parallel_loop3A_160 = vector.broadcast %parallel_loop3A_159 : i32 to vector<16xi32>
        %parallel_loop3A_161 = arith.shrsi %parallel_loop3A_158, %parallel_loop3A_160 : vector<16xi32>
        %parallel_loop3A_162 = arith.constant 260096 : i32
        %parallel_loop3A_163 = vector.broadcast %parallel_loop3A_162 : i32 to vector<16xi32>
        %parallel_loop3A_164 = arith.subi %parallel_loop3A_161, %parallel_loop3A_163 : vector<16xi32>
        %parallel_loop3A_165 = arith.constant 0 : i32
        %parallel_loop3A_166 = vector.broadcast %parallel_loop3A_165 : i32 to vector<16xi32>
        %parallel_loop3A_167 = arith.cmpi eq, %parallel_loop3A_141, %parallel_loop3A_166 : vector<16xi32>
        tpu.vector_store_idx %arg11[%parallel_loop3A_164], %broadcast_in_dim3A_3 masked %parallel_loop3A_167 {add = true} : memref<2048xf32, #tpu.memory_space<vmem>>[vector<16xi32>], vector<16xf32>, vector<16xi1>
        tpu.vector_store_idx %arg12[%parallel_loop3A_164], %parallel_loop3A_157 masked %parallel_loop3A_167 {add = true} : memref<2048xf32, #tpu.memory_space<vmem>>[vector<16xi32>], vector<16xf32>, vector<16xi1>
        %parallel_loop3A_168 = arith.addf %parallel_loop3A_129, %parallel_loop3A_151 : vector<16xf32>
        %parallel_loop3A_169 = arith.constant 16 : i32
        %parallel_loop3A_170 = arith.muli %parallel_loop3A_89, %parallel_loop3A_169 : i32
        %parallel_loop3A_171 = arith.constant 2 : i32
        %parallel_loop3A_172 = arith.index_cast %parallel_loop3A_171 : i32 to index
        %parallel_loop3A_173 = arith.index_cast %parallel_loop3A_170 : i32 to index
        %parallel_loop3A_174 = tpu.vector_load %arg7[%parallel_loop3A_172, %parallel_loop3A_173] {strides = array<i32>} : memref<8x512xf32, #tpu.memory_space<vmem>>, vector<16xf32>,
        %parallel_loop3A_175 = arith.constant 16 : i32
        %parallel_loop3A_176 = arith.muli %parallel_loop3A_89, %parallel_loop3A_175 : i32
        %parallel_loop3A_177 = arith.constant 2 : i32
        %parallel_loop3A_178 = arith.index_cast %parallel_loop3A_177 : i32 to index
        %parallel_loop3A_179 = arith.index_cast %parallel_loop3A_176 : i32 to index
        %parallel_loop3A_180 = tpu.vector_load %arg8[%parallel_loop3A_178, %parallel_loop3A_179] {strides = array<i32>} : memref<8x512xi32, #tpu.memory_space<vmem>>, vector<16xi32>,
        %parallel_loop3A_181 = arith.constant 0.000000e+00 : f32
        %parallel_loop3A_182 = vector.broadcast %parallel_loop3A_181 : f32 to vector<16xf32>
        %parallel_loop3A_183 = arith.subf %parallel_loop3A_182, %parallel_loop3A_174 : vector<16xf32>
        %parallel_loop3A_184 = math.exp %parallel_loop3A_183 : vector<16xf32>
        %parallel_loop3A_185 = arith.constant 1.000000e+00 : f32
        %parallel_loop3A_186 = vector.broadcast %parallel_loop3A_185 : f32 to vector<16xf32>
        %parallel_loop3A_187 = arith.addf %parallel_loop3A_186, %parallel_loop3A_184 : vector<16xf32>
        %parallel_loop3A_188 = arith.constant 1.000000e+00 : f32
        %parallel_loop3A_189 = vector.broadcast %parallel_loop3A_188 : f32 to vector<16xf32>
        %parallel_loop3A_190 = arith.divf %parallel_loop3A_189, %parallel_loop3A_187 : vector<16xf32>
        %parallel_loop3A_191 = arith.constant 1.000000e+00 : f32
        %parallel_loop3A_192 = vector.broadcast %parallel_loop3A_191 : f32 to vector<16xf32>
        %parallel_loop3A_193 = arith.addf %parallel_loop3A_192, %parallel_loop3A_190 : vector<16xf32>
        %parallel_loop3A_194 = arith.constant 1.99999988 : f32
        %parallel_loop3A_195 = vector.broadcast %parallel_loop3A_194 : f32 to vector<16xf32>
        %parallel_loop3A_196 = arith.minimumf %parallel_loop3A_193, %parallel_loop3A_195 : vector<16xf32>
        %parallel_loop3A_197 = vector.bitcast %parallel_loop3A_196 : vector<16xf32> to vector<16xi32>
        %parallel_loop3A_198 = arith.constant 12 : i32
        %parallel_loop3A_199 = vector.broadcast %parallel_loop3A_198 : i32 to vector<16xi32>
        %parallel_loop3A_200 = arith.shrsi %parallel_loop3A_197, %parallel_loop3A_199 : vector<16xi32>
        %parallel_loop3A_201 = arith.constant 260096 : i32
        %parallel_loop3A_202 = vector.broadcast %parallel_loop3A_201 : i32 to vector<16xi32>
        %parallel_loop3A_203 = arith.subi %parallel_loop3A_200, %parallel_loop3A_202 : vector<16xi32>
        %parallel_loop3A_204 = arith.constant 0 : i32
        %parallel_loop3A_205 = vector.broadcast %parallel_loop3A_204 : i32 to vector<16xi32>
        %parallel_loop3A_206 = arith.cmpi eq, %parallel_loop3A_180, %parallel_loop3A_205 : vector<16xi32>
        tpu.vector_store_idx %arg11[%parallel_loop3A_203], %broadcast_in_dim3A_3 masked %parallel_loop3A_206 {add = true} : memref<2048xf32, #tpu.memory_space<vmem>>[vector<16xi32>], vector<16xf32>, vector<16xi1>
        tpu.vector_store_idx %arg12[%parallel_loop3A_203], %parallel_loop3A_196 masked %parallel_loop3A_206 {add = true} : memref<2048xf32, #tpu.memory_space<vmem>>[vector<16xi32>], vector<16xf32>, vector<16xi1>
        %parallel_loop3A_207 = arith.addf %parallel_loop3A_168, %parallel_loop3A_190 : vector<16xf32>
        %parallel_loop3A_208 = arith.constant 16 : i32
        %parallel_loop3A_209 = arith.muli %parallel_loop3A_89, %parallel_loop3A_208 : i32
        %parallel_loop3A_210 = arith.constant 3 : i32
        %parallel_loop3A_211 = arith.index_cast %parallel_loop3A_210 : i32 to index
        %parallel_loop3A_212 = arith.index_cast %parallel_loop3A_209 : i32 to index
        %parallel_loop3A_213 = tpu.vector_load %arg7[%parallel_loop3A_211, %parallel_loop3A_212] {strides = array<i32>} : memref<8x512xf32, #tpu.memory_space<vmem>>, vector<16xf32>,
        %parallel_loop3A_214 = arith.constant 16 : i32
        %parallel_loop3A_215 = arith.muli %parallel_loop3A_89, %parallel_loop3A_214 : i32
        %parallel_loop3A_216 = arith.constant 3 : i32
        %parallel_loop3A_217 = arith.index_cast %parallel_loop3A_216 : i32 to index
        %parallel_loop3A_218 = arith.index_cast %parallel_loop3A_215 : i32 to index
        %parallel_loop3A_219 = tpu.vector_load %arg8[%parallel_loop3A_217, %parallel_loop3A_218] {strides = array<i32>} : memref<8x512xi32, #tpu.memory_space<vmem>>, vector<16xi32>,
        %parallel_loop3A_220 = arith.constant 0.000000e+00 : f32
        %parallel_loop3A_221 = vector.broadcast %parallel_loop3A_220 : f32 to vector<16xf32>
        %parallel_loop3A_222 = arith.subf %parallel_loop3A_221, %parallel_loop3A_213 : vector<16xf32>
        %parallel_loop3A_223 = math.exp %parallel_loop3A_222 : vector<16xf32>
        %parallel_loop3A_224 = arith.constant 1.000000e+00 : f32
        %parallel_loop3A_225 = vector.broadcast %parallel_loop3A_224 : f32 to vector<16xf32>
        %parallel_loop3A_226 = arith.addf %parallel_loop3A_225, %parallel_loop3A_223 : vector<16xf32>
        %parallel_loop3A_227 = arith.constant 1.000000e+00 : f32
        %parallel_loop3A_228 = vector.broadcast %parallel_loop3A_227 : f32 to vector<16xf32>
        %parallel_loop3A_229 = arith.divf %parallel_loop3A_228, %parallel_loop3A_226 : vector<16xf32>
        %parallel_loop3A_230 = arith.constant 1.000000e+00 : f32
        %parallel_loop3A_231 = vector.broadcast %parallel_loop3A_230 : f32 to vector<16xf32>
        %parallel_loop3A_232 = arith.addf %parallel_loop3A_231, %parallel_loop3A_229 : vector<16xf32>
        %parallel_loop3A_233 = arith.constant 1.99999988 : f32
        %parallel_loop3A_234 = vector.broadcast %parallel_loop3A_233 : f32 to vector<16xf32>
        %parallel_loop3A_235 = arith.minimumf %parallel_loop3A_232, %parallel_loop3A_234 : vector<16xf32>
        %parallel_loop3A_236 = vector.bitcast %parallel_loop3A_235 : vector<16xf32> to vector<16xi32>
        %parallel_loop3A_237 = arith.constant 12 : i32
        %parallel_loop3A_238 = vector.broadcast %parallel_loop3A_237 : i32 to vector<16xi32>
        %parallel_loop3A_239 = arith.shrsi %parallel_loop3A_236, %parallel_loop3A_238 : vector<16xi32>
        %parallel_loop3A_240 = arith.constant 260096 : i32
        %parallel_loop3A_241 = vector.broadcast %parallel_loop3A_240 : i32 to vector<16xi32>
        %parallel_loop3A_242 = arith.subi %parallel_loop3A_239, %parallel_loop3A_241 : vector<16xi32>
        %parallel_loop3A_243 = arith.constant 0 : i32
        %parallel_loop3A_244 = vector.broadcast %parallel_loop3A_243 : i32 to vector<16xi32>
        %parallel_loop3A_245 = arith.cmpi eq, %parallel_loop3A_219, %parallel_loop3A_244 : vector<16xi32>
        tpu.vector_store_idx %arg11[%parallel_loop3A_242], %broadcast_in_dim3A_3 masked %parallel_loop3A_245 {add = true} : memref<2048xf32, #tpu.memory_space<vmem>>[vector<16xi32>], vector<16xf32>, vector<16xi1>
        tpu.vector_store_idx %arg12[%parallel_loop3A_242], %parallel_loop3A_235 masked %parallel_loop3A_245 {add = true} : memref<2048xf32, #tpu.memory_space<vmem>>[vector<16xi32>], vector<16xf32>, vector<16xi1>
        %parallel_loop3A_246 = arith.addf %parallel_loop3A_207, %parallel_loop3A_229 : vector<16xf32>
        %parallel_loop3A_247 = arith.constant 16 : i32
        %parallel_loop3A_248 = arith.muli %parallel_loop3A_89, %parallel_loop3A_247 : i32
        %parallel_loop3A_249 = arith.constant 4 : i32
        %parallel_loop3A_250 = arith.index_cast %parallel_loop3A_249 : i32 to index
        %parallel_loop3A_251 = arith.index_cast %parallel_loop3A_248 : i32 to index
        %parallel_loop3A_252 = tpu.vector_load %arg7[%parallel_loop3A_250, %parallel_loop3A_251] {strides = array<i32>} : memref<8x512xf32, #tpu.memory_space<vmem>>, vector<16xf32>,
        %parallel_loop3A_253 = arith.constant 16 : i32
        %parallel_loop3A_254 = arith.muli %parallel_loop3A_89, %parallel_loop3A_253 : i32
        %parallel_loop3A_255 = arith.constant 4 : i32
        %parallel_loop3A_256 = arith.index_cast %parallel_loop3A_255 : i32 to index
        %parallel_loop3A_257 = arith.index_cast %parallel_loop3A_254 : i32 to index
        %parallel_loop3A_258 = tpu.vector_load %arg8[%parallel_loop3A_256, %parallel_loop3A_257] {strides = array<i32>} : memref<8x512xi32, #tpu.memory_space<vmem>>, vector<16xi32>,
        %parallel_loop3A_259 = arith.constant 0.000000e+00 : f32
        %parallel_loop3A_260 = vector.broadcast %parallel_loop3A_259 : f32 to vector<16xf32>
        %parallel_loop3A_261 = arith.subf %parallel_loop3A_260, %parallel_loop3A_252 : vector<16xf32>
        %parallel_loop3A_262 = math.exp %parallel_loop3A_261 : vector<16xf32>
        %parallel_loop3A_263 = arith.constant 1.000000e+00 : f32
        %parallel_loop3A_264 = vector.broadcast %parallel_loop3A_263 : f32 to vector<16xf32>
        %parallel_loop3A_265 = arith.addf %parallel_loop3A_264, %parallel_loop3A_262 : vector<16xf32>
        %parallel_loop3A_266 = arith.constant 1.000000e+00 : f32
        %parallel_loop3A_267 = vector.broadcast %parallel_loop3A_266 : f32 to vector<16xf32>
        %parallel_loop3A_268 = arith.divf %parallel_loop3A_267, %parallel_loop3A_265 : vector<16xf32>
        %parallel_loop3A_269 = arith.constant 1.000000e+00 : f32
        %parallel_loop3A_270 = vector.broadcast %parallel_loop3A_269 : f32 to vector<16xf32>
        %parallel_loop3A_271 = arith.addf %parallel_loop3A_270, %parallel_loop3A_268 : vector<16xf32>
        %parallel_loop3A_272 = arith.constant 1.99999988 : f32
        %parallel_loop3A_273 = vector.broadcast %parallel_loop3A_272 : f32 to vector<16xf32>
        %parallel_loop3A_274 = arith.minimumf %parallel_loop3A_271, %parallel_loop3A_273 : vector<16xf32>
        %parallel_loop3A_275 = vector.bitcast %parallel_loop3A_274 : vector<16xf32> to vector<16xi32>
        %parallel_loop3A_276 = arith.constant 12 : i32
        %parallel_loop3A_277 = vector.broadcast %parallel_loop3A_276 : i32 to vector<16xi32>
        %parallel_loop3A_278 = arith.shrsi %parallel_loop3A_275, %parallel_loop3A_277 : vector<16xi32>
        %parallel_loop3A_279 = arith.constant 260096 : i32
        %parallel_loop3A_280 = vector.broadcast %parallel_loop3A_279 : i32 to vector<16xi32>
        %parallel_loop3A_281 = arith.subi %parallel_loop3A_278, %parallel_loop3A_280 : vector<16xi32>
        %parallel_loop3A_282 = arith.constant 0 : i32
        %parallel_loop3A_283 = vector.broadcast %parallel_loop3A_282 : i32 to vector<16xi32>
        %parallel_loop3A_284 = arith.cmpi eq, %parallel_loop3A_258, %parallel_loop3A_283 : vector<16xi32>
        tpu.vector_store_idx %arg11[%parallel_loop3A_281], %broadcast_in_dim3A_3 masked %parallel_loop3A_284 {add = true} : memref<2048xf32, #tpu.memory_space<vmem>>[vector<16xi32>], vector<16xf32>, vector<16xi1>
        tpu.vector_store_idx %arg12[%parallel_loop3A_281], %parallel_loop3A_274 masked %parallel_loop3A_284 {add = true} : memref<2048xf32, #tpu.memory_space<vmem>>[vector<16xi32>], vector<16xf32>, vector<16xi1>
        %parallel_loop3A_285 = arith.addf %parallel_loop3A_246, %parallel_loop3A_268 : vector<16xf32>
        %parallel_loop3A_286 = arith.constant 16 : i32
        %parallel_loop3A_287 = arith.muli %parallel_loop3A_89, %parallel_loop3A_286 : i32
        %parallel_loop3A_288 = arith.constant 5 : i32
        %parallel_loop3A_289 = arith.index_cast %parallel_loop3A_288 : i32 to index
        %parallel_loop3A_290 = arith.index_cast %parallel_loop3A_287 : i32 to index
        %parallel_loop3A_291 = tpu.vector_load %arg7[%parallel_loop3A_289, %parallel_loop3A_290] {strides = array<i32>} : memref<8x512xf32, #tpu.memory_space<vmem>>, vector<16xf32>,
        %parallel_loop3A_292 = arith.constant 16 : i32
        %parallel_loop3A_293 = arith.muli %parallel_loop3A_89, %parallel_loop3A_292 : i32
        %parallel_loop3A_294 = arith.constant 5 : i32
        %parallel_loop3A_295 = arith.index_cast %parallel_loop3A_294 : i32 to index
        %parallel_loop3A_296 = arith.index_cast %parallel_loop3A_293 : i32 to index
        %parallel_loop3A_297 = tpu.vector_load %arg8[%parallel_loop3A_295, %parallel_loop3A_296] {strides = array<i32>} : memref<8x512xi32, #tpu.memory_space<vmem>>, vector<16xi32>,
        %parallel_loop3A_298 = arith.constant 0.000000e+00 : f32
        %parallel_loop3A_299 = vector.broadcast %parallel_loop3A_298 : f32 to vector<16xf32>
        %parallel_loop3A_300 = arith.subf %parallel_loop3A_299, %parallel_loop3A_291 : vector<16xf32>
        %parallel_loop3A_301 = math.exp %parallel_loop3A_300 : vector<16xf32>
        %parallel_loop3A_302 = arith.constant 1.000000e+00 : f32
        %parallel_loop3A_303 = vector.broadcast %parallel_loop3A_302 : f32 to vector<16xf32>
        %parallel_loop3A_304 = arith.addf %parallel_loop3A_303, %parallel_loop3A_301 : vector<16xf32>
        %parallel_loop3A_305 = arith.constant 1.000000e+00 : f32
        %parallel_loop3A_306 = vector.broadcast %parallel_loop3A_305 : f32 to vector<16xf32>
        %parallel_loop3A_307 = arith.divf %parallel_loop3A_306, %parallel_loop3A_304 : vector<16xf32>
        %parallel_loop3A_308 = arith.constant 1.000000e+00 : f32
        %parallel_loop3A_309 = vector.broadcast %parallel_loop3A_308 : f32 to vector<16xf32>
        %parallel_loop3A_310 = arith.addf %parallel_loop3A_309, %parallel_loop3A_307 : vector<16xf32>
        %parallel_loop3A_311 = arith.constant 1.99999988 : f32
        %parallel_loop3A_312 = vector.broadcast %parallel_loop3A_311 : f32 to vector<16xf32>
        %parallel_loop3A_313 = arith.minimumf %parallel_loop3A_310, %parallel_loop3A_312 : vector<16xf32>
        %parallel_loop3A_314 = vector.bitcast %parallel_loop3A_313 : vector<16xf32> to vector<16xi32>
        %parallel_loop3A_315 = arith.constant 12 : i32
        %parallel_loop3A_316 = vector.broadcast %parallel_loop3A_315 : i32 to vector<16xi32>
        %parallel_loop3A_317 = arith.shrsi %parallel_loop3A_314, %parallel_loop3A_316 : vector<16xi32>
        %parallel_loop3A_318 = arith.constant 260096 : i32
        %parallel_loop3A_319 = vector.broadcast %parallel_loop3A_318 : i32 to vector<16xi32>
        %parallel_loop3A_320 = arith.subi %parallel_loop3A_317, %parallel_loop3A_319 : vector<16xi32>
        %parallel_loop3A_321 = arith.constant 0 : i32
        %parallel_loop3A_322 = vector.broadcast %parallel_loop3A_321 : i32 to vector<16xi32>
        %parallel_loop3A_323 = arith.cmpi eq, %parallel_loop3A_297, %parallel_loop3A_322 : vector<16xi32>
        tpu.vector_store_idx %arg11[%parallel_loop3A_320], %broadcast_in_dim3A_3 masked %parallel_loop3A_323 {add = true} : memref<2048xf32, #tpu.memory_space<vmem>>[vector<16xi32>], vector<16xf32>, vector<16xi1>
        tpu.vector_store_idx %arg12[%parallel_loop3A_320], %parallel_loop3A_313 masked %parallel_loop3A_323 {add = true} : memref<2048xf32, #tpu.memory_space<vmem>>[vector<16xi32>], vector<16xf32>, vector<16xi1>
        %parallel_loop3A_324 = arith.addf %parallel_loop3A_285, %parallel_loop3A_307 : vector<16xf32>
        %parallel_loop3A_325 = arith.constant 16 : i32
        %parallel_loop3A_326 = arith.muli %parallel_loop3A_89, %parallel_loop3A_325 : i32
        %parallel_loop3A_327 = arith.constant 6 : i32
        %parallel_loop3A_328 = arith.index_cast %parallel_loop3A_327 : i32 to index
        %parallel_loop3A_329 = arith.index_cast %parallel_loop3A_326 : i32 to index
        %parallel_loop3A_330 = tpu.vector_load %arg7[%parallel_loop3A_328, %parallel_loop3A_329] {strides = array<i32>} : memref<8x512xf32, #tpu.memory_space<vmem>>, vector<16xf32>,
        %parallel_loop3A_331 = arith.constant 16 : i32
        %parallel_loop3A_332 = arith.muli %parallel_loop3A_89, %parallel_loop3A_331 : i32
        %parallel_loop3A_333 = arith.constant 6 : i32
        %parallel_loop3A_334 = arith.index_cast %parallel_loop3A_333 : i32 to index
        %parallel_loop3A_335 = arith.index_cast %parallel_loop3A_332 : i32 to index
        %parallel_loop3A_336 = tpu.vector_load %arg8[%parallel_loop3A_334, %parallel_loop3A_335] {strides = array<i32>} : memref<8x512xi32, #tpu.memory_space<vmem>>, vector<16xi32>,
        %parallel_loop3A_337 = arith.constant 0.000000e+00 : f32
        %parallel_loop3A_338 = vector.broadcast %parallel_loop3A_337 : f32 to vector<16xf32>
        %parallel_loop3A_339 = arith.subf %parallel_loop3A_338, %parallel_loop3A_330 : vector<16xf32>
        %parallel_loop3A_340 = math.exp %parallel_loop3A_339 : vector<16xf32>
        %parallel_loop3A_341 = arith.constant 1.000000e+00 : f32
        %parallel_loop3A_342 = vector.broadcast %parallel_loop3A_341 : f32 to vector<16xf32>
        %parallel_loop3A_343 = arith.addf %parallel_loop3A_342, %parallel_loop3A_340 : vector<16xf32>
        %parallel_loop3A_344 = arith.constant 1.000000e+00 : f32
        %parallel_loop3A_345 = vector.broadcast %parallel_loop3A_344 : f32 to vector<16xf32>
        %parallel_loop3A_346 = arith.divf %parallel_loop3A_345, %parallel_loop3A_343 : vector<16xf32>
        %parallel_loop3A_347 = arith.constant 1.000000e+00 : f32
        %parallel_loop3A_348 = vector.broadcast %parallel_loop3A_347 : f32 to vector<16xf32>
        %parallel_loop3A_349 = arith.addf %parallel_loop3A_348, %parallel_loop3A_346 : vector<16xf32>
        %parallel_loop3A_350 = arith.constant 1.99999988 : f32
        %parallel_loop3A_351 = vector.broadcast %parallel_loop3A_350 : f32 to vector<16xf32>
        %parallel_loop3A_352 = arith.minimumf %parallel_loop3A_349, %parallel_loop3A_351 : vector<16xf32>
        %parallel_loop3A_353 = vector.bitcast %parallel_loop3A_352 : vector<16xf32> to vector<16xi32>
        %parallel_loop3A_354 = arith.constant 12 : i32
        %parallel_loop3A_355 = vector.broadcast %parallel_loop3A_354 : i32 to vector<16xi32>
        %parallel_loop3A_356 = arith.shrsi %parallel_loop3A_353, %parallel_loop3A_355 : vector<16xi32>
        %parallel_loop3A_357 = arith.constant 260096 : i32
        %parallel_loop3A_358 = vector.broadcast %parallel_loop3A_357 : i32 to vector<16xi32>
        %parallel_loop3A_359 = arith.subi %parallel_loop3A_356, %parallel_loop3A_358 : vector<16xi32>
        %parallel_loop3A_360 = arith.constant 0 : i32
        %parallel_loop3A_361 = vector.broadcast %parallel_loop3A_360 : i32 to vector<16xi32>
        %parallel_loop3A_362 = arith.cmpi eq, %parallel_loop3A_336, %parallel_loop3A_361 : vector<16xi32>
        tpu.vector_store_idx %arg11[%parallel_loop3A_359], %broadcast_in_dim3A_3 masked %parallel_loop3A_362 {add = true} : memref<2048xf32, #tpu.memory_space<vmem>>[vector<16xi32>], vector<16xf32>, vector<16xi1>
        tpu.vector_store_idx %arg12[%parallel_loop3A_359], %parallel_loop3A_352 masked %parallel_loop3A_362 {add = true} : memref<2048xf32, #tpu.memory_space<vmem>>[vector<16xi32>], vector<16xf32>, vector<16xi1>
        %parallel_loop3A_363 = arith.addf %parallel_loop3A_324, %parallel_loop3A_346 : vector<16xf32>
        %parallel_loop3A_364 = arith.constant 16 : i32
        %parallel_loop3A_365 = arith.muli %parallel_loop3A_89, %parallel_loop3A_364 : i32
        %parallel_loop3A_366 = arith.constant 7 : i32
        %parallel_loop3A_367 = arith.index_cast %parallel_loop3A_366 : i32 to index
        %parallel_loop3A_368 = arith.index_cast %parallel_loop3A_365 : i32 to index
        %parallel_loop3A_369 = tpu.vector_load %arg7[%parallel_loop3A_367, %parallel_loop3A_368] {strides = array<i32>} : memref<8x512xf32, #tpu.memory_space<vmem>>, vector<16xf32>,
        %parallel_loop3A_370 = arith.constant 16 : i32
        %parallel_loop3A_371 = arith.muli %parallel_loop3A_89, %parallel_loop3A_370 : i32
        %parallel_loop3A_372 = arith.constant 7 : i32
        %parallel_loop3A_373 = arith.index_cast %parallel_loop3A_372 : i32 to index
        %parallel_loop3A_374 = arith.index_cast %parallel_loop3A_371 : i32 to index
        %parallel_loop3A_375 = tpu.vector_load %arg8[%parallel_loop3A_373, %parallel_loop3A_374] {strides = array<i32>} : memref<8x512xi32, #tpu.memory_space<vmem>>, vector<16xi32>,
        %parallel_loop3A_376 = arith.constant 0.000000e+00 : f32
        %parallel_loop3A_377 = vector.broadcast %parallel_loop3A_376 : f32 to vector<16xf32>
        %parallel_loop3A_378 = arith.subf %parallel_loop3A_377, %parallel_loop3A_369 : vector<16xf32>
        %parallel_loop3A_379 = math.exp %parallel_loop3A_378 : vector<16xf32>
        %parallel_loop3A_380 = arith.constant 1.000000e+00 : f32
        %parallel_loop3A_381 = vector.broadcast %parallel_loop3A_380 : f32 to vector<16xf32>
        %parallel_loop3A_382 = arith.addf %parallel_loop3A_381, %parallel_loop3A_379 : vector<16xf32>
        %parallel_loop3A_383 = arith.constant 1.000000e+00 : f32
        %parallel_loop3A_384 = vector.broadcast %parallel_loop3A_383 : f32 to vector<16xf32>
        %parallel_loop3A_385 = arith.divf %parallel_loop3A_384, %parallel_loop3A_382 : vector<16xf32>
        %parallel_loop3A_386 = arith.constant 1.000000e+00 : f32
        %parallel_loop3A_387 = vector.broadcast %parallel_loop3A_386 : f32 to vector<16xf32>
        %parallel_loop3A_388 = arith.addf %parallel_loop3A_387, %parallel_loop3A_385 : vector<16xf32>
        %parallel_loop3A_389 = arith.constant 1.99999988 : f32
        %parallel_loop3A_390 = vector.broadcast %parallel_loop3A_389 : f32 to vector<16xf32>
        %parallel_loop3A_391 = arith.minimumf %parallel_loop3A_388, %parallel_loop3A_390 : vector<16xf32>
        %parallel_loop3A_392 = vector.bitcast %parallel_loop3A_391 : vector<16xf32> to vector<16xi32>
        %parallel_loop3A_393 = arith.constant 12 : i32
        %parallel_loop3A_394 = vector.broadcast %parallel_loop3A_393 : i32 to vector<16xi32>
        %parallel_loop3A_395 = arith.shrsi %parallel_loop3A_392, %parallel_loop3A_394 : vector<16xi32>
        %parallel_loop3A_396 = arith.constant 260096 : i32
        %parallel_loop3A_397 = vector.broadcast %parallel_loop3A_396 : i32 to vector<16xi32>
        %parallel_loop3A_398 = arith.subi %parallel_loop3A_395, %parallel_loop3A_397 : vector<16xi32>
        %parallel_loop3A_399 = arith.constant 0 : i32
        %parallel_loop3A_400 = vector.broadcast %parallel_loop3A_399 : i32 to vector<16xi32>
        %parallel_loop3A_401 = arith.cmpi eq, %parallel_loop3A_375, %parallel_loop3A_400 : vector<16xi32>
        tpu.vector_store_idx %arg11[%parallel_loop3A_398], %broadcast_in_dim3A_3 masked %parallel_loop3A_401 {add = true} : memref<2048xf32, #tpu.memory_space<vmem>>[vector<16xi32>], vector<16xf32>, vector<16xi1>
        tpu.vector_store_idx %arg12[%parallel_loop3A_398], %parallel_loop3A_391 masked %parallel_loop3A_401 {add = true} : memref<2048xf32, #tpu.memory_space<vmem>>[vector<16xi32>], vector<16xf32>, vector<16xi1>
        %parallel_loop3A_402 = arith.addf %parallel_loop3A_363, %parallel_loop3A_385 : vector<16xf32>
        scf.yield %parallel_loop3A_402 : vector<16xf32>
      } {sc.loop_unroll_factor = 2 : i64, sc.parallel_access}
      %add3A_58 = arith.constant 2 : i32
      %add3A_59 = arith.addi %mul3A_40, %add3A_58 : i32
      %lt3A = arith.constant 32 : i32
      %lt3A_60 = arith.cmpi slt, %add3A_59, %lt3A : i32
      %convert_element_type3A = arith.extui %lt3A_60 : i1 to i32
      %cond3A = arith.constant 0 : i32
      %cond3A_61 = arith.cmpi ne, %convert_element_type3A, %cond3A : i32
      scf.if %cond3A_61 {
        %add3A_89 = arith.constant 2 : i32
        %add3A_90 = arith.addi %mul3A_40, %add3A_89 : i32
        %mul3A_91 = arith.constant 8 : i32
        %mul3A_92 = arith.muli %add3A_90, %mul3A_91 : i32
        %add3A_93 = arith.addi %mul3A_7, %mul3A_92 : i32
        %dma_start3A_94 = arith.constant 0 : i32
        %dma_start3A_95 = tpu.memref_slice %arg2[%add3A_93, %dma_start3A_94] : memref<8192x512xf32, #tpu.memory_space<hbm>> -> memref<8x512xf32, #tpu.memory_space<hbm>>
        %dma_start3A_96 = arith.constant 0 : i32
        %dma_start3A_97 = tpu.memref_slice %arg2[%add3A_93, %dma_start3A_96] : memref<8192x512xf32, #tpu.memory_space<hbm>> -> memref<8x512xf32, #tpu.memory_space<hbm>>
        tpu.enqueue_dma source(%dma_start3A_97 : memref<8x512xf32, #tpu.memory_space<hbm>>) target(%arg7 : memref<8x512xf32, #tpu.memory_space<vmem>>) target_semaphore(%arg14 : memref<!tpu.dma_semaphore, #tpu.memory_space<semaphore_mem>>)
        %mul3A_98 = arith.constant 8 : i32
        %mul3A_99 = arith.muli %add3A_90, %mul3A_98 : i32
        %add3A_100 = arith.addi %mul3A_7, %mul3A_99 : i32
        %dma_start3A_101 = arith.constant 0 : i32
        %dma_start3A_102 = tpu.memref_slice %arg3[%add3A_100, %dma_start3A_101] : memref<8192x512xi32, #tpu.memory_space<hbm>> -> memref<8x512xi32, #tpu.memory_space<hbm>>
        %dma_start3A_103 = arith.constant 0 : i32
        %dma_start3A_104 = tpu.memref_slice %arg3[%add3A_100, %dma_start3A_103] : memref<8192x512xi32, #tpu.memory_space<hbm>> -> memref<8x512xi32, #tpu.memory_space<hbm>>
        tpu.enqueue_dma source(%dma_start3A_104 : memref<8x512xi32, #tpu.memory_space<hbm>>) target(%arg8 : memref<8x512xi32, #tpu.memory_space<vmem>>) target_semaphore(%arg15 : memref<!tpu.dma_semaphore, #tpu.memory_space<semaphore_mem>>)
      } else {
      }
      %add3A_62 = arith.constant 1 : i32
      %add3A_63 = arith.addi %mul3A_40, %add3A_62 : i32
      %mul3A_64 = arith.constant 8 : i32
      %mul3A_65 = arith.muli %add3A_63, %mul3A_64 : i32
      %add3A_66 = arith.addi %mul3A_7, %mul3A_65 : i32
      %dma_wait3A_67 = arith.constant 0 : i32
      %dma_wait3A_68 = tpu.memref_slice %arg2[%add3A_66, %dma_wait3A_67] : memref<8192x512xf32, #tpu.memory_space<hbm>> -> memref<8x512xf32, #tpu.memory_space<hbm>>
      %dma_wait3A_69 = arith.constant 0 : i32
      %dma_wait3A_70 = tpu.memref_slice %arg2[%add3A_66, %dma_wait3A_69] : memref<8192x512xf32, #tpu.memory_space<hbm>> -> memref<8x512xf32, #tpu.memory_space<hbm>>
      tpu.wait_dma2 semaphore(%arg16 : memref<!tpu.dma_semaphore, #tpu.memory_space<semaphore_mem>>) src(%dma_wait3A_70 : memref<8x512xf32, #tpu.memory_space<hbm>>) dst(%arg9 : memref<8x512xf32, #tpu.memory_space<vmem>>)
      %mul3A_71 = arith.constant 8 : i32
      %mul3A_72 = arith.muli %add3A_63, %mul3A_71 : i32
      %add3A_73 = arith.addi %mul3A_7, %mul3A_72 : i32
      %dma_wait3A_74 = arith.constant 0 : i32
      %dma_wait3A_75 = tpu.memref_slice %arg3[%add3A_73, %dma_wait3A_74] : memref<8192x512xi32, #tpu.memory_space<hbm>> -> memref<8x512xi32, #tpu.memory_space<hbm>>
      %dma_wait3A_76 = arith.constant 0 : i32
      %dma_wait3A_77 = tpu.memref_slice %arg3[%add3A_73, %dma_wait3A_76] : memref<8192x512xi32, #tpu.memory_space<hbm>> -> memref<8x512xi32, #tpu.memory_space<hbm>>
      tpu.wait_dma2 semaphore(%arg17 : memref<!tpu.dma_semaphore, #tpu.memory_space<semaphore_mem>>) src(%dma_wait3A_77 : memref<8x512xi32, #tpu.memory_space<hbm>>) dst(%arg10 : memref<8x512xi32, #tpu.memory_space<vmem>>)
      %parallel_loop3A_78 = arith.constant 0 : i32
      %parallel_loop3A_79 = arith.constant 32 : i32
      %parallel_loop3A_80 = arith.constant 1 : i32
      %parallel_loop3A_81 = scf.for %parallel_loop3A_89 = %parallel_loop3A_78 to %parallel_loop3A_79 step %parallel_loop3A_80 iter_args(%parallel_loop3A_90 = %parallel_loop3A_57) -> (vector<16xf32>)  : i32 {
        %parallel_loop3A_91 = arith.constant 16 : i32
        %parallel_loop3A_92 = arith.muli %parallel_loop3A_89, %parallel_loop3A_91 : i32
        %parallel_loop3A_93 = arith.constant 0 : i32
        %parallel_loop3A_94 = arith.index_cast %parallel_loop3A_93 : i32 to index
        %parallel_loop3A_95 = arith.index_cast %parallel_loop3A_92 : i32 to index
        %parallel_loop3A_96 = tpu.vector_load %arg9[%parallel_loop3A_94, %parallel_loop3A_95] {strides = array<i32>} : memref<8x512xf32, #tpu.memory_space<vmem>>, vector<16xf32>,
        %parallel_loop3A_97 = arith.constant 16 : i32
        %parallel_loop3A_98 = arith.muli %parallel_loop3A_89, %parallel_loop3A_97 : i32
        %parallel_loop3A_99 = arith.constant 0 : i32
        %parallel_loop3A_100 = arith.index_cast %parallel_loop3A_99 : i32 to index
        %parallel_loop3A_101 = arith.index_cast %parallel_loop3A_98 : i32 to index
        %parallel_loop3A_102 = tpu.vector_load %arg10[%parallel_loop3A_100, %parallel_loop3A_101] {strides = array<i32>} : memref<8x512xi32, #tpu.memory_space<vmem>>, vector<16xi32>,
        %parallel_loop3A_103 = arith.constant 0.000000e+00 : f32
        %parallel_loop3A_104 = vector.broadcast %parallel_loop3A_103 : f32 to vector<16xf32>
        %parallel_loop3A_105 = arith.subf %parallel_loop3A_104, %parallel_loop3A_96 : vector<16xf32>
        %parallel_loop3A_106 = math.exp %parallel_loop3A_105 : vector<16xf32>
        %parallel_loop3A_107 = arith.constant 1.000000e+00 : f32
        %parallel_loop3A_108 = vector.broadcast %parallel_loop3A_107 : f32 to vector<16xf32>
        %parallel_loop3A_109 = arith.addf %parallel_loop3A_108, %parallel_loop3A_106 : vector<16xf32>
        %parallel_loop3A_110 = arith.constant 1.000000e+00 : f32
        %parallel_loop3A_111 = vector.broadcast %parallel_loop3A_110 : f32 to vector<16xf32>
        %parallel_loop3A_112 = arith.divf %parallel_loop3A_111, %parallel_loop3A_109 : vector<16xf32>
        %parallel_loop3A_113 = arith.constant 1.000000e+00 : f32
        %parallel_loop3A_114 = vector.broadcast %parallel_loop3A_113 : f32 to vector<16xf32>
        %parallel_loop3A_115 = arith.addf %parallel_loop3A_114, %parallel_loop3A_112 : vector<16xf32>
        %parallel_loop3A_116 = arith.constant 1.99999988 : f32
        %parallel_loop3A_117 = vector.broadcast %parallel_loop3A_116 : f32 to vector<16xf32>
        %parallel_loop3A_118 = arith.minimumf %parallel_loop3A_115, %parallel_loop3A_117 : vector<16xf32>
        %parallel_loop3A_119 = vector.bitcast %parallel_loop3A_118 : vector<16xf32> to vector<16xi32>
        %parallel_loop3A_120 = arith.constant 12 : i32
        %parallel_loop3A_121 = vector.broadcast %parallel_loop3A_120 : i32 to vector<16xi32>
        %parallel_loop3A_122 = arith.shrsi %parallel_loop3A_119, %parallel_loop3A_121 : vector<16xi32>
        %parallel_loop3A_123 = arith.constant 260096 : i32
        %parallel_loop3A_124 = vector.broadcast %parallel_loop3A_123 : i32 to vector<16xi32>
        %parallel_loop3A_125 = arith.subi %parallel_loop3A_122, %parallel_loop3A_124 : vector<16xi32>
        %parallel_loop3A_126 = arith.constant 0 : i32
        %parallel_loop3A_127 = vector.broadcast %parallel_loop3A_126 : i32 to vector<16xi32>
        %parallel_loop3A_128 = arith.cmpi eq, %parallel_loop3A_102, %parallel_loop3A_127 : vector<16xi32>
        tpu.vector_store_idx %arg11[%parallel_loop3A_125], %broadcast_in_dim3A_3 masked %parallel_loop3A_128 {add = true} : memref<2048xf32, #tpu.memory_space<vmem>>[vector<16xi32>], vector<16xf32>, vector<16xi1>
        tpu.vector_store_idx %arg12[%parallel_loop3A_125], %parallel_loop3A_118 masked %parallel_loop3A_128 {add = true} : memref<2048xf32, #tpu.memory_space<vmem>>[vector<16xi32>], vector<16xf32>, vector<16xi1>
        %parallel_loop3A_129 = arith.addf %parallel_loop3A_90, %parallel_loop3A_112 : vector<16xf32>
        %parallel_loop3A_130 = arith.constant 16 : i32
        %parallel_loop3A_131 = arith.muli %parallel_loop3A_89, %parallel_loop3A_130 : i32
        %parallel_loop3A_132 = arith.constant 1 : i32
        %parallel_loop3A_133 = arith.index_cast %parallel_loop3A_132 : i32 to index
        %parallel_loop3A_134 = arith.index_cast %parallel_loop3A_131 : i32 to index
        %parallel_loop3A_135 = tpu.vector_load %arg9[%parallel_loop3A_133, %parallel_loop3A_134] {strides = array<i32>} : memref<8x512xf32, #tpu.memory_space<vmem>>, vector<16xf32>,
        %parallel_loop3A_136 = arith.constant 16 : i32
        %parallel_loop3A_137 = arith.muli %parallel_loop3A_89, %parallel_loop3A_136 : i32
        %parallel_loop3A_138 = arith.constant 1 : i32
        %parallel_loop3A_139 = arith.index_cast %parallel_loop3A_138 : i32 to index
        %parallel_loop3A_140 = arith.index_cast %parallel_loop3A_137 : i32 to index
        %parallel_loop3A_141 = tpu.vector_load %arg10[%parallel_loop3A_139, %parallel_loop3A_140] {strides = array<i32>} : memref<8x512xi32, #tpu.memory_space<vmem>>, vector<16xi32>,
        %parallel_loop3A_142 = arith.constant 0.000000e+00 : f32
        %parallel_loop3A_143 = vector.broadcast %parallel_loop3A_142 : f32 to vector<16xf32>
        %parallel_loop3A_144 = arith.subf %parallel_loop3A_143, %parallel_loop3A_135 : vector<16xf32>
        %parallel_loop3A_145 = math.exp %parallel_loop3A_144 : vector<16xf32>
        %parallel_loop3A_146 = arith.constant 1.000000e+00 : f32
        %parallel_loop3A_147 = vector.broadcast %parallel_loop3A_146 : f32 to vector<16xf32>
        %parallel_loop3A_148 = arith.addf %parallel_loop3A_147, %parallel_loop3A_145 : vector<16xf32>
        %parallel_loop3A_149 = arith.constant 1.000000e+00 : f32
        %parallel_loop3A_150 = vector.broadcast %parallel_loop3A_149 : f32 to vector<16xf32>
        %parallel_loop3A_151 = arith.divf %parallel_loop3A_150, %parallel_loop3A_148 : vector<16xf32>
        %parallel_loop3A_152 = arith.constant 1.000000e+00 : f32
        %parallel_loop3A_153 = vector.broadcast %parallel_loop3A_152 : f32 to vector<16xf32>
        %parallel_loop3A_154 = arith.addf %parallel_loop3A_153, %parallel_loop3A_151 : vector<16xf32>
        %parallel_loop3A_155 = arith.constant 1.99999988 : f32
        %parallel_loop3A_156 = vector.broadcast %parallel_loop3A_155 : f32 to vector<16xf32>
        %parallel_loop3A_157 = arith.minimumf %parallel_loop3A_154, %parallel_loop3A_156 : vector<16xf32>
        %parallel_loop3A_158 = vector.bitcast %parallel_loop3A_157 : vector<16xf32> to vector<16xi32>
        %parallel_loop3A_159 = arith.constant 12 : i32
        %parallel_loop3A_160 = vector.broadcast %parallel_loop3A_159 : i32 to vector<16xi32>
        %parallel_loop3A_161 = arith.shrsi %parallel_loop3A_158, %parallel_loop3A_160 : vector<16xi32>
        %parallel_loop3A_162 = arith.constant 260096 : i32
        %parallel_loop3A_163 = vector.broadcast %parallel_loop3A_162 : i32 to vector<16xi32>
        %parallel_loop3A_164 = arith.subi %parallel_loop3A_161, %parallel_loop3A_163 : vector<16xi32>
        %parallel_loop3A_165 = arith.constant 0 : i32
        %parallel_loop3A_166 = vector.broadcast %parallel_loop3A_165 : i32 to vector<16xi32>
        %parallel_loop3A_167 = arith.cmpi eq, %parallel_loop3A_141, %parallel_loop3A_166 : vector<16xi32>
        tpu.vector_store_idx %arg11[%parallel_loop3A_164], %broadcast_in_dim3A_3 masked %parallel_loop3A_167 {add = true} : memref<2048xf32, #tpu.memory_space<vmem>>[vector<16xi32>], vector<16xf32>, vector<16xi1>
        tpu.vector_store_idx %arg12[%parallel_loop3A_164], %parallel_loop3A_157 masked %parallel_loop3A_167 {add = true} : memref<2048xf32, #tpu.memory_space<vmem>>[vector<16xi32>], vector<16xf32>, vector<16xi1>
        %parallel_loop3A_168 = arith.addf %parallel_loop3A_129, %parallel_loop3A_151 : vector<16xf32>
        %parallel_loop3A_169 = arith.constant 16 : i32
        %parallel_loop3A_170 = arith.muli %parallel_loop3A_89, %parallel_loop3A_169 : i32
        %parallel_loop3A_171 = arith.constant 2 : i32
        %parallel_loop3A_172 = arith.index_cast %parallel_loop3A_171 : i32 to index
        %parallel_loop3A_173 = arith.index_cast %parallel_loop3A_170 : i32 to index
        %parallel_loop3A_174 = tpu.vector_load %arg9[%parallel_loop3A_172, %parallel_loop3A_173] {strides = array<i32>} : memref<8x512xf32, #tpu.memory_space<vmem>>, vector<16xf32>,
        %parallel_loop3A_175 = arith.constant 16 : i32
        %parallel_loop3A_176 = arith.muli %parallel_loop3A_89, %parallel_loop3A_175 : i32
        %parallel_loop3A_177 = arith.constant 2 : i32
        %parallel_loop3A_178 = arith.index_cast %parallel_loop3A_177 : i32 to index
        %parallel_loop3A_179 = arith.index_cast %parallel_loop3A_176 : i32 to index
        %parallel_loop3A_180 = tpu.vector_load %arg10[%parallel_loop3A_178, %parallel_loop3A_179] {strides = array<i32>} : memref<8x512xi32, #tpu.memory_space<vmem>>, vector<16xi32>,
        %parallel_loop3A_181 = arith.constant 0.000000e+00 : f32
        %parallel_loop3A_182 = vector.broadcast %parallel_loop3A_181 : f32 to vector<16xf32>
        %parallel_loop3A_183 = arith.subf %parallel_loop3A_182, %parallel_loop3A_174 : vector<16xf32>
        %parallel_loop3A_184 = math.exp %parallel_loop3A_183 : vector<16xf32>
        %parallel_loop3A_185 = arith.constant 1.000000e+00 : f32
        %parallel_loop3A_186 = vector.broadcast %parallel_loop3A_185 : f32 to vector<16xf32>
        %parallel_loop3A_187 = arith.addf %parallel_loop3A_186, %parallel_loop3A_184 : vector<16xf32>
        %parallel_loop3A_188 = arith.constant 1.000000e+00 : f32
        %parallel_loop3A_189 = vector.broadcast %parallel_loop3A_188 : f32 to vector<16xf32>
        %parallel_loop3A_190 = arith.divf %parallel_loop3A_189, %parallel_loop3A_187 : vector<16xf32>
        %parallel_loop3A_191 = arith.constant 1.000000e+00 : f32
        %parallel_loop3A_192 = vector.broadcast %parallel_loop3A_191 : f32 to vector<16xf32>
        %parallel_loop3A_193 = arith.addf %parallel_loop3A_192, %parallel_loop3A_190 : vector<16xf32>
        %parallel_loop3A_194 = arith.constant 1.99999988 : f32
        %parallel_loop3A_195 = vector.broadcast %parallel_loop3A_194 : f32 to vector<16xf32>
        %parallel_loop3A_196 = arith.minimumf %parallel_loop3A_193, %parallel_loop3A_195 : vector<16xf32>
        %parallel_loop3A_197 = vector.bitcast %parallel_loop3A_196 : vector<16xf32> to vector<16xi32>
        %parallel_loop3A_198 = arith.constant 12 : i32
        %parallel_loop3A_199 = vector.broadcast %parallel_loop3A_198 : i32 to vector<16xi32>
        %parallel_loop3A_200 = arith.shrsi %parallel_loop3A_197, %parallel_loop3A_199 : vector<16xi32>
        %parallel_loop3A_201 = arith.constant 260096 : i32
        %parallel_loop3A_202 = vector.broadcast %parallel_loop3A_201 : i32 to vector<16xi32>
        %parallel_loop3A_203 = arith.subi %parallel_loop3A_200, %parallel_loop3A_202 : vector<16xi32>
        %parallel_loop3A_204 = arith.constant 0 : i32
        %parallel_loop3A_205 = vector.broadcast %parallel_loop3A_204 : i32 to vector<16xi32>
        %parallel_loop3A_206 = arith.cmpi eq, %parallel_loop3A_180, %parallel_loop3A_205 : vector<16xi32>
        tpu.vector_store_idx %arg11[%parallel_loop3A_203], %broadcast_in_dim3A_3 masked %parallel_loop3A_206 {add = true} : memref<2048xf32, #tpu.memory_space<vmem>>[vector<16xi32>], vector<16xf32>, vector<16xi1>
        tpu.vector_store_idx %arg12[%parallel_loop3A_203], %parallel_loop3A_196 masked %parallel_loop3A_206 {add = true} : memref<2048xf32, #tpu.memory_space<vmem>>[vector<16xi32>], vector<16xf32>, vector<16xi1>
        %parallel_loop3A_207 = arith.addf %parallel_loop3A_168, %parallel_loop3A_190 : vector<16xf32>
        %parallel_loop3A_208 = arith.constant 16 : i32
        %parallel_loop3A_209 = arith.muli %parallel_loop3A_89, %parallel_loop3A_208 : i32
        %parallel_loop3A_210 = arith.constant 3 : i32
        %parallel_loop3A_211 = arith.index_cast %parallel_loop3A_210 : i32 to index
        %parallel_loop3A_212 = arith.index_cast %parallel_loop3A_209 : i32 to index
        %parallel_loop3A_213 = tpu.vector_load %arg9[%parallel_loop3A_211, %parallel_loop3A_212] {strides = array<i32>} : memref<8x512xf32, #tpu.memory_space<vmem>>, vector<16xf32>,
        %parallel_loop3A_214 = arith.constant 16 : i32
        %parallel_loop3A_215 = arith.muli %parallel_loop3A_89, %parallel_loop3A_214 : i32
        %parallel_loop3A_216 = arith.constant 3 : i32
        %parallel_loop3A_217 = arith.index_cast %parallel_loop3A_216 : i32 to index
        %parallel_loop3A_218 = arith.index_cast %parallel_loop3A_215 : i32 to index
        %parallel_loop3A_219 = tpu.vector_load %arg10[%parallel_loop3A_217, %parallel_loop3A_218] {strides = array<i32>} : memref<8x512xi32, #tpu.memory_space<vmem>>, vector<16xi32>,
        %parallel_loop3A_220 = arith.constant 0.000000e+00 : f32
        %parallel_loop3A_221 = vector.broadcast %parallel_loop3A_220 : f32 to vector<16xf32>
        %parallel_loop3A_222 = arith.subf %parallel_loop3A_221, %parallel_loop3A_213 : vector<16xf32>
        %parallel_loop3A_223 = math.exp %parallel_loop3A_222 : vector<16xf32>
        %parallel_loop3A_224 = arith.constant 1.000000e+00 : f32
        %parallel_loop3A_225 = vector.broadcast %parallel_loop3A_224 : f32 to vector<16xf32>
        %parallel_loop3A_226 = arith.addf %parallel_loop3A_225, %parallel_loop3A_223 : vector<16xf32>
        %parallel_loop3A_227 = arith.constant 1.000000e+00 : f32
        %parallel_loop3A_228 = vector.broadcast %parallel_loop3A_227 : f32 to vector<16xf32>
        %parallel_loop3A_229 = arith.divf %parallel_loop3A_228, %parallel_loop3A_226 : vector<16xf32>
        %parallel_loop3A_230 = arith.constant 1.000000e+00 : f32
        %parallel_loop3A_231 = vector.broadcast %parallel_loop3A_230 : f32 to vector<16xf32>
        %parallel_loop3A_232 = arith.addf %parallel_loop3A_231, %parallel_loop3A_229 : vector<16xf32>
        %parallel_loop3A_233 = arith.constant 1.99999988 : f32
        %parallel_loop3A_234 = vector.broadcast %parallel_loop3A_233 : f32 to vector<16xf32>
        %parallel_loop3A_235 = arith.minimumf %parallel_loop3A_232, %parallel_loop3A_234 : vector<16xf32>
        %parallel_loop3A_236 = vector.bitcast %parallel_loop3A_235 : vector<16xf32> to vector<16xi32>
        %parallel_loop3A_237 = arith.constant 12 : i32
        %parallel_loop3A_238 = vector.broadcast %parallel_loop3A_237 : i32 to vector<16xi32>
        %parallel_loop3A_239 = arith.shrsi %parallel_loop3A_236, %parallel_loop3A_238 : vector<16xi32>
        %parallel_loop3A_240 = arith.constant 260096 : i32
        %parallel_loop3A_241 = vector.broadcast %parallel_loop3A_240 : i32 to vector<16xi32>
        %parallel_loop3A_242 = arith.subi %parallel_loop3A_239, %parallel_loop3A_241 : vector<16xi32>
        %parallel_loop3A_243 = arith.constant 0 : i32
        %parallel_loop3A_244 = vector.broadcast %parallel_loop3A_243 : i32 to vector<16xi32>
        %parallel_loop3A_245 = arith.cmpi eq, %parallel_loop3A_219, %parallel_loop3A_244 : vector<16xi32>
        tpu.vector_store_idx %arg11[%parallel_loop3A_242], %broadcast_in_dim3A_3 masked %parallel_loop3A_245 {add = true} : memref<2048xf32, #tpu.memory_space<vmem>>[vector<16xi32>], vector<16xf32>, vector<16xi1>
        tpu.vector_store_idx %arg12[%parallel_loop3A_242], %parallel_loop3A_235 masked %parallel_loop3A_245 {add = true} : memref<2048xf32, #tpu.memory_space<vmem>>[vector<16xi32>], vector<16xf32>, vector<16xi1>
        %parallel_loop3A_246 = arith.addf %parallel_loop3A_207, %parallel_loop3A_229 : vector<16xf32>
        %parallel_loop3A_247 = arith.constant 16 : i32
        %parallel_loop3A_248 = arith.muli %parallel_loop3A_89, %parallel_loop3A_247 : i32
        %parallel_loop3A_249 = arith.constant 4 : i32
        %parallel_loop3A_250 = arith.index_cast %parallel_loop3A_249 : i32 to index
        %parallel_loop3A_251 = arith.index_cast %parallel_loop3A_248 : i32 to index
        %parallel_loop3A_252 = tpu.vector_load %arg9[%parallel_loop3A_250, %parallel_loop3A_251] {strides = array<i32>} : memref<8x512xf32, #tpu.memory_space<vmem>>, vector<16xf32>,
        %parallel_loop3A_253 = arith.constant 16 : i32
        %parallel_loop3A_254 = arith.muli %parallel_loop3A_89, %parallel_loop3A_253 : i32
        %parallel_loop3A_255 = arith.constant 4 : i32
        %parallel_loop3A_256 = arith.index_cast %parallel_loop3A_255 : i32 to index
        %parallel_loop3A_257 = arith.index_cast %parallel_loop3A_254 : i32 to index
        %parallel_loop3A_258 = tpu.vector_load %arg10[%parallel_loop3A_256, %parallel_loop3A_257] {strides = array<i32>} : memref<8x512xi32, #tpu.memory_space<vmem>>, vector<16xi32>,
        %parallel_loop3A_259 = arith.constant 0.000000e+00 : f32
        %parallel_loop3A_260 = vector.broadcast %parallel_loop3A_259 : f32 to vector<16xf32>
        %parallel_loop3A_261 = arith.subf %parallel_loop3A_260, %parallel_loop3A_252 : vector<16xf32>
        %parallel_loop3A_262 = math.exp %parallel_loop3A_261 : vector<16xf32>
        %parallel_loop3A_263 = arith.constant 1.000000e+00 : f32
        %parallel_loop3A_264 = vector.broadcast %parallel_loop3A_263 : f32 to vector<16xf32>
        %parallel_loop3A_265 = arith.addf %parallel_loop3A_264, %parallel_loop3A_262 : vector<16xf32>
        %parallel_loop3A_266 = arith.constant 1.000000e+00 : f32
        %parallel_loop3A_267 = vector.broadcast %parallel_loop3A_266 : f32 to vector<16xf32>
        %parallel_loop3A_268 = arith.divf %parallel_loop3A_267, %parallel_loop3A_265 : vector<16xf32>
        %parallel_loop3A_269 = arith.constant 1.000000e+00 : f32
        %parallel_loop3A_270 = vector.broadcast %parallel_loop3A_269 : f32 to vector<16xf32>
        %parallel_loop3A_271 = arith.addf %parallel_loop3A_270, %parallel_loop3A_268 : vector<16xf32>
        %parallel_loop3A_272 = arith.constant 1.99999988 : f32
        %parallel_loop3A_273 = vector.broadcast %parallel_loop3A_272 : f32 to vector<16xf32>
        %parallel_loop3A_274 = arith.minimumf %parallel_loop3A_271, %parallel_loop3A_273 : vector<16xf32>
        %parallel_loop3A_275 = vector.bitcast %parallel_loop3A_274 : vector<16xf32> to vector<16xi32>
        %parallel_loop3A_276 = arith.constant 12 : i32
        %parallel_loop3A_277 = vector.broadcast %parallel_loop3A_276 : i32 to vector<16xi32>
        %parallel_loop3A_278 = arith.shrsi %parallel_loop3A_275, %parallel_loop3A_277 : vector<16xi32>
        %parallel_loop3A_279 = arith.constant 260096 : i32
        %parallel_loop3A_280 = vector.broadcast %parallel_loop3A_279 : i32 to vector<16xi32>
        %parallel_loop3A_281 = arith.subi %parallel_loop3A_278, %parallel_loop3A_280 : vector<16xi32>
        %parallel_loop3A_282 = arith.constant 0 : i32
        %parallel_loop3A_283 = vector.broadcast %parallel_loop3A_282 : i32 to vector<16xi32>
        %parallel_loop3A_284 = arith.cmpi eq, %parallel_loop3A_258, %parallel_loop3A_283 : vector<16xi32>
        tpu.vector_store_idx %arg11[%parallel_loop3A_281], %broadcast_in_dim3A_3 masked %parallel_loop3A_284 {add = true} : memref<2048xf32, #tpu.memory_space<vmem>>[vector<16xi32>], vector<16xf32>, vector<16xi1>
        tpu.vector_store_idx %arg12[%parallel_loop3A_281], %parallel_loop3A_274 masked %parallel_loop3A_284 {add = true} : memref<2048xf32, #tpu.memory_space<vmem>>[vector<16xi32>], vector<16xf32>, vector<16xi1>
        %parallel_loop3A_285 = arith.addf %parallel_loop3A_246, %parallel_loop3A_268 : vector<16xf32>
        %parallel_loop3A_286 = arith.constant 16 : i32
        %parallel_loop3A_287 = arith.muli %parallel_loop3A_89, %parallel_loop3A_286 : i32
        %parallel_loop3A_288 = arith.constant 5 : i32
        %parallel_loop3A_289 = arith.index_cast %parallel_loop3A_288 : i32 to index
        %parallel_loop3A_290 = arith.index_cast %parallel_loop3A_287 : i32 to index
        %parallel_loop3A_291 = tpu.vector_load %arg9[%parallel_loop3A_289, %parallel_loop3A_290] {strides = array<i32>} : memref<8x512xf32, #tpu.memory_space<vmem>>, vector<16xf32>,
        %parallel_loop3A_292 = arith.constant 16 : i32
        %parallel_loop3A_293 = arith.muli %parallel_loop3A_89, %parallel_loop3A_292 : i32
        %parallel_loop3A_294 = arith.constant 5 : i32
        %parallel_loop3A_295 = arith.index_cast %parallel_loop3A_294 : i32 to index
        %parallel_loop3A_296 = arith.index_cast %parallel_loop3A_293 : i32 to index
        %parallel_loop3A_297 = tpu.vector_load %arg10[%parallel_loop3A_295, %parallel_loop3A_296] {strides = array<i32>} : memref<8x512xi32, #tpu.memory_space<vmem>>, vector<16xi32>,
        %parallel_loop3A_298 = arith.constant 0.000000e+00 : f32
        %parallel_loop3A_299 = vector.broadcast %parallel_loop3A_298 : f32 to vector<16xf32>
        %parallel_loop3A_300 = arith.subf %parallel_loop3A_299, %parallel_loop3A_291 : vector<16xf32>
        %parallel_loop3A_301 = math.exp %parallel_loop3A_300 : vector<16xf32>
        %parallel_loop3A_302 = arith.constant 1.000000e+00 : f32
        %parallel_loop3A_303 = vector.broadcast %parallel_loop3A_302 : f32 to vector<16xf32>
        %parallel_loop3A_304 = arith.addf %parallel_loop3A_303, %parallel_loop3A_301 : vector<16xf32>
        %parallel_loop3A_305 = arith.constant 1.000000e+00 : f32
        %parallel_loop3A_306 = vector.broadcast %parallel_loop3A_305 : f32 to vector<16xf32>
        %parallel_loop3A_307 = arith.divf %parallel_loop3A_306, %parallel_loop3A_304 : vector<16xf32>
        %parallel_loop3A_308 = arith.constant 1.000000e+00 : f32
        %parallel_loop3A_309 = vector.broadcast %parallel_loop3A_308 : f32 to vector<16xf32>
        %parallel_loop3A_310 = arith.addf %parallel_loop3A_309, %parallel_loop3A_307 : vector<16xf32>
        %parallel_loop3A_311 = arith.constant 1.99999988 : f32
        %parallel_loop3A_312 = vector.broadcast %parallel_loop3A_311 : f32 to vector<16xf32>
        %parallel_loop3A_313 = arith.minimumf %parallel_loop3A_310, %parallel_loop3A_312 : vector<16xf32>
        %parallel_loop3A_314 = vector.bitcast %parallel_loop3A_313 : vector<16xf32> to vector<16xi32>
        %parallel_loop3A_315 = arith.constant 12 : i32
        %parallel_loop3A_316 = vector.broadcast %parallel_loop3A_315 : i32 to vector<16xi32>
        %parallel_loop3A_317 = arith.shrsi %parallel_loop3A_314, %parallel_loop3A_316 : vector<16xi32>
        %parallel_loop3A_318 = arith.constant 260096 : i32
        %parallel_loop3A_319 = vector.broadcast %parallel_loop3A_318 : i32 to vector<16xi32>
        %parallel_loop3A_320 = arith.subi %parallel_loop3A_317, %parallel_loop3A_319 : vector<16xi32>
        %parallel_loop3A_321 = arith.constant 0 : i32
        %parallel_loop3A_322 = vector.broadcast %parallel_loop3A_321 : i32 to vector<16xi32>
        %parallel_loop3A_323 = arith.cmpi eq, %parallel_loop3A_297, %parallel_loop3A_322 : vector<16xi32>
        tpu.vector_store_idx %arg11[%parallel_loop3A_320], %broadcast_in_dim3A_3 masked %parallel_loop3A_323 {add = true} : memref<2048xf32, #tpu.memory_space<vmem>>[vector<16xi32>], vector<16xf32>, vector<16xi1>
        tpu.vector_store_idx %arg12[%parallel_loop3A_320], %parallel_loop3A_313 masked %parallel_loop3A_323 {add = true} : memref<2048xf32, #tpu.memory_space<vmem>>[vector<16xi32>], vector<16xf32>, vector<16xi1>
        %parallel_loop3A_324 = arith.addf %parallel_loop3A_285, %parallel_loop3A_307 : vector<16xf32>
        %parallel_loop3A_325 = arith.constant 16 : i32
        %parallel_loop3A_326 = arith.muli %parallel_loop3A_89, %parallel_loop3A_325 : i32
        %parallel_loop3A_327 = arith.constant 6 : i32
        %parallel_loop3A_328 = arith.index_cast %parallel_loop3A_327 : i32 to index
        %parallel_loop3A_329 = arith.index_cast %parallel_loop3A_326 : i32 to index
        %parallel_loop3A_330 = tpu.vector_load %arg9[%parallel_loop3A_328, %parallel_loop3A_329] {strides = array<i32>} : memref<8x512xf32, #tpu.memory_space<vmem>>, vector<16xf32>,
        %parallel_loop3A_331 = arith.constant 16 : i32
        %parallel_loop3A_332 = arith.muli %parallel_loop3A_89, %parallel_loop3A_331 : i32
        %parallel_loop3A_333 = arith.constant 6 : i32
        %parallel_loop3A_334 = arith.index_cast %parallel_loop3A_333 : i32 to index
        %parallel_loop3A_335 = arith.index_cast %parallel_loop3A_332 : i32 to index
        %parallel_loop3A_336 = tpu.vector_load %arg10[%parallel_loop3A_334, %parallel_loop3A_335] {strides = array<i32>} : memref<8x512xi32, #tpu.memory_space<vmem>>, vector<16xi32>,
        %parallel_loop3A_337 = arith.constant 0.000000e+00 : f32
        %parallel_loop3A_338 = vector.broadcast %parallel_loop3A_337 : f32 to vector<16xf32>
        %parallel_loop3A_339 = arith.subf %parallel_loop3A_338, %parallel_loop3A_330 : vector<16xf32>
        %parallel_loop3A_340 = math.exp %parallel_loop3A_339 : vector<16xf32>
        %parallel_loop3A_341 = arith.constant 1.000000e+00 : f32
        %parallel_loop3A_342 = vector.broadcast %parallel_loop3A_341 : f32 to vector<16xf32>
        %parallel_loop3A_343 = arith.addf %parallel_loop3A_342, %parallel_loop3A_340 : vector<16xf32>
        %parallel_loop3A_344 = arith.constant 1.000000e+00 : f32
        %parallel_loop3A_345 = vector.broadcast %parallel_loop3A_344 : f32 to vector<16xf32>
        %parallel_loop3A_346 = arith.divf %parallel_loop3A_345, %parallel_loop3A_343 : vector<16xf32>
        %parallel_loop3A_347 = arith.constant 1.000000e+00 : f32
        %parallel_loop3A_348 = vector.broadcast %parallel_loop3A_347 : f32 to vector<16xf32>
        %parallel_loop3A_349 = arith.addf %parallel_loop3A_348, %parallel_loop3A_346 : vector<16xf32>
        %parallel_loop3A_350 = arith.constant 1.99999988 : f32
        %parallel_loop3A_351 = vector.broadcast %parallel_loop3A_350 : f32 to vector<16xf32>
        %parallel_loop3A_352 = arith.minimumf %parallel_loop3A_349, %parallel_loop3A_351 : vector<16xf32>
        %parallel_loop3A_353 = vector.bitcast %parallel_loop3A_352 : vector<16xf32> to vector<16xi32>
        %parallel_loop3A_354 = arith.constant 12 : i32
        %parallel_loop3A_355 = vector.broadcast %parallel_loop3A_354 : i32 to vector<16xi32>
        %parallel_loop3A_356 = arith.shrsi %parallel_loop3A_353, %parallel_loop3A_355 : vector<16xi32>
        %parallel_loop3A_357 = arith.constant 260096 : i32
        %parallel_loop3A_358 = vector.broadcast %parallel_loop3A_357 : i32 to vector<16xi32>
        %parallel_loop3A_359 = arith.subi %parallel_loop3A_356, %parallel_loop3A_358 : vector<16xi32>
        %parallel_loop3A_360 = arith.constant 0 : i32
        %parallel_loop3A_361 = vector.broadcast %parallel_loop3A_360 : i32 to vector<16xi32>
        %parallel_loop3A_362 = arith.cmpi eq, %parallel_loop3A_336, %parallel_loop3A_361 : vector<16xi32>
        tpu.vector_store_idx %arg11[%parallel_loop3A_359], %broadcast_in_dim3A_3 masked %parallel_loop3A_362 {add = true} : memref<2048xf32, #tpu.memory_space<vmem>>[vector<16xi32>], vector<16xf32>, vector<16xi1>
        tpu.vector_store_idx %arg12[%parallel_loop3A_359], %parallel_loop3A_352 masked %parallel_loop3A_362 {add = true} : memref<2048xf32, #tpu.memory_space<vmem>>[vector<16xi32>], vector<16xf32>, vector<16xi1>
        %parallel_loop3A_363 = arith.addf %parallel_loop3A_324, %parallel_loop3A_346 : vector<16xf32>
        %parallel_loop3A_364 = arith.constant 16 : i32
        %parallel_loop3A_365 = arith.muli %parallel_loop3A_89, %parallel_loop3A_364 : i32
        %parallel_loop3A_366 = arith.constant 7 : i32
        %parallel_loop3A_367 = arith.index_cast %parallel_loop3A_366 : i32 to index
        %parallel_loop3A_368 = arith.index_cast %parallel_loop3A_365 : i32 to index
        %parallel_loop3A_369 = tpu.vector_load %arg9[%parallel_loop3A_367, %parallel_loop3A_368] {strides = array<i32>} : memref<8x512xf32, #tpu.memory_space<vmem>>, vector<16xf32>,
        %parallel_loop3A_370 = arith.constant 16 : i32
        %parallel_loop3A_371 = arith.muli %parallel_loop3A_89, %parallel_loop3A_370 : i32
        %parallel_loop3A_372 = arith.constant 7 : i32
        %parallel_loop3A_373 = arith.index_cast %parallel_loop3A_372 : i32 to index
        %parallel_loop3A_374 = arith.index_cast %parallel_loop3A_371 : i32 to index
        %parallel_loop3A_375 = tpu.vector_load %arg10[%parallel_loop3A_373, %parallel_loop3A_374] {strides = array<i32>} : memref<8x512xi32, #tpu.memory_space<vmem>>, vector<16xi32>,
        %parallel_loop3A_376 = arith.constant 0.000000e+00 : f32
        %parallel_loop3A_377 = vector.broadcast %parallel_loop3A_376 : f32 to vector<16xf32>
        %parallel_loop3A_378 = arith.subf %parallel_loop3A_377, %parallel_loop3A_369 : vector<16xf32>
        %parallel_loop3A_379 = math.exp %parallel_loop3A_378 : vector<16xf32>
        %parallel_loop3A_380 = arith.constant 1.000000e+00 : f32
        %parallel_loop3A_381 = vector.broadcast %parallel_loop3A_380 : f32 to vector<16xf32>
        %parallel_loop3A_382 = arith.addf %parallel_loop3A_381, %parallel_loop3A_379 : vector<16xf32>
        %parallel_loop3A_383 = arith.constant 1.000000e+00 : f32
        %parallel_loop3A_384 = vector.broadcast %parallel_loop3A_383 : f32 to vector<16xf32>
        %parallel_loop3A_385 = arith.divf %parallel_loop3A_384, %parallel_loop3A_382 : vector<16xf32>
        %parallel_loop3A_386 = arith.constant 1.000000e+00 : f32
        %parallel_loop3A_387 = vector.broadcast %parallel_loop3A_386 : f32 to vector<16xf32>
        %parallel_loop3A_388 = arith.addf %parallel_loop3A_387, %parallel_loop3A_385 : vector<16xf32>
        %parallel_loop3A_389 = arith.constant 1.99999988 : f32
        %parallel_loop3A_390 = vector.broadcast %parallel_loop3A_389 : f32 to vector<16xf32>
        %parallel_loop3A_391 = arith.minimumf %parallel_loop3A_388, %parallel_loop3A_390 : vector<16xf32>
        %parallel_loop3A_392 = vector.bitcast %parallel_loop3A_391 : vector<16xf32> to vector<16xi32>
        %parallel_loop3A_393 = arith.constant 12 : i32
        %parallel_loop3A_394 = vector.broadcast %parallel_loop3A_393 : i32 to vector<16xi32>
        %parallel_loop3A_395 = arith.shrsi %parallel_loop3A_392, %parallel_loop3A_394 : vector<16xi32>
        %parallel_loop3A_396 = arith.constant 260096 : i32
        %parallel_loop3A_397 = vector.broadcast %parallel_loop3A_396 : i32 to vector<16xi32>
        %parallel_loop3A_398 = arith.subi %parallel_loop3A_395, %parallel_loop3A_397 : vector<16xi32>
        %parallel_loop3A_399 = arith.constant 0 : i32
        %parallel_loop3A_400 = vector.broadcast %parallel_loop3A_399 : i32 to vector<16xi32>
        %parallel_loop3A_401 = arith.cmpi eq, %parallel_loop3A_375, %parallel_loop3A_400 : vector<16xi32>
        tpu.vector_store_idx %arg11[%parallel_loop3A_398], %broadcast_in_dim3A_3 masked %parallel_loop3A_401 {add = true} : memref<2048xf32, #tpu.memory_space<vmem>>[vector<16xi32>], vector<16xf32>, vector<16xi1>
        tpu.vector_store_idx %arg12[%parallel_loop3A_398], %parallel_loop3A_391 masked %parallel_loop3A_401 {add = true} : memref<2048xf32, #tpu.memory_space<vmem>>[vector<16xi32>], vector<16xf32>, vector<16xi1>
        %parallel_loop3A_402 = arith.addf %parallel_loop3A_363, %parallel_loop3A_385 : vector<16xf32>
        scf.yield %parallel_loop3A_402 : vector<16xf32>
      } {sc.loop_unroll_factor = 2 : i64, sc.parallel_access}
      %add3A_82 = arith.constant 3 : i32
      %add3A_83 = arith.addi %mul3A_40, %add3A_82 : i32
      %lt3A_84 = arith.constant 32 : i32
      %lt3A_85 = arith.cmpi slt, %add3A_83, %lt3A_84 : i32
      %convert_element_type3A_86 = arith.extui %lt3A_85 : i1 to i32
      %cond3A_87 = arith.constant 0 : i32
      %cond3A_88 = arith.cmpi ne, %convert_element_type3A_86, %cond3A_87 : i32
      scf.if %cond3A_88 {
        %add3A_89 = arith.constant 3 : i32
        %add3A_90 = arith.addi %mul3A_40, %add3A_89 : i32
        %mul3A_91 = arith.constant 8 : i32
        %mul3A_92 = arith.muli %add3A_90, %mul3A_91 : i32
        %add3A_93 = arith.addi %mul3A_7, %mul3A_92 : i32
        %dma_start3A_94 = arith.constant 0 : i32
        %dma_start3A_95 = tpu.memref_slice %arg2[%add3A_93, %dma_start3A_94] : memref<8192x512xf32, #tpu.memory_space<hbm>> -> memref<8x512xf32, #tpu.memory_space<hbm>>
        %dma_start3A_96 = arith.constant 0 : i32
        %dma_start3A_97 = tpu.memref_slice %arg2[%add3A_93, %dma_start3A_96] : memref<8192x512xf32, #tpu.memory_space<hbm>> -> memref<8x512xf32, #tpu.memory_space<hbm>>
        tpu.enqueue_dma source(%dma_start3A_97 : memref<8x512xf32, #tpu.memory_space<hbm>>) target(%arg9 : memref<8x512xf32, #tpu.memory_space<vmem>>) target_semaphore(%arg16 : memref<!tpu.dma_semaphore, #tpu.memory_space<semaphore_mem>>)
        %mul3A_98 = arith.constant 8 : i32
        %mul3A_99 = arith.muli %add3A_90, %mul3A_98 : i32
        %add3A_100 = arith.addi %mul3A_7, %mul3A_99 : i32
        %dma_start3A_101 = arith.constant 0 : i32
        %dma_start3A_102 = tpu.memref_slice %arg3[%add3A_100, %dma_start3A_101] : memref<8192x512xi32, #tpu.memory_space<hbm>> -> memref<8x512xi32, #tpu.memory_space<hbm>>
        %dma_start3A_103 = arith.constant 0 : i32
        %dma_start3A_104 = tpu.memref_slice %arg3[%add3A_100, %dma_start3A_103] : memref<8192x512xi32, #tpu.memory_space<hbm>> -> memref<8x512xi32, #tpu.memory_space<hbm>>
        tpu.enqueue_dma source(%dma_start3A_104 : memref<8x512xi32, #tpu.memory_space<hbm>>) target(%arg10 : memref<8x512xi32, #tpu.memory_space<vmem>>) target_semaphore(%arg17 : memref<!tpu.dma_semaphore, #tpu.memory_space<semaphore_mem>>)
      } else {
      }
      scf.yield %parallel_loop3A_81 : vector<16xf32>
    }
    %scan3A_35 = arith.constant 16 : i32
    %swap3A = arith.constant 0 : index
    %swap3A_36 = tpu.vector_load %arg13[%swap3A] {strides = array<i32>} : memref<16xf32, #tpu.memory_space<vmem>>, vector<16xf32>,
    tpu.vector_store %arg13[%swap3A], %scan3A_34 {strides = array<i32>} : memref<16xf32, #tpu.memory_space<vmem>>, vector<16xf32>,
    "tpu.region"() ({
      %run_scoped3A = tpu.sem_alloc : memref<!tpu.dma_semaphore, #tpu.memory_space<semaphore_mem>>
      %dma_start3A_37 = arith.constant 0 : i32
      %dma_start3A_38 = tpu.memref_slice %arg4[%add3A, %dma_start3A_37] : memref<32x2048xf32, #tpu.memory_space<hbm>> -> memref<1x2048xf32, #tpu.memory_space<hbm>>
      %dma_start3A_39 = tpu.memref_squeeze %dma_start3A_38 : memref<1x2048xf32, #tpu.memory_space<hbm>> -> memref<2048xf32, #tpu.memory_space<hbm>>
      %dma_start3A_40 = arith.constant 0 : i32
      %dma_start3A_41 = tpu.memref_slice %arg4[%add3A, %dma_start3A_40] : memref<32x2048xf32, #tpu.memory_space<hbm>> -> memref<1x2048xf32, #tpu.memory_space<hbm>>
      %dma_start3A_42 = tpu.memref_squeeze %dma_start3A_41 : memref<1x2048xf32, #tpu.memory_space<hbm>> -> memref<2048xf32, #tpu.memory_space<hbm>>
      tpu.enqueue_dma source(%arg11 : memref<2048xf32, #tpu.memory_space<vmem>>) target(%dma_start3A_42 : memref<2048xf32, #tpu.memory_space<hbm>>) target_semaphore(%run_scoped3A : memref<!tpu.dma_semaphore, #tpu.memory_space<semaphore_mem>>)
      %dma_wait3A = arith.constant 0 : i32
      %dma_wait3A_43 = tpu.memref_slice %arg4[%add3A, %dma_wait3A] : memref<32x2048xf32, #tpu.memory_space<hbm>> -> memref<1x2048xf32, #tpu.memory_space<hbm>>
      %dma_wait3A_44 = tpu.memref_squeeze %dma_wait3A_43 : memref<1x2048xf32, #tpu.memory_space<hbm>> -> memref<2048xf32, #tpu.memory_space<hbm>>
      %dma_wait3A_45 = arith.constant 0 : i32
      %dma_wait3A_46 = tpu.memref_slice %arg4[%add3A, %dma_wait3A_45] : memref<32x2048xf32, #tpu.memory_space<hbm>> -> memref<1x2048xf32, #tpu.memory_space<hbm>>
      %dma_wait3A_47 = tpu.memref_squeeze %dma_wait3A_46 : memref<1x2048xf32, #tpu.memory_space<hbm>> -> memref<2048xf32, #tpu.memory_space<hbm>>
      tpu.wait_dma2 semaphore(%run_scoped3A : memref<!tpu.dma_semaphore, #tpu.memory_space<semaphore_mem>>) src(%arg11 : memref<2048xf32, #tpu.memory_space<vmem>>) dst(%dma_wait3A_47 : memref<2048xf32, #tpu.memory_space<hbm>>)
      tpu.yield
    }) : () -> ()
    "tpu.region"() ({
      %run_scoped3A = tpu.sem_alloc : memref<!tpu.dma_semaphore, #tpu.memory_space<semaphore_mem>>
      %dma_start3A_37 = arith.constant 0 : i32
      %dma_start3A_38 = tpu.memref_slice %arg5[%add3A, %dma_start3A_37] : memref<32x2048xf32, #tpu.memory_space<hbm>> -> memref<1x2048xf32, #tpu.memory_space<hbm>>
      %dma_start3A_39 = tpu.memref_squeeze %dma_start3A_38 : memref<1x2048xf32, #tpu.memory_space<hbm>> -> memref<2048xf32, #tpu.memory_space<hbm>>
      %dma_start3A_40 = arith.constant 0 : i32
      %dma_start3A_41 = tpu.memref_slice %arg5[%add3A, %dma_start3A_40] : memref<32x2048xf32, #tpu.memory_space<hbm>> -> memref<1x2048xf32, #tpu.memory_space<hbm>>
      %dma_start3A_42 = tpu.memref_squeeze %dma_start3A_41 : memref<1x2048xf32, #tpu.memory_space<hbm>> -> memref<2048xf32, #tpu.memory_space<hbm>>
      tpu.enqueue_dma source(%arg12 : memref<2048xf32, #tpu.memory_space<vmem>>) target(%dma_start3A_42 : memref<2048xf32, #tpu.memory_space<hbm>>) target_semaphore(%run_scoped3A : memref<!tpu.dma_semaphore, #tpu.memory_space<semaphore_mem>>)
      %dma_wait3A = arith.constant 0 : i32
      %dma_wait3A_43 = tpu.memref_slice %arg5[%add3A, %dma_wait3A] : memref<32x2048xf32, #tpu.memory_space<hbm>> -> memref<1x2048xf32, #tpu.memory_space<hbm>>
      %dma_wait3A_44 = tpu.memref_squeeze %dma_wait3A_43 : memref<1x2048xf32, #tpu.memory_space<hbm>> -> memref<2048xf32, #tpu.memory_space<hbm>>
      %dma_wait3A_45 = arith.constant 0 : i32
      %dma_wait3A_46 = tpu.memref_slice %arg5[%add3A, %dma_wait3A_45] : memref<32x2048xf32, #tpu.memory_space<hbm>> -> memref<1x2048xf32, #tpu.memory_space<hbm>>
      %dma_wait3A_47 = tpu.memref_squeeze %dma_wait3A_46 : memref<1x2048xf32, #tpu.memory_space<hbm>> -> memref<2048xf32, #tpu.memory_space<hbm>>
      tpu.wait_dma2 semaphore(%run_scoped3A : memref<!tpu.dma_semaphore, #tpu.memory_space<semaphore_mem>>) src(%arg12 : memref<2048xf32, #tpu.memory_space<vmem>>) dst(%dma_wait3A_47 : memref<2048xf32, #tpu.memory_space<hbm>>)
      tpu.yield
    }) : () -> ()
    "tpu.region"() ({
      %run_scoped3A = tpu.sem_alloc : memref<!tpu.dma_semaphore, #tpu.memory_space<semaphore_mem>>
      %dma_start3A_37 = arith.constant 0 : i32
      %dma_start3A_38 = tpu.memref_slice %arg6[%add3A, %dma_start3A_37] : memref<32x16xf32, #tpu.memory_space<hbm>> -> memref<1x16xf32, #tpu.memory_space<hbm>>
      %dma_start3A_39 = tpu.memref_squeeze %dma_start3A_38 : memref<1x16xf32, #tpu.memory_space<hbm>> -> memref<16xf32, #tpu.memory_space<hbm>>
      %dma_start3A_40 = arith.constant 0 : i32
      %dma_start3A_41 = tpu.memref_slice %arg6[%add3A, %dma_start3A_40] : memref<32x16xf32, #tpu.memory_space<hbm>> -> memref<1x16xf32, #tpu.memory_space<hbm>>
      %dma_start3A_42 = tpu.memref_squeeze %dma_start3A_41 : memref<1x16xf32, #tpu.memory_space<hbm>> -> memref<16xf32, #tpu.memory_space<hbm>>
      tpu.enqueue_dma source(%arg13 : memref<16xf32, #tpu.memory_space<vmem>>) target(%dma_start3A_42 : memref<16xf32, #tpu.memory_space<hbm>>) target_semaphore(%run_scoped3A : memref<!tpu.dma_semaphore, #tpu.memory_space<semaphore_mem>>)
      %dma_wait3A = arith.constant 0 : i32
      %dma_wait3A_43 = tpu.memref_slice %arg6[%add3A, %dma_wait3A] : memref<32x16xf32, #tpu.memory_space<hbm>> -> memref<1x16xf32, #tpu.memory_space<hbm>>
      %dma_wait3A_44 = tpu.memref_squeeze %dma_wait3A_43 : memref<1x16xf32, #tpu.memory_space<hbm>> -> memref<16xf32, #tpu.memory_space<hbm>>
      %dma_wait3A_45 = arith.constant 0 : i32
      %dma_wait3A_46 = tpu.memref_slice %arg6[%add3A, %dma_wait3A_45] : memref<32x16xf32, #tpu.memory_space<hbm>> -> memref<1x16xf32, #tpu.memory_space<hbm>>
      %dma_wait3A_47 = tpu.memref_squeeze %dma_wait3A_46 : memref<1x16xf32, #tpu.memory_space<hbm>> -> memref<16xf32, #tpu.memory_space<hbm>>
      tpu.wait_dma2 semaphore(%run_scoped3A : memref<!tpu.dma_semaphore, #tpu.memory_space<semaphore_mem>>) src(%arg13 : memref<16xf32, #tpu.memory_space<vmem>>) dst(%dma_wait3A_47 : memref<16xf32, #tpu.memory_space<hbm>>)
      tpu.yield
    }) : () -> ()
    return
  }
}

module attributes {stable_mosaic.version = 14 : i64} {
  func.func @_tc_finish_body(%arg0: memref<32x2048xf32, #tpu.memory_space<vmem>>, %arg1: memref<32x2048xf32, #tpu.memory_space<vmem>>, %arg2: memref<32x16xf32, #tpu.memory_space<vmem>>, %arg3: memref<1x1xf32, #tpu.memory_space<smem>>) attributes {dimension_semantics = [], scalar_prefetch = 0 : i64, scratch_operands = 0 : i64, tpu.core_type = #tpu.core_type<tc>} {
    %get3A = arith.constant 0 : index
    %get3A_0 = arith.constant 0 : index
    %get3A_1 = vector.load %arg0[%get3A, %get3A_0] : memref<32x2048xf32, #tpu.memory_space<vmem>>, vector<32x2048xf32>
    %reduce_sum3A = arith.constant dense<0.000000e+00> : vector<2048xf32>
    %reduce_sum3A_2 = vector.multi_reduction <add>, %get3A_1, %reduce_sum3A [0] : vector<32x2048xf32> to vector<2048xf32>
    %broadcast_in_dim3A = vector.shape_cast %reduce_sum3A_2 : vector<2048xf32> to vector<1x2048xf32>
    %get3A_3 = arith.constant 0 : index
    %get3A_4 = arith.constant 0 : index
    %get3A_5 = vector.load %arg1[%get3A_3, %get3A_4] : memref<32x2048xf32, #tpu.memory_space<vmem>>, vector<32x2048xf32>
    %reduce_sum3A_6 = arith.constant dense<0.000000e+00> : vector<2048xf32>
    %reduce_sum3A_7 = vector.multi_reduction <add>, %get3A_5, %reduce_sum3A_6 [0] : vector<32x2048xf32> to vector<2048xf32>
    %broadcast_in_dim3A_8 = vector.shape_cast %reduce_sum3A_7 : vector<2048xf32> to vector<1x2048xf32>
    %slice3A = vector.extract_strided_slice %broadcast_in_dim3A {offsets = [0, 0], sizes = [1, 128], strides = [1, 1]} : vector<1x2048xf32> to vector<1x128xf32>
    %slice3A_9 = vector.extract_strided_slice %broadcast_in_dim3A {offsets = [0, 128], sizes = [1, 128], strides = [1, 1]} : vector<1x2048xf32> to vector<1x128xf32>
    %slice3A_10 = vector.extract_strided_slice %broadcast_in_dim3A {offsets = [0, 256], sizes = [1, 128], strides = [1, 1]} : vector<1x2048xf32> to vector<1x128xf32>
    %slice3A_11 = vector.extract_strided_slice %broadcast_in_dim3A {offsets = [0, 384], sizes = [1, 128], strides = [1, 1]} : vector<1x2048xf32> to vector<1x128xf32>
    %slice3A_12 = vector.extract_strided_slice %broadcast_in_dim3A {offsets = [0, 512], sizes = [1, 128], strides = [1, 1]} : vector<1x2048xf32> to vector<1x128xf32>
    %slice3A_13 = vector.extract_strided_slice %broadcast_in_dim3A {offsets = [0, 640], sizes = [1, 128], strides = [1, 1]} : vector<1x2048xf32> to vector<1x128xf32>
    %slice3A_14 = vector.extract_strided_slice %broadcast_in_dim3A {offsets = [0, 768], sizes = [1, 128], strides = [1, 1]} : vector<1x2048xf32> to vector<1x128xf32>
    %slice3A_15 = vector.extract_strided_slice %broadcast_in_dim3A {offsets = [0, 896], sizes = [1, 128], strides = [1, 1]} : vector<1x2048xf32> to vector<1x128xf32>
    %slice3A_16 = vector.extract_strided_slice %broadcast_in_dim3A {offsets = [0, 1024], sizes = [1, 128], strides = [1, 1]} : vector<1x2048xf32> to vector<1x128xf32>
    %slice3A_17 = vector.extract_strided_slice %broadcast_in_dim3A {offsets = [0, 1152], sizes = [1, 128], strides = [1, 1]} : vector<1x2048xf32> to vector<1x128xf32>
    %slice3A_18 = vector.extract_strided_slice %broadcast_in_dim3A {offsets = [0, 1280], sizes = [1, 128], strides = [1, 1]} : vector<1x2048xf32> to vector<1x128xf32>
    %slice3A_19 = vector.extract_strided_slice %broadcast_in_dim3A {offsets = [0, 1408], sizes = [1, 128], strides = [1, 1]} : vector<1x2048xf32> to vector<1x128xf32>
    %slice3A_20 = vector.extract_strided_slice %broadcast_in_dim3A {offsets = [0, 1536], sizes = [1, 128], strides = [1, 1]} : vector<1x2048xf32> to vector<1x128xf32>
    %slice3A_21 = vector.extract_strided_slice %broadcast_in_dim3A {offsets = [0, 1664], sizes = [1, 128], strides = [1, 1]} : vector<1x2048xf32> to vector<1x128xf32>
    %slice3A_22 = vector.extract_strided_slice %broadcast_in_dim3A {offsets = [0, 1792], sizes = [1, 128], strides = [1, 1]} : vector<1x2048xf32> to vector<1x128xf32>
    %slice3A_23 = vector.extract_strided_slice %broadcast_in_dim3A {offsets = [0, 1920], sizes = [1, 128], strides = [1, 1]} : vector<1x2048xf32> to vector<1x128xf32>
    %concatenate3A = tpu.concatenate %slice3A, %slice3A_9, %slice3A_10, %slice3A_11, %slice3A_12, %slice3A_13, %slice3A_14, %slice3A_15, %slice3A_16, %slice3A_17, %slice3A_18, %slice3A_19, %slice3A_20, %slice3A_21, %slice3A_22, %slice3A_23 in 0 : vector<1x128xf32>, vector<1x128xf32>, vector<1x128xf32>, vector<1x128xf32>, vector<1x128xf32>, vector<1x128xf32>, vector<1x128xf32>, vector<1x128xf32>, vector<1x128xf32>, vector<1x128xf32>, vector<1x128xf32>, vector<1x128xf32>, vector<1x128xf32>, vector<1x128xf32>, vector<1x128xf32>, vector<1x128xf32> -> vector<16x128xf32>
    %slice3A_24 = vector.extract_strided_slice %broadcast_in_dim3A_8 {offsets = [0, 0], sizes = [1, 128], strides = [1, 1]} : vector<1x2048xf32> to vector<1x128xf32>
    %slice3A_25 = vector.extract_strided_slice %broadcast_in_dim3A_8 {offsets = [0, 128], sizes = [1, 128], strides = [1, 1]} : vector<1x2048xf32> to vector<1x128xf32>
    %slice3A_26 = vector.extract_strided_slice %broadcast_in_dim3A_8 {offsets = [0, 256], sizes = [1, 128], strides = [1, 1]} : vector<1x2048xf32> to vector<1x128xf32>
    %slice3A_27 = vector.extract_strided_slice %broadcast_in_dim3A_8 {offsets = [0, 384], sizes = [1, 128], strides = [1, 1]} : vector<1x2048xf32> to vector<1x128xf32>
    %slice3A_28 = vector.extract_strided_slice %broadcast_in_dim3A_8 {offsets = [0, 512], sizes = [1, 128], strides = [1, 1]} : vector<1x2048xf32> to vector<1x128xf32>
    %slice3A_29 = vector.extract_strided_slice %broadcast_in_dim3A_8 {offsets = [0, 640], sizes = [1, 128], strides = [1, 1]} : vector<1x2048xf32> to vector<1x128xf32>
    %slice3A_30 = vector.extract_strided_slice %broadcast_in_dim3A_8 {offsets = [0, 768], sizes = [1, 128], strides = [1, 1]} : vector<1x2048xf32> to vector<1x128xf32>
    %slice3A_31 = vector.extract_strided_slice %broadcast_in_dim3A_8 {offsets = [0, 896], sizes = [1, 128], strides = [1, 1]} : vector<1x2048xf32> to vector<1x128xf32>
    %slice3A_32 = vector.extract_strided_slice %broadcast_in_dim3A_8 {offsets = [0, 1024], sizes = [1, 128], strides = [1, 1]} : vector<1x2048xf32> to vector<1x128xf32>
    %slice3A_33 = vector.extract_strided_slice %broadcast_in_dim3A_8 {offsets = [0, 1152], sizes = [1, 128], strides = [1, 1]} : vector<1x2048xf32> to vector<1x128xf32>
    %slice3A_34 = vector.extract_strided_slice %broadcast_in_dim3A_8 {offsets = [0, 1280], sizes = [1, 128], strides = [1, 1]} : vector<1x2048xf32> to vector<1x128xf32>
    %slice3A_35 = vector.extract_strided_slice %broadcast_in_dim3A_8 {offsets = [0, 1408], sizes = [1, 128], strides = [1, 1]} : vector<1x2048xf32> to vector<1x128xf32>
    %slice3A_36 = vector.extract_strided_slice %broadcast_in_dim3A_8 {offsets = [0, 1536], sizes = [1, 128], strides = [1, 1]} : vector<1x2048xf32> to vector<1x128xf32>
    %slice3A_37 = vector.extract_strided_slice %broadcast_in_dim3A_8 {offsets = [0, 1664], sizes = [1, 128], strides = [1, 1]} : vector<1x2048xf32> to vector<1x128xf32>
    %slice3A_38 = vector.extract_strided_slice %broadcast_in_dim3A_8 {offsets = [0, 1792], sizes = [1, 128], strides = [1, 1]} : vector<1x2048xf32> to vector<1x128xf32>
    %slice3A_39 = vector.extract_strided_slice %broadcast_in_dim3A_8 {offsets = [0, 1920], sizes = [1, 128], strides = [1, 1]} : vector<1x2048xf32> to vector<1x128xf32>
    %concatenate3A_40 = tpu.concatenate %slice3A_24, %slice3A_25, %slice3A_26, %slice3A_27, %slice3A_28, %slice3A_29, %slice3A_30, %slice3A_31, %slice3A_32, %slice3A_33, %slice3A_34, %slice3A_35, %slice3A_36, %slice3A_37, %slice3A_38, %slice3A_39 in 0 : vector<1x128xf32>, vector<1x128xf32>, vector<1x128xf32>, vector<1x128xf32>, vector<1x128xf32>, vector<1x128xf32>, vector<1x128xf32>, vector<1x128xf32>, vector<1x128xf32>, vector<1x128xf32>, vector<1x128xf32>, vector<1x128xf32>, vector<1x128xf32>, vector<1x128xf32>, vector<1x128xf32>, vector<1x128xf32> -> vector<16x128xf32>
    %reduce_sum3A_41 = vector.shape_cast %concatenate3A : vector<16x128xf32> to vector<1x16x128xf32>
    %reduce_sum3A_42 = arith.constant dense<0.000000e+00> : vector<1xf32>
    %reduce_sum3A_43 = vector.multi_reduction <add>, %reduce_sum3A_41, %reduce_sum3A_42 [1, 2] : vector<1x16x128xf32> to vector<1xf32>
    %reduce_sum3A_44 = vector.shape_cast %reduce_sum3A_43 : vector<1xf32> to vector<1x1x1xf32>
    %reduce_sum3A_45 = vector.extract %reduce_sum3A_44[0, 0, 0] : f32 from vector<1x1x1xf32>
    %reduce_sum3A_46 = vector.shape_cast %concatenate3A_40 : vector<16x128xf32> to vector<1x16x128xf32>
    %reduce_sum3A_47 = arith.constant dense<0.000000e+00> : vector<1xf32>
    %reduce_sum3A_48 = vector.multi_reduction <add>, %reduce_sum3A_46, %reduce_sum3A_47 [1, 2] : vector<1x16x128xf32> to vector<1xf32>
    %reduce_sum3A_49 = vector.shape_cast %reduce_sum3A_48 : vector<1xf32> to vector<1x1x1xf32>
    %reduce_sum3A_50 = vector.extract %reduce_sum3A_49[0, 0, 0] : f32 from vector<1x1x1xf32>
    %get3A_51 = arith.constant 0 : index
    %get3A_52 = arith.constant 0 : index
    %get3A_53 = vector.load %arg2[%get3A_51, %get3A_52] : memref<32x16xf32, #tpu.memory_space<vmem>>, vector<32x16xf32>
    %reduce_sum3A_54 = vector.shape_cast %get3A_53 : vector<32x16xf32> to vector<1x32x16xf32>
    %reduce_sum3A_55 = arith.constant dense<0.000000e+00> : vector<1xf32>
    %reduce_sum3A_56 = vector.multi_reduction <add>, %reduce_sum3A_54, %reduce_sum3A_55 [1, 2] : vector<1x32x16xf32> to vector<1xf32>
    %reduce_sum3A_57 = vector.shape_cast %reduce_sum3A_56 : vector<1xf32> to vector<1x1x1xf32>
    %reduce_sum3A_58 = vector.extract %reduce_sum3A_57[0, 0, 0] : f32 from vector<1x1x1xf32>
    %sub3A = arith.constant 0x4A800000 : f32
    %sub3A_59 = arith.subf %sub3A, %reduce_sum3A_45 : f32
    %sub3A_60 = arith.constant 0x4A800000 : f32
    %sub3A_61 = arith.subf %sub3A_60, %reduce_sum3A_58 : f32
    %mul3A = arith.constant 2.000000e+00 : f32
    %mul3A_62 = arith.mulf %mul3A, %reduce_sum3A_45 : f32
    %sub3A_63 = arith.subf %sub3A_61, %mul3A_62 : f32
    %add3A = arith.addf %sub3A_63, %reduce_sum3A_50 : f32
    %iota3A = tpu.iota {dimensions = array<i32: 0>} : vector<128x128xi32>
    %iota3A_64 = tpu.iota {dimensions = array<i32: 1>} : vector<128x128xi32>
    %ge3A = arith.cmpi sge, %iota3A, %iota3A_64 : vector<128x128xi32>
    %convert_element_type3A = arith.extui %ge3A : vector<128x128xi1> to vector<128x128xi32>
    %convert_element_type3A_65 = arith.sitofp %convert_element_type3A : vector<128x128xi32> to vector<128x128xf32>
    %dot_general3A = arith.constant dense<0.000000e+00> : vector<16x128xf32>
    %dot_general3A_66 = tpu.matmul %concatenate3A, %convert_element_type3A_65, %dot_general3A {dimension_numbers = #tpu.dot_dimension_numbers<[1], [0], [0], [1], [0, 0, 1, 1], [], []>, transpose_lhs_hint = false} : vector<16x128xf32>, vector<128x128xf32>, vector<16x128xf32> -> vector<16x128xf32>
    %reduce_sum3A_67 = arith.constant dense<0.000000e+00> : vector<16xf32>
    %reduce_sum3A_68 = vector.multi_reduction <add>, %concatenate3A, %reduce_sum3A_67 [1] : vector<16x128xf32> to vector<16xf32>
    %broadcast_in_dim3A_69 = vector.shape_cast %reduce_sum3A_68 : vector<16xf32> to vector<16x1xf32>
    %iota3A_70 = tpu.iota {dimensions = array<i32: 0>} : vector<16x16xi32>
    %iota3A_71 = tpu.iota {dimensions = array<i32: 1>} : vector<16x16xi32>
    %gt3A = arith.cmpi sgt, %iota3A_71, %iota3A_70 : vector<16x16xi32>
    %convert_element_type3A_72 = arith.extui %gt3A : vector<16x16xi1> to vector<16x16xi32>
    %convert_element_type3A_73 = arith.sitofp %convert_element_type3A_72 : vector<16x16xi32> to vector<16x16xf32>
    %dot_general3A_74 = arith.constant dense<0.000000e+00> : vector<16x1xf32>
    %dot_general3A_75 = tpu.matmul %convert_element_type3A_73, %broadcast_in_dim3A_69, %dot_general3A_74 {dimension_numbers = #tpu.dot_dimension_numbers<[1], [0], [0], [1], [0, 0, 1, 1], [], []>, transpose_lhs_hint = false} : vector<16x16xf32>, vector<16x1xf32>, vector<16x1xf32> -> vector<16x1xf32>
    %add3A_76 = vector.broadcast %dot_general3A_75 : vector<16x1xf32> to vector<16x128xf32>
    %add3A_77 = arith.addf %dot_general3A_66, %add3A_76 : vector<16x128xf32>
    %sub3A_78 = arith.subf %add3A_77, %concatenate3A : vector<16x128xf32>
    %add3A_79 = vector.broadcast %sub3A_59 : f32 to vector<16x128xf32>
    %add3A_80 = arith.addf %add3A_79, %sub3A_78 : vector<16x128xf32>
    %add3A_81 = vector.broadcast %sub3A_59 : f32 to vector<16x128xf32>
    %add3A_82 = arith.addf %add3A_81, %add3A_77 : vector<16x128xf32>
    %mul3A_83 = arith.mulf %add3A_80, %add3A_82 : vector<16x128xf32>
    %gt3A_84 = arith.constant 0.000000e+00 : f32
    %gt3A_85 = vector.broadcast %gt3A_84 : f32 to vector<16x128xf32>
    %gt3A_86 = arith.cmpf ogt, %concatenate3A, %gt3A_85 : vector<16x128xf32>
    %mul3A_87 = vector.broadcast %sub3A_59 : f32 to vector<16x128xf32>
    %mul3A_88 = arith.mulf %mul3A_87, %concatenate3A : vector<16x128xf32>
    %max3A = arith.constant 1.000000e+00 : f32
    %max3A_89 = vector.broadcast %max3A : f32 to vector<16x128xf32>
    %max3A_90 = arith.maximumf %mul3A_83, %max3A_89 : vector<16x128xf32>
    %div3A = arith.divf %mul3A_88, %max3A_90 : vector<16x128xf32>
    %jit3A = arith.constant 0.000000e+00 : f32
    %broadcast_in_dim3A_91 = vector.broadcast %jit3A : f32 to vector<16x128xf32>
    %select_n3A = arith.select %gt3A_86, %div3A, %broadcast_in_dim3A_91 : vector<16x128xi1>, vector<16x128xf32>
    %eq3A = arith.constant 0.000000e+00 : f32
    %eq3A_92 = arith.cmpf oeq, %sub3A_59, %eq3A : f32
    %eq3A_93 = arith.constant 0.000000e+00 : f32
    %eq3A_94 = vector.broadcast %eq3A_93 : f32 to vector<16x128xf32>
    %eq3A_95 = arith.cmpf oeq, %sub3A_78, %eq3A_94 : vector<16x128xf32>
    %and3A = vector.broadcast %eq3A_92 : i1 to vector<16x128xi1>
    %and3A_96 = arith.andi %and3A, %eq3A_95 : vector<16x128xi1>
    %gt3A_97 = arith.constant 0.000000e+00 : f32
    %gt3A_98 = vector.broadcast %gt3A_97 : f32 to vector<16x128xf32>
    %gt3A_99 = arith.cmpf ogt, %concatenate3A, %gt3A_98 : vector<16x128xf32>
    %and3A_100 = arith.andi %and3A_96, %gt3A_99 : vector<16x128xi1>
    %jit3A_101 = arith.constant 1.000000e+00 : f32
    %jit3A_102 = arith.constant 0.000000e+00 : f32
    %broadcast_in_dim3A_103 = vector.broadcast %jit3A_101 : f32 to vector<16x128xf32>
    %broadcast_in_dim3A_104 = vector.broadcast %jit3A_102 : f32 to vector<16x128xf32>
    %select_n3A_105 = arith.select %and3A_100, %broadcast_in_dim3A_103, %broadcast_in_dim3A_104 : vector<16x128xi1>, vector<16x128xf32>
    %add3A_106 = arith.addf %select_n3A, %select_n3A_105 : vector<16x128xf32>
    %max3A_107 = arith.constant 1.000000e+00 : f32
    %max3A_108 = vector.broadcast %max3A_107 : f32 to vector<16x128xf32>
    %max3A_109 = arith.maximumf %concatenate3A, %max3A_108 : vector<16x128xf32>
    %div3A_110 = arith.divf %concatenate3A_40, %max3A_109 : vector<16x128xf32>
    %mul3A_111 = arith.constant 2.38418579E-7 : f32
    %mul3A_112 = arith.mulf %add3A, %mul3A_111 : f32
    %mul3A_113 = arith.mulf %div3A_110, %add3A_106 : vector<16x128xf32>
    %reduce_sum3A_114 = vector.shape_cast %mul3A_113 : vector<16x128xf32> to vector<1x16x128xf32>
    %reduce_sum3A_115 = arith.constant dense<0.000000e+00> : vector<1xf32>
    %reduce_sum3A_116 = vector.multi_reduction <add>, %reduce_sum3A_114, %reduce_sum3A_115 [1, 2] : vector<1x16x128xf32> to vector<1xf32>
    %reduce_sum3A_117 = vector.shape_cast %reduce_sum3A_116 : vector<1xf32> to vector<1x1x1xf32>
    %reduce_sum3A_118 = vector.extract %reduce_sum3A_117[0, 0, 0] : f32 from vector<1x1x1xf32>
    %add3A_119 = arith.addf %mul3A_112, %reduce_sum3A_118 : f32
    %swap3A = arith.constant 0 : index
    %swap3A_120 = arith.constant 0 : index
    %swap3A_121 = memref.load %arg3[%swap3A, %swap3A_120] : memref<1x1xf32, #tpu.memory_space<smem>>
    memref.store %add3A_119, %arg3[%swap3A, %swap3A_120] : memref<1x1xf32, #tpu.memory_space<smem>>
    return
  }
}

</mosaic_0001>

<sc_bundles>
// kernel: kernel.4.cloned.1.call-start
scs
__scs_entry_jumppad:
0x0: {  	(pc) =	sbr.rel $0x88, $3  }
0x1: {  	(tag) =	ssettag $0x0;
	lr =	simm.s32 $0x1  }
0x2: {  	[smem:$0x3F9F] =	sst lr;
	_ =	strace $0xD0000000  }
0x3: {  	_ = 	snop  }
0x4: {  	_ = 	snop  }
0x5: {  	_ = 	snop  }
0x6: {  	_ = 	snop  }
0x7: {  	_ = 	snop  }
__scs_overlays_trampoline_lowered:
0x8: {  	[smem:$0x3FAE] =	sst s0  }
0x9: {  	[smem:$0x3FAF] =	sst s1  }
0xa: {  	[smem:$0x3FB0] =	sst s2  }
0xb: {  	[smem:$0x3FB1] =	sst s3  }
0xc: {  	[smem:$0x3FB2] =	sst s4  }
0xd: {  	[smem:$0x3FB3] =	sst s5  }
0xe: {  	[smem:$0x3FB4] =	sst s6  }
0xf: {  	[smem:$0x3FB5] =	sst s7  }
0x10: {  	[smem:$0x3FB6] =	sst s8  }
0x11: {  	[smem:$0x3FB7] =	sst s9;
	s0 =	simm.s32 @!p0 $0x0  }
0x12: {  	s1 =	sld [smem:$0x3F9D];
	s0 =	simm.s32 @p0 $0x1  }
0x13: {  	[smem:$0x3FB8] =	sst s0;
	s0 =	simm.s32 @!p1 $0x0  }
0x14: {  	s2 =	sld [smem:$0x3F9C];
	s0 =	simm.s32 @p1 $0x1  }
0x15: {  	[smem:$0x3FB9] =	sst s0;
	s0 =	simm.s32 @!p2 $0x0  }
0x16: {  	s3 =	sld [smem:$0x3FDB];
	s0 =	simm.s32 @p2 $0x1  }
0x17: {  	s4 =	simm.s32 $0x1BF5;
	[smem:$0x3FBB] =	sst s0  }
0x18: {  	s0 =	sld [smem:$0x3F9E];
	_ =	swait.ge [sflag:s4], $0x0  }
0x19: {  	s7 =	sld [smem:$0x3F9F]  }
0x1a: {  	s8 =	sadd.s32 $0xFFFFE003, lr  }
0x1b: {  	s9 =	sadd.s32 $0xFFFFFEF7, lr;
	s5 =	simm.s32 $0xFFFFFFFF;
	p2 =	slt.u32 s8, $0xFFFFF086  }
0x1c: {  	p1 =	slt.u32 s9, $0xF7A;
	s5 =	simm.s32 @!p2 $0x0  }
0x1d: {  	s5 =	simm.s32 @p1 $0x1;
	p0 =	seq.s32 s7, s2  }
0x1e: {  	s7 =	smul.u32 @!p0 $0xF7A, s2;
	p2 =	seq.s32 @!p0 s5, $0x0  }
0x1f: {  	s9 =	smul.u32 $0xF7A, s1;
	s8 =	simm.s32 @!p0 $0x1BF5;
	p2 =	por !p2, p0  }
0x20: {  	[sflag:s8] =	ssyncset.s32 @!p0 $0xFFFFF086;
	s6 =	sadd.s32 @!p0 s3, s7;
	s7 =	simm.s32 @!p0 $0x108  }
0x21: {  	s3 =	sadd.s32 s3, s9;
	s6 =	sadd.s32 @!p0 $0x88, s6;
	s7 =	simm.s32 @p2 $0x1082  }
0x22: {  	[simem:s7], [sflag:s8] =	dma.local @!p0 [hbm:s6], $0xF7A  }
0x23: {  	s9 =	sor.u32 $0xD0000000, s2;
	s6 =	simm.s32 $0x108;
	_ =	swait.ge @!p0 [sflag:s8], $0x0  }
0x24: {  	s3 =	sadd.s32 $0x88, s3;
	s6 =	simm.s32 @!p1 $0x1082;
	[sflag:s4] =	ssyncset.s32 $0xFFFFF086  }
0x25: {  	[simem:s6], [sflag:s4] =	dma.local [hbm:s3], $0xF7A  }
0x26: {  	[smem:$0x3F9F] =	sst s1;
	(tag) =	ssettag s2;
	_ =	strace s9  }
0x27: {  	s1 =	sld [smem:$0x3FAF]  }
0x28: {  	s2 =	sld [smem:$0x3FB0]  }
0x29: {  	s4 =	sld [smem:$0x3FB2]  }
0x2a: {  	p0 =	seq.s32 s5, $0x0;
	s5 =	sld [smem:$0x3FB3]  }
0x2b: {  	s6 =	sld [smem:$0x3FB4]  }
0x2c: {  	s7 =	sld [smem:$0x3FB5]  }
0x2d: {  	s3 =	simm.s32 $0x108;
	s8 =	sld [smem:$0x3FB6]  }
0x2e: {  	s3 =	simm.s32 @!p0 $0x1082;
	s9 =	sld [smem:$0x3FB7]  }
0x2f: {  	lr =	sadd.s32 s0, s3;
	s0 =	sld [smem:$0x3FAE]  }
0x30: {  	s3 =	sld [smem:$0x3FB1]  }
0x31: {  	[smem:$0x3FBA] =	sst s10  }
0x32: {  	s10 =	sld [smem:$0x3FB8];
	_ =	sdelay $0x3  }
0x33: {  	p0 =	seq.s32 s10, $0x1;
	s10 =	sld [smem:$0x3FBA];
	_ =	sdelay $0x3  }
0x34: {  	[smem:$0x3FBA] =	sst s10  }
0x35: {  	s10 =	sld [smem:$0x3FB9];
	_ =	sdelay $0x3  }
0x36: {  	p1 =	seq.s32 s10, $0x1;
	s10 =	sld [smem:$0x3FBA];
	_ =	sdelay $0x3  }
0x37: {  	[smem:$0x3FBA] =	sst s10  }
0x38: {  	s10 =	sld [smem:$0x3FBB]  }
0x39: {  	_ = 	snop;
	(pc) =	sbr.ind lr, $3  }
0x3a: {  	_ = 	snop  }
0x3b: {  	_ = 	snop  }
0x3c: {  	p2 =	seq.s32 s10, $0x1;
	s10 =	sld [smem:$0x3FBA]  }
0x3d: {  	_ =	shalt  }
0x3e: {  	_ =	shalt  }
0x3f: {  	_ =	shalt  }
0x40: {  	_ =	shalt  }
0x41: {  	_ =	shalt  }
0x42: {  	_ =	shalt  }
0x43: {  	_ =	shalt  }
0x44: {  	_ =	shalt  }
0x45: {  	_ =	shalt  }
0x46: {  	_ =	shalt  }
0x47: {  	_ =	shalt  }
0x48: {  	_ =	shalt  }
0x49: {  	_ =	shalt  }
0x4a: {  	_ =	shalt  }
0x4b: {  	_ =	shalt  }
0x4c: {  	_ =	shalt  }
0x4d: {  	_ =	shalt  }
0x4e: {  	_ =	shalt  }
0x4f: {  	_ =	shalt  }
0x50: {  	_ =	shalt  }
0x51: {  	_ =	shalt  }
0x52: {  	_ =	shalt  }
0x53: {  	_ =	shalt  }
0x54: {  	_ =	shalt  }
0x55: {  	_ =	shalt  }
0x56: {  	_ =	shalt  }
0x57: {  	_ =	shalt  }
0x58: {  	_ =	shalt  }
0x59: {  	_ =	shalt  }
0x5a: {  	_ =	shalt  }
0x5b: {  	_ =	shalt  }
0x5c: {  	_ =	shalt  }
0x5d: {  	_ =	shalt  }
0x5e: {  	_ =	shalt  }
0x5f: {  	_ =	shalt  }
0x60: {  	_ =	shalt  }
0x61: {  	_ =	shalt  }
0x62: {  	_ =	shalt  }
0x63: {  	_ =	shalt  }
0x64: {  	_ =	shalt  }
0x65: {  	_ =	shalt  }
0x66: {  	_ =	shalt  }
0x67: {  	_ =	shalt  }
0x68: {  	_ =	shalt  }
0x69: {  	_ =	shalt  }
0x6a: {  	_ =	shalt  }
0x6b: {  	_ =	shalt  }
0x6c: {  	_ =	shalt  }
0x6d: {  	_ =	shalt  }
0x6e: {  	_ =	shalt  }
0x6f: {  	_ =	shalt  }
0x70: {  	_ =	shalt  }
0x71: {  	_ =	shalt  }
0x72: {  	_ =	shalt  }
0x73: {  	_ =	shalt  }
0x74: {  	_ =	shalt  }
0x75: {  	_ =	shalt  }
0x76: {  	_ =	shalt  }
0x77: {  	_ =	shalt  }
0x78: {  	_ =	shalt  }
0x79: {  	_ =	shalt  }
0x7a: {  	_ =	shalt  }
0x7b: {  	_ =	shalt  }
0x7c: {  	_ =	shalt  }
0x7d: {  	_ =	shalt  }
0x7e: {  	_ =	shalt  }
0x7f: {  	_ =	shalt  }
0x80: {  	_ =	shalt  }
0x81: {  	_ =	shalt  }
0x82: {  	_ =	shalt  }
0x83: {  	_ =	shalt  }
0x84: {  	_ =	shalt  }
0x85: {  	_ =	shalt  }
0x86: {  	_ =	shalt  }
0x87: {  	_ =	shalt  }
.Lfunc_end0:
.L_simem_size_0:
called_computation_lowered:
.L_overlay_start_0:
0x88: {  	s2 =	sld [smem:$0x3FD9]  }
0x89: {  	s3 =	sld [smem:$0x3FFE];
	_ =	sdelay $0x1  }
0x8a: {  	s1 =	srdreg.scid  }
0x8b: {  	s0 =	sand.u32 $0x1, s1  }
0x8c: {  	s17 =	sshll.u32 s0, $0xA;
	s2 =	sadd.s32 s3, s2  }
0x8d: {  	s2 =	sadd.s32 s2, s17  }
0x8e: {  	[smem:$0x3FC6] =	sst s2  }
0x8f: {  	_ = 	snop  }
0x90: {  	s2 =	sld [smem:$0x3FC9]  }
0x91: {  	s18 =	sld [smem:$0x3FC8];
	(tm) =	ssettm $0x1  }
0x92: {  	s4 =	sld [smem:$0x3FFB];
	_ =	sdelay $0x3  }
0x93: {  	_ =	strace s4  }
0x94: {  	s4 =	sld [smem:$0x3FFC];
	_ =	sdelay $0x3  }
0x95: {  	_ =	strace s4  }
0x96: {  	s4 =	sld [smem:$0x3FFD];
	_ =	sdelay $0x3  }
0x97: {  	_ =	strace s4  }
0x98: {  	_ =	strace $0x8FFFFFFF  }
0x99: {  	s19 =	sld [smem:$0x3FDB];
	_ =	sdelay $0x1  }
0x9a: {  	s5 =	simm.s32 $_scs_section_size  }
0x9b: {  	s6 =	simm.s32 $_size__tile_overlayer_lowered;
	s7 =	simm.s32 $_tile_overlayer_lowered  }
0x9c: {  	s22 =	simm.s32 $0x1BFF;
	s21 =	sshll.u32 s7, $0x1;
	s4 =	sadd.s32 s5, s19  }
0x9d: {  	s8 =	simm.s32 $0x0;
	s20 =	sshll.u32 s6, $0x1;
	s6 =	sadd.s32 s21, s4  }
0x9e: {  	[timem:s8], [sflag:s22] =	dma.local [hbm:s6], s20  }
0x9f: {  	_ =	swait.ge [sflag:s22], s20  }
0xa0: {  	s5 =	ssub.s32 $0x0, s20;
	[sflag:s22] =	ssyncset.done $0x0  }
0xa1: {  	[sflag:s22] =	ssyncadd.s32 s5;
	_ =	sdelay $0x1  }
0xa2: {  	s23 =	simm.s32 $0x1B8B  }
0xa3: {  	_ =	swait.ge [sflag:s23], $0x1  }
0xa4: {  	[sflag:s23] =	ssyncset.done $0x0  }
0xa5: {  	s25 =	simm.s32 $0x1B8E;
	s24 =	sld [smem:$0x3FFE];
	[sflag:s23] =	ssyncadd.s32 $0xFFFFFFFF  }
0xa6: {  	s26 =	simm.s32 $execute0_lowered;
	[smem:$0x3FD2] =	sst s25  }
0xa7: {  	s6 =	sshll.u32 s26, $0x1;
	_ =	strace $0x80000046;
	[dreg:$0x1] =	wrdreg $0xFFFFFFFF  }
0xa8: {  	s28 =	simm.s32 $_size_execute0_lowered;
	s4 =	sadd.s32 s4, s6;
	[dreg:$0x0] =	wrdreg $0x0  }
0xa9: {  	s6 =	sshll.u32 s28, $0x1;
	[dreg:$0x2] =	wrdreg s4  }
0xaa: {  	[dreg:$0x3] =	wrdreg s6  }
0xab: {  	[dreg:$0x4] =	wrdreg $0xC0  }
0xac: {  	_ =	task [dreg:s8], $0x5FFFF  }
0xad: {  	[dreg:$0x1] =	wrdreg $0xFFFFFFFF  }
0xae: {  	[dreg:$0x0] =	wrdreg $0x60  }
0xaf: {  	[dreg:$0x2] =	wrdreg s2  }
0xb0: {  	[dreg:$0x3] =	wrdreg s18  }
0xb1: {  	[dreg:$0x4] =	wrdreg s24  }
0xb2: {  	[dreg:$0x5] =	wrdreg $0x9  }
0xb3: {  	_ =	task.clear_ibuf [dreg:s8], $0x6FFFF;
	_ =	strace $0x90000046  }
0xb4: {  	s29 =	simm.s32 $0x9;
	_ =	strace $0x80000048  }
0xb5: {  	_ =	swait.ge [sflag:s29], $0x1  }
0xb6: {  	[sflag:s29] =	ssyncadd.s32 $0xFFFFFFFF  }
0xb7: {  	_ =	strace $0x90000048  }
0xb8: {  	_ =	sfence  }
0xb9: {  	s30 =	sld [smem:$0x0];
	_ =	sdelay $0x2  }
0xba: {  	s31 =	sshll.u32 s1, $0xD;
	s1 =	sshrl.u32 s1, $0x2  }
0xbb: {  	s3 =	sand.u32 $0x4000, s31;
	s1 =	sadd.s32 s1, s30  }
0xbc: {  	s0 =	sor.u32 s3, s0;
	s1 =	sshll.u32 s1, $0x11  }
0xbd: {  	s0 =	sor.u32 s1, s0  }
0xbe: {  	s0 =	sadd.s32 $0x8F2B, s0  }
0xbf: {  	[sflag:s0] =	ssyncadd.remote.s32 $0x1  }
0xc0: {  	_ =	sfence.sel $0xFFFF  }
0xc1: {  	[dreg:$0x0] =	wrdreg $0xFFFFFFFF;
	(pc) =	sbr.abs _section_cstart, $3  }
0xc2: {  	[dreg:$0x1] =	wrdreg $0xFFFFFFFF  }
0xc3: {  	_ =	task.clear_ibuf [dreg:s8], $0x2FFFF;
	_ =	strace $0x9FFFFFFF  }
0xc4: {  	(tm) =	ssettm $0x7FFFFFFF  }
0xc5: {  	_ =	shalt  }
tec
execute0_lowered:
.L_overlay_start_1:
0x0: {  	(tag) =	ssettag $0x1  }
0x1: {  	s6 =	rddreg [dreg:$0x0]  }
0x2: {  	s0 =	srdreg.scid;
	s7 =	rddreg [dreg:$0x1]  }
0x3: {  	s3 =	stileid.u32;
	s2 =	rddreg [dreg:$0x2];
	s8 =	simm.s32 $0x0  }
0x4: {  	s20 =	simm.s32 $0x4000;
	s0 =	sand.u32 $0x1, s0;
	s1 =	sshll.u32 s3, $0x1  }
0x5: {  	s3 =	sshrl.u32 s3, $0x2;
	[smem:$0x7FF] =	sst s8;
	s1 =	sor.u32 s0, s1  }
0x6: {  	s5 =	sshll.u32 s3, $0xE;
	_ =	strace $0x80000047;
	s3 =	sshll.u32 s3, $0xA  }
0x7: {  	s0 =	ssub.s32 $0x2, s0;
	s4 =	sshll.u32 s1, $0x7;
	s1 =	sshll.u32 s1, $0xE  }
0x8: {  	s21 =	sshrl.u32 s0, $0x1;
	s4 =	sand.u32 $0x380, s4;
	s23 =	sadd.s32 s6, s1  }
0x9: {  	s0 =	ssub.s32 s0, s21;
	s24 =	sadd.s32 s7, s1;
	[dreg:$0x4] =	wrdreg s23  }
0xa: {  	s22 =	sor.u32 $0x200, s1;
	s26 =	sor.u32 $0x400, s1;
	[dreg:$0x5] =	wrdreg s24  }
0xb: {  	s1 =	sor.u32 $0x600, s1;
	s5 =	sor.u32 s5, s4;
	[dreg:$0x8] =	wrdreg s26  }
0xc: {  	s3 =	sor.u32 s3, s4;
	s25 =	sadd.s32 s6, s22;
	[dreg:$0x9] =	wrdreg s1  }
0xd: {  	s0 =	smax.u32 s0, $0x1;
	s5 =	sshrl.u32 s5, $0x3;
	[dreg:$0x6] =	wrdreg s25  }
0xe: {  	s3 =	sshrl.u32 s3, $0x3;
	[dreg:$0xd] =	wrdreg s0;
	s5 =	sadd.s32 s5, s2  }
.Ltmp0:
0xf: {  	s2 =	sadd.s32 s3, s2;
	s3 =	sadd.s32 s7, s22;
	(pc) =	sbr.rel .LBB2_1-.Ltmp0, $4  }
0x10: {  	s30 =	simm.s32 $0x0;
	[dreg:$0x7] =	wrdreg s3;
	s28 =	sadd.s32 $0xE00, s5  }
0x11: {  	s21 =	simm.s32 $0x4800;
	s29 =	sadd.s32 $0x2E00, s5;
	[dreg:$0xa] =	wrdreg s28  }
0x12: {  	s23 =	simm.s32 $0x4;
	s31 =	sadd.s32 $0x4E00, s2;
	[dreg:$0xb] =	wrdreg s29  }
0x13: {  	v0 =	vimm.f32 $0.0e+00;
	v1 =	vimm.f32 $1.000000000e+00;
	s1 =	simm.s32 $0x0;
	s22 =	simm.s32 $0x3;
	[dreg:$0xc] =	wrdreg s31  }
.LBB2_10:
0x14: {  	s0 =	rddreg [dreg:$0xa]  }
0x15: {  	[tilespmem:$0x5000] =	vst v23;
	s1 =	simm.s32 $0x80;
	s2 =	simm.s32 $0x400;
	s3 =	simm.s32 $0x5  }
0x16: {  	[hbm4b:s0+s1] =	stream.strided.scatter [tilespmem:s20], [sflag:$0x5], $0x800, s2, s1, $0x38;
	[tilespmem:$0x5080] =	vst v63  }
0x17: {  	_ =	swait.ge [sflag:s3], $0x800  }
0x18: {  	[sflag:s3] =	ssyncset.done $0x0  }
0x19: {  	s24 =	rddreg [dreg:$0xb];
	[sflag:s3] =	ssyncadd.s32 $0xFFFFF800  }
0x1a: {  	[hbm4b:s24+s1] =	stream.strided.scatter [tilespmem:s21], [sflag:$0x5], $0x800, s2, s1, $0x38;
	[tilespmem:$0x5080] =	vst v63  }
0x1b: {  	_ =	swait.ge [sflag:s3], $0x800  }
0x1c: {  	s25 =	simm.s32 $0x0;
	[sflag:s3] =	ssyncset.done $0x0  }
0x1d: {  	s28 =	simm.s32 $0x5000;
	s26 =	rddreg [dreg:$0xc];
	[sflag:s3] =	ssyncadd.s32 $0xFFFFF800  }
0x1e: {  	[hbm4b:s26+s25] =	stream.linear.scatter [tilespmem:s28], [sflag:$0x5], $0x80, $0x38;
	[tilespmem:$0x5080] =	vst v63  }
0x1f: {  	_ =	swait.ge [sflag:s3], $0x80  }
0x20: {  	s29 =	rddreg [dreg:$0xe]  }
0x21: {  	s31 =	rddreg [dreg:$0xd];
	s1 =	sadd.s32 $0x1, s29  }
0x22: {  	p0 =	sne.s32 s1, s31  }
.Ltmp1:
0x23: {  	_ = 	snop;
	(pc) =	sbr.rel @!p0 .LBB2_11-.Ltmp1, $3  }
0x24: {  	_ =	sdelay $0x1  }
0x25: {  	[sflag:s3] =	ssyncset.done $0x0  }
0x26: {  	v0 =	vimm.f32 $0.0e+00;
	[sflag:s3] =	ssyncadd.s32 $0xFFFFFF80  }
.LBB2_1:
0x27: {  	[dreg:$0xe] =	wrdreg s1;
	s0 =	simm.s32 $0x4040  }
0x28: {  	[tilespmem:s0+$0x30] =	vst v0  }
0x29: {  	[tilespmem:s0+$0xFFFFFFF0] =	vst v0  }
0x2a: {  	[tilespmem:s0+$0xFFFFFFC0] =	vst v0  }
0x2b: {  	[tilespmem:s0+$0xFFFFFFE0] =	vst v0  }
0x2c: {  	[tilespmem:s0+$0x10] =	vst v0  }
0x2d: {  	[tilespmem:s0+$0x20] =	vst v0  }
0x2e: {  	[tilespmem:s0+$0x0] =	vst v0  }
0x2f: {  	s1 =	simm.s32 $0x4840;
	[tilespmem:s0+$0xFFFFFFD0] =	vst v0  }
0x30: {  	[tilespmem:s1+$0xFFFFFFC0] =	vst v0  }
0x31: {  	[tilespmem:s1+$0x30] =	vst v0  }
0x32: {  	[tilespmem:s1+$0x20] =	vst v0  }
0x33: {  	[tilespmem:s1+$0x10] =	vst v0  }
0x34: {  	[tilespmem:s1+$0xFFFFFFE0] =	vst v0  }
0x35: {  	[tilespmem:s1+$0x0] =	vst v0  }
0x36: {  	s2 =	simm.s32 $0x0;
	[tilespmem:s1+$0xFFFFFFF0] =	vst v0  }
.LBB2_2:
0x37: {  	s2 =	sadd.s32 $0x8, s2;
	[tilespmem:s1+$0xFFFFFFD0] =	vst v0;
	s0 =	sadd.s32 $0x80, s0;
	s1 =	sadd.s32 $0x80, s1  }
0x38: {  	[tilespmem:s0+$0x30] =	vst v0;
	p0 =	slt.u32 s2, $0x78  }
0x39: {  	[tilespmem:s0+$0xFFFFFFF0] =	vst v0  }
0x3a: {  	[tilespmem:s0+$0xFFFFFFC0] =	vst v0  }
0x3b: {  	[tilespmem:s1+$0xFFFFFFC0] =	vst v0  }
0x3c: {  	[tilespmem:s1+$0x30] =	vst v0  }
0x3d: {  	[tilespmem:s0+$0xFFFFFFE0] =	vst v0  }
0x3e: {  	[tilespmem:s0+$0x10] =	vst v0  }
0x3f: {  	[tilespmem:s0+$0x20] =	vst v0  }
0x40: {  	[tilespmem:s1+$0x20] =	vst v0  }
0x41: {  	[tilespmem:s1+$0x10] =	vst v0  }
.Ltmp2:
0x42: {  	[tilespmem:s1+$0xFFFFFFE0] =	vst v0;
	(pc) =	sbr.rel @p0 .LBB2_2-.Ltmp2, $4  }
0x43: {  	[tilespmem:s0+$0x0] =	vst v0  }
0x44: {  	[tilespmem:s1+$0x0] =	vst v0  }
0x45: {  	[tilespmem:s1+$0xFFFFFFF0] =	vst v0  }
0x46: {  	[tilespmem:s0+$0xFFFFFFD0] =	vst v0  }
0x47: {  	[tilespmem:s1+$0xFFFFFFD0] =	vst v0  }
0x48: {  	s0 =	rddreg [dreg:$0x4]  }
0x49: {  	[tilespmem:s30], [sflag:$0x1] =	stream.linear.gather [hbm4b:s0+s30], $0x1000, $0x38;
	[tilespmem:$0x5080] =	vst v63  }
0x4a: {  	s24 =	simm.s32 $0x1000;
	s19 =	rddreg [dreg:$0x5]  }
0x4b: {  	[tilespmem:s24], [sflag:$0x2] =	stream.linear.gather [hbm4b:s19+s30], $0x1000, $0x38;
	[tilespmem:$0x5080] =	vst v63  }
0x4c: {  	s26 =	simm.s32 $0x2000;
	s25 =	rddreg [dreg:$0x6]  }
0x4d: {  	[tilespmem:s26], [sflag:$0x3] =	stream.linear.gather [hbm4b:s25+s30], $0x1000, $0x38;
	[tilespmem:$0x5080] =	vst v63  }
0x4e: {  	s29 =	simm.s32 $0x3000;
	s31 =	simm.s32 $0x0;
	s28 =	rddreg [dreg:$0x7]  }
0x4f: {  	v23 =	vimm.f32 $0.0e+00;
	[tilespmem:s29], [sflag:$0x4] =	stream.linear.gather [hbm4b:s28+s30], $0x1000, $0x38;
	[tilespmem:$0x5080] =	vst v63  }
.LBB2_4:
0x50: {  	s0 =	simm.s32 $0x1  }
0x51: {  	_ =	swait.ge [sflag:s0], $0x1000  }
0x52: {  	[sflag:s0] =	ssyncset.done $0x0  }
0x53: {  	s2 =	simm.s32 $0x2;
	[sflag:s0] =	ssyncadd.s32 $0xFFFFF000  }
0x54: {  	_ =	swait.ge [sflag:s2], $0x1000  }
0x55: {  	s1 =	sand.u32 $0x60, s30;
	s15 =	sand.u32 $0xC00, s30;
	[sflag:s2] =	ssyncset.done $0x0  }
0x56: {  	s8 =	sor.u32 s1, s15;
	[sflag:s2] =	ssyncadd.s32 $0xFFFFF000  }
0x57: {  	v2 =	vld [tilespmem:s8+$0x0];
	_ =	sdelay $0x4  }
0x58: {  	v2 =	vsub.f32 $0.0e+00, v2;
	_ =	sdelay $0x1  }
0x59: {  	v2 =	vmul.f32 $1.442695020e+00, v2;
	_ =	sdelay $0x1  }
0x5a: {  	(erf) = vpow2.f32 v2;
	_ =	sdelay $0x8  }
0x5b: {  	v3 =	vpop (erf)  }
0x5c: {  	v2 =	vld [tilespmem:s8+$0x10];
	v3 =	vadd.f32 $1.000000000e+00, v3;
	_ =	sdelay $0x1  }
0x5d: {  	(erf) = vrcp.f32 v3;
	_ =	sdelay $0x2  }
0x5e: {  	v2 =	vsub.f32 $0.0e+00, v2;
	_ =	sdelay $0x1  }
0x5f: {  	v2 =	vmul.f32 $1.442695020e+00, v2;
	_ =	sdelay $0x1  }
0x60: {  	(erf) = vpow2.f32 v2  }
0x61: {  	v2 =	vld [tilespmem:s8+$0x1000]  }
0x62: {  	v24 =	vpop (erf)  }
0x63: {  	v3 =	vadd.f32 $1.000000000e+00, v24;
	_ =	sdelay $0x1  }
0x64: {  	v3 =	vmin.f32 v3, $1.999999880e+00  }
0x65: {  	vm0 =	veq.s32 v2, $0x0;
	v4 =	vshra.s32 v3, $0xC  }
0x66: {  	v4 =	vadd.s32 $0xFFFC0800, v4;
	_ =	sdelay $0x1  }
0x67: {  	v2 =	vpop (erf)  }
0x68: {  	v2 =	vadd.f32 $1.000000000e+00, v2;
	_ =	sdelay $0x1  }
0x69: {  	(erf) = vrcp.f32 v2;
	[tilespmem:v4+s20+$0x0] =	vst.idx.add.f32.msk vm0, v1  }
0x6a: {  	[tilespmem:v4+s21+$0x0] =	vst.idx.add.f32.msk vm0, v3  }
0x6b: {  	v2 =	vld [tilespmem:s8+$0x80];
	_ =	sdelay $0x4  }
0x6c: {  	v2 =	vsub.f32 $0.0e+00, v2  }
0x6d: {  	v3 =	vld [tilespmem:s8+$0x1010]  }
0x6e: {  	v19 =	vpop (erf);
	v2 =	vmul.f32 $1.442695020e+00, v2  }
0x6f: {  	v4 =	vadd.f32 $1.000000000e+00, v19  }
0x70: {  	(erf) = vpow2.f32 v2  }
0x71: {  	v4 =	vmin.f32 v4, $1.999999880e+00  }
0x72: {  	s16 =	simm.s32 $0x100;
	s26 =	simm.s32 $0x20;
	vm0 =	veq.s32 v3, $0x0;
	v5 =	vshra.s32 v4, $0xC  }
0x73: {  	s17 =	sand.u32 $0x60, s26;
	s4 =	sand.u32 $0xC00, s16;
	v2 =	vadd.s32 $0xFFFC0800, v5  }
0x74: {  	s17 =	sor.u32 s17, s4  }
0x75: {  	v3 =	vld [tilespmem:s17+$0x0];
	_ =	sdelay $0x2  }
0x76: {  	[tilespmem:v2+s20+$0x0] =	vst.idx.add.f32.msk vm0, v1  }
0x77: {  	[tilespmem:v2+s21+$0x0] =	vst.idx.add.f32.msk vm0, v4;
	v4 =	vpop (erf)  }
0x78: {  	v3 =	vsub.f32 $0.0e+00, v3;
	v2 =	vld [tilespmem:s8+$0x90];
	v4 =	vadd.f32 $1.000000000e+00, v4;
	_ =	sdelay $0x1  }
0x79: {  	v3 =	vmul.f32 $1.442695020e+00, v3;
	(erf) = vrcp.f32 v4;
	_ =	sdelay $0x1  }
0x7a: {  	(erf) = vpow2.f32 v3  }
0x7b: {  	v2 =	vsub.f32 $0.0e+00, v2;
	_ =	sdelay $0x1  }
0x7c: {  	v2 =	vmul.f32 $1.442695020e+00, v2;
	_ =	sdelay $0x1  }
0x7d: {  	(erf) = vpow2.f32 v2  }
0x7e: {  	v3 =	vld [tilespmem:s8+$0x1080]  }
0x7f: {  	v2 =	vld [tilespmem:s17+$0x10];
	v28 =	vpop (erf)  }
0x80: {  	v4 =	vadd.f32 $1.000000000e+00, v28  }
0x81: {  	v5 =	vpop (erf)  }
0x82: {  	v5 =	vadd.f32 $1.000000000e+00, v5;
	v4 =	vmin.f32 v4, $1.999999880e+00  }
0x83: {  	vm0 =	veq.s32 v3, $0x0;
	v3 =	vshra.s32 v4, $0xC  }
0x84: {  	v2 =	vsub.f32 $0.0e+00, v2;
	(erf) = vrcp.f32 v5;
	v3 =	vadd.s32 $0xFFFC0800, v3;
	_ =	sdelay $0x1  }
0x85: {  	v2 =	vmul.f32 $1.442695020e+00, v2;
	v5 =	vpop (erf)  }
0x86: {  	v5 =	vadd.f32 $1.000000000e+00, v5  }
0x87: {  	(erf) = vpow2.f32 v2  }
0x88: {  	(erf) = vrcp.f32 v5;
	[tilespmem:v3+s20+$0x0] =	vst.idx.add.f32.msk vm0, v1  }
0x89: {  	[tilespmem:v3+s21+$0x0] =	vst.idx.add.f32.msk vm0, v4  }
0x8a: {  	v3 =	vld [tilespmem:s8+$0x100]  }
0x8b: {  	v4 =	vld [tilespmem:s17+$0x1000]  }
0x8c: {  	v2 =	vpop (erf)  }
0x8d: {  	v5 =	vadd.f32 $1.000000000e+00, v2;
	_ =	sdelay $0x1  }
0x8e: {  	v5 =	vmin.f32 v5, $1.999999880e+00;
	v3 =	vsub.f32 $0.0e+00, v3  }
0x8f: {  	v6 =	vld [tilespmem:s8+$0x1090];
	v7 =	vpop (erf);
	vm0 =	veq.s32 v4, $0x0;
	v8 =	vshra.s32 v5, $0xC  }
0x90: {  	v25 =	vpop (erf);
	v8 =	vadd.s32 $0xFFFC0800, v8;
	v3 =	vmul.f32 $1.442695020e+00, v3  }
0x91: {  	v4 =	vadd.f32 $1.000000000e+00, v25  }
0x92: {  	(erf) = vpow2.f32 v3  }
0x93: {  	v4 =	vmin.f32 v4, $1.999999880e+00  }
0x94: {  	vm1 =	veq.s32 v6, $0x0;
	v3 =	vshra.s32 v4, $0xC  }
0x95: {  	v3 =	vadd.s32 $0xFFFC0800, v3;
	[tilespmem:v8+s20+$0x0] =	vst.idx.add.f32.msk vm0, v1  }
0x96: {  	[tilespmem:v8+s21+$0x0] =	vst.idx.add.f32.msk vm0, v5  }
0x97: {  	v5 =	vld [tilespmem:s17+$0x80];
	_ =	sdelay $0x1  }
0x98: {  	v6 =	vadd.f32 $1.000000000e+00, v7  }
0x99: {  	[tilespmem:v3+s20+$0x0] =	vst.idx.add.f32.msk vm1, v1  }
0x9a: {  	(erf) = vrcp.f32 v6;
	[tilespmem:v3+s21+$0x0] =	vst.idx.add.f32.msk vm1, v4;
	v4 =	vpop (erf)  }
0x9b: {  	v3 =	vld [tilespmem:s8+$0x110];
	v5 =	vsub.f32 $0.0e+00, v5;
	v4 =	vadd.f32 $1.000000000e+00, v4;
	_ =	sdelay $0x1  }
0x9c: {  	(erf) = vrcp.f32 v4;
	v4 =	vmul.f32 $1.442695020e+00, v5;
	_ =	sdelay $0x1  }
0x9d: {  	(erf) = vpow2.f32 v4  }
0x9e: {  	v3 =	vsub.f32 $0.0e+00, v3;
	_ =	sdelay $0x1  }
0x9f: {  	v3 =	vmul.f32 $1.442695020e+00, v3  }
0xa0: {  	s24 =	simm.s32 $0x200;
	s25 =	simm.s32 $0x40;
	v9 =	vpop (erf);
	v4 =	vld [tilespmem:s17+$0x1010]  }
0xa1: {  	s18 =	sand.u32 $0x60, s25;
	s3 =	sand.u32 $0xC00, s24;
	(erf) = vpow2.f32 v3;
	v3 =	vadd.f32 $1.000000000e+00, v9  }
0xa2: {  	s12 =	sor.u32 s18, s3;
	v6 =	vld [tilespmem:s8+$0x1100]  }
0xa3: {  	v5 =	vld [tilespmem:s12+$0x0];
	v3 =	vmin.f32 v3, $1.999999880e+00  }
0xa4: {  	v7 =	vshra.s32 v3, $0xC;
	v31 =	vpop (erf)  }
0xa5: {  	vm0 =	veq.s32 v4, $0x0;
	v4 =	vadd.s32 $0xFFFC0800, v7;
	v7 =	vadd.f32 $1.000000000e+00, v31;
	v8 =	vpop (erf)  }
0xa6: {  	v8 =	vadd.f32 $1.000000000e+00, v8  }
0xa7: {  	v7 =	vmin.f32 v7, $1.999999880e+00  }
0xa8: {  	vm1 =	veq.s32 v6, $0x0;
	v5 =	vsub.f32 $0.0e+00, v5;
	v6 =	vshra.s32 v7, $0xC  }
0xa9: {  	v6 =	vadd.s32 $0xFFFC0800, v6  }
0xaa: {  	v5 =	vmul.f32 $1.442695020e+00, v5;
	(erf) = vrcp.f32 v8;
	v8 =	vpop (erf)  }
0xab: {  	[tilespmem:v4+s20+$0x0] =	vst.idx.add.f32.msk vm0, v1;
	v8 =	vadd.f32 $1.000000000e+00, v8  }
0xac: {  	(erf) = vpow2.f32 v5;
	[tilespmem:v4+s21+$0x0] =	vst.idx.add.f32.msk vm0, v3  }
0xad: {  	v3 =	vld [tilespmem:s17+$0x90];
	(erf) = vrcp.f32 v8  }
0xae: {  	s0 =	sor.u32 s15, s30;
	[tilespmem:v6+s20+$0x0] =	vst.idx.add.f32.msk vm1, v1  }
0xaf: {  	s0 =	sor.u32 $0x180, s0;
	[tilespmem:v6+s21+$0x0] =	vst.idx.add.f32.msk vm1, v7  }
0xb0: {  	v4 =	vld [tilespmem:s0+$0x0]  }
0xb1: {  	v6 =	vld [tilespmem:s17+$0x1080]  }
0xb2: {  	v3 =	vsub.f32 $0.0e+00, v3  }
0xb3: {  	v5 =	vpop (erf)  }
0xb4: {  	v11 =	vld [tilespmem:s8+$0x1110];
	v3 =	vmul.f32 $1.442695020e+00, v3;
	v8 =	vadd.f32 $1.000000000e+00, v5  }
0xb5: {  	v7 =	vld [tilespmem:s12+$0x10];
	v10 =	vpop (erf);
	v4 =	vsub.f32 $0.0e+00, v4  }
0xb6: {  	vm0 =	veq.s32 v6, $0x0;
	(erf) = vpow2.f32 v3;
	v3 =	vmin.f32 v8, $1.999999880e+00;
	v29 =	vpop (erf)  }
0xb7: {  	v6 =	vshra.s32 v3, $0xC;
	v4 =	vmul.f32 $1.442695020e+00, v4;
	v8 =	vadd.f32 $1.000000000e+00, v29  }
0xb8: {  	v6 =	vadd.s32 $0xFFFC0800, v6  }
0xb9: {  	(erf) = vpow2.f32 v4;
	v8 =	vmin.f32 v8, $1.999999880e+00  }
0xba: {  	vm1 =	veq.s32 v11, $0x0;
	v7 =	vsub.f32 $0.0e+00, v7;
	v11 =	vshra.s32 v8, $0xC  }
0xbb: {  	v10 =	vadd.f32 $1.000000000e+00, v10;
	v4 =	vadd.s32 $0xFFFC0800, v11  }
0xbc: {  	v7 =	vmul.f32 $1.442695020e+00, v7  }
0xbd: {  	(erf) = vrcp.f32 v10;
	[tilespmem:v6+s20+$0x0] =	vst.idx.add.f32.msk vm0, v1  }
0xbe: {  	(erf) = vpow2.f32 v7;
	[tilespmem:v6+s21+$0x0] =	vst.idx.add.f32.msk vm0, v3  }
0xbf: {  	v3 =	vld [tilespmem:s17+$0x100]  }
0xc0: {  	v6 =	vpop (erf);
	[tilespmem:v4+s20+$0x0] =	vst.idx.add.f32.msk vm1, v1  }
0xc1: {  	v6 =	vadd.f32 $1.000000000e+00, v6;
	[tilespmem:v4+s21+$0x0] =	vst.idx.add.f32.msk vm1, v8  }
0xc2: {  	v4 =	vpop (erf);
	v7 =	vld [tilespmem:s8+$0x190]  }
0xc3: {  	(erf) = vrcp.f32 v6;
	v6 =	vadd.f32 $1.000000000e+00, v4  }
0xc4: {  	v3 =	vsub.f32 $0.0e+00, v3  }
0xc5: {  	(erf) = vrcp.f32 v6  }
0xc6: {  	v4 =	vpop (erf);
	v3 =	vmul.f32 $1.442695020e+00, v3  }
0xc7: {  	v6 =	vpop (erf);
	v7 =	vsub.f32 $0.0e+00, v7  }
0xc8: {  	v10 =	vld [tilespmem:s12+$0x1000];
	(erf) = vpow2.f32 v3;
	v3 =	vadd.f32 $1.000000000e+00, v6  }
0xc9: {  	v6 =	vmul.f32 $1.442695020e+00, v7  }
0xca: {  	v7 =	vadd.f32 $1.000000000e+00, v4;
	(erf) = vrcp.f32 v3;
	v3 =	vld [tilespmem:s17+$0x1090]  }
0xcb: {  	(erf) = vpow2.f32 v6  }
0xcc: {  	v8 =	vpop (erf);
	v6 =	vmin.f32 v7, $1.999999880e+00  }
0xcd: {  	vm0 =	veq.s32 v10, $0x0;
	v10 =	vadd.f32 $1.000000000e+00, v8;
	v7 =	vshra.s32 v6, $0xC  }
0xce: {  	v7 =	vadd.s32 $0xFFFC0800, v7;
	v35 =	vpop (erf)  }
0xcf: {  	v11 =	vld [tilespmem:s0+$0x1000];
	v10 =	vmin.f32 v10, $1.999999880e+00;
	vm1 =	veq.s32 v3, $0x0;
	v3 =	vadd.f32 $1.000000000e+00, v35  }
0xd0: {  	v12 =	vshra.s32 v10, $0xC  }
0xd1: {  	v12 =	vadd.s32 $0xFFFC0800, v12;
	v13 =	vpop (erf)  }
0xd2: {  	v14 =	vld [tilespmem:s12+$0x1010];
	v13 =	vadd.f32 $1.000000000e+00, v13  }
0xd3: {  	v15 =	vmin.f32 v3, $1.999999880e+00;
	[tilespmem:v7+s20+$0x0] =	vst.idx.add.f32.msk vm0, v1;
	v3 =	vpop (erf)  }
0xd4: {  	vm2 =	veq.s32 v11, $0x0;
	v16 =	vshra.s32 v15, $0xC;
	(erf) = vrcp.f32 v13;
	[tilespmem:v7+s21+$0x0] =	vst.idx.add.f32.msk vm0, v6;
	v6 =	vpop (erf)  }
0xd5: {  	v7 =	vadd.s32 $0xFFFC0800, v16;
	v11 =	vld [tilespmem:s12+$0x80];
	v6 =	vadd.f32 $1.000000000e+00, v6  }
0xd6: {  	[tilespmem:v12+s20+$0x0] =	vst.idx.add.f32.msk vm1, v1  }
0xd7: {  	[tilespmem:v12+s21+$0x0] =	vst.idx.add.f32.msk vm1, v10;
	(erf) = vrcp.f32 v6  }
0xd8: {  	v10 =	vld [tilespmem:s17+$0x110]  }
0xd9: {  	v6 =	vld [tilespmem:s17+$0x1100]  }
0xda: {  	v12 =	vadd.f32 $1.000000000e+00, v3;
	[tilespmem:v7+s20+$0x0] =	vst.idx.add.f32.msk vm2, v1;
	v11 =	vsub.f32 $0.0e+00, v11  }
0xdb: {  	[tilespmem:v7+s21+$0x0] =	vst.idx.add.f32.msk vm2, v15  }
0xdc: {  	v7 =	vmin.f32 v12, $1.999999880e+00;
	v12 =	vld [tilespmem:s8+$0x200];
	v11 =	vmul.f32 $1.442695020e+00, v11  }
0xdd: {  	vm0 =	veq.s32 v14, $0x0;
	v15 =	vshra.s32 v7, $0xC;
	v13 =	vpop (erf)  }
0xde: {  	v10 =	vsub.f32 $0.0e+00, v10;
	v14 =	vadd.f32 $1.000000000e+00, v13;
	(erf) = vpow2.f32 v11  }
0xdf: {  	v11 =	vadd.s32 $0xFFFC0800, v15;
	v15 =	vld [tilespmem:s8+$0x1190]  }
0xe0: {  	s2 =	simm.s32 $0x60;
	s0 =	simm.s32 $0x300;
	vm1 =	veq.s32 v6, $0x0;
	v10 =	vmul.f32 $1.442695020e+00, v10;
	v6 =	vmin.f32 v14, $1.999999880e+00;
	v36 =	vpop (erf)  }
0xe1: {  	s5 =	sand.u32 $0x60, s2;
	s19 =	sand.u32 $0xC00, s0;
	v14 =	vshra.s32 v6, $0xC;
	v12 =	vsub.f32 $0.0e+00, v12;
	v16 =	vadd.f32 $1.000000000e+00, v36  }
0xe2: {  	s7 =	sor.u32 s5, s19;
	v14 =	vadd.s32 $0xFFFC0800, v14  }
0xe3: {  	(erf) = vpow2.f32 v10;
	v10 =	vld [tilespmem:s7+$0x0];
	v12 =	vmul.f32 $1.442695020e+00, v12;
	v16 =	vmin.f32 v16, $1.999999880e+00  }
0xe4: {  	[tilespmem:v11+s20+$0x0] =	vst.idx.add.f32.msk vm0, v1;
	vm2 =	veq.s32 v15, $0x0;
	v15 =	vshra.s32 v16, $0xC  }
0xe5: {  	[tilespmem:v11+s21+$0x0] =	vst.idx.add.f32.msk vm0, v7;
	v7 =	vadd.s32 $0xFFFC0800, v15  }
0xe6: {  	(erf) = vpow2.f32 v12;
	v11 =	vld [tilespmem:s12+$0x90]  }
0xe7: {  	s4 =	sor.u32 s4, s26;
	[tilespmem:v14+s20+$0x0] =	vst.idx.add.f32.msk vm1, v1;
	v12 =	vpop (erf)  }
0xe8: {  	s4 =	sor.u32 $0x180, s4;
	[tilespmem:v14+s21+$0x0] =	vst.idx.add.f32.msk vm1, v6;
	v6 =	vsub.f32 $0.0e+00, v10;
	v10 =	vadd.f32 $1.000000000e+00, v12  }
0xe9: {  	v12 =	vld [tilespmem:s4+$0x0]  }
0xea: {  	[tilespmem:v7+s20+$0x0] =	vst.idx.add.f32.msk vm2, v1  }
0xeb: {  	[tilespmem:v7+s21+$0x0] =	vst.idx.add.f32.msk vm2, v16;
	v7 =	vsub.f32 $0.0e+00, v11  }
0xec: {  	v6 =	vmul.f32 $1.442695020e+00, v6;
	(erf) = vrcp.f32 v10;
	v10 =	vpop (erf);
	v11 =	vld [tilespmem:s8+$0x210]  }
0xed: {  	v10 =	vadd.f32 $1.000000000e+00, v10  }
0xee: {  	(erf) = vpow2.f32 v6  }
0xef: {  	v6 =	vmul.f32 $1.442695020e+00, v7;
	(erf) = vrcp.f32 v10;
	v7 =	vpop (erf)  }
0xf0: {  	v7 =	vadd.f32 $1.000000000e+00, v7  }
0xf1: {  	v10 =	vsub.f32 $0.0e+00, v12;
	(erf) = vpow2.f32 v6;
	v6 =	vsub.f32 $0.0e+00, v11  }
0xf2: {  	(erf) = vrcp.f32 v7  }
0xf3: {  	v12 =	vld [tilespmem:s12+$0x1080];
	v10 =	vmul.f32 $1.442695020e+00, v10;
	v6 =	vmul.f32 $1.442695020e+00, v6;
	_ =	sdelay $0x1  }
0xf4: {  	v7 =	vld [tilespmem:s7+$0x10];
	v11 =	vpop (erf);
	(erf) = vpow2.f32 v10  }
0xf5: {  	v14 =	vld [tilespmem:s17+$0x1110];
	v10 =	vadd.f32 $1.000000000e+00, v11;
	(erf) = vpow2.f32 v6  }
0xf6: {  	v6 =	vpop (erf)  }
0xf7: {  	vm0 =	veq.s32 v12, $0x0;
	v10 =	vmin.f32 v10, $1.999999880e+00;
	v15 =	vpop (erf)  }
0xf8: {  	v12 =	vshra.s32 v10, $0xC;
	v6 =	vadd.f32 $1.000000000e+00, v6;
	v16 =	vadd.f32 $1.000000000e+00, v15  }
0xf9: {  	v18 =	vld [tilespmem:s8+$0x1200];
	v7 =	vsub.f32 $0.0e+00, v7;
	v12 =	vadd.s32 $0xFFFC0800, v12;
	v17 =	vpop (erf)  }
0xfa: {  	vm1 =	veq.s32 v14, $0x0;
	(erf) = vrcp.f32 v6;
	v37 =	vpop (erf);
	v6 =	vmin.f32 v16, $1.999999880e+00  }
0xfb: {  	v7 =	vmul.f32 $1.442695020e+00, v7;
	v14 =	vadd.f32 $1.000000000e+00, v37;
	v16 =	vshra.s32 v6, $0xC  }
0xfc: {  	v16 =	vadd.s32 $0xFFFC0800, v16  }
0xfd: {  	v20 =	vld [tilespmem:s7+$0x1000];
	(erf) = vpow2.f32 v7;
	v7 =	vadd.f32 $1.000000000e+00, v17;
	v17 =	vpop (erf);
	v14 =	vmin.f32 v14, $1.999999880e+00  }
0xfe: {  	vm2 =	veq.s32 v18, $0x0;
	[tilespmem:v12+s20+$0x0] =	vst.idx.add.f32.msk vm0, v1;
	v17 =	vadd.f32 $1.000000000e+00, v17;
	v18 =	vpop (erf);
	v21 =	vshra.s32 v14, $0xC  }
0xff: {  	[tilespmem:v12+s21+$0x0] =	vst.idx.add.f32.msk vm0, v10;
	(erf) = vrcp.f32 v7;
	v10 =	vadd.f32 $1.000000000e+00, v18;
	v7 =	vadd.s32 $0xFFFC0800, v21  }
0x100: {  	v12 =	vld [tilespmem:s12+$0x100];
	(erf) = vrcp.f32 v17  }
0x101: {  	(erf) = vrcp.f32 v10;
	[tilespmem:v16+s20+$0x0] =	vst.idx.add.f32.msk vm1, v1  }
0x102: {  	[tilespmem:v16+s21+$0x0] =	vst.idx.add.f32.msk vm1, v6  }
0x103: {  	v6 =	vpop (erf);
	v16 =	vld [tilespmem:s17+$0x190]  }
0x104: {  	v10 =	vadd.f32 $1.000000000e+00, v6;
	[tilespmem:v7+s20+$0x0] =	vst.idx.add.f32.msk vm2, v1  }
0x105: {  	v12 =	vsub.f32 $0.0e+00, v12;
	[tilespmem:v7+s21+$0x0] =	vst.idx.add.f32.msk vm2, v14  }
0x106: {  	v7 =	vld [tilespmem:s8+$0x280]  }
0x107: {  	v17 =	vpop (erf);
	v12 =	vmul.f32 $1.442695020e+00, v12;
	v14 =	vmin.f32 v10, $1.999999880e+00  }
0x108: {  	vm0 =	veq.s32 v20, $0x0;
	v21 =	vshra.s32 v14, $0xC;
	v10 =	vpop (erf);
	v16 =	vsub.f32 $0.0e+00, v16  }
0x109: {  	(erf) = vpow2.f32 v12;
	v12 =	vadd.f32 $1.000000000e+00, v17;
	v17 =	vld [tilespmem:s8+$0x1210];
	v20 =	vadd.s32 $0xFFFC0800, v21;
	v18 =	vpop (erf)  }
0x10a: {  	v39 =	vpop (erf);
	v16 =	vmul.f32 $1.442695020e+00, v16  }
0x10b: {  	(erf) = vrcp.f32 v12;
	v12 =	vadd.f32 $1.000000000e+00, v39;
	v7 =	vsub.f32 $0.0e+00, v7  }
0x10c: {  	v21 =	vld [tilespmem:s12+$0x1090];
	(erf) = vpow2.f32 v16  }
0x10d: {  	v22 =	vld [tilespmem:s4+$0x1000];
	v12 =	vmin.f32 v12, $1.999999880e+00;
	v16 =	vadd.f32 $1.000000000e+00, v10;
	v7 =	vmul.f32 $1.442695020e+00, v7  }
0x10e: {  	vm1 =	veq.s32 v17, $0x0;
	[tilespmem:v20+s20+$0x0] =	vst.idx.add.f32.msk vm0, v1;
	v26 =	vshra.s32 v12, $0xC  }
0x10f: {  	[tilespmem:v20+s21+$0x0] =	vst.idx.add.f32.msk vm0, v14;
	v17 =	vadd.s32 $0xFFFC0800, v26;
	v16 =	vmin.f32 v16, $1.999999880e+00;
	(erf) = vpow2.f32 v7  }
0x110: {  	v14 =	vld [tilespmem:s7+$0x80];
	v7 =	vshra.s32 v16, $0xC  }
0x111: {  	vm0 =	veq.s32 v21, $0x0  }
0x112: {  	v20 =	vadd.f32 $1.000000000e+00, v18;
	v21 =	vadd.s32 $0xFFFC0800, v7  }
0x113: {  	v26 =	vld [tilespmem:s7+$0x1010];
	v7 =	vpop (erf)  }
0x114: {  	v20 =	vmin.f32 v20, $1.999999880e+00;
	v27 =	vadd.f32 $1.000000000e+00, v7;
	v7 =	vpop (erf);
	[tilespmem:v17+s20+$0x0] =	vst.idx.add.f32.msk vm1, v1  }
0x115: {  	vm2 =	veq.s32 v22, $0x0;
	v30 =	vshra.s32 v20, $0xC;
	v14 =	vsub.f32 $0.0e+00, v14;
	[tilespmem:v17+s21+$0x0] =	vst.idx.add.f32.msk vm1, v12;
	v22 =	vpop (erf)  }
0x116: {  	v12 =	vadd.s32 $0xFFFC0800, v30;
	(erf) = vrcp.f32 v27;
	v17 =	vadd.f32 $1.000000000e+00, v22;
	v22 =	vld [tilespmem:s8+$0x290]  }
0x117: {  	[tilespmem:v21+s20+$0x0] =	vst.idx.add.f32.msk vm0, v1  }
0x118: {  	v14 =	vmul.f32 $1.442695020e+00, v14;
	[tilespmem:v21+s21+$0x0] =	vst.idx.add.f32.msk vm0, v16;
	v16 =	vpop (erf)  }
0x119: {  	v21 =	vld [tilespmem:s12+$0x1100];
	(erf) = vrcp.f32 v17;
	v16 =	vadd.f32 $1.000000000e+00, v16  }
0x11a: {  	v27 =	vld [tilespmem:s12+$0x110];
	(erf) = vpow2.f32 v14  }
0x11b: {  	v17 =	vadd.f32 $1.000000000e+00, v7;
	[tilespmem:v12+s20+$0x0] =	vst.idx.add.f32.msk vm2, v1;
	v14 =	vsub.f32 $0.0e+00, v22;
	(erf) = vrcp.f32 v16  }
0x11c: {  	s15 =	simm.s32 $0x400;
	s5 =	simm.s32 $0x80;
	[tilespmem:v12+s21+$0x0] =	vst.idx.add.f32.msk vm2, v20  }
0x11d: {  	s13 =	sand.u32 $0xC00, s15;
	s9 =	sand.u32 $0x60, s5;
	v16 =	vmin.f32 v17, $1.999999880e+00;
	v20 =	vld [tilespmem:s17+$0x200];
	v14 =	vmul.f32 $1.442695020e+00, v14  }
0x11e: {  	s6 =	sor.u32 s9, s13;
	vm1 =	veq.s32 v26, $0x0;
	v12 =	vshra.s32 v16, $0xC  }
0x11f: {  	v22 =	vld [tilespmem:s6+$0x0];
	v27 =	vsub.f32 $0.0e+00, v27;
	v12 =	vadd.s32 $0xFFFC0800, v12;
	v17 =	vpop (erf);
	(erf) = vpow2.f32 v14  }
0x120: {  	v26 =	vadd.f32 $1.000000000e+00, v17;
	v14 =	vld [tilespmem:s17+$0x1190]  }
0x121: {  	v27 =	vmul.f32 $1.442695020e+00, v27  }
0x122: {  	vm0 =	veq.s32 v21, $0x0;
	v20 =	vsub.f32 $0.0e+00, v20;
	v26 =	vmin.f32 v26, $1.999999880e+00;
	v21 =	vpop (erf)  }
0x123: {  	(erf) = vpow2.f32 v27;
	v27 =	vld [tilespmem:s8+$0x1280];
	v30 =	vshra.s32 v26, $0xC;
	v32 =	vadd.f32 $1.000000000e+00, v21;
	v33 =	vpop (erf)  }
0x124: {  	v22 =	vsub.f32 $0.0e+00, v22;
	[tilespmem:v12+s20+$0x0] =	vst.idx.add.f32.msk vm1, v1;
	v20 =	vmul.f32 $1.442695020e+00, v20;
	v30 =	vadd.s32 $0xFFFC0800, v30;
	v38 =	vpop (erf)  }
0x125: {  	[tilespmem:v12+s21+$0x0] =	vst.idx.add.f32.msk vm1, v16;
	v32 =	vmin.f32 v32, $1.999999880e+00;
	vm1 =	veq.s32 v14, $0x0;
	v14 =	vadd.f32 $1.000000000e+00, v38  }
0x126: {  	v33 =	vadd.f32 $1.000000000e+00, v33;
	(erf) = vpow2.f32 v20;
	v12 =	vshra.s32 v32, $0xC  }
0x127: {  	v34 =	vld [tilespmem:s7+$0x1080];
	v20 =	vmul.f32 $1.442695020e+00, v22;
	v12 =	vadd.s32 $0xFFFC0800, v12;
	v14 =	vmin.f32 v14, $1.999999880e+00  }
0x128: {  	v16 =	vld [tilespmem:s7+$0x90];
	(erf) = vrcp.f32 v33;
	vm2 =	veq.s32 v27, $0x0;
	v22 =	vshra.s32 v14, $0xC;
	v27 =	vpop (erf)  }
0x129: {  	s3 =	sor.u32 s3, s25;
	(erf) = vpow2.f32 v20;
	[tilespmem:v30+s20+$0x0] =	vst.idx.add.f32.msk vm0, v1;
	v20 =	vadd.s32 $0xFFFC0800, v22;
	v22 =	vadd.f32 $1.000000000e+00, v27  }
0x12a: {  	s9 =	sor.u32 $0x180, s3;
	[tilespmem:v30+s21+$0x0] =	vst.idx.add.f32.msk vm0, v26  }
0x12b: {  	v26 =	vld [tilespmem:s9+$0x0]  }
0x12c: {  	[tilespmem:v12+s20+$0x0] =	vst.idx.add.f32.msk vm1, v1  }
0x12d: {  	(erf) = vrcp.f32 v22;
	[tilespmem:v12+s21+$0x0] =	vst.idx.add.f32.msk vm1, v32;
	v22 =	vpop (erf)  }
0x12e: {  	s10 =	sand.u32 $0x3, s30;
	v12 =	vsub.f32 $0.0e+00, v16;
	v16 =	vadd.f32 $1.000000000e+00, v22;
	v22 =	vld [tilespmem:s17+$0x210]  }
0x12f: {  	s3 =	sshll.u32 s10, $0x5;
	[tilespmem:v20+s20+$0x0] =	vst.idx.add.f32.msk vm2, v1  }
0x130: {  	s3 =	sadd.s32 $0x0, s3;
	v27 =	vpop (erf);
	[tilespmem:v20+s21+$0x0] =	vst.idx.add.f32.msk vm2, v14  }
0x131: {  	s11 =	sor.u32 $0x300, s3;
	v20 =	vadd.f32 $1.000000000e+00, v27;
	v27 =	vld [tilespmem:s6+$0x10]  }
0x132: {  	v12 =	vmul.f32 $1.442695020e+00, v12;
	v14 =	vsub.f32 $0.0e+00, v26;
	(erf) = vrcp.f32 v16;
	v26 =	vld [tilespmem:s11+$0x0];
	_ =	sdelay $0x1  }
0x133: {  	(erf) = vpow2.f32 v12;
	v14 =	vmul.f32 $1.442695020e+00, v14;
	v16 =	vpop (erf);
	v22 =	vsub.f32 $0.0e+00, v22  }
0x134: {  	vm0 =	veq.s32 v34, $0x0;
	(erf) = vrcp.f32 v20;
	v12 =	vadd.f32 $1.000000000e+00, v16;
	v20 =	vpop (erf)  }
0x135: {  	v30 =	vld [tilespmem:s8+$0x1290];
	(erf) = vpow2.f32 v14;
	v20 =	vadd.f32 $1.000000000e+00, v20;
	v14 =	vmul.f32 $1.442695020e+00, v22  }
0x136: {  	v40 =	vpop (erf);
	v27 =	vsub.f32 $0.0e+00, v27;
	v12 =	vmin.f32 v12, $1.999999880e+00;
	v26 =	vsub.f32 $0.0e+00, v26  }
0x137: {  	v51 =	vadd.f32 $1.000000000e+00, v40;
	v22 =	vshra.s32 v12, $0xC;
	(erf) = vpow2.f32 v14  }
0x138: {  	v52 =	vadd.s32 $0xFFFC0800, v22;
	(erf) = vrcp.f32 v20;
	v20 =	vmul.f32 $1.442695020e+00, v26  }
0x139: {  	v14 =	vld [tilespmem:s12+$0x1110];
	v26 =	vmin.f32 v51, $1.999999880e+00  }
0x13a: {  	vm1 =	veq.s32 v30, $0x0;
	v27 =	vmul.f32 $1.442695020e+00, v27;
	v22 =	vpop (erf);
	v32 =	vshra.s32 v26, $0xC  }
0x13b: {  	v53 =	vld [tilespmem:s6+$0x1000];
	v41 =	vadd.f32 $1.000000000e+00, v22;
	v32 =	vadd.s32 $0xFFFC0800, v32;
	(erf) = vpow2.f32 v20  }
0x13c: {  	v42 =	vld [tilespmem:s17+$0x1200];
	v20 =	vpop (erf)  }
0x13d: {  	(erf) = vpow2.f32 v27;
	[tilespmem:v52+s20+$0x0] =	vst.idx.add.f32.msk vm0, v1;
	v27 =	vmin.f32 v41, $1.999999880e+00;
	v20 =	vadd.f32 $1.000000000e+00, v20;
	v30 =	vpop (erf)  }
0x13e: {  	vm2 =	veq.s32 v14, $0x0;
	[tilespmem:v52+s21+$0x0] =	vst.idx.add.f32.msk vm0, v12;
	v12 =	vshra.s32 v27, $0xC;
	v14 =	vadd.f32 $1.000000000e+00, v30;
	v54 =	vpop (erf)  }
0x13f: {  	v55 =	vld [tilespmem:s7+$0x100];
	(erf) = vrcp.f32 v20;
	v20 =	vadd.s32 $0xFFFC0800, v12;
	v12 =	vadd.f32 $1.000000000e+00, v54  }
0x140: {  	s3 =	sadd.s32 $0x10, s3;
	[tilespmem:v32+s20+$0x0] =	vst.idx.add.f32.msk vm1, v1  }
0x141: {  	s10 =	sor.u32 $0x300, s3;
	vm0 =	veq.s32 v42, $0x0;
	v14 =	vmin.f32 v14, $1.999999880e+00;
	v57 =	vpop (erf);
	[tilespmem:v32+s21+$0x0] =	vst.idx.add.f32.msk vm1, v26  }
0x142: {  	v56 =	vshra.s32 v14, $0xC;
	(erf) = vrcp.f32 v12;
	v58 =	vadd.f32 $1.000000000e+00, v57;
	v59 =	vld [tilespmem:s10+$0x0]  }
0x143: {  	v43 =	vld [tilespmem:s7+$0x1090];
	v26 =	vadd.s32 $0xFFFC0800, v56;
	v12 =	vpop (erf)  }
0x144: {  	(erf) = vrcp.f32 v58;
	v41 =	vsub.f32 $0.0e+00, v55;
	[tilespmem:v20+s20+$0x0] =	vst.idx.add.f32.msk vm2, v1;
	v61 =	vpop (erf)  }
0x145: {  	v60 =	vadd.f32 $1.000000000e+00, v12;
	[tilespmem:v20+s21+$0x0] =	vst.idx.add.f32.msk vm2, v27;
	v20 =	vadd.f32 $1.000000000e+00, v61  }
0x146: {  	v41 =	vmul.f32 $1.442695020e+00, v41;
	v62 =	vld [tilespmem:s12+$0x190]  }
0x147: {  	v42 =	vmin.f32 v60, $1.999999880e+00;
	v33 =	vsub.f32 $0.0e+00, v59;
	(erf) = vrcp.f32 v20  }
0x148: {  	v44 =	vpop (erf);
	v27 =	vshra.s32 v42, $0xC;
	[tilespmem:v26+s20+$0x0] =	vst.idx.add.f32.msk vm0, v1  }
0x149: {  	vm1 =	veq.s32 v53, $0x0;
	[tilespmem:v26+s21+$0x0] =	vst.idx.add.f32.msk vm0, v14;
	(erf) = vpow2.f32 v41;
	v33 =	vmul.f32 $1.442695020e+00, v33;
	v20 =	vpop (erf)  }
0x14a: {  	v63 =	vadd.s32 $0xFFFC0800, v27;
	v26 =	vld [tilespmem:s17+$0x280];
	v14 =	vadd.f32 $1.000000000e+00, v20  }
0x14b: {  	v45 =	vld [tilespmem:s17+$0x1210];
	vm2 =	veq.s32 v43, $0x0;
	v27 =	vpop (erf);
	v32 =	vsub.f32 $0.0e+00, v62  }
0x14c: {  	(erf) = vpow2.f32 v33;
	v54 =	vadd.f32 $1.000000000e+00, v27;
	v14 =	vmin.f32 v14, $1.999999880e+00  }
0x14d: {  	v51 =	vadd.f32 $1.000000000e+00, v44;
	v33 =	vpop (erf);
	v53 =	vshra.s32 v14, $0xC;
	v32 =	vmul.f32 $1.442695020e+00, v32  }
0x14e: {  	v56 =	vld [tilespmem:s11+$0x1000];
	v43 =	vmin.f32 v54, $1.999999880e+00;
	v55 =	vadd.f32 $1.000000000e+00, v33;
	v47 =	vadd.s32 $0xFFFC0800, v53  }
0x14f: {  	(erf) = vrcp.f32 v51;
	[tilespmem:v63+s20+$0x0] =	vst.idx.add.f32.msk vm1, v1;
	v26 =	vsub.f32 $0.0e+00, v26;
	v48 =	vshra.s32 v43, $0xC  }
0x150: {  	[tilespmem:v63+s21+$0x0] =	vst.idx.add.f32.msk vm1, v42;
	vm1 =	veq.s32 v45, $0x0;
	(erf) = vpow2.f32 v32;
	v57 =	vmin.f32 v55, $1.999999880e+00;
	v41 =	vpop (erf)  }
0x151: {  	v52 =	vld [tilespmem:s9+$0x1000];
	v26 =	vmul.f32 $1.442695020e+00, v26;
	v59 =	vshra.s32 v57, $0xC;
	v60 =	vadd.f32 $1.000000000e+00, v41  }
0x152: {  	v46 =	vld [tilespmem:s6+$0x1010];
	v34 =	vadd.s32 $0xFFFC0800, v48;
	v49 =	vpop (erf);
	v48 =	vadd.s32 $0xFFFC0800, v59  }
0x153: {  	(erf) = vpow2.f32 v26;
	v26 =	vadd.f32 $1.000000000e+00, v49;
	[tilespmem:v47+s20+$0x0] =	vst.idx.add.f32.msk vm2, v1;
	v45 =	vmin.f32 v60, $1.999999880e+00  }
0x154: {  	[tilespmem:v47+s21+$0x0] =	vst.idx.add.f32.msk vm2, v14;
	v14 =	vshra.s32 v45, $0xC;
	vm2 =	veq.s32 v56, $0x0  }
0x155: {  	v61 =	vld [tilespmem:s7+$0x1100];
	v62 =	vpop (erf);
	(erf) = vrcp.f32 v26;
	v26 =	vadd.s32 $0xFFFC0800, v14  }
0x156: {  	vm0 =	veq.s32 v52, $0x0;
	v58 =	vld [tilespmem:s6+$0x80];
	v32 =	vadd.f32 $1.000000000e+00, v62  }
0x157: {  	[tilespmem:v48+s20+$0x0] =	vst.idx.add.f32.msk vm1, v1  }
0x158: {  	v14 =	vpop (erf);
	(erf) = vrcp.f32 v32;
	[tilespmem:v48+s21+$0x0] =	vst.idx.add.f32.msk vm1, v57  }
0x159: {  	v54 =	vld [tilespmem:s17+$0x290];
	v55 =	vadd.f32 $1.000000000e+00, v14  }
0x15a: {  	v52 =	vpop (erf);
	[tilespmem:v26+s20+$0x0] =	vst.idx.add.f32.msk vm2, v1  }
0x15b: {  	v53 =	vsub.f32 $0.0e+00, v58;
	v32 =	vadd.f32 $1.000000000e+00, v52;
	[tilespmem:v26+s21+$0x0] =	vst.idx.add.f32.msk vm2, v45;
	v45 =	vmin.f32 v55, $1.999999880e+00  }
0x15c: {  	s14 =	sor.u32 s30, s30;
	[tilespmem:v34+s20+$0x0] =	vst.idx.add.f32.msk vm0, v1;
	v26 =	vshra.s32 v45, $0xC  }
0x15d: {  	s9 =	sor.u32 $0x380, s14;
	v63 =	vld [tilespmem:s7+$0x110];
	v42 =	vmul.f32 $1.442695020e+00, v53;
	(erf) = vrcp.f32 v32;
	v56 =	vpop (erf)  }
0x15e: {  	vm1 =	veq.s32 v46, $0x0;
	v32 =	vadd.f32 $1.000000000e+00, v56;
	v57 =	vld [tilespmem:s9+$0x0]  }
0x15f: {  	s8 =	simm.s32 $0x500;
	s11 =	simm.s32 $0xA0;
	[tilespmem:v34+s21+$0x0] =	vst.idx.add.f32.msk vm0, v43;
	(erf) = vpow2.f32 v42;
	v34 =	vadd.s32 $0xFFFC0800, v26;
	v26 =	vpop (erf)  }
0x160: {  	s14 =	sand.u32 $0xC00, s8;
	s18 =	sand.u32 $0x60, s11;
	v60 =	vld [tilespmem:s10+$0x1000];
	v58 =	vsub.f32 $0.0e+00, v54;
	(erf) = vrcp.f32 v32;
	v59 =	vadd.f32 $1.000000000e+00, v26  }
0x161: {  	s28 =	sor.u32 s18, s14;
	vm0 =	veq.s32 v61, $0x0;
	v43 =	vld [tilespmem:s12+$0x200];
	v42 =	vpop (erf)  }
0x162: {  	v50 =	vld [tilespmem:s28+$0x0];
	v62 =	vmul.f32 $1.442695020e+00, v58;
	v56 =	vadd.f32 $1.000000000e+00, v42;
	v51 =	vmin.f32 v59, $1.999999880e+00  }
0x163: {  	v53 =	vld [tilespmem:s12+$0x1190];
	v61 =	vsub.f32 $0.0e+00, v63;
	v63 =	vsub.f32 $0.0e+00, v57;
	v52 =	vshra.s32 v51, $0xC  }
0x164: {  	(erf) = vpow2.f32 v62;
	[tilespmem:v34+s20+$0x0] =	vst.idx.add.f32.msk vm1, v1;
	v48 =	vmin.f32 v56, $1.999999880e+00;
	v49 =	vadd.s32 $0xFFFC0800, v52  }
0x165: {  	v57 =	vmul.f32 $1.442695020e+00, v63;
	[tilespmem:v34+s21+$0x0] =	vst.idx.add.f32.msk vm1, v45;
	vm1 =	veq.s32 v60, $0x0;
	v59 =	vshra.s32 v48, $0xC  }
0x166: {  	v47 =	vmul.f32 $1.442695020e+00, v61;
	v58 =	vsub.f32 $0.0e+00, v43;
	v32 =	vpop (erf);
	v43 =	vadd.s32 $0xFFFC0800, v59  }
0x167: {  	v54 =	vld [tilespmem:s17+$0x1280];
	v60 =	vadd.f32 $1.000000000e+00, v32;
	(erf) = vpow2.f32 v57  }
0x168: {  	v62 =	vmul.f32 $1.442695020e+00, v58;
	v55 =	vld [tilespmem:s6+$0x90];
	v61 =	vpop (erf);
	(erf) = vpow2.f32 v47  }
0x169: {  	v50 =	vsub.f32 $0.0e+00, v50;
	vm2 =	veq.s32 v53, $0x0;
	v45 =	vmin.f32 v60, $1.999999880e+00;
	v34 =	vpop (erf);
	[tilespmem:v49+s20+$0x0] =	vst.idx.add.f32.msk vm0, v1  }
0x16a: {  	(erf) = vpow2.f32 v62;
	v63 =	vshra.s32 v45, $0xC;
	v56 =	vadd.f32 $1.000000000e+00, v34;
	[tilespmem:v49+s21+$0x0] =	vst.idx.add.f32.msk vm0, v51  }
0x16b: {  	v52 =	vadd.f32 $1.000000000e+00, v61;
	v57 =	vadd.s32 $0xFFFC0800, v63;
	[tilespmem:v43+s20+$0x0] =	vst.idx.add.f32.msk vm1, v1  }
0x16c: {  	v23 =	vadd.f32 v24, v23;
	s4 =	sor.u32 $0x380, s3;
	v50 =	vmul.f32 $1.442695020e+00, v50;
	v47 =	vmin.f32 v56, $1.999999880e+00;
	[tilespmem:v43+s21+$0x0] =	vst.idx.add.f32.msk vm1, v48  }
0x16d: {  	s1 =	sor.u32 s19, s2;
	(erf) = vrcp.f32 v52;
	vm0 =	veq.s32 v54, $0x0;
	v58 =	vshra.s32 v47, $0xC;
	v61 =	vld [tilespmem:s4+$0x0]  }
0x16e: {  	v44 =	vld [tilespmem:s6+$0x1080];
	s10 =	sor.u32 $0x180, s1;
	v59 =	vpop (erf);
	v43 =	vadd.s32 $0xFFFC0800, v58  }
0x16f: {  	v23 =	vadd.f32 v28, v23;
	(erf) = vpow2.f32 v50;
	v60 =	vadd.f32 $1.000000000e+00, v59;
	v62 =	vld [tilespmem:s10+$0x0]  }
0x170: {  	s29 =	simm.s32 $0x1;
	v24 =	vsub.f32 $0.0e+00, v55;
	[tilespmem:v57+s20+$0x0] =	vst.idx.add.f32.msk vm2, v1;
	v63 =	vpop (erf)  }
0x171: {  	v23 =	vadd.f32 v31, v23;
	s19 =	sand.u32 $0x3, s29;
	(erf) = vrcp.f32 v60;
	v56 =	vpop (erf);
	[tilespmem:v57+s21+$0x0] =	vst.idx.add.f32.msk vm2, v45;
	v28 =	vadd.f32 $1.000000000e+00, v63  }
0x172: {  	s1 =	sshll.u32 s19, $0x5;
	v58 =	vmul.f32 $1.442695020e+00, v24;
	v24 =	vadd.f32 $1.000000000e+00, v56;
	v59 =	vld [tilespmem:s12+$0x210];
	v31 =	vsub.f32 $0.0e+00, v61  }
0x173: {  	v23 =	vadd.f32 v35, v23;
	s1 =	sadd.s32 $0x100, s1;
	v60 =	vpop (erf);
	[tilespmem:v43+s20+$0x0] =	vst.idx.add.f32.msk vm0, v1;
	(erf) = vrcp.f32 v28  }
0x174: {  	s18 =	sor.u32 $0x300, s1;
	v49 =	vadd.f32 $1.000000000e+00, v60;
	(erf) = vrcp.f32 v24;
	[tilespmem:v43+s21+$0x0] =	vst.idx.add.f32.msk vm0, v47;
	v31 =	vmul.f32 $1.442695020e+00, v31  }
0x175: {  	v23 =	vadd.f32 v37, v23;
	v28 =	vsub.f32 $0.0e+00, v62;
	(erf) = vpow2.f32 v58;
	v43 =	vld [tilespmem:s18+$0x0]  }
0x176: {  	v46 =	vld [tilespmem:s28+$0x10];
	v24 =	vpop (erf);
	(erf) = vrcp.f32 v49  }
0x177: {  	v23 =	vadd.f32 v38, v23;
	v28 =	vmul.f32 $1.442695020e+00, v28;
	v61 =	vadd.f32 $1.000000000e+00, v24  }
0x178: {  	vm0 =	veq.s32 v44, $0x0;
	v62 =	vsub.f32 $0.0e+00, v59;
	(erf) = vpow2.f32 v31;
	v31 =	vpop (erf)  }
0x179: {  	v63 =	vld [tilespmem:s17+$0x1290];
	(erf) = vpow2.f32 v28;
	v28 =	vmin.f32 v61, $1.999999880e+00;
	v31 =	vadd.f32 $1.000000000e+00, v31  }
0x17a: {  	v49 =	vmul.f32 $1.442695020e+00, v62;
	v35 =	vpop (erf);
	v50 =	vshra.s32 v28, $0xC;
	v43 =	vsub.f32 $0.0e+00, v43  }
0x17b: {  	v52 =	vld [tilespmem:s7+$0x1110];
	v57 =	vsub.f32 $0.0e+00, v46;
	v51 =	vadd.f32 $1.000000000e+00, v35;
	v38 =	vadd.s32 $0xFFFC0800, v50  }
0x17c: {  	v23 =	vadd.f32 v41, v23;
	(erf) = vpow2.f32 v49;
	v53 =	vmul.f32 $1.442695020e+00, v43;
	v46 =	vpop (erf)  }
0x17d: {  	v45 =	vmul.f32 $1.442695020e+00, v57;
	(erf) = vrcp.f32 v31;
	v43 =	vmin.f32 v51, $1.999999880e+00;
	v31 =	vpop (erf)  }
0x17e: {  	v57 =	vld [tilespmem:s12+$0x1200];
	vm1 =	veq.s32 v63, $0x0;
	v54 =	vshra.s32 v43, $0xC;
	(erf) = vpow2.f32 v53;
	v56 =	vpop (erf)  }
0x17f: {  	v49 =	vld [tilespmem:s28+$0x1000];
	v23 =	vadd.f32 v46, v23;
	v55 =	vadd.f32 $1.000000000e+00, v31;
	v48 =	vadd.s32 $0xFFFC0800, v54;
	v37 =	vpop (erf)  }
0x180: {  	vm2 =	veq.s32 v52, $0x0;
	(erf) = vpow2.f32 v45;
	[tilespmem:v38+s20+$0x0] =	vst.idx.add.f32.msk vm0, v1;
	v59 =	vadd.f32 $1.000000000e+00, v37  }
0x181: {  	v19 =	vadd.f32 v19, v23;
	v58 =	vadd.f32 $1.000000000e+00, v56;
	v50 =	vmin.f32 v55, $1.999999880e+00;
	v60 =	vpop (erf);
	[tilespmem:v38+s21+$0x0] =	vst.idx.add.f32.msk vm0, v28  }
0x182: {  	v55 =	vld [tilespmem:s6+$0x1090];
	v28 =	vshra.s32 v50, $0xC;
	v51 =	vadd.f32 $1.000000000e+00, v60;
	v53 =	vmin.f32 v59, $1.999999880e+00  }
0x183: {  	v61 =	vpop (erf);
	v62 =	vld [tilespmem:s6+$0x100];
	(erf) = vrcp.f32 v58;
	v63 =	vadd.s32 $0xFFFC0800, v28;
	v28 =	vshra.s32 v53, $0xC  }
0x184: {  	s1 =	sadd.s32 $0x10, s1;
	v23 =	vadd.f32 $1.000000000e+00, v61;
	[tilespmem:v48+s20+$0x0] =	vst.idx.add.f32.msk vm1, v1  }
0x185: {  	s3 =	sor.u32 $0x300, s1;
	vm3 =	veq.s32 v57, $0x0;
	v19 =	vadd.f32 v25, v19;
	(erf) = vrcp.f32 v51;
	v54 =	vpop (erf);
	[tilespmem:v48+s21+$0x0] =	vst.idx.add.f32.msk vm1, v43  }
0x186: {  	(erf) = vrcp.f32 v23;
	v23 =	vadd.s32 $0xFFFC0800, v28;
	v41 =	vadd.f32 $1.000000000e+00, v54;
	v43 =	vld [tilespmem:s3+$0x0];
	v28 =	vpop (erf)  }
0x187: {  	v19 =	vadd.f32 v29, v19;
	v61 =	vld [tilespmem:s10+$0x1000];
	v25 =	vpop (erf)  }
0x188: {  	(erf) = vrcp.f32 v41;
	v29 =	vsub.f32 $0.0e+00, v62;
	[tilespmem:v63+s20+$0x0] =	vst.idx.add.f32.msk vm2, v1;
	v25 =	vadd.f32 $1.000000000e+00, v25  }
0x189: {  	v56 =	vadd.f32 $1.000000000e+00, v28;
	[tilespmem:v63+s21+$0x0] =	vst.idx.add.f32.msk vm2, v50  }
0x18a: {  	vm0 =	veq.s32 v49, $0x0;
	v29 =	vmul.f32 $1.442695020e+00, v29;
	v45 =	vld [tilespmem:s7+$0x190]  }
0x18b: {  	v57 =	vpop (erf);
	v41 =	vmin.f32 v56, $1.999999880e+00;
	[tilespmem:v23+s20+$0x0] =	vst.idx.add.f32.msk vm3, v1;
	v43 =	vsub.f32 $0.0e+00, v43;
	(erf) = vrcp.f32 v25  }
0x18c: {  	v19 =	vadd.f32 v36, v19;
	vm1 =	veq.s32 v55, $0x0;
	v58 =	vshra.s32 v41, $0xC;
	[tilespmem:v23+s21+$0x0] =	vst.idx.add.f32.msk vm3, v53;
	v25 =	vpop (erf)  }
0x18d: {  	v60 =	vld [tilespmem:s12+$0x280];
	v43 =	vmul.f32 $1.442695020e+00, v43;
	(erf) = vpow2.f32 v29;
	v59 =	vadd.f32 $1.000000000e+00, v25  }
0x18e: {  	v19 =	vadd.f32 v39, v19;
	v62 =	vadd.f32 $1.000000000e+00, v57;
	v57 =	vld [tilespmem:s12+$0x1210];
	v23 =	vadd.s32 $0xFFFC0800, v58  }
0x18f: {  	v47 =	vld [tilespmem:s9+$0x1000];
	v29 =	vpop (erf);
	v45 =	vsub.f32 $0.0e+00, v45;
	(erf) = vpow2.f32 v43;
	v49 =	vmin.f32 v59, $1.999999880e+00  }
0x190: {  	v48 =	vld [tilespmem:s4+$0x1000];
	vm2 =	veq.s32 v61, $0x0;
	v19 =	vadd.f32 v40, v19;
	v38 =	vpop (erf);
	v63 =	vshra.s32 v49, $0xC  }
0x191: {  	v39 =	vld [tilespmem:s6+$0x1100];
	v56 =	vadd.f32 $1.000000000e+00, v38;
	v36 =	vpop (erf);
	v45 =	vmul.f32 $1.442695020e+00, v45;
	v43 =	vadd.s32 $0xFFFC0800, v63  }
0x192: {  	v61 =	vld [tilespmem:s18+$0x1000];
	(erf) = vrcp.f32 v62;
	v58 =	vsub.f32 $0.0e+00, v60;
	v59 =	vadd.f32 $1.000000000e+00, v36  }
0x193: {  	vm4 =	veq.s32 v57, $0x0;
	[tilespmem:v23+s20+$0x0] =	vst.idx.add.f32.msk vm0, v1;
	v54 =	vmin.f32 v56, $1.999999880e+00;
	(erf) = vpow2.f32 v45  }
0x194: {  	[tilespmem:v23+s21+$0x0] =	vst.idx.add.f32.msk vm0, v41;
	v60 =	vshra.s32 v54, $0xC;
	v23 =	vmul.f32 $1.442695020e+00, v58;
	v50 =	vmin.f32 v59, $1.999999880e+00;
	v41 =	vpop (erf)  }
0x195: {  	v53 =	vld [tilespmem:s28+$0x1010];
	v51 =	vadd.s32 $0xFFFC0800, v60;
	v62 =	vshra.s32 v50, $0xC;
	v63 =	vadd.f32 $1.000000000e+00, v41  }
0x196: {  	v19 =	vadd.f32 v42, v19;
	v56 =	vadd.s32 $0xFFFC0800, v62;
	(erf) = vpow2.f32 v23;
	v58 =	vpop (erf);
	[tilespmem:v43+s20+$0x0] =	vst.idx.add.f32.msk vm1, v1  }
0x197: {  	vm3 =	veq.s32 v61, $0x0;
	v61 =	vadd.f32 $1.000000000e+00, v58;
	[tilespmem:v43+s21+$0x0] =	vst.idx.add.f32.msk vm1, v49;
	v43 =	vmin.f32 v63, $1.999999880e+00  }
0x198: {  	v55 =	vld [tilespmem:s28+$0x80];
	v23 =	vadd.f32 $1.000000000e+00, v46;
	v62 =	vpop (erf);
	v57 =	vshra.s32 v43, $0xC  }
0x199: {  	v44 =	vld [tilespmem:s6+$0x110];
	(erf) = vrcp.f32 v61;
	v63 =	vadd.f32 $1.000000000e+00, v62;
	v49 =	vadd.s32 $0xFFFC0800, v57  }
0x19a: {  	v59 =	vadd.f32 $1.000000000e+00, v29;
	[tilespmem:v51+s20+$0x0] =	vst.idx.add.f32.msk vm2, v1  }
0x19b: {  	v29 =	vadd.f32 v29, v19;
	v23 =	vmin.f32 v23, $1.999999880e+00;
	v19 =	vpop (erf);
	[tilespmem:v56+s20+$0x0] =	vst.idx.add.f32.msk vm4, v1;
	(erf) = vrcp.f32 v63  }
0x19c: {  	v40 =	vmin.f32 v59, $1.999999880e+00;
	v60 =	vshra.s32 v23, $0xC;
	[tilespmem:v56+s21+$0x0] =	vst.idx.add.f32.msk vm4, v50;
	v57 =	vpop (erf)  }
0x19d: {  	v58 =	vsub.f32 $0.0e+00, v55;
	v45 =	vadd.s32 $0xFFFC0800, v60;
	v46 =	vld [tilespmem:s12+$0x290];
	v60 =	vadd.f32 $1.000000000e+00, v57  }
0x19e: {  	s26 =	sor.u32 s16, s26;
	vm0 =	veq.s32 v48, $0x0;
	v59 =	vshra.s32 v40, $0xC;
	v61 =	vadd.f32 $1.000000000e+00, v19;
	[tilespmem:v49+s20+$0x0] =	vst.idx.add.f32.msk vm3, v1  }
0x19f: {  	s10 =	sor.u32 $0x380, s26;
	vm1 =	veq.s32 v47, $0x0;
	v62 =	vmul.f32 $1.442695020e+00, v58;
	v63 =	vpop (erf);
	(erf) = vrcp.f32 v60;
	[tilespmem:v49+s21+$0x0] =	vst.idx.add.f32.msk vm3, v43  }
0x1a0: {  	v47 =	vadd.s32 $0xFFFC0800, v59;
	v42 =	vmin.f32 v61, $1.999999880e+00;
	v49 =	vadd.f32 $1.000000000e+00, v63;
	v48 =	vld [tilespmem:s10+$0x0]  }
0x1a1: {  	s16 =	simm.s32 $0xA;
	s17 =	simm.s32 $0x600;
	s26 =	simm.s32 $0xC0;
	[tilespmem:v51+s21+$0x0] =	vst.idx.add.f32.msk vm2, v54;
	v43 =	vshra.s32 v42, $0xC;
	vm3 =	veq.s32 v53, $0x0;
	(erf) = vpow2.f32 v62  }
.LBB2_5:
0x1a2: {  	s4 =	sand.u32 $0x60, s26;
	s9 =	sand.u32 $0xC00, s17;
	v50 =	vadd.s32 $0xFFFC0800, v43;
	v43 =	vpop (erf);
	v51 =	vld [tilespmem:s7+$0x200];
	v46 =	vsub.f32 $0.0e+00, v46;
	(erf) = vrcp.f32 v49  }
0x1a3: {  	s18 =	sor.u32 s4, s9;
	v49 =	vadd.f32 $1.000000000e+00, v43;
	v52 =	vld [tilespmem:s3+$0x1000]  }
0x1a4: {  	vm2 =	veq.s32 v39, $0x0;
	v44 =	vsub.f32 $0.0e+00, v44;
	v53 =	vld [tilespmem:s18+$0x10];
	v46 =	vmul.f32 $1.442695020e+00, v46;
	v39 =	vpop (erf)  }
0x1a5: {  	v54 =	vld [tilespmem:s18+$0x0];
	v49 =	vmin.f32 v49, $1.999999880e+00;
	v48 =	vsub.f32 $0.0e+00, v48;
	v55 =	vadd.f32 $1.000000000e+00, v39  }
0x1a6: {  	v44 =	vmul.f32 $1.442695020e+00, v44;
	v56 =	vshra.s32 v49, $0xC;
	v57 =	vld [tilespmem:s7+$0x1190];
	(erf) = vpow2.f32 v46  }
0x1a7: {  	[tilespmem:v50+s20+$0x0] =	vst.idx.add.f32.msk vm3, v1;
	v46 =	vadd.s32 $0xFFFC0800, v56;
	v48 =	vmul.f32 $1.442695020e+00, v48;
	v55 =	vmin.f32 v55, $1.999999880e+00  }
0x1a8: {  	[tilespmem:v50+s21+$0x0] =	vst.idx.add.f32.msk vm3, v42;
	v50 =	vsub.f32 $0.0e+00, v51;
	v42 =	vpop (erf);
	v51 =	vshra.s32 v55, $0xC;
	vm4 =	veq.s32 v52, $0x0  }
0x1a9: {  	v52 =	vld [tilespmem:s28+$0x1080];
	v56 =	vadd.f32 $1.000000000e+00, v42;
	v51 =	vadd.s32 $0xFFFC0800, v51;
	(erf) = vpow2.f32 v48  }
0x1aa: {  	v48 =	vsub.f32 $0.0e+00, v54;
	v54 =	vpop (erf);
	(erf) = vpow2.f32 v44;
	v44 =	vmul.f32 $1.442695020e+00, v50;
	v50 =	vld [tilespmem:s12+$0x1280]  }
0x1ab: {  	v54 =	vadd.f32 $1.000000000e+00, v54;
	v58 =	vld [tilespmem:s28+$0x90];
	v56 =	vmin.f32 v56, $1.999999880e+00;
	vm3 =	veq.s32 v57, $0x0;
	v57 =	vpop (erf)  }
0x1ac: {  	[tilespmem:v46+s20+$0x0] =	vst.idx.add.f32.msk vm2, v1;
	v59 =	vshra.s32 v56, $0xC;
	(erf) = vpow2.f32 v44;
	v44 =	vadd.f32 $1.000000000e+00, v57  }
0x1ad: {  	[tilespmem:v46+s21+$0x0] =	vst.idx.add.f32.msk vm2, v49;
	v46 =	vadd.s32 $0xFFFC0800, v59  }
0x1ae: {  	v48 =	vmul.f32 $1.442695020e+00, v48;
	(erf) = vrcp.f32 v54;
	v44 =	vmin.f32 v44, $1.999999880e+00;
	[tilespmem:v51+s20+$0x0] =	vst.idx.add.f32.msk vm4, v1  }
0x1af: {  	s4 =	sor.u32 s13, s5;
	s3 =	sor.u32 $0x380, s1;
	s13 =	smov.u32 s14;
	v49 =	vshra.s32 v44, $0xC;
	vm2 =	veq.s32 v50, $0x0;
	v50 =	vpop (erf);
	[tilespmem:v51+s21+$0x0] =	vst.idx.add.f32.msk vm4, v55  }
0x1b0: {  	s14 =	smov.u32 s9;
	s4 =	sor.u32 $0x180, s4;
	(erf) = vpow2.f32 v48;
	v48 =	vadd.s32 $0xFFFC0800, v49;
	v0 =	vadd.f32 $1.000000000e+00, v50;
	v50 =	vld [tilespmem:s3+$0x0]  }
0x1b1: {  	v29 =	vadd.f32 v2, v29;
	v2 =	vmovc v4;
	v4 =	vmovc v6;
	v6 =	vmov v12;
	v12 =	vmov v28;
	v51 =	vld [tilespmem:s4+$0x0]  }
0x1b2: {  	s29 =	sadd.s32 $0x1, s29;
	v28 =	vsub.f32 $0.0e+00, v53;
	v53 =	vsub.f32 $0.0e+00, v58;
	[tilespmem:v46+s20+$0x0] =	vst.idx.add.f32.msk vm3, v1;
	(erf) = vrcp.f32 v0;
	v49 =	vpop (erf)  }
0x1b3: {  	s1 =	sand.u32 $0x3, s29;
	v29 =	vadd.f32 v5, v29;
	v5 =	vmov v11;
	v54 =	vpop (erf);
	[tilespmem:v46+s21+$0x0] =	vst.idx.add.f32.msk vm3, v56;
	v46 =	vadd.f32 $1.000000000e+00, v49  }
0x1b4: {  	s1 =	sshll.u32 s1, $0x5;
	v11 =	vmovc v16;
	v16 =	vmovc v24;
	v28 =	vmul.f32 $1.442695020e+00, v28;
	v49 =	vmul.f32 $1.442695020e+00, v53;
	v53 =	vadd.f32 $1.000000000e+00, v54;
	v54 =	vld [tilespmem:s7+$0x210]  }
0x1b5: {  	s1 =	sadd.s32 s1, s24;
	v29 =	vadd.f32 v13, v29;
	v24 =	vpop (erf);
	[tilespmem:v48+s20+$0x0] =	vst.idx.add.f32.msk vm2, v1;
	v50 =	vsub.f32 $0.0e+00, v50;
	(erf) = vrcp.f32 v46  }
0x1b6: {  	s9 =	sor.u32 $0x300, s1;
	v13 =	vmovc v17;
	v17 =	vmovc v26;
	v46 =	vsub.f32 $0.0e+00, v51;
	(erf) = vrcp.f32 v53;
	v51 =	vadd.f32 $1.000000000e+00, v24;
	[tilespmem:v48+s21+$0x0] =	vst.idx.add.f32.msk vm2, v44  }
0x1b7: {  	v29 =	vadd.f32 v18, v29;
	v24 =	vpop (erf);
	(erf) = vpow2.f32 v49;
	v44 =	vld [tilespmem:s9+$0x0];
	v48 =	vmul.f32 $1.442695020e+00, v50  }
0x1b8: {  	v26 =	vmovc v43;
	v18 =	vmovc v27;
	v49 =	vadd.f32 $1.000000000e+00, v24;
	v46 =	vmul.f32 $1.442695020e+00, v46;
	(erf) = vrcp.f32 v51;
	v50 =	vld [tilespmem:s10+$0x1000]  }
0x1b9: {  	v29 =	vadd.f32 v30, v29;
	v27 =	vpop (erf);
	v0 =	vsub.f32 $0.0e+00, v54;
	v51 =	vld [tilespmem:s3+$0x1000];
	(erf) = vpow2.f32 v48  }
0x1ba: {  	v30 =	vmovc v37;
	vm2 =	veq.s32 v52, $0x0;
	v48 =	vadd.f32 $1.000000000e+00, v27;
	(erf) = vpow2.f32 v46;
	v46 =	vld [tilespmem:s12+$0x1290];
	v27 =	vmovc v38;
	s12 =	smov.u32 s7;
	s7 =	smov.u32 s6;
	s6 =	smov.u32 s28  }
0x1bb: {  	v29 =	vadd.f32 v34, v29;
	v38 =	vmin.f32 v49, $1.999999880e+00;
	s28 =	smov.u32 s18;
	v37 =	vmul.f32 $1.442695020e+00, v0;
	v43 =	vpop (erf);
	[tilespmem:v45+s20+$0x0] =	vst.idx.add.f32.msk vm1, v1  }
0x1bc: {  	v34 =	vmovc v57;
	v49 =	vshra.s32 v38, $0xC;
	v0 =	vsub.f32 $0.0e+00, v44;
	v52 =	vadd.f32 $1.000000000e+00, v43;
	[tilespmem:v45+s21+$0x0] =	vst.idx.add.f32.msk vm1, v23  }
0x1bd: {  	v29 =	vadd.f32 v41, v29;
	v23 =	vadd.s32 $0xFFFC0800, v49;
	v45 =	vld [tilespmem:s7+$0x1110];
	(erf) = vpow2.f32 v37  }
0x1be: {  	(erf) = vrcp.f32 v48;
	v0 =	vmul.f32 $1.442695020e+00, v0;
	v41 =	vmin.f32 v52, $1.999999880e+00;
	v44 =	vpop (erf);
	[tilespmem:v47+s20+$0x0] =	vst.idx.add.f32.msk vm0, v1  }
0x1bf: {  	v48 =	vpop (erf);
	v49 =	vshra.s32 v41, $0xC;
	vm1 =	veq.s32 v46, $0x0;
	v29 =	vadd.f32 v44, v29;
	[tilespmem:v47+s21+$0x0] =	vst.idx.add.f32.msk vm0, v40  }
0x1c0: {  	v40 =	vld [tilespmem:s28+$0x1000];
	v46 =	vpop (erf);
	v52 =	vadd.f32 $1.000000000e+00, v48;
	v49 =	vadd.s32 $0xFFFC0800, v49;
	(erf) = vpow2.f32 v0  }
0x1c1: {  	(erf) = vpow2.f32 v28;
	v28 =	vadd.f32 $1.000000000e+00, v46;
	v46 =	vld [tilespmem:s12+$0x1200];
	v37 =	vpop (erf);
	v9 =	vadd.f32 v9, v29  }
0x1c2: {  	[tilespmem:v23+s20+$0x0] =	vst.idx.add.f32.msk vm2, v1;
	v29 =	vmin.f32 v52, $1.999999880e+00;
	vm3 =	veq.s32 v45, $0x0;
	v45 =	vadd.f32 $1.000000000e+00, v37;
	v47 =	vpop (erf)  }
0x1c3: {  	[tilespmem:v23+s21+$0x0] =	vst.idx.add.f32.msk vm2, v38;
	v23 =	vshra.s32 v29, $0xC;
	v38 =	vpop (erf);
	v9 =	vadd.f32 v8, v9;
	v47 =	vadd.f32 $1.000000000e+00, v47  }
0x1c4: {  	s16 =	sadd.s32 $0x2, s16;
	v8 =	vmovc v10;
	v10 =	vmovc v20;
	v52 =	vld [tilespmem:s6+$0x100];
	(erf) = vrcp.f32 v28;
	v0 =	vadd.f32 $1.000000000e+00, v38;
	v23 =	vadd.s32 $0xFFFC0800, v23  }
0x1c5: {  	p0 =	slt.u32 s16, $0x1E;
	s1 =	sadd.s32 $0x10, s1;
	v38 =	vmin.f32 v45, $1.999999880e+00;
	[tilespmem:v49+s20+$0x0] =	vst.idx.add.f32.msk vm1, v1;
	v9 =	vadd.f32 v15, v9;
	(erf) = vrcp.f32 v47;
	v15 =	vmovc v22  }
0x1c6: {  	s3 =	sor.u32 $0x300, s1;
	v20 =	vshra.s32 v38, $0xC;
	(erf) = vrcp.f32 v0;
	vm2 =	veq.s32 v46, $0x0;
	v22 =	vpop (erf);
	[tilespmem:v49+s21+$0x0] =	vst.idx.add.f32.msk vm1, v41  }
0x1c7: {  	v41 =	vadd.s32 $0xFFFC0800, v20;
	v28 =	vpop (erf);
	v0 =	vadd.f32 $1.000000000e+00, v22;
	v45 =	vld [tilespmem:s3+$0x0];
	v9 =	vadd.f32 v21, v9  }
0x1c8: {  	v44 =	vadd.f32 $1.000000000e+00, v44;
	vm1 =	veq.s32 v50, $0x0;
	v21 =	vmovc v32;
	v32 =	vmovc v42;
	v53 =	vadd.f32 $1.000000000e+00, v28;
	v46 =	vld [tilespmem:s6+$0x1090]  }
0x1c9: {  	vm0 =	veq.s32 v51, $0x0;
	[tilespmem:v23+s20+$0x0] =	vst.idx.add.f32.msk vm3, v1;
	(erf) = vrcp.f32 v0;
	v20 =	vpop (erf);
	v9 =	vadd.f32 v33, v9  }
0x1ca: {  	v47 =	vsub.f32 $0.0e+00, v52;
	v42 =	vmin.f32 v53, $1.999999880e+00;
	v33 =	vpop (erf);
	[tilespmem:v23+s21+$0x0] =	vst.idx.add.f32.msk vm3, v29;
	v0 =	vadd.f32 $1.000000000e+00, v20  }
0x1cb: {  	v22 =	vmovc v31;
	v23 =	vmin.f32 v44, $1.999999880e+00;
	v29 =	vshra.s32 v42, $0xC;
	v49 =	vld [tilespmem:s7+$0x190];
	v9 =	vadd.f32 v35, v9;
	v35 =	vmovc v43  }
0x1cc: {  	v31 =	vmovc v48;
	v20 =	vmovc v25;
	v43 =	vmul.f32 $1.442695020e+00, v47;
	[tilespmem:v41+s20+$0x0] =	vst.idx.add.f32.msk vm2, v1;
	v45 =	vsub.f32 $0.0e+00, v45;
	(erf) = vrcp.f32 v0  }
0x1cd: {  	vm3 =	veq.s32 v40, $0x0;
	v40 =	vadd.s32 $0xFFFC0800, v29;
	v25 =	vpop (erf);
	[tilespmem:v41+s21+$0x0] =	vst.idx.add.f32.msk vm2, v38;
	v0 =	vadd.f32 v39, v9  }
0x1ce: {  	v39 =	vadd.f32 $1.000000000e+00, v25;
	(erf) = vpow2.f32 v43;
	v41 =	vld [tilespmem:s12+$0x280];
	v43 =	vmul.f32 $1.442695020e+00, v45;
	v44 =	vpop (erf)  }
0x1cf: {  	v48 =	vshra.s32 v23, $0xC;
	v45 =	vadd.f32 $1.000000000e+00, v33;
	v47 =	vld [tilespmem:s4+$0x1000];
	v38 =	vpop (erf);
	v29 =	vadd.f32 v44, v0  }
0x1d0: {  	v33 =	vmovc v36;
	v9 =	vmovc v3;
	v39 =	vmin.f32 v39, $1.999999880e+00;
	v49 =	vsub.f32 $0.0e+00, v49;
	(erf) = vpow2.f32 v43  }
0x1d1: {  	vm4 =	veq.s32 v46, $0x0;
	v3 =	vmovc v7;
	v7 =	vmovc v14;
	v43 =	vadd.f32 $1.000000000e+00, v38;
	v0 =	vshra.s32 v39, $0xC;
	v46 =	vld [tilespmem:s12+$0x1210]  }
0x1d2: {  	v50 =	vld [tilespmem:s28+$0x1010];
	(erf) = vrcp.f32 v45;
	v45 =	vadd.s32 $0xFFFC0800, v0;
	v49 =	vmul.f32 $1.442695020e+00, v49;
	v36 =	vpop (erf)  }
0x1d3: {  	v14 =	vmovc v19;
	v51 =	vmin.f32 v43, $1.999999880e+00;
	[tilespmem:v40+s20+$0x0] =	vst.idx.add.f32.msk vm3, v1;
	v0 =	vsub.f32 $0.0e+00, v41;
	v43 =	vadd.f32 $1.000000000e+00, v36  }
0x1d4: {  	v19 =	vshra.s32 v51, $0xC;
	vm2 =	veq.s32 v47, $0x0;
	(erf) = vpow2.f32 v49;
	v47 =	vld [tilespmem:s9+$0x1000]  }
0x1d5: {  	v52 =	vadd.s32 $0xFFFC0800, v19;
	[tilespmem:v40+s21+$0x0] =	vst.idx.add.f32.msk vm3, v42;
	v19 =	vmul.f32 $1.442695020e+00, v0;
	v42 =	vmin.f32 v43, $1.999999880e+00;
	v41 =	vpop (erf)  }
0x1d6: {  	v43 =	vld [tilespmem:s28+$0x80];
	v40 =	vshra.s32 v42, $0xC;
	vm3 =	veq.s32 v46, $0x0;
	v46 =	vadd.f32 $1.000000000e+00, v41  }
0x1d7: {  	[tilespmem:v45+s20+$0x0] =	vst.idx.add.f32.msk vm4, v1;
	v49 =	vpop (erf);
	v53 =	vadd.s32 $0xFFFC0800, v40;
	(erf) = vpow2.f32 v19;
	v19 =	vadd.f32 $1.000000000e+00, v44  }
0x1d8: {  	v49 =	vadd.f32 $1.000000000e+00, v49;
	[tilespmem:v45+s21+$0x0] =	vst.idx.add.f32.msk vm4, v39;
	v54 =	vmin.f32 v46, $1.999999880e+00;
	v45 =	vadd.s32 $0xFFFC0800, v48  }
0x1d9: {  	v39 =	vld [tilespmem:s6+$0x1100];
	v46 =	vshra.s32 v54, $0xC;
	vm4 =	veq.s32 v47, $0x0;
	v47 =	vpop (erf);
	v40 =	vmin.f32 v19, $1.999999880e+00  }
0x1da: {  	v44 =	vld [tilespmem:s6+$0x110];
	(erf) = vrcp.f32 v49;
	v48 =	vadd.s32 $0xFFFC0800, v46;
	v0 =	vadd.f32 $1.000000000e+00, v47  }
0x1db: {  	v47 =	vshra.s32 v40, $0xC;
	v19 =	vpop (erf);
	[tilespmem:v52+s20+$0x0] =	vst.idx.add.f32.msk vm2, v1  }
0x1dc: {  	v47 =	vadd.s32 $0xFFFC0800, v47;
	[tilespmem:v53+s20+$0x0] =	vst.idx.add.f32.msk vm3, v1;
	(erf) = vrcp.f32 v0  }
0x1dd: {  	v46 =	vpop (erf);
	[tilespmem:v53+s21+$0x0] =	vst.idx.add.f32.msk vm3, v42  }
.Ltmp3:
0x1de: {  	v42 =	vsub.f32 $0.0e+00, v43;
	v0 =	vadd.f32 $1.000000000e+00, v46;
	v46 =	vld [tilespmem:s12+$0x290];
	(pc) =	sbr.rel @p0 .LBB2_5-.Ltmp3, $4  }
0x1df: {  	s4 =	sor.u32 s24, s25;
	s24 =	smov.u32 s0;
	s0 =	smov.u32 s15;
	v49 =	vadd.f32 $1.000000000e+00, v19;
	[tilespmem:v48+s20+$0x0] =	vst.idx.add.f32.msk vm4, v1  }
0x1e0: {  	s15 =	smov.u32 s8;
	s8 =	smov.u32 s17;
	s10 =	sor.u32 $0x380, s4;
	v53 =	vmul.f32 $1.442695020e+00, v42;
	(erf) = vrcp.f32 v0;
	v43 =	vpop (erf);
	[tilespmem:v48+s21+$0x0] =	vst.idx.add.f32.msk vm4, v54  }
0x1e1: {  	s25 =	smov.u32 s2;
	s2 =	smov.u32 s5;
	s5 =	smov.u32 s11;
	v42 =	vmin.f32 v49, $1.999999880e+00;
	v49 =	vadd.f32 $1.000000000e+00, v43;
	v48 =	vld [tilespmem:s10+$0x0]  }
0x1e2: {  	s17 =	sadd.s32 $0x100, s17;
	s11 =	smov.u32 s26;
	s26 =	sadd.s32 $0x20, s26;
	vm3 =	veq.s32 v50, $0x0;
	v43 =	vshra.s32 v42, $0xC;
	(erf) = vpow2.f32 v53;
	[tilespmem:v52+s21+$0x0] =	vst.idx.add.f32.msk vm2, v51  }
0x1e3: {  	v0 =	vpop (erf)  }
0x1e4: {  	v43 =	vadd.s32 $0xFFFC0800, v43;
	(erf) = vrcp.f32 v49;
	[tilespmem:$0x1FEE0] =	vst v0  }
0x1e5: {  	v46 =	vsub.f32 $0.0e+00, v46;
	v50 =	vld [tilespmem:s7+$0x200]  }
0x1e6: {  	v60 =	vadd.f32 $1.000000000e+00, v0;
	v51 =	vld [tilespmem:s3+$0x1000];
	v0 =	vpop (erf)  }
0x1e7: {  	v44 =	vsub.f32 $0.0e+00, v44;
	vm2 =	veq.s32 v39, $0x0;
	v61 =	vmul.f32 $1.442695020e+00, v46;
	[tilespmem:$0x1FE30] =	vst v0  }
0x1e8: {  	v62 =	vsub.f32 $0.0e+00, v48;
	v48 =	vmin.f32 v60, $1.999999880e+00;
	v63 =	vadd.f32 $1.000000000e+00, v0;
	v53 =	vld [tilespmem:s7+$0x1190]  }
0x1e9: {  	v44 =	vmul.f32 $1.442695020e+00, v44;
	v52 =	vshra.s32 v48, $0xC;
	(erf) = vpow2.f32 v61;
	[tilespmem:v43+s20+$0x0] =	vst.idx.add.f32.msk vm3, v1  }
0x1ea: {  	v56 =	vmul.f32 $1.442695020e+00, v62;
	v57 =	vadd.s32 $0xFFFC0800, v52;
	v49 =	vmin.f32 v63, $1.999999880e+00;
	[tilespmem:v43+s21+$0x0] =	vst.idx.add.f32.msk vm3, v42;
	v0 =	vpop (erf)  }
0x1eb: {  	v58 =	vshra.s32 v49, $0xC;
	v50 =	vsub.f32 $0.0e+00, v50;
	[tilespmem:$0x1FEA0] =	vst v0;
	vm3 =	veq.s32 v51, $0x0  }
0x1ec: {  	(erf) = vpow2.f32 v56;
	v59 =	vadd.f32 $1.000000000e+00, v0;
	v42 =	vadd.s32 $0xFFFC0800, v58;
	v39 =	vld [tilespmem:s28+$0x1080];
	v60 =	vpop (erf)  }
0x1ed: {  	(erf) = vpow2.f32 v44;
	v61 =	vld [tilespmem:s12+$0x1280];
	v50 =	vmul.f32 $1.442695020e+00, v50;
	v0 =	vpop (erf)  }
0x1ee: {  	v52 =	vld [tilespmem:s28+$0x90];
	v44 =	vadd.f32 $1.000000000e+00, v60;
	v43 =	vmin.f32 v59, $1.999999880e+00;
	vm4 =	veq.s32 v53, $0x0;
	[tilespmem:$0x1FE40] =	vst v0  }
0x1ef: {  	v62 =	vshra.s32 v43, $0xC;
	v54 =	vadd.f32 $1.000000000e+00, v0;
	[tilespmem:v57+s20+$0x0] =	vst.idx.add.f32.msk vm2, v1;
	(erf) = vpow2.f32 v50  }
0x1f0: {  	s17 =	sor.u32 s13, s5;
	v63 =	vadd.s32 $0xFFFC0800, v62;
	[tilespmem:v57+s21+$0x0] =	vst.idx.add.f32.msk vm2, v48;
	(erf) = vrcp.f32 v44  }
0x1f1: {  	s3 =	sor.u32 $0x180, s17;
	v44 =	vmin.f32 v54, $1.999999880e+00;
	[tilespmem:v42+s20+$0x0] =	vst.idx.add.f32.msk vm3, v1  }
0x1f2: {  	v54 =	vshra.s32 v44, $0xC;
	vm2 =	veq.s32 v61, $0x0;
	v55 =	vpop (erf);
	v58 =	vld [tilespmem:s3+$0x0]  }
0x1f3: {  	s1 =	sor.u32 $0x380, s1;
	[tilespmem:v42+s21+$0x0] =	vst.idx.add.f32.msk vm3, v49;
	v56 =	vadd.s32 $0xFFFC0800, v54;
	v57 =	vadd.f32 $1.000000000e+00, v55  }
0x1f4: {  	v49 =	vld [tilespmem:s1+$0x0]  }
0x1f5: {  	v59 =	vpop (erf);
	[tilespmem:v63+s20+$0x0] =	vst.idx.add.f32.msk vm4, v1;
	(erf) = vrcp.f32 v57  }
0x1f6: {  	s18 =	sadd.s32 $0x1, s29;
	v62 =	vsub.f32 $0.0e+00, v52;
	v60 =	vpop (erf);
	v51 =	vadd.f32 $1.000000000e+00, v59;
	[tilespmem:v63+s21+$0x0] =	vst.idx.add.f32.msk vm4, v43  }
0x1f7: {  	s4 =	sand.u32 $0x3, s18;
	v61 =	vadd.f32 $1.000000000e+00, v60;
	v63 =	vld [tilespmem:s7+$0x210]  }
0x1f8: {  	s4 =	sshll.u32 s4, $0x5;
	v52 =	vmul.f32 $1.442695020e+00, v62;
	(erf) = vrcp.f32 v51;
	[tilespmem:v56+s20+$0x0] =	vst.idx.add.f32.msk vm2, v1;
	v53 =	vpop (erf)  }
0x1f9: {  	s4 =	sadd.s32 s4, s24;
	(erf) = vrcp.f32 v61;
	v49 =	vsub.f32 $0.0e+00, v49;
	[tilespmem:v56+s21+$0x0] =	vst.idx.add.f32.msk vm2, v44;
	v55 =	vadd.f32 $1.000000000e+00, v53;
	v0 =	vpop (erf)  }
0x1fa: {  	s9 =	sor.u32 $0x300, s4;
	v54 =	vsub.f32 $0.0e+00, v58;
	(erf) = vpow2.f32 v52;
	[tilespmem:$0x1FF60] =	vst v0  }
0x1fb: {  	v57 =	vmul.f32 $1.442695020e+00, v49;
	v56 =	vld [tilespmem:s9+$0x0];
	(erf) = vrcp.f32 v55  }
0x1fc: {  	v42 =	vmul.f32 $1.442695020e+00, v54  }
0x1fd: {  	v58 =	vadd.f32 $1.000000000e+00, v0;
	v59 =	vsub.f32 $0.0e+00, v63;
	(erf) = vpow2.f32 v57  }
0x1fe: {  	vm2 =	veq.s32 v39, $0x0;
	v39 =	vld [tilespmem:s12+$0x1290];
	(erf) = vpow2.f32 v42;
	v0 =	vpop (erf)  }
0x1ff: {  	v60 =	vmin.f32 v58, $1.999999880e+00;
	v61 =	vmul.f32 $1.442695020e+00, v59;
	[tilespmem:$0x1FE60] =	vst v0  }
0x200: {  	v62 =	vshra.s32 v60, $0xC;
	v63 =	vadd.f32 $1.000000000e+00, v0;
	v52 =	vld [tilespmem:s6+$0x1110];
	v46 =	vsub.f32 $0.0e+00, v56  }
0x201: {  	v44 =	vadd.s32 $0xFFFC0800, v62;
	(erf) = vpow2.f32 v61;
	v56 =	vpop (erf)  }
0x202: {  	v0 =	vpop (erf);
	v53 =	vmul.f32 $1.442695020e+00, v46;
	v46 =	vmin.f32 v63, $1.999999880e+00  }
0x203: {  	vm3 =	veq.s32 v39, $0x0;
	[tilespmem:$0x1FF20] =	vst v0;
	v54 =	vadd.f32 $1.000000000e+00, v0;
	v55 =	vpop (erf);
	v48 =	vshra.s32 v46, $0xC  }
0x204: {  	v57 =	vld [tilespmem:s7+$0x1200];
	v43 =	vadd.f32 $1.000000000e+00, v55;
	v48 =	vadd.s32 $0xFFFC0800, v48;
	(erf) = vpow2.f32 v53;
	v0 =	vpop (erf)  }
0x205: {  	v39 =	vmin.f32 v54, $1.999999880e+00;
	vm4 =	veq.s32 v52, $0x0;
	[tilespmem:$0x1FE80] =	vst v0  }
0x206: {  	v58 =	vshra.s32 v39, $0xC;
	v59 =	vadd.f32 $1.000000000e+00, v0;
	v61 =	vpop (erf);
	(erf) = vrcp.f32 v43;
	[tilespmem:v44+s20+$0x0] =	vst.idx.add.f32.msk vm2, v1  }
0x207: {  	v62 =	vpop (erf);
	[tilespmem:v44+s21+$0x0] =	vst.idx.add.f32.msk vm2, v60;
	v60 =	vadd.s32 $0xFFFC0800, v58;
	v44 =	vadd.f32 $1.000000000e+00, v61  }
0x208: {  	v51 =	vmin.f32 v59, $1.999999880e+00;
	v43 =	vadd.f32 $1.000000000e+00, v62;
	v49 =	vld [tilespmem:s28+$0x100]  }
0x209: {  	s4 =	sadd.s32 $0x10, s4;
	v63 =	vshra.s32 v51, $0xC;
	vm2 =	veq.s32 v57, $0x0;
	[tilespmem:v48+s20+$0x0] =	vst.idx.add.f32.msk vm3, v1;
	(erf) = vrcp.f32 v44  }
0x20a: {  	s19 =	sor.u32 $0x300, s4;
	v55 =	vpop (erf);
	v57 =	vadd.s32 $0xFFFC0800, v63;
	[tilespmem:v48+s21+$0x0] =	vst.idx.add.f32.msk vm3, v46;
	(erf) = vrcp.f32 v43  }
0x20b: {  	v58 =	vadd.f32 $1.000000000e+00, v55;
	v48 =	vld [tilespmem:s19+$0x0]  }
0x20c: {  	[tilespmem:v60+s20+$0x0] =	vst.idx.add.f32.msk vm4, v1  }
0x20d: {  	(erf) = vrcp.f32 v58;
	v59 =	vpop (erf);
	[tilespmem:v60+s21+$0x0] =	vst.idx.add.f32.msk vm4, v39  }
0x20e: {  	v62 =	vsub.f32 $0.0e+00, v49;
	v60 =	vadd.f32 $1.000000000e+00, v59;
	v42 =	vld [tilespmem:s6+$0x190]  }
0x20f: {  	[tilespmem:v57+s20+$0x0] =	vst.idx.add.f32.msk vm2, v1;
	v0 =	vpop (erf)  }
0x210: {  	v61 =	vld [tilespmem:s28+$0x1090];
	v63 =	vmul.f32 $1.442695020e+00, v62;
	[tilespmem:$0x1FFA0] =	vst v0;
	(erf) = vrcp.f32 v60  }
0x211: {  	[tilespmem:v57+s21+$0x0] =	vst.idx.add.f32.msk vm2, v51  }
0x212: {  	v52 =	vsub.f32 $0.0e+00, v48;
	v54 =	vld [tilespmem:s7+$0x280];
	(erf) = vpow2.f32 v63;
	v57 =	vpop (erf)  }
0x213: {  	v53 =	vadd.f32 $1.000000000e+00, v0;
	v0 =	vpop (erf)  }
0x214: {  	v55 =	vmul.f32 $1.442695020e+00, v52;
	v42 =	vsub.f32 $0.0e+00, v42;
	[tilespmem:$0x1FEF0] =	vst v0  }
0x215: {  	vm2 =	veq.s32 v61, $0x0;
	v44 =	vmin.f32 v53, $1.999999880e+00;
	v59 =	vld [tilespmem:s7+$0x1210]  }
0x216: {  	v58 =	vshra.s32 v44, $0xC;
	(erf) = vpow2.f32 v55;
	v60 =	vpop (erf);
	v42 =	vmul.f32 $1.442695020e+00, v42  }
0x217: {  	v39 =	vadd.s32 $0xFFFC0800, v58;
	[tilespmem:$0x1FEB0] =	vst v60;
	v62 =	vadd.f32 $1.000000000e+00, v60;
	v61 =	vsub.f32 $0.0e+00, v54  }
0x218: {  	v63 =	vld [tilespmem:s9+$0x1000];
	(erf) = vpow2.f32 v42  }
0x219: {  	v48 =	vmin.f32 v62, $1.999999880e+00;
	v43 =	vmul.f32 $1.442695020e+00, v61;
	v52 =	vpop (erf)  }
0x21a: {  	v53 =	vshra.s32 v48, $0xC;
	[tilespmem:$0x1FE50] =	vst v52;
	vm3 =	veq.s32 v59, $0x0;
	v54 =	vadd.f32 $1.000000000e+00, v52  }
0x21b: {  	v49 =	vadd.s32 $0xFFFC0800, v53;
	v58 =	vpop (erf);
	(erf) = vpow2.f32 v43;
	v55 =	vld [tilespmem:s3+$0x1000]  }
0x21c: {  	[tilespmem:v39+s20+$0x0] =	vst.idx.add.f32.msk vm2, v1;
	v59 =	vadd.f32 $1.000000000e+00, v58;
	v43 =	vmin.f32 v54, $1.999999880e+00  }
0x21d: {  	v61 =	vadd.f32 $1.000000000e+00, v0;
	[tilespmem:v39+s21+$0x0] =	vst.idx.add.f32.msk vm2, v44;
	vm2 =	veq.s32 v63, $0x0;
	v60 =	vshra.s32 v43, $0xC  }
0x21e: {  	v44 =	vld [tilespmem:s28+$0x1100];
	(erf) = vrcp.f32 v59;
	v39 =	vadd.s32 $0xFFFC0800, v60  }
0x21f: {  	v42 =	vmin.f32 v61, $1.999999880e+00;
	v62 =	vpop (erf);
	v46 =	vld [tilespmem:s28+$0x110]  }
0x220: {  	v54 =	vshra.s32 v42, $0xC;
	v51 =	vadd.f32 $1.000000000e+00, v62;
	vm4 =	veq.s32 v55, $0x0;
	[tilespmem:v49+s20+$0x0] =	vst.idx.add.f32.msk vm3, v1  }
0x221: {  	v58 =	vadd.s32 $0xFFFC0800, v54;
	v63 =	vpop (erf);
	[tilespmem:v49+s21+$0x0] =	vst.idx.add.f32.msk vm3, v48  }
0x222: {  	(erf) = vrcp.f32 v51;
	v55 =	vadd.f32 $1.000000000e+00, v63;
	v59 =	vld [tilespmem:s7+$0x290]  }
0x223: {  	s25 =	sor.u32 s24, s25;
	[tilespmem:v39+s20+$0x0] =	vst.idx.add.f32.msk vm2, v1  }
0x224: {  	s3 =	sor.u32 $0x380, s25;
	(erf) = vrcp.f32 v55;
	v60 =	vpop (erf);
	[tilespmem:v39+s21+$0x0] =	vst.idx.add.f32.msk vm2, v43  }
0x225: {  	v39 =	vadd.f32 $1.000000000e+00, v60;
	v43 =	vld [tilespmem:s3+$0x0]  }
0x226: {  	[tilespmem:v58+s20+$0x0] =	vst.idx.add.f32.msk vm4, v1  }
0x227: {  	v0 =	vpop (erf);
	(erf) = vrcp.f32 v39;
	[tilespmem:v58+s21+$0x0] =	vst.idx.add.f32.msk vm4, v42  }
0x228: {  	[tilespmem:$0x1FF70] =	vst v0  }
0x229: {  	v61 =	vsub.f32 $0.0e+00, v59;
	v62 =	vadd.f32 $1.000000000e+00, v0;
	v63 =	vld [tilespmem:s19+$0x1000]  }
0x22a: {  	v53 =	vsub.f32 $0.0e+00, v46;
	v49 =	vld [tilespmem:s6+$0x200]  }
0x22b: {  	vm2 =	veq.s32 v44, $0x0;
	v48 =	vmul.f32 $1.442695020e+00, v61;
	v0 =	vpop (erf);
	v39 =	vmin.f32 v62, $1.999999880e+00  }
0x22c: {  	[tilespmem:$0x1FE70] =	vst v0;
	v43 =	vsub.f32 $0.0e+00, v43;
	v54 =	vadd.f32 $1.000000000e+00, v0;
	v58 =	vshra.s32 v39, $0xC  }
0x22d: {  	v44 =	vmul.f32 $1.442695020e+00, v53;
	(erf) = vpow2.f32 v48;
	v55 =	vld [tilespmem:s6+$0x1190];
	v50 =	vadd.s32 $0xFFFC0800, v58;
	v0 =	vpop (erf)  }
0x22e: {  	v43 =	vmul.f32 $1.442695020e+00, v43;
	v46 =	vmin.f32 v54, $1.999999880e+00;
	v59 =	vadd.f32 $1.000000000e+00, v0  }
0x22f: {  	v60 =	vshra.s32 v46, $0xC;
	vm3 =	veq.s32 v63, $0x0;
	v62 =	vsub.f32 $0.0e+00, v49  }
0x230: {  	[tilespmem:$0x1FF30] =	vst v0;
	(erf) = vpow2.f32 v43;
	v42 =	vadd.s32 $0xFFFC0800, v60;
	v0 =	vpop (erf)  }
0x231: {  	v63 =	vld [tilespmem:s7+$0x1280];
	(erf) = vpow2.f32 v44;
	v61 =	vmin.f32 v59, $1.999999880e+00;
	[tilespmem:$0x1FE90] =	vst v0;
	v44 =	vmul.f32 $1.442695020e+00, v62  }
0x232: {  	s26 =	sor.u32 s14, s11;
	vm4 =	veq.s32 v55, $0x0;
	v54 =	vshra.s32 v61, $0xC;
	[tilespmem:v50+s20+$0x0] =	vst.idx.add.f32.msk vm2, v1  }
0x233: {  	s9 =	sor.u32 $0x180, s26;
	v55 =	vadd.f32 $1.000000000e+00, v0;
	v49 =	vadd.s32 $0xFFFC0800, v54;
	[tilespmem:v50+s21+$0x0] =	vst.idx.add.f32.msk vm2, v39;
	(erf) = vpow2.f32 v44  }
0x234: {  	v52 =	vld [tilespmem:s9+$0x0]  }
0x235: {  	v58 =	vmin.f32 v55, $1.999999880e+00;
	[tilespmem:v42+s20+$0x0] =	vst.idx.add.f32.msk vm3, v1  }
0x236: {  	s4 =	sor.u32 $0x380, s4;
	v59 =	vshra.s32 v58, $0xC;
	vm2 =	veq.s32 v63, $0x0;
	v60 =	vpop (erf);
	[tilespmem:v42+s21+$0x0] =	vst.idx.add.f32.msk vm3, v46  }
0x237: {  	v42 =	vadd.s32 $0xFFFC0800, v59;
	v44 =	vadd.f32 $1.000000000e+00, v60;
	v46 =	vld [tilespmem:s4+$0x0]  }
0x238: {  	[tilespmem:v49+s20+$0x0] =	vst.idx.add.f32.msk vm4, v1  }
0x239: {  	s16 =	sadd.s32 $0x1, s18;
	[tilespmem:v49+s21+$0x0] =	vst.idx.add.f32.msk vm4, v61;
	v61 =	vpop (erf);
	(erf) = vrcp.f32 v44  }
0x23a: {  	s13 =	sand.u32 $0x3, s16;
	v43 =	vadd.f32 $1.000000000e+00, v61;
	v62 =	vpop (erf)  }
0x23b: {  	s13 =	sshll.u32 s13, $0x5;
	v53 =	vld [tilespmem:s6+$0x210];
	v63 =	vadd.f32 $1.000000000e+00, v62  }
0x23c: {  	s17 =	sadd.s32 s13, s0;
	(erf) = vrcp.f32 v43;
	[tilespmem:v42+s20+$0x0] =	vst.idx.add.f32.msk vm2, v1;
	v54 =	vpop (erf);
	v55 =	vsub.f32 $0.0e+00, v46  }
0x23d: {  	s13 =	sor.u32 $0x300, s17;
	(erf) = vrcp.f32 v63;
	[tilespmem:v42+s21+$0x0] =	vst.idx.add.f32.msk vm2, v58;
	v58 =	vsub.f32 $0.0e+00, v52;
	v39 =	vadd.f32 $1.000000000e+00, v54  }
0x23e: {  	v42 =	vld [tilespmem:s13+$0x0];
	v44 =	vmul.f32 $1.442695020e+00, v55  }
0x23f: {  	v60 =	vmul.f32 $1.442695020e+00, v58;
	(erf) = vrcp.f32 v39  }
0x240: {  	(erf) = vpow2.f32 v44  }
0x241: {  	v61 =	vld [tilespmem:s7+$0x1290];
	v59 =	vsub.f32 $0.0e+00, v53;
	(erf) = vpow2.f32 v60  }
0x242: {  	v0 =	vpop (erf)  }
0x243: {  	v39 =	vmul.f32 $1.442695020e+00, v59;
	[tilespmem:$0x1FEC0] =	vst v0;
	v42 =	vsub.f32 $0.0e+00, v42;
	v62 =	vadd.f32 $1.000000000e+00, v0  }
0x244: {  	v63 =	vld [tilespmem:s28+$0x1110]  }
0x245: {  	v54 =	vpop (erf);
	(erf) = vpow2.f32 v39;
	v53 =	vmul.f32 $1.442695020e+00, v42;
	v55 =	vmin.f32 v62, $1.999999880e+00  }
0x246: {  	vm2 =	veq.s32 v61, $0x0;
	v0 =	vpop (erf);
	v59 =	vshra.s32 v55, $0xC  }
0x247: {  	[tilespmem:$0x1FFB0] =	vst v0;
	v58 =	vadd.f32 $1.000000000e+00, v0;
	(erf) = vpow2.f32 v53;
	v39 =	vadd.s32 $0xFFFC0800, v59  }
0x248: {  	v60 =	vld [tilespmem:s6+$0x1200];
	v0 =	vpop (erf)  }
0x249: {  	v43 =	vmin.f32 v58, $1.999999880e+00;
	vm3 =	veq.s32 v63, $0x0;
	v63 =	vpop (erf)  }
0x24a: {  	v61 =	vshra.s32 v43, $0xC;
	v62 =	vadd.f32 $1.000000000e+00, v0;
	v50 =	vadd.f32 $1.000000000e+00, v63;
	v44 =	vpop (erf)  }
0x24b: {  	[tilespmem:$0x1FF00] =	vst v0;
	v48 =	vadd.s32 $0xFFFC0800, v61;
	v51 =	vadd.f32 $1.000000000e+00, v44  }
0x24c: {  	v49 =	vmin.f32 v62, $1.999999880e+00;
	[tilespmem:v39+s20+$0x0] =	vst.idx.add.f32.msk vm2, v1;
	(erf) = vrcp.f32 v50  }
0x24d: {  	s18 =	sadd.s32 $0x10, s17;
	[tilespmem:v39+s21+$0x0] =	vst.idx.add.f32.msk vm2, v55;
	vm2 =	veq.s32 v60, $0x0;
	v52 =	vshra.s32 v49, $0xC;
	(erf) = vrcp.f32 v51  }
0x24e: {  	s14 =	sor.u32 $0x300, s18;
	v53 =	vpop (erf);
	v42 =	vadd.s32 $0xFFFC0800, v52  }
0x24f: {  	v55 =	vld [tilespmem:s14+$0x0];
	v46 =	vadd.f32 $1.000000000e+00, v53  }
0x250: {  	[tilespmem:v48+s20+$0x0] =	vst.idx.add.f32.msk vm3, v1;
	v58 =	vpop (erf)  }
0x251: {  	[tilespmem:v48+s21+$0x0] =	vst.idx.add.f32.msk vm3, v43;
	(erf) = vrcp.f32 v46;
	v59 =	vadd.f32 $1.000000000e+00, v58  }
0x252: {  	v60 =	vld [tilespmem:s28+$0x190]  }
0x253: {  	(erf) = vrcp.f32 v59;
	[tilespmem:v42+s20+$0x0] =	vst.idx.add.f32.msk vm2, v1  }
0x254: {  	v39 =	vsub.f32 $0.0e+00, v55;
	[tilespmem:v42+s21+$0x0] =	vst.idx.add.f32.msk vm2, v49  }
0x255: {  	v42 =	vld [tilespmem:s6+$0x280];
	v55 =	vpop (erf)  }
0x256: {  	v39 =	vmul.f32 $1.442695020e+00, v39;
	v0 =	vpop (erf)  }
0x257: {  	v61 =	vsub.f32 $0.0e+00, v60;
	[tilespmem:$0x1FF80] =	vst v0  }
0x258: {  	(erf) = vpow2.f32 v39;
	v63 =	vld [tilespmem:s6+$0x1210]  }
0x259: {  	v62 =	vmul.f32 $1.442695020e+00, v61  }
0x25a: {  	v52 =	vpop (erf);
	v53 =	vsub.f32 $0.0e+00, v42  }
0x25b: {  	[tilespmem:$0x1FF40] =	vst v52;
	(erf) = vpow2.f32 v62;
	v60 =	vadd.f32 $1.000000000e+00, v52  }
0x25c: {  	v61 =	vld [tilespmem:s13+$0x1000];
	v58 =	vpop (erf);
	v39 =	vmul.f32 $1.442695020e+00, v53  }
0x25d: {  	v42 =	vmin.f32 v60, $1.999999880e+00;
	v62 =	vadd.f32 $1.000000000e+00, v58;
	vm2 =	veq.s32 v63, $0x0;
	v63 =	vld [tilespmem:s9+$0x1000]  }
0x25e: {  	v60 =	vadd.f32 $1.000000000e+00, v0;
	v46 =	vshra.s32 v42, $0xC  }
0x25f: {  	(erf) = vpow2.f32 v39;
	v59 =	vadd.s32 $0xFFFC0800, v46  }
0x260: {  	v50 =	vmin.f32 v62, $1.999999880e+00;
	v48 =	vmin.f32 v60, $1.999999880e+00  }
0x261: {  	v46 =	vshra.s32 v48, $0xC;
	vm3 =	veq.s32 v61, $0x0;
	v61 =	vshra.s32 v50, $0xC;
	v62 =	vpop (erf)  }
0x262: {  	v51 =	vadd.s32 $0xFFFC0800, v61;
	vm4 =	veq.s32 v63, $0x0;
	v63 =	vadd.f32 $1.000000000e+00, v62  }
0x263: {  	v52 =	vadd.s32 $0xFFFC0800, v46;
	v46 =	vld [tilespmem:s14+$0x1000]  }
0x264: {  	[tilespmem:v59+s20+$0x0] =	vst.idx.add.f32.msk vm2, v1;
	v49 =	vpop (erf);
	(erf) = vrcp.f32 v63  }
0x265: {  	[tilespmem:v59+s21+$0x0] =	vst.idx.add.f32.msk vm2, v42;
	v59 =	vadd.f32 $1.000000000e+00, v49  }
0x266: {  	v60 =	vld [tilespmem:s6+$0x290]  }
0x267: {  	[tilespmem:v51+s20+$0x0] =	vst.idx.add.f32.msk vm3, v1;
	(erf) = vrcp.f32 v59  }
0x268: {  	s19 =	sor.u32 s0, s2;
	v61 =	vpop (erf);
	[tilespmem:v51+s21+$0x0] =	vst.idx.add.f32.msk vm3, v50  }
0x269: {  	s0 =	sor.u32 $0x380, s19;
	v42 =	vadd.f32 $1.000000000e+00, v61;
	[tilespmem:v52+s20+$0x0] =	vst.idx.add.f32.msk vm4, v1  }
0x26a: {  	v62 =	vld [tilespmem:s0+$0x0]  }
0x26b: {  	[tilespmem:v52+s21+$0x0] =	vst.idx.add.f32.msk vm4, v48;
	(erf) = vrcp.f32 v42  }
0x26c: {  	v63 =	vld [tilespmem:s28+$0x200]  }
0x26d: {  	v0 =	vpop (erf)  }
0x26e: {  	v39 =	vsub.f32 $0.0e+00, v60;
	[tilespmem:$0x1FED0] =	vst v0;
	v59 =	vadd.f32 $1.000000000e+00, v0  }
0x26f: {  	vm2 =	veq.s32 v46, $0x0;
	v60 =	vld [tilespmem:s28+$0x1190]  }
0x270: {  	v39 =	vmul.f32 $1.442695020e+00, v39;
	v61 =	vsub.f32 $0.0e+00, v62;
	v0 =	vpop (erf);
	v62 =	vmin.f32 v59, $1.999999880e+00  }
0x271: {  	v43 =	vsub.f32 $0.0e+00, v63;
	v63 =	vadd.f32 $1.000000000e+00, v0;
	v46 =	vshra.s32 v62, $0xC  }
0x272: {  	(erf) = vpow2.f32 v39;
	v39 =	vmul.f32 $1.442695020e+00, v61;
	[tilespmem:$0x1FFC0] =	vst v0;
	v48 =	vadd.s32 $0xFFFC0800, v46  }
0x273: {  	v50 =	vld [tilespmem:s6+$0x1280];
	v51 =	vmin.f32 v63, $1.999999880e+00  }
0x274: {  	(erf) = vpow2.f32 v39;
	v0 =	vpop (erf);
	v59 =	vshra.s32 v51, $0xC;
	vm3 =	veq.s32 v60, $0x0  }
0x275: {  	v43 =	vmul.f32 $1.442695020e+00, v43;
	v39 =	vadd.s32 $0xFFFC0800, v59;
	v60 =	vadd.f32 $1.000000000e+00, v0  }
0x276: {  	[tilespmem:$0x1FF10] =	vst v0  }
0x277: {  	(erf) = vpow2.f32 v43;
	v43 =	vmin.f32 v60, $1.999999880e+00;
	[tilespmem:v48+s20+$0x0] =	vst.idx.add.f32.msk vm2, v1  }
0x278: {  	s7 =	sor.u32 $0x380, s18;
	vm4 =	veq.s32 v50, $0x0;
	v61 =	vshra.s32 v43, $0xC;
	[tilespmem:v48+s21+$0x0] =	vst.idx.add.f32.msk vm2, v62  }
0x279: {  	v62 =	vadd.s32 $0xFFFC0800, v61;
	v48 =	vld [tilespmem:s7+$0x0]  }
0x27a: {  	[tilespmem:v39+s20+$0x0] =	vst.idx.add.f32.msk vm3, v1  }
0x27b: {  	s24 =	sadd.s32 $0x1, s16;
	[tilespmem:v39+s21+$0x0] =	vst.idx.add.f32.msk vm3, v51  }
0x27c: {  	s9 =	sand.u32 $0x3, s24;
	v63 =	vpop (erf);
	v46 =	vld [tilespmem:s28+$0x210]  }
0x27d: {  	s9 =	sshll.u32 s9, $0x5;
	v44 =	vpop (erf);
	v39 =	vadd.f32 $1.000000000e+00, v63  }
0x27e: {  	s9 =	sadd.s32 s9, s15;
	v51 =	vadd.f32 $1.000000000e+00, v44;
	[tilespmem:v62+s20+$0x0] =	vst.idx.add.f32.msk vm4, v1  }
0x27f: {  	s25 =	sor.u32 $0x300, s9;
	(erf) = vrcp.f32 v39;
	[tilespmem:v62+s21+$0x0] =	vst.idx.add.f32.msk vm4, v43  }
0x280: {  	v49 =	vpop (erf);
	(erf) = vrcp.f32 v51;
	v51 =	vsub.f32 $0.0e+00, v48;
	v42 =	vld [tilespmem:s25+$0x0]  }
0x281: {  	v50 =	vadd.f32 $1.000000000e+00, v49;
	v52 =	vsub.f32 $0.0e+00, v46  }
0x282: {  	v39 =	vmul.f32 $1.442695020e+00, v51  }
0x283: {  	(erf) = vrcp.f32 v50;
	v43 =	vmul.f32 $1.442695020e+00, v52  }
0x284: {  	(erf) = vpow2.f32 v39  }
0x285: {  	v53 =	vsub.f32 $0.0e+00, v42;
	(erf) = vpow2.f32 v43;
	_ =	sdelay $0x1  }
0x286: {  	v39 =	vmul.f32 $1.442695020e+00, v53  }
0x287: {  	v59 =	vld [tilespmem:s6+$0x1290]  }
0x288: {  	v0 =	vpop (erf);
	(erf) = vpow2.f32 v39  }
0x289: {  	[tilespmem:$0x1FF50] =	vst v0;
	v60 =	vadd.f32 $1.000000000e+00, v0  }
0x28a: {  	v46 =	vpop (erf);
	v61 =	vld [tilespmem:s28+$0x1200]  }
0x28b: {  	v0 =	vpop (erf);
	v39 =	vmin.f32 v60, $1.999999880e+00  }
0x28c: {  	vm2 =	veq.s32 v59, $0x0;
	v62 =	vadd.f32 $1.000000000e+00, v0;
	v63 =	vshra.s32 v39, $0xC;
	v42 =	vpop (erf)  }
0x28d: {  	v43 =	vadd.s32 $0xFFFC0800, v63;
	v48 =	vadd.f32 $1.000000000e+00, v42;
	v50 =	vpop (erf)  }
0x28e: {  	v51 =	vmin.f32 v62, $1.999999880e+00;
	v53 =	vadd.f32 $1.000000000e+00, v50  }
0x28f: {  	v44 =	vshra.s32 v51, $0xC;
	vm3 =	veq.s32 v61, $0x0;
	(erf) = vrcp.f32 v48  }
0x290: {  	[tilespmem:$0x1FF90] =	vst v0;
	v52 =	vadd.s32 $0xFFFC0800, v44;
	(erf) = vrcp.f32 v53  }
0x291: {  	v62 =	vld [tilespmem:s10+$0x1000];
	v59 =	vpop (erf)  }
0x292: {  	s26 =	sadd.s32 $0x10, s9;
	[tilespmem:v43+s20+$0x0] =	vst.idx.add.f32.msk vm2, v1;
	v60 =	vadd.f32 $1.000000000e+00, v59  }
0x293: {  	s9 =	sor.u32 $0x300, s26;
	[tilespmem:v43+s21+$0x0] =	vst.idx.add.f32.msk vm2, v39  }
0x294: {  	v61 =	vld [tilespmem:s9+$0x0];
	(erf) = vrcp.f32 v60  }
0x295: {  	[tilespmem:v52+s20+$0x0] =	vst.idx.add.f32.msk vm3, v1  }
0x296: {  	[tilespmem:v52+s21+$0x0] =	vst.idx.add.f32.msk vm3, v51  }
0x297: {  	v63 =	vadd.f32 $1.000000000e+00, v56;
	v51 =	vld [tilespmem:s28+$0x280]  }
0x298: {  	v42 =	vld [tilespmem:s28+$0x1210];
	v49 =	vpop (erf)  }
0x299: {  	[tilespmem:v45+s20+$0x0] =	vst.idx.add.f32.msk vm1, v1;
	v53 =	vmin.f32 v63, $1.999999880e+00;
	v39 =	vsub.f32 $0.0e+00, v61;
	v0 =	vpop (erf)  }
0x29a: {  	vm2 =	veq.s32 v62, $0x0;
	v60 =	vshra.s32 v53, $0xC;
	[tilespmem:$0x1FFD0] =	vst v0  }
0x29b: {  	v39 =	vmul.f32 $1.442695020e+00, v39;
	v61 =	vadd.f32 $1.000000000e+00, v0;
	[tilespmem:v45+s21+$0x0] =	vst.idx.add.f32.msk vm1, v23;
	v23 =	vadd.s32 $0xFFFC0800, v60  }
0x29c: {  	v51 =	vsub.f32 $0.0e+00, v51;
	v62 =	vld [tilespmem:s25+$0x1000]  }
0x29d: {  	(erf) = vpow2.f32 v39;
	vm1 =	veq.s32 v42, $0x0;
	[tilespmem:v47+s20+$0x0] =	vst.idx.add.f32.msk vm0, v1;
	v39 =	vmin.f32 v61, $1.999999880e+00;
	v50 =	vpop (erf)  }
0x29e: {  	v63 =	vmul.f32 $1.442695020e+00, v51;
	v51 =	vld [tilespmem:s1+$0x1000];
	v48 =	vshra.s32 v39, $0xC;
	v59 =	vadd.f32 $1.000000000e+00, v50  }
0x29f: {  	[tilespmem:v47+s21+$0x0] =	vst.idx.add.f32.msk vm0, v40;
	v60 =	vadd.s32 $0xFFFC0800, v48  }
0x2a0: {  	v61 =	vadd.f32 $1.000000000e+00, v57;
	(erf) = vpow2.f32 v63;
	v45 =	vmin.f32 v59, $1.999999880e+00;
	[tilespmem:v23+s20+$0x0] =	vst.idx.add.f32.msk vm2, v1  }
0x2a1: {  	vm0 =	veq.s32 v62, $0x0;
	v62 =	vld [tilespmem:s3+$0x1000];
	v63 =	vshra.s32 v45, $0xC  }
0x2a2: {  	[tilespmem:v23+s21+$0x0] =	vst.idx.add.f32.msk vm2, v53;
	v23 =	vmin.f32 v61, $1.999999880e+00;
	v47 =	vadd.s32 $0xFFFC0800, v63  }
0x2a3: {  	vm2 =	veq.s32 v51, $0x0;
	v53 =	vld [tilespmem:s4+$0x1000];
	v42 =	vshra.s32 v23, $0xC  }
0x2a4: {  	v51 =	vadd.s32 $0xFFFC0800, v42;
	[tilespmem:v60+s20+$0x0] =	vst.idx.add.f32.msk vm1, v1  }
0x2a5: {  	[tilespmem:v60+s21+$0x0] =	vst.idx.add.f32.msk vm1, v39  }
0x2a6: {  	v63 =	vld [tilespmem:s28+$0x290]  }
0x2a7: {  	vm1 =	veq.s32 v62, $0x0;
	v62 =	vpop (erf);
	[tilespmem:v47+s20+$0x0] =	vst.idx.add.f32.msk vm0, v1  }
0x2a8: {  	v44 =	vmov v56;
	s3 =	sor.u32 s15, s5;
	v60 =	vadd.f32 $1.000000000e+00, v55;
	v56 =	vadd.f32 $1.000000000e+00, v62;
	[tilespmem:v47+s21+$0x0] =	vst.idx.add.f32.msk vm0, v45  }
0x2a9: {  	v48 =	vmov v57;
	s1 =	sor.u32 $0x380, s3;
	v57 =	vpop (erf);
	[tilespmem:v51+s20+$0x0] =	vst.idx.add.f32.msk vm2, v1  }
0x2aa: {  	v40 =	vmin.f32 v60, $1.999999880e+00;
	v47 =	vadd.f32 $1.000000000e+00, v57;
	(erf) = vrcp.f32 v56;
	v60 =	vld [tilespmem:s1+$0x0]  }
0x2ab: {  	v43 =	vadd.f32 $1.000000000e+00, v54;
	[tilespmem:v51+s21+$0x0] =	vst.idx.add.f32.msk vm2, v23;
	v23 =	vsub.f32 $0.0e+00, v63  }
0x2ac: {  	(erf) = vrcp.f32 v47  }
0x2ad: {  	v39 =	vmin.f32 v43, $1.999999880e+00;
	v23 =	vmul.f32 $1.442695020e+00, v23  }
0x2ae: {  	v61 =	vshra.s32 v39, $0xC  }
0x2af: {  	v52 =	vadd.s32 $0xFFFC0800, v61;
	(erf) = vpow2.f32 v23  }
0x2b0: {  	vm0 =	veq.s32 v53, $0x0;
	v53 =	vshra.s32 v40, $0xC;
	v23 =	vsub.f32 $0.0e+00, v60  }
0x2b1: {  	v45 =	vadd.s32 $0xFFFC0800, v53  }
0x2b2: {  	v61 =	vld [tilespmem:s9+$0x1000];
	v23 =	vmul.f32 $1.442695020e+00, v23  }
0x2b3: {  	v57 =	vpop (erf)  }
0x2b4: {  	v62 =	vld [tilespmem:s28+$0x1280];
	(erf) = vpow2.f32 v23;
	v23 =	vadd.f32 $1.000000000e+00, v57  }
0x2b5: {  	[tilespmem:v52+s20+$0x0] =	vst.idx.add.f32.msk vm1, v1;
	v59 =	vpop (erf)  }
0x2b6: {  	[tilespmem:v45+s20+$0x0] =	vst.idx.add.f32.msk vm0, v1;
	v63 =	vadd.f32 $1.000000000e+00, v59;
	v23 =	vmin.f32 v23, $1.999999880e+00  }
0x2b7: {  	[tilespmem:v45+s21+$0x0] =	vst.idx.add.f32.msk vm0, v40;
	vm0 =	veq.s32 v61, $0x0;
	v42 =	vshra.s32 v23, $0xC  }
0x2b8: {  	[tilespmem:v52+s21+$0x0] =	vst.idx.add.f32.msk vm1, v39;
	v51 =	vmin.f32 v63, $1.999999880e+00;
	v39 =	vadd.s32 $0xFFFC0800, v42;
	v43 =	vpop (erf)  }
0x2b9: {  	vm1 =	veq.s32 v62, $0x0;
	v56 =	vshra.s32 v51, $0xC;
	v47 =	vadd.f32 $1.000000000e+00, v43  }
0x2ba: {  	v52 =	vadd.s32 $0xFFFC0800, v56  }
0x2bb: {  	v53 =	vld [tilespmem:s7+$0x1000];
	(erf) = vrcp.f32 v47  }
0x2bc: {  	v45 =	vld [tilespmem:s0+$0x1000]  }
0x2bd: {  	s4 =	sadd.s32 $0x1, s24;
	[tilespmem:v39+s20+$0x0] =	vst.idx.add.f32.msk vm0, v1  }
0x2be: {  	s0 =	sand.u32 $0x3, s4;
	[tilespmem:v39+s21+$0x0] =	vst.idx.add.f32.msk vm0, v23  }
0x2bf: {  	s5 =	sshll.u32 s0, $0x5;
	[tilespmem:v52+s20+$0x0] =	vst.idx.add.f32.msk vm1, v1  }
0x2c0: {  	s7 =	sor.u32 $0x380, s26;
	s2 =	sadd.s32 s5, s8;
	[tilespmem:v52+s21+$0x0] =	vst.idx.add.f32.msk vm1, v51  }
0x2c1: {  	s9 =	sor.u32 $0x300, s2;
	v23 =	vld [tilespmem:s7+$0x0]  }
0x2c2: {  	v60 =	vld [tilespmem:s9+$0x0]  }
0x2c3: {  	v62 =	vld [tilespmem:s28+$0x1290];
	v61 =	vpop (erf)  }
0x2c4: {  	v0 =	vpop (erf)  }
0x2c5: {  	v63 =	vadd.f32 $1.000000000e+00, v0  }
0x2c6: {  	v23 =	vsub.f32 $0.0e+00, v23  }
0x2c7: {  	v40 =	vadd.f32 $1.000000000e+00, v61;
	v39 =	vsub.f32 $0.0e+00, v60;
	v52 =	vmin.f32 v63, $1.999999880e+00  }
0x2c8: {  	vm0 =	veq.s32 v62, $0x0;
	v23 =	vmul.f32 $1.442695020e+00, v23;
	v47 =	vshra.s32 v52, $0xC  }
0x2c9: {  	(erf) = vrcp.f32 v40;
	v39 =	vmul.f32 $1.442695020e+00, v39;
	v51 =	vadd.s32 $0xFFFC0800, v47  }
0x2ca: {  	(erf) = vpow2.f32 v23  }
0x2cb: {  	(erf) = vpow2.f32 v39;
	_ =	sdelay $0x1  }
0x2cc: {  	[tilespmem:$0x1FFE0] =	vst v0  }
0x2cd: {  	s2 =	sadd.s32 $0x10, s2;
	[tilespmem:v51+s20+$0x0] =	vst.idx.add.f32.msk vm0, v1  }
0x2ce: {  	s10 =	sor.u32 $0x300, s2;
	[tilespmem:v51+s21+$0x0] =	vst.idx.add.f32.msk vm0, v52  }
0x2cf: {  	v23 =	vld [tilespmem:s10+$0x0];
	_ =	sdelay $0x1  }
0x2d0: {  	v43 =	vpop (erf)  }
0x2d1: {  	v52 =	vpop (erf)  }
0x2d2: {  	v40 =	vadd.f32 $1.000000000e+00, v52;
	v56 =	vpop (erf)  }
0x2d3: {  	v51 =	vadd.f32 $1.000000000e+00, v56;
	v23 =	vsub.f32 $0.0e+00, v23  }
0x2d4: {  	(erf) = vrcp.f32 v40  }
0x2d5: {  	(erf) = vrcp.f32 v51;
	v23 =	vmul.f32 $1.442695020e+00, v23;
	_ =	sdelay $0x1  }
0x2d6: {  	(erf) = vpow2.f32 v23;
	_ =	sdelay $0x5  }
0x2d7: {  	v23 =	vld [tilespmem:s9+$0x1000];
	v47 =	vpop (erf)  }
0x2d8: {  	v52 =	vpop (erf)  }
0x2d9: {  	v60 =	vadd.f32 $1.000000000e+00, v52  }
0x2da: {  	v61 =	vpop (erf)  }
0x2db: {  	v51 =	vmin.f32 v60, $1.999999880e+00;
	v56 =	vadd.f32 $1.000000000e+00, v61  }
0x2dc: {  	vm0 =	veq.s32 v23, $0x0;
	v23 =	vshra.s32 v51, $0xC  }
0x2dd: {  	v23 =	vadd.s32 $0xFFFC0800, v23;
	(erf) = vrcp.f32 v56;
	_ =	sdelay $0x4  }
0x2de: {  	s12 =	sor.u32 s8, s11;
	[tilespmem:v23+s20+$0x0] =	vst.idx.add.f32.msk vm0, v1  }
0x2df: {  	s3 =	sor.u32 $0x380, s12;
	[tilespmem:v23+s21+$0x0] =	vst.idx.add.f32.msk vm0, v51  }
0x2e0: {  	v23 =	vld [tilespmem:s3+$0x0]  }
0x2e1: {  	v62 =	vld [tilespmem:s10+$0x1000]  }
0x2e2: {  	v0 =	vpop (erf)  }
0x2e3: {  	v63 =	vadd.f32 $1.000000000e+00, v0;
	_ =	sdelay $0x1  }
0x2e4: {  	v56 =	vmin.f32 v63, $1.999999880e+00  }
0x2e5: {  	vm0 =	veq.s32 v62, $0x0;
	v23 =	vsub.f32 $0.0e+00, v23;
	v39 =	vshra.s32 v56, $0xC  }
0x2e6: {  	v51 =	vadd.s32 $0xFFFC0800, v39  }
0x2e7: {  	v23 =	vmul.f32 $1.442695020e+00, v23;
	_ =	sdelay $0x1  }
0x2e8: {  	(erf) = vpow2.f32 v23  }
0x2e9: {  	[tilespmem:$0x1FFF0] =	vst v0  }
0x2ea: {  	[tilespmem:v51+s20+$0x0] =	vst.idx.add.f32.msk vm0, v1  }
0x2eb: {  	s2 =	sor.u32 $0x380, s2;
	[tilespmem:v51+s21+$0x0] =	vst.idx.add.f32.msk vm0, v56  }
0x2ec: {  	v23 =	vld [tilespmem:s2+$0x0];
	_ =	sdelay $0x4  }
0x2ed: {  	v40 =	vpop (erf);
	v23 =	vsub.f32 $0.0e+00, v23  }
0x2ee: {  	v51 =	vadd.f32 $1.000000000e+00, v40  }
0x2ef: {  	v23 =	vmul.f32 $1.442695020e+00, v23  }
0x2f0: {  	(erf) = vrcp.f32 v51  }
0x2f1: {  	(erf) = vpow2.f32 v23;
	_ =	sdelay $0x7  }
0x2f2: {  	v51 =	vpop (erf)  }
0x2f3: {  	v23 =	vpop (erf)  }
0x2f4: {  	v23 =	vadd.f32 $1.000000000e+00, v23;
	_ =	sdelay $0x1  }
0x2f5: {  	v61 =	vld [tilespmem:s1+$0x1000];
	(erf) = vrcp.f32 v23;
	v23 =	vadd.f32 $1.000000000e+00, v46;
	_ =	sdelay $0x1  }
0x2f6: {  	v42 =	vadd.f32 $1.000000000e+00, v49;
	v0 =	vadd.f32 $1.000000000e+00, v43;
	v23 =	vmin.f32 v23, $1.999999880e+00  }
0x2f7: {  	vm1 =	veq.s32 v53, $0x0;
	vm0 =	veq.s32 v45, $0x0;
	v39 =	vshra.s32 v23, $0xC  }
0x2f8: {  	v0 =	vmin.f32 v0, $1.999999880e+00;
	v56 =	vmin.f32 v42, $1.999999880e+00;
	v45 =	vadd.s32 $0xFFFC0800, v39;
	v39 =	vld [tilespmem:s7+$0x1000]  }
0x2f9: {  	vm2 =	veq.s32 v61, $0x0;
	v42 =	vshra.s32 v0, $0xC;
	v40 =	vshra.s32 v56, $0xC  }
0x2fa: {  	v60 =	vadd.f32 $1.000000000e+00, v47;
	v61 =	vadd.s32 $0xFFFC0800, v42;
	v53 =	vadd.s32 $0xFFFC0800, v40;
	v40 =	vld [tilespmem:s3+$0x1000];
	_ =	sdelay $0x1  }
0x2fb: {  	v60 =	vmin.f32 v60, $1.999999880e+00;
	v42 =	vld [tilespmem:s2+$0x1000];
	v62 =	vadd.f32 $1.000000000e+00, v51  }
0x2fc: {  	vm3 =	veq.s32 v39, $0x0;
	[tilespmem:v45+s20+$0x0] =	vst.idx.add.f32.msk vm0, v1;
	v39 =	vshra.s32 v60, $0xC;
	v63 =	vpop (erf)  }
0x2fd: {  	[tilespmem:v45+s21+$0x0] =	vst.idx.add.f32.msk vm0, v23;
	v23 =	vadd.s32 $0xFFFC0800, v39;
	v39 =	vmin.f32 v62, $1.999999880e+00;
	v45 =	vadd.f32 $1.000000000e+00, v63  }
0x2fe: {  	[tilespmem:v61+s20+$0x0] =	vst.idx.add.f32.msk vm2, v1;
	vm0 =	veq.s32 v40, $0x0;
	v62 =	vshra.s32 v39, $0xC  }
0x2ff: {  	[tilespmem:v53+s20+$0x0] =	vst.idx.add.f32.msk vm1, v1;
	v40 =	vadd.s32 $0xFFFC0800, v62;
	v45 =	vmin.f32 v45, $1.999999880e+00  }
0x300: {  	[tilespmem:v53+s21+$0x0] =	vst.idx.add.f32.msk vm1, v56;
	vm1 =	veq.s32 v42, $0x0;
	v56 =	vshra.s32 v45, $0xC  }
0x301: {  	[tilespmem:v61+s21+$0x0] =	vst.idx.add.f32.msk vm2, v0;
	v0 =	vadd.s32 $0xFFFC0800, v56  }
0x302: {  	[tilespmem:v23+s20+$0x0] =	vst.idx.add.f32.msk vm3, v1  }
0x303: {  	[tilespmem:v23+s21+$0x0] =	vst.idx.add.f32.msk vm3, v60  }
0x304: {  	[tilespmem:v40+s20+$0x0] =	vst.idx.add.f32.msk vm0, v1  }
0x305: {  	[tilespmem:v40+s21+$0x0] =	vst.idx.add.f32.msk vm0, v39  }
0x306: {  	[tilespmem:v0+s20+$0x0] =	vst.idx.add.f32.msk vm1, v1  }
0x307: {  	p0 =	seq.s32 s31, $0xF;
	s2 =	sshll.u32 s31, $0xA;
	s0 =	rddreg [dreg:$0x8]  }
0x308: {  	s1 =	rddreg [dreg:$0x0];
	s0 =	sadd.s32 @!p0 s2, s0  }
0x309: {  	s3 =	simm.s32 @!p0 $0x0;
	[tilespmem:v0+s21+$0x0] =	vst.idx.add.f32.msk vm1, v45;
	s1 =	sadd.s32 @!p0 s1, s0  }
0x30a: {  	[tilespmem:s3], [sflag:$0x1] =	stream.linear.gather @!p0 [hbm4b:s1+s3], $0x1000, $0x38;
	[tilespmem:$0x5080] =	vst v63  }
0x30b: {  	s1 =	rddreg [dreg:$0x1]  }
0x30c: {  	s0 =	sadd.s32 @!p0 s1, s0;
	s1 =	simm.s32 @!p0 $0x1000  }
0x30d: {  	[tilespmem:s1], [sflag:$0x2] =	stream.linear.gather @!p0 [hbm4b:s0+s3], $0x1000, $0x38;
	[tilespmem:$0x5080] =	vst v63  }
0x30e: {  	_ =	swait.ge [sflag:s22], $0x1000  }
0x30f: {  	[sflag:s22] =	ssyncset.done $0x0  }
0x310: {  	[sflag:s22] =	ssyncadd.s32 $0xFFFFF000  }
0x311: {  	s11 =	simm.s32 $0x0;
	_ =	swait.ge [sflag:s23], $0x1000  }
0x312: {  	s13 =	sand.u32 $0x60, s11;
	s14 =	sand.u32 $0xC00, s11;
	[sflag:s23] =	ssyncset.done $0x0  }
0x313: {  	s10 =	sor.u32 s13, s14;
	[sflag:s23] =	ssyncadd.s32 $0xFFFFF000  }
0x314: {  	v0 =	vld [tilespmem:s10+$0x2000];
	_ =	sdelay $0x4  }
0x315: {  	v0 =	vsub.f32 $0.0e+00, v0;
	_ =	sdelay $0x1  }
0x316: {  	v0 =	vmul.f32 $1.442695020e+00, v0;
	_ =	sdelay $0x1  }
0x317: {  	(erf) = vpow2.f32 v0;
	_ =	sdelay $0x8  }
0x318: {  	v23 =	vpop (erf)  }
0x319: {  	v0 =	vld [tilespmem:s10+$0x2010];
	v23 =	vadd.f32 $1.000000000e+00, v23;
	_ =	sdelay $0x1  }
0x31a: {  	(erf) = vrcp.f32 v23;
	_ =	sdelay $0x2  }
0x31b: {  	v0 =	vsub.f32 $0.0e+00, v0;
	_ =	sdelay $0x1  }
0x31c: {  	v0 =	vmul.f32 $1.442695020e+00, v0;
	_ =	sdelay $0x1  }
0x31d: {  	(erf) = vpow2.f32 v0  }
0x31e: {  	v0 =	vld [tilespmem:s10+$0x3000]  }
0x31f: {  	v56 =	vpop (erf)  }
0x320: {  	v23 =	vadd.f32 $1.000000000e+00, v56;
	_ =	sdelay $0x1  }
0x321: {  	v23 =	vmin.f32 v23, $1.999999880e+00  }
0x322: {  	vm0 =	veq.s32 v0, $0x0;
	v0 =	vshra.s32 v23, $0xC  }
0x323: {  	v0 =	vadd.s32 $0xFFFC0800, v0;
	_ =	sdelay $0x1  }
0x324: {  	v60 =	vpop (erf)  }
0x325: {  	v39 =	vadd.f32 $1.000000000e+00, v60;
	_ =	sdelay $0x1  }
0x326: {  	(erf) = vrcp.f32 v39;
	[tilespmem:v0+s20+$0x0] =	vst.idx.add.f32.msk vm0, v1  }
0x327: {  	[tilespmem:v0+s21+$0x0] =	vst.idx.add.f32.msk vm0, v23  }
0x328: {  	v0 =	vld [tilespmem:s10+$0x2080];
	_ =	sdelay $0x4  }
0x329: {  	v0 =	vsub.f32 $0.0e+00, v0  }
0x32a: {  	v23 =	vld [tilespmem:s10+$0x3010]  }
0x32b: {  	v62 =	vpop (erf);
	v0 =	vmul.f32 $1.442695020e+00, v0  }
0x32c: {  	v61 =	vadd.f32 $1.000000000e+00, v62  }
0x32d: {  	(erf) = vpow2.f32 v0  }
0x32e: {  	v0 =	vmin.f32 v61, $1.999999880e+00  }
0x32f: {  	s29 =	simm.s32 $0x20;
	s26 =	simm.s32 $0x100;
	vm0 =	veq.s32 v23, $0x0;
	v23 =	vshra.s32 v0, $0xC  }
0x330: {  	s15 =	sand.u32 $0x60, s29;
	s16 =	sand.u32 $0xC00, s26;
	v23 =	vadd.s32 $0xFFFC0800, v23  }
0x331: {  	s17 =	sor.u32 s15, s16  }
0x332: {  	v42 =	vld [tilespmem:s17+$0x2000];
	_ =	sdelay $0x2  }
0x333: {  	[tilespmem:v23+s20+$0x0] =	vst.idx.add.f32.msk vm0, v1  }
0x334: {  	[tilespmem:v23+s21+$0x0] =	vst.idx.add.f32.msk vm0, v0;
	v0 =	vpop (erf)  }
0x335: {  	v39 =	vsub.f32 $0.0e+00, v42;
	v23 =	vld [tilespmem:s10+$0x2090];
	v0 =	vadd.f32 $1.000000000e+00, v0;
	_ =	sdelay $0x1  }
0x336: {  	(erf) = vrcp.f32 v0;
	v0 =	vmul.f32 $1.442695020e+00, v39;
	_ =	sdelay $0x1  }
0x337: {  	(erf) = vpow2.f32 v0  }
0x338: {  	v23 =	vsub.f32 $0.0e+00, v23;
	_ =	sdelay $0x1  }
0x339: {  	v0 =	vmul.f32 $1.442695020e+00, v23;
	_ =	sdelay $0x1  }
0x33a: {  	(erf) = vpow2.f32 v0  }
0x33b: {  	v0 =	vld [tilespmem:s10+$0x3080]  }
0x33c: {  	v23 =	vld [tilespmem:s17+$0x2010]  }
0x33d: {  	v53 =	vpop (erf)  }
0x33e: {  	v45 =	vadd.f32 $1.000000000e+00, v53;
	v60 =	vpop (erf)  }
0x33f: {  	v39 =	vadd.f32 $1.000000000e+00, v60  }
0x340: {  	vm0 =	veq.s32 v0, $0x0;
	v0 =	vmin.f32 v45, $1.999999880e+00  }
0x341: {  	v23 =	vsub.f32 $0.0e+00, v23;
	v61 =	vshra.s32 v0, $0xC;
	(erf) = vrcp.f32 v39  }
0x342: {  	v40 =	vadd.s32 $0xFFFC0800, v61  }
0x343: {  	v23 =	vmul.f32 $1.442695020e+00, v23;
	v45 =	vpop (erf)  }
0x344: {  	v39 =	vadd.f32 $1.000000000e+00, v45  }
0x345: {  	(erf) = vpow2.f32 v23  }
0x346: {  	(erf) = vrcp.f32 v39  }
0x347: {  	[tilespmem:v40+s20+$0x0] =	vst.idx.add.f32.msk vm0, v1  }
0x348: {  	[tilespmem:v40+s21+$0x0] =	vst.idx.add.f32.msk vm0, v0  }
0x349: {  	v0 =	vld [tilespmem:s10+$0x2100]  }
0x34a: {  	v60 =	vld [tilespmem:s17+$0x3000];
	v23 =	vpop (erf)  }
0x34b: {  	v61 =	vadd.f32 $1.000000000e+00, v23;
	_ =	sdelay $0x2  }
0x34c: {  	v42 =	vld [tilespmem:s10+$0x3090];
	v45 =	vpop (erf);
	v0 =	vsub.f32 $0.0e+00, v0;
	v39 =	vmin.f32 v61, $1.999999880e+00  }
0x34d: {  	vm0 =	veq.s32 v60, $0x0;
	v40 =	vshra.s32 v39, $0xC;
	v61 =	vpop (erf)  }
0x34e: {  	v0 =	vmul.f32 $1.442695020e+00, v0;
	v40 =	vadd.s32 $0xFFFC0800, v40;
	v60 =	vadd.f32 $1.000000000e+00, v61;
	_ =	sdelay $0x1  }
0x34f: {  	(erf) = vpow2.f32 v0;
	v0 =	vmin.f32 v60, $1.999999880e+00  }
0x350: {  	vm1 =	veq.s32 v42, $0x0;
	v60 =	vshra.s32 v0, $0xC  }
0x351: {  	v42 =	vadd.s32 $0xFFFC0800, v60  }
0x352: {  	[tilespmem:v40+s20+$0x0] =	vst.idx.add.f32.msk vm0, v1  }
0x353: {  	[tilespmem:v40+s21+$0x0] =	vst.idx.add.f32.msk vm0, v39  }
0x354: {  	v39 =	vld [tilespmem:s17+$0x2080]  }
0x355: {  	v45 =	vadd.f32 $1.000000000e+00, v45  }
0x356: {  	[tilespmem:v42+s20+$0x0] =	vst.idx.add.f32.msk vm1, v1  }
0x357: {  	(erf) = vrcp.f32 v45;
	[tilespmem:v42+s21+$0x0] =	vst.idx.add.f32.msk vm1, v0  }
0x358: {  	v0 =	vpop (erf);
	v60 =	vld [tilespmem:s10+$0x2110]  }
0x359: {  	v0 =	vadd.f32 $1.000000000e+00, v0;
	v39 =	vsub.f32 $0.0e+00, v39;
	_ =	sdelay $0x1  }
0x35a: {  	(erf) = vrcp.f32 v0;
	v0 =	vmul.f32 $1.442695020e+00, v39;
	_ =	sdelay $0x1  }
0x35b: {  	(erf) = vpow2.f32 v0;
	v45 =	vsub.f32 $0.0e+00, v60;
	_ =	sdelay $0x1  }
0x35c: {  	v2 =	vadd.f32 v2, v29;
	v39 =	vld [tilespmem:s17+$0x3010];
	v0 =	vmul.f32 $1.442695020e+00, v45  }
0x35d: {  	s28 =	simm.s32 $0x200;
	s5 =	simm.s32 $0x40;
	v29 =	vpop (erf)  }
0x35e: {  	s19 =	sand.u32 $0xC00, s28;
	s18 =	sand.u32 $0x60, s5;
	(erf) = vpow2.f32 v0;
	v0 =	vadd.f32 v5, v2;
	v5 =	vadd.f32 $1.000000000e+00, v29  }
0x35f: {  	s8 =	sor.u32 s18, s19;
	v2 =	vld [tilespmem:s10+$0x3100]  }
0x360: {  	v60 =	vld [tilespmem:s8+$0x2000];
	v5 =	vmin.f32 v5, $1.999999880e+00  }
0x361: {  	vm0 =	veq.s32 v39, $0x0;
	v0 =	vadd.f32 v13, v0;
	v45 =	vpop (erf);
	v13 =	vshra.s32 v5, $0xC  }
0x362: {  	v42 =	vadd.f32 $1.000000000e+00, v45;
	v13 =	vadd.s32 $0xFFFC0800, v13  }
0x363: {  	v0 =	vadd.f32 v18, v0;
	v18 =	vpop (erf)  }
0x364: {  	vm1 =	veq.s32 v2, $0x0;
	v2 =	vmin.f32 v42, $1.999999880e+00;
	v18 =	vadd.f32 $1.000000000e+00, v18  }
0x365: {  	v39 =	vsub.f32 $0.0e+00, v60;
	v60 =	vshra.s32 v2, $0xC  }
0x366: {  	v0 =	vadd.f32 v30, v0;
	v30 =	vadd.s32 $0xFFFC0800, v60;
	(erf) = vrcp.f32 v18  }
0x367: {  	[tilespmem:v13+s20+$0x0] =	vst.idx.add.f32.msk vm0, v1  }
0x368: {  	v18 =	vmul.f32 $1.442695020e+00, v39;
	v0 =	vadd.f32 v34, v0;
	v60 =	vpop (erf);
	[tilespmem:v13+s21+$0x0] =	vst.idx.add.f32.msk vm0, v5  }
0x369: {  	v39 =	vadd.f32 $1.000000000e+00, v60;
	v5 =	vld [tilespmem:s17+$0x2090]  }
0x36a: {  	(erf) = vpow2.f32 v18;
	v0 =	vadd.f32 v41, v0  }
0x36b: {  	s0 =	sor.u32 s14, s11;
	(erf) = vrcp.f32 v39;
	[tilespmem:v30+s20+$0x0] =	vst.idx.add.f32.msk vm1, v1  }
0x36c: {  	s0 =	sor.u32 $0x180, s0;
	v0 =	vadd.f32 v44, v0;
	[tilespmem:v30+s21+$0x0] =	vst.idx.add.f32.msk vm1, v2  }
0x36d: {  	v2 =	vld [tilespmem:s0+$0x2000]  }
0x36e: {  	v0 =	vadd.f32 v9, v0;
	v9 =	vld [tilespmem:s17+$0x3080];
	v13 =	vsub.f32 $0.0e+00, v5  }
0x36f: {  	v5 =	vpop (erf)  }
0x370: {  	v0 =	vadd.f32 v8, v0;
	v18 =	vadd.f32 $1.000000000e+00, v5;
	v8 =	vmul.f32 $1.442695020e+00, v13;
	_ =	sdelay $0x1  }
0x371: {  	v13 =	vld [tilespmem:s8+$0x2010];
	v0 =	vadd.f32 v15, v0;
	(erf) = vpow2.f32 v8;
	v8 =	vmin.f32 v18, $1.999999880e+00  }
0x372: {  	v40 =	vld [tilespmem:s10+$0x3110];
	v15 =	vpop (erf);
	v2 =	vsub.f32 $0.0e+00, v2;
	vm0 =	veq.s32 v9, $0x0;
	v9 =	vshra.s32 v8, $0xC  }
0x373: {  	v30 =	vpop (erf);
	v9 =	vadd.s32 $0xFFFC0800, v9  }
0x374: {  	v2 =	vmul.f32 $1.442695020e+00, v2;
	v18 =	vadd.f32 $1.000000000e+00, v30;
	_ =	sdelay $0x1  }
0x375: {  	(erf) = vpow2.f32 v2;
	v13 =	vsub.f32 $0.0e+00, v13;
	v2 =	vmin.f32 v18, $1.999999880e+00  }
0x376: {  	vm1 =	veq.s32 v40, $0x0;
	v15 =	vadd.f32 $1.000000000e+00, v15;
	v18 =	vshra.s32 v2, $0xC  }
0x377: {  	v13 =	vmul.f32 $1.442695020e+00, v13;
	v18 =	vadd.s32 $0xFFFC0800, v18;
	[tilespmem:v9+s20+$0x0] =	vst.idx.add.f32.msk vm0, v1  }
0x378: {  	v0 =	vadd.f32 v21, v0;
	(erf) = vrcp.f32 v15;
	[tilespmem:v9+s21+$0x0] =	vst.idx.add.f32.msk vm0, v8  }
0x379: {  	(erf) = vpow2.f32 v13;
	v13 =	vld [tilespmem:$0x1FE30]  }
0x37a: {  	v0 =	vadd.f32 v33, v0  }
0x37b: {  	v8 =	vpop (erf);
	v9 =	vld [tilespmem:s17+$0x2100]  }
0x37c: {  	v0 =	vadd.f32 v35, v0;
	v8 =	vadd.f32 $1.000000000e+00, v8;
	[tilespmem:v18+s20+$0x0] =	vst.idx.add.f32.msk vm1, v1  }
0x37d: {  	[tilespmem:v18+s21+$0x0] =	vst.idx.add.f32.msk vm1, v2  }
0x37e: {  	(erf) = vrcp.f32 v8;
	v8 =	vld [tilespmem:s10+$0x2190];
	v0 =	vadd.f32 v13, v0  }
0x37f: {  	v2 =	vpop (erf)  }
0x380: {  	v2 =	vadd.f32 $1.000000000e+00, v2;
	v0 =	vadd.f32 v48, v0;
	_ =	sdelay $0x1  }
0x381: {  	v0 =	vadd.f32 v4, v0;
	v4 =	vsub.f32 $0.0e+00, v9  }
0x382: {  	v8 =	vsub.f32 $0.0e+00, v8  }
0x383: {  	(erf) = vrcp.f32 v2;
	v2 =	vpop (erf);
	v0 =	vadd.f32 v11, v0;
	v4 =	vmul.f32 $1.442695020e+00, v4  }
0x384: {  	v9 =	vpop (erf);
	v8 =	vmul.f32 $1.442695020e+00, v8  }
0x385: {  	v0 =	vadd.f32 v17, v0;
	(erf) = vpow2.f32 v4;
	v4 =	vadd.f32 $1.000000000e+00, v9  }
0x386: {  	v17 =	vld [tilespmem:$0x1FE40]  }
0x387: {  	v0 =	vadd.f32 v27, v0;
	(erf) = vrcp.f32 v4;
	v4 =	vadd.f32 $1.000000000e+00, v2  }
0x388: {  	(erf) = vpow2.f32 v8;
	v8 =	vpop (erf)  }
0x389: {  	v0 =	vadd.f32 v37, v0;
	v13 =	vmin.f32 v4, $1.999999880e+00;
	v4 =	vadd.f32 $1.000000000e+00, v8  }
0x38a: {  	v9 =	vld [tilespmem:s8+$0x3000]  }
0x38b: {  	v11 =	vld [tilespmem:s17+$0x3090];
	v0 =	vadd.f32 v17, v0;
	v17 =	vmin.f32 v4, $1.999999880e+00  }
0x38c: {  	v4 =	vshra.s32 v17, $0xC  }
0x38d: {  	v18 =	vadd.s32 $0xFFFC0800, v4;
	v4 =	vld [tilespmem:$0x1FE50]  }
0x38e: {  	v15 =	vld [tilespmem:s0+$0x3000]  }
0x38f: {  	v27 =	vpop (erf);
	vm0 =	veq.s32 v9, $0x0;
	v9 =	vshra.s32 v13, $0xC  }
0x390: {  	vm1 =	veq.s32 v11, $0x0;
	v11 =	vadd.f32 $1.000000000e+00, v27;
	v9 =	vadd.s32 $0xFFFC0800, v9;
	_ =	sdelay $0x1  }
0x391: {  	v11 =	vmin.f32 v11, $1.999999880e+00;
	v0 =	vadd.f32 v4, v0;
	v4 =	vpop (erf)  }
0x392: {  	vm2 =	veq.s32 v15, $0x0;
	v15 =	vadd.f32 $1.000000000e+00, v4;
	v4 =	vshra.s32 v11, $0xC;
	_ =	sdelay $0x1  }
0x393: {  	[tilespmem:v9+s20+$0x0] =	vst.idx.add.f32.msk vm0, v1;
	v0 =	vadd.f32 v54, v0  }
0x394: {  	[tilespmem:v9+s21+$0x0] =	vst.idx.add.f32.msk vm0, v13;
	v21 =	vadd.s32 $0xFFFC0800, v4;
	v4 =	vpop (erf)  }
0x395: {  	v0 =	vadd.f32 v3, v0;
	v3 =	vld [tilespmem:s8+$0x2080];
	v9 =	vpop (erf)  }
0x396: {  	v9 =	vadd.f32 $1.000000000e+00, v9  }
0x397: {  	(erf) = vrcp.f32 v15  }
0x398: {  	(erf) = vrcp.f32 v9;
	v9 =	vld [tilespmem:s8+$0x3010]  }
0x399: {  	[tilespmem:v18+s20+$0x0] =	vst.idx.add.f32.msk vm1, v1;
	v0 =	vadd.f32 v10, v0  }
0x39a: {  	[tilespmem:v18+s21+$0x0] =	vst.idx.add.f32.msk vm1, v17;
	v10 =	vadd.f32 $1.000000000e+00, v4;
	v3 =	vsub.f32 $0.0e+00, v3  }
0x39b: {  	[tilespmem:v21+s20+$0x0] =	vst.idx.add.f32.msk vm2, v1  }
0x39c: {  	[tilespmem:v21+s21+$0x0] =	vst.idx.add.f32.msk vm2, v11;
	v11 =	vmin.f32 v10, $1.999999880e+00;
	v3 =	vmul.f32 $1.442695020e+00, v3  }
0x39d: {  	v13 =	vld [tilespmem:s17+$0x2110];
	vm0 =	veq.s32 v9, $0x0;
	v9 =	vshra.s32 v11, $0xC  }
0x39e: {  	(erf) = vpow2.f32 v3;
	v3 =	vadd.s32 $0xFFFC0800, v9  }
0x39f: {  	v15 =	vld [tilespmem:s17+$0x3100]  }
0x3a0: {  	v17 =	vld [tilespmem:s10+$0x2200]  }
0x3a1: {  	v0 =	vadd.f32 v22, v0;
	v22 =	vld [tilespmem:$0x1FE60]  }
0x3a2: {  	v9 =	vsub.f32 $0.0e+00, v13;
	v13 =	vld [tilespmem:s10+$0x3190]  }
0x3a3: {  	v10 =	vpop (erf);
	[tilespmem:v3+s20+$0x0] =	vst.idx.add.f32.msk vm0, v1  }
0x3a4: {  	v0 =	vadd.f32 v32, v0;
	v18 =	vadd.f32 $1.000000000e+00, v10;
	[tilespmem:v3+s21+$0x0] =	vst.idx.add.f32.msk vm0, v11  }
0x3a5: {  	vm1 =	veq.s32 v15, $0x0;
	v9 =	vmul.f32 $1.442695020e+00, v9;
	v34 =	vpop (erf);
	v3 =	vld [tilespmem:$0x1FE70]  }
0x3a6: {  	s15 =	simm.s32 $0x60;
	s0 =	simm.s32 $0x300;
	v0 =	vadd.f32 v36, v0;
	v15 =	vmin.f32 v18, $1.999999880e+00;
	v21 =	vadd.f32 $1.000000000e+00, v34  }
0x3a7: {  	s9 =	sand.u32 $0x60, s15;
	s1 =	sand.u32 $0xC00, s0;
	v17 =	vsub.f32 $0.0e+00, v17;
	v18 =	vshra.s32 v15, $0xC;
	(erf) = vpow2.f32 v9  }
0x3a8: {  	s6 =	sor.u32 s9, s1;
	v0 =	vadd.f32 v22, v0;
	v18 =	vadd.s32 $0xFFFC0800, v18;
	v9 =	vmin.f32 v21, $1.999999880e+00  }
0x3a9: {  	vm2 =	veq.s32 v13, $0x0;
	v13 =	vmul.f32 $1.442695020e+00, v17;
	v21 =	vld [tilespmem:s6+$0x2000];
	v17 =	vshra.s32 v9, $0xC  }
0x3aa: {  	v17 =	vadd.s32 $0xFFFC0800, v17;
	v0 =	vadd.f32 v3, v0  }
0x3ab: {  	v11 =	vld [tilespmem:s8+$0x2090]  }
0x3ac: {  	(erf) = vpow2.f32 v13;
	v3 =	vpop (erf);
	v0 =	vadd.f32 v55, v0  }
0x3ad: {  	v3 =	vadd.f32 $1.000000000e+00, v3  }
0x3ae: {  	[tilespmem:v18+s20+$0x0] =	vst.idx.add.f32.msk vm1, v1;
	v0 =	vadd.f32 v6, v0;
	v6 =	vsub.f32 $0.0e+00, v21  }
0x3af: {  	[tilespmem:v17+s20+$0x0] =	vst.idx.add.f32.msk vm2, v1  }
0x3b0: {  	v11 =	vsub.f32 $0.0e+00, v11;
	[tilespmem:v17+s21+$0x0] =	vst.idx.add.f32.msk vm2, v9;
	v9 =	vpop (erf);
	(erf) = vrcp.f32 v3;
	v3 =	vmul.f32 $1.442695020e+00, v6  }
0x3b1: {  	s4 =	sor.u32 s16, s29;
	[tilespmem:v18+s21+$0x0] =	vst.idx.add.f32.msk vm1, v15;
	v9 =	vadd.f32 $1.000000000e+00, v9  }
0x3b2: {  	s4 =	sor.u32 $0x180, s4;
	v13 =	vld [tilespmem:s10+$0x2210];
	(erf) = vpow2.f32 v3;
	v3 =	vmul.f32 $1.442695020e+00, v11  }
0x3b3: {  	v0 =	vadd.f32 v16, v0;
	v6 =	vld [tilespmem:s4+$0x2000];
	(erf) = vrcp.f32 v9  }
0x3b4: {  	(erf) = vpow2.f32 v3;
	v3 =	vld [tilespmem:$0x1FE80]  }
0x3b5: {  	v0 =	vadd.f32 v26, v0;
	v9 =	vpop (erf)  }
0x3b6: {  	v9 =	vadd.f32 $1.000000000e+00, v9  }
0x3b7: {  	v0 =	vadd.f32 v38, v0  }
0x3b8: {  	v6 =	vsub.f32 $0.0e+00, v6;
	(erf) = vrcp.f32 v9;
	v9 =	vld [tilespmem:$0x1FE90]  }
0x3b9: {  	v0 =	vadd.f32 v3, v0;
	v3 =	vsub.f32 $0.0e+00, v13;
	_ =	sdelay $0x1  }
0x3ba: {  	v11 =	vld [tilespmem:s8+$0x3080];
	v6 =	vmul.f32 $1.442695020e+00, v6;
	v3 =	vmul.f32 $1.442695020e+00, v3;
	_ =	sdelay $0x1  }
0x3bb: {  	(erf) = vpow2.f32 v6;
	v6 =	vld [tilespmem:s17+$0x3110];
	v0 =	vadd.f32 v9, v0;
	v9 =	vpop (erf)  }
0x3bc: {  	v13 =	vld [tilespmem:s6+$0x2010];
	v15 =	vadd.f32 $1.000000000e+00, v9  }
0x3bd: {  	v0 =	vadd.f32 v58, v0;
	(erf) = vpow2.f32 v3;
	v3 =	vpop (erf)  }
0x3be: {  	vm0 =	veq.s32 v11, $0x0;
	v15 =	vmin.f32 v15, $1.999999880e+00;
	v11 =	vpop (erf)  }
0x3bf: {  	v0 =	vadd.f32 v46, v0;
	v16 =	vshra.s32 v15, $0xC;
	v17 =	vadd.f32 $1.000000000e+00, v11  }
0x3c0: {  	vm1 =	veq.s32 v6, $0x0;
	v16 =	vadd.s32 $0xFFFC0800, v16;
	v3 =	vadd.f32 $1.000000000e+00, v3  }
0x3c1: {  	v0 =	vadd.f32 v7, v0;
	v7 =	vsub.f32 $0.0e+00, v13;
	v6 =	vmin.f32 v17, $1.999999880e+00  }
0x3c2: {  	v21 =	vshra.s32 v6, $0xC  }
0x3c3: {  	v18 =	vld [tilespmem:s10+$0x3200];
	v13 =	vpop (erf);
	(erf) = vrcp.f32 v3;
	v7 =	vmul.f32 $1.442695020e+00, v7;
	v3 =	vadd.s32 $0xFFFC0800, v21  }
0x3c4: {  	v32 =	vpop (erf)  }
0x3c5: {  	v17 =	vadd.f32 $1.000000000e+00, v32;
	(erf) = vpow2.f32 v7;
	v7 =	vadd.f32 $1.000000000e+00, v13;
	[tilespmem:v16+s20+$0x0] =	vst.idx.add.f32.msk vm0, v1  }
0x3c6: {  	[tilespmem:v16+s21+$0x0] =	vst.idx.add.f32.msk vm0, v15  }
0x3c7: {  	v13 =	vmin.f32 v17, $1.999999880e+00;
	(erf) = vrcp.f32 v7;
	v7 =	vld [tilespmem:s8+$0x2100]  }
0x3c8: {  	v16 =	vshra.s32 v13, $0xC;
	vm0 =	veq.s32 v18, $0x0;
	[tilespmem:v3+s20+$0x0] =	vst.idx.add.f32.msk vm1, v1  }
0x3c9: {  	v17 =	vpop (erf);
	v16 =	vadd.s32 $0xFFFC0800, v16;
	[tilespmem:v3+s21+$0x0] =	vst.idx.add.f32.msk vm1, v6  }
0x3ca: {  	v15 =	vadd.f32 $1.000000000e+00, v17;
	v3 =	vld [tilespmem:$0x1FEA0]  }
0x3cb: {  	v0 =	vadd.f32 v20, v0  }
0x3cc: {  	v17 =	vpop (erf);
	(erf) = vrcp.f32 v15;
	v15 =	vld [tilespmem:s6+$0x3000]  }
0x3cd: {  	v0 =	vadd.f32 v31, v0;
	v17 =	vadd.f32 $1.000000000e+00, v17;
	v6 =	vld [tilespmem:s17+$0x2190]  }
0x3ce: {  	[tilespmem:v16+s20+$0x0] =	vst.idx.add.f32.msk vm0, v1  }
0x3cf: {  	(erf) = vrcp.f32 v17;
	v7 =	vsub.f32 $0.0e+00, v7;
	v0 =	vadd.f32 v3, v0;
	v3 =	vld [tilespmem:$0x1FEB0]  }
0x3d0: {  	[tilespmem:v16+s21+$0x0] =	vst.idx.add.f32.msk vm0, v13  }
0x3d1: {  	v16 =	vmul.f32 $1.442695020e+00, v7;
	v7 =	vld [tilespmem:$0x1FEC0]  }
0x3d2: {  	v17 =	vld [tilespmem:s10+$0x2280]  }
0x3d3: {  	v21 =	vld [tilespmem:$0x1FED0]  }
0x3d4: {  	v6 =	vsub.f32 $0.0e+00, v6;
	v0 =	vadd.f32 v3, v0;
	v3 =	vpop (erf)  }
0x3d5: {  	v13 =	vadd.f32 $1.000000000e+00, v3;
	v18 =	vpop (erf)  }
0x3d6: {  	vm0 =	veq.s32 v15, $0x0;
	v6 =	vmul.f32 $1.442695020e+00, v6;
	v0 =	vadd.f32 v7, v0;
	v7 =	vpop (erf)  }
0x3d7: {  	v20 =	vld [tilespmem:s10+$0x3210];
	(erf) = vpow2.f32 v16;
	v18 =	vadd.f32 $1.000000000e+00, v18;
	v13 =	vmin.f32 v13, $1.999999880e+00;
	v15 =	vpop (erf)  }
0x3d8: {  	v17 =	vsub.f32 $0.0e+00, v17;
	v16 =	vshra.s32 v13, $0xC;
	v0 =	vadd.f32 v21, v0;
	v37 =	vpop (erf)  }
0x3d9: {  	(erf) = vrcp.f32 v18;
	v16 =	vadd.s32 $0xFFFC0800, v16;
	v18 =	vadd.f32 $1.000000000e+00, v37  }
0x3da: {  	(erf) = vpow2.f32 v6  }
0x3db: {  	v6 =	vmul.f32 $1.442695020e+00, v17;
	v0 =	vadd.f32 v49, v0;
	v17 =	vmin.f32 v18, $1.999999880e+00  }
0x3dc: {  	vm1 =	veq.s32 v20, $0x0;
	v21 =	vld [tilespmem:s8+$0x3090];
	v20 =	vshra.s32 v17, $0xC  }
0x3dd: {  	v22 =	vld [tilespmem:s4+$0x3000];
	v18 =	vadd.f32 $1.000000000e+00, v7;
	v0 =	vadd.f32 v12, v0;
	v12 =	vadd.s32 $0xFFFC0800, v20  }
0x3de: {  	[tilespmem:v16+s20+$0x0] =	vst.idx.add.f32.msk vm0, v1  }
0x3df: {  	v18 =	vmin.f32 v18, $1.999999880e+00;
	[tilespmem:v16+s21+$0x0] =	vst.idx.add.f32.msk vm0, v13  }
0x3e0: {  	(erf) = vpow2.f32 v6;
	v6 =	vshra.s32 v18, $0xC;
	v16 =	vpop (erf);
	v13 =	vld [tilespmem:s6+$0x2080]  }
0x3e1: {  	vm0 =	veq.s32 v21, $0x0;
	v21 =	vadd.s32 $0xFFFC0800, v6;
	v6 =	vadd.f32 $1.000000000e+00, v16;
	v16 =	vld [tilespmem:$0x1FEE0]  }
0x3e2: {  	[tilespmem:v12+s20+$0x0] =	vst.idx.add.f32.msk vm1, v1  }
0x3e3: {  	v0 =	vadd.f32 v24, v0;
	v24 =	vld [tilespmem:$0x1FEF0];
	_ =	sdelay $0x1  }
0x3e4: {  	v20 =	vadd.f32 $1.000000000e+00, v15;
	[tilespmem:v12+s21+$0x0] =	vst.idx.add.f32.msk vm1, v17  }
0x3e5: {  	(erf) = vrcp.f32 v6;
	vm1 =	veq.s32 v22, $0x0;
	v6 =	vpop (erf);
	v22 =	vld [tilespmem:s10+$0x2290];
	v0 =	vadd.f32 v16, v0  }
0x3e6: {  	v20 =	vmin.f32 v20, $1.999999880e+00;
	v17 =	vpop (erf);
	v13 =	vsub.f32 $0.0e+00, v13;
	[tilespmem:v21+s20+$0x0] =	vst.idx.add.f32.msk vm0, v1  }
0x3e7: {  	v12 =	vshra.s32 v20, $0xC;
	v17 =	vadd.f32 $1.000000000e+00, v17;
	v0 =	vadd.f32 v24, v0;
	v24 =	vld [tilespmem:$0x1FF00]  }
0x3e8: {  	v12 =	vadd.s32 $0xFFFC0800, v12;
	[tilespmem:v21+s21+$0x0] =	vst.idx.add.f32.msk vm0, v18  }
0x3e9: {  	v13 =	vmul.f32 $1.442695020e+00, v13;
	v21 =	vld [tilespmem:$0x1FF10]  }
0x3ea: {  	v16 =	vld [tilespmem:s6+$0x3010];
	(erf) = vrcp.f32 v17  }
0x3eb: {  	v26 =	vld [tilespmem:s17+$0x3190];
	(erf) = vpow2.f32 v13;
	v13 =	vadd.f32 $1.000000000e+00, v6;
	v17 =	vpop (erf)  }
0x3ec: {  	v18 =	vld [tilespmem:s8+$0x3100];
	v17 =	vadd.f32 $1.000000000e+00, v17;
	v0 =	vadd.f32 v24, v0  }
0x3ed: {  	[tilespmem:v12+s20+$0x0] =	vst.idx.add.f32.msk vm1, v1;
	v22 =	vsub.f32 $0.0e+00, v22  }
0x3ee: {  	s25 =	simm.s32 $0x400;
	s24 =	simm.s32 $0x80;
	v13 =	vmin.f32 v13, $1.999999880e+00;
	(erf) = vrcp.f32 v17;
	v0 =	vadd.f32 v21, v0;
	v21 =	vld [tilespmem:s8+$0x2110]  }
0x3ef: {  	s12 =	sand.u32 $0x60, s24;
	s14 =	sand.u32 $0xC00, s25;
	[tilespmem:v12+s21+$0x0] =	vst.idx.add.f32.msk vm1, v20;
	vm0 =	veq.s32 v16, $0x0;
	v12 =	vpop (erf);
	v20 =	vmul.f32 $1.442695020e+00, v22;
	v22 =	vshra.s32 v13, $0xC  }
0x3f0: {  	s7 =	sor.u32 s12, s14;
	v16 =	vadd.f32 $1.000000000e+00, v12;
	v17 =	vld [tilespmem:s17+$0x2200];
	v22 =	vadd.s32 $0xFFFC0800, v22  }
0x3f1: {  	v24 =	vld [tilespmem:s7+$0x2000]  }
0x3f2: {  	(erf) = vpow2.f32 v20;
	v20 =	vmin.f32 v16, $1.999999880e+00;
	v0 =	vadd.f32 v50, v0  }
0x3f3: {  	vm1 =	veq.s32 v18, $0x0;
	v18 =	vshra.s32 v20, $0xC;
	v21 =	vsub.f32 $0.0e+00, v21  }
0x3f4: {  	v18 =	vadd.s32 $0xFFFC0800, v18;
	v16 =	vpop (erf);
	v0 =	vadd.f32 v43, v0  }
0x3f5: {  	v17 =	vsub.f32 $0.0e+00, v17;
	v31 =	vadd.f32 $1.000000000e+00, v16;
	[tilespmem:v22+s20+$0x0] =	vst.idx.add.f32.msk vm0, v1;
	v21 =	vmul.f32 $1.442695020e+00, v21  }
0x3f6: {  	[tilespmem:v22+s21+$0x0] =	vst.idx.add.f32.msk vm0, v13;
	vm0 =	veq.s32 v26, $0x0;
	v0 =	vadd.f32 v14, v0;
	v14 =	vsub.f32 $0.0e+00, v24;
	v24 =	vpop (erf)  }
0x3f7: {  	v17 =	vmul.f32 $1.442695020e+00, v17;
	v31 =	vmin.f32 v31, $1.999999880e+00;
	v33 =	vpop (erf);
	(erf) = vpow2.f32 v21;
	v21 =	vld [tilespmem:s10+$0x3280]  }
0x3f8: {  	v13 =	vshra.s32 v31, $0xC;
	v24 =	vadd.f32 $1.000000000e+00, v24;
	v22 =	vadd.f32 $1.000000000e+00, v33  }
0x3f9: {  	[tilespmem:v18+s20+$0x0] =	vst.idx.add.f32.msk vm1, v1;
	v13 =	vadd.s32 $0xFFFC0800, v13;
	v14 =	vmul.f32 $1.442695020e+00, v14;
	(erf) = vpow2.f32 v17  }
0x3fa: {  	v22 =	vmin.f32 v22, $1.999999880e+00;
	(erf) = vrcp.f32 v24;
	v24 =	vld [tilespmem:$0x1FF20]  }
0x3fb: {  	[tilespmem:v18+s21+$0x0] =	vst.idx.add.f32.msk vm1, v20;
	v18 =	vshra.s32 v22, $0xC;
	v20 =	vpop (erf);
	(erf) = vpow2.f32 v14  }
0x3fc: {  	v14 =	vadd.s32 $0xFFFC0800, v18;
	v18 =	vadd.f32 $1.000000000e+00, v20;
	v20 =	vld [tilespmem:$0x1FF30];
	vm1 =	veq.s32 v21, $0x0  }
0x3fd: {  	v0 =	vadd.f32 v25, v0;
	v17 =	vld [tilespmem:s6+$0x2090]  }
0x3fe: {  	[tilespmem:v13+s20+$0x0] =	vst.idx.add.f32.msk vm0, v1  }
0x3ff: {  	s3 =	sor.u32 s19, s5;
	(erf) = vrcp.f32 v18;
	v18 =	vld [tilespmem:$0x1FF40];
	v0 =	vadd.f32 v24, v0  }
0x400: {  	s13 =	sor.u32 $0x180, s3;
	[tilespmem:v13+s21+$0x0] =	vst.idx.add.f32.msk vm0, v31  }
0x401: {  	v0 =	vadd.f32 v20, v0;
	v20 =	vld [tilespmem:s13+$0x2000]  }
0x402: {  	[tilespmem:v14+s20+$0x0] =	vst.idx.add.f32.msk vm1, v1  }
0x403: {  	v24 =	vld [tilespmem:$0x1FF50]  }
0x404: {  	v13 =	vsub.f32 $0.0e+00, v17;
	_ =	sdelay $0x1  }
0x405: {  	v0 =	vadd.f32 v18, v0;
	v18 =	vpop (erf)  }
0x406: {  	s16 =	sand.u32 $0x3, s11;
	v21 =	vld [tilespmem:s6+$0x3080];
	v17 =	vadd.f32 $1.000000000e+00, v18  }
0x407: {  	s3 =	sshll.u32 s16, $0x5;
	[tilespmem:v14+s21+$0x0] =	vst.idx.add.f32.msk vm1, v22;
	v14 =	vsub.f32 $0.0e+00, v20;
	v0 =	vadd.f32 v24, v0;
	v24 =	vmul.f32 $1.442695020e+00, v13;
	v13 =	vpop (erf)  }
0x408: {  	s3 =	sadd.s32 $0x0, s3;
	v18 =	vld [tilespmem:s17+$0x2210];
	(erf) = vrcp.f32 v17;
	v17 =	vadd.f32 $1.000000000e+00, v13;
	v13 =	vpop (erf)  }
0x409: {  	s18 =	sor.u32 $0x300, s3;
	v14 =	vmul.f32 $1.442695020e+00, v14;
	(erf) = vpow2.f32 v24;
	v24 =	vadd.f32 $1.000000000e+00, v13  }
0x40a: {  	v20 =	vld [tilespmem:s18+$0x2000];
	(erf) = vrcp.f32 v17  }
0x40b: {  	vm0 =	veq.s32 v21, $0x0;
	v21 =	vld [tilespmem:s10+$0x3290];
	(erf) = vpow2.f32 v14;
	v14 =	vmin.f32 v24, $1.999999880e+00  }
0x40c: {  	v22 =	vld [tilespmem:s7+$0x2010];
	v24 =	vshra.s32 v14, $0xC  }
0x40d: {  	v18 =	vsub.f32 $0.0e+00, v18;
	v24 =	vadd.s32 $0xFFFC0800, v24  }
0x40e: {  	v17 =	vpop (erf)  }
0x40f: {  	v18 =	vmul.f32 $1.442695020e+00, v18;
	v20 =	vsub.f32 $0.0e+00, v20;
	v39 =	vpop (erf)  }
0x410: {  	vm1 =	veq.s32 v21, $0x0;
	v17 =	vadd.f32 $1.000000000e+00, v17;
	v25 =	vadd.f32 $1.000000000e+00, v39  }
0x411: {  	v26 =	vld [tilespmem:s8+$0x3110];
	v22 =	vsub.f32 $0.0e+00, v22;
	v0 =	vadd.f32 v57, v0;
	(erf) = vpow2.f32 v18  }
0x412: {  	(erf) = vrcp.f32 v17;
	v17 =	vmul.f32 $1.442695020e+00, v20;
	v20 =	vmin.f32 v25, $1.999999880e+00;
	[tilespmem:v24+s20+$0x0] =	vst.idx.add.f32.msk vm0, v1  }
0x413: {  	v22 =	vmul.f32 $1.442695020e+00, v22;
	v0 =	vadd.f32 v47, v0;
	v25 =	vshra.s32 v20, $0xC;
	[tilespmem:v24+s21+$0x0] =	vst.idx.add.f32.msk vm0, v14  }
0x414: {  	v18 =	vpop (erf);
	v25 =	vadd.s32 $0xFFFC0800, v25;
	v24 =	vld [tilespmem:$0x1FF60]  }
0x415: {  	v0 =	vadd.f32 v28, v0;
	v28 =	vld [tilespmem:s17+$0x3200];
	v31 =	vadd.f32 $1.000000000e+00, v18  }
0x416: {  	(erf) = vpow2.f32 v17;
	v17 =	vpop (erf)  }
0x417: {  	v31 =	vmin.f32 v31, $1.999999880e+00;
	(erf) = vpow2.f32 v22;
	v17 =	vadd.f32 $1.000000000e+00, v17;
	v22 =	vpop (erf)  }
0x418: {  	vm2 =	veq.s32 v26, $0x0;
	v14 =	vshra.s32 v31, $0xC;
	v26 =	vadd.f32 $1.000000000e+00, v22  }
0x419: {  	(erf) = vrcp.f32 v17;
	v17 =	vadd.s32 $0xFFFC0800, v14;
	[tilespmem:v25+s20+$0x0] =	vst.idx.add.f32.msk vm1, v1;
	v0 =	vadd.f32 v24, v0;
	v24 =	vpop (erf)  }
0x41a: {  	vm0 =	veq.s32 v28, $0x0;
	v14 =	vadd.f32 $1.000000000e+00, v24;
	v24 =	vmin.f32 v26, $1.999999880e+00;
	v26 =	vld [tilespmem:$0x1FF70];
	v28 =	vpop (erf)  }
0x41b: {  	[tilespmem:v25+s21+$0x0] =	vst.idx.add.f32.msk vm1, v20;
	v20 =	vadd.f32 $1.000000000e+00, v28  }
0x41c: {  	v41 =	vld [tilespmem:s6+$0x2100]  }
0x41d: {  	v43 =	vld [tilespmem:$0x1FF80]  }
0x41e: {  	[tilespmem:v17+s20+$0x0] =	vst.idx.add.f32.msk vm2, v1;
	(erf) = vrcp.f32 v14;
	v14 =	vpop (erf)  }
0x41f: {  	[tilespmem:v17+s21+$0x0] =	vst.idx.add.f32.msk vm2, v31;
	(erf) = vrcp.f32 v20;
	v20 =	vpop (erf)  }
0x420: {  	v17 =	vadd.f32 $1.000000000e+00, v20;
	v20 =	vld [tilespmem:$0x1FF90]  }
0x421: {  	s3 =	sadd.s32 $0x10, s3;
	v0 =	vadd.f32 v26, v0  }
0x422: {  	s19 =	sor.u32 $0x300, s3;
	v26 =	vshra.s32 v24, $0xC;
	v28 =	vadd.f32 $1.000000000e+00, v14  }
0x423: {  	v25 =	vadd.s32 $0xFFFC0800, v26;
	v26 =	vld [tilespmem:s19+$0x2000];
	v0 =	vadd.f32 v43, v0  }
0x424: {  	v42 =	vld [tilespmem:s6+$0x3090];
	v28 =	vmin.f32 v28, $1.999999880e+00  }
0x425: {  	v21 =	vld [tilespmem:s7+$0x3000];
	v35 =	vsub.f32 $0.0e+00, v41;
	v0 =	vadd.f32 v20, v0;
	v20 =	vshra.s32 v28, $0xC  }
0x426: {  	v47 =	vld [tilespmem:s13+$0x3000]  }
0x427: {  	v35 =	vmul.f32 $1.442695020e+00, v35;
	v31 =	vld [tilespmem:s8+$0x2190];
	v44 =	vpop (erf)  }
0x428: {  	(erf) = vrcp.f32 v17;
	[tilespmem:v25+s20+$0x0] =	vst.idx.add.f32.msk vm0, v1;
	v26 =	vsub.f32 $0.0e+00, v26;
	v17 =	vadd.s32 $0xFFFC0800, v20;
	v20 =	vpop (erf)  }
0x429: {  	(erf) = vpow2.f32 v35;
	[tilespmem:v25+s21+$0x0] =	vst.idx.add.f32.msk vm0, v24;
	v24 =	vadd.f32 $1.000000000e+00, v20  }
0x42a: {  	vm1 =	veq.s32 v21, $0x0;
	v25 =	vld [tilespmem:s17+$0x2280];
	v26 =	vmul.f32 $1.442695020e+00, v26  }
0x42b: {  	v24 =	vmin.f32 v24, $1.999999880e+00  }
0x42c: {  	v49 =	vld [tilespmem:s17+$0x3210];
	v31 =	vsub.f32 $0.0e+00, v31;
	(erf) = vpow2.f32 v26;
	v26 =	vshra.s32 v24, $0xC  }
0x42d: {  	vm2 =	veq.s32 v42, $0x0;
	v46 =	vadd.f32 $1.000000000e+00, v44;
	v0 =	vadd.f32 v59, v0;
	v21 =	vpop (erf)  }
0x42e: {  	v31 =	vmul.f32 $1.442695020e+00, v31;
	v48 =	vadd.f32 $1.000000000e+00, v21;
	v50 =	vadd.s32 $0xFFFC0800, v26  }
0x42f: {  	vm0 =	veq.s32 v47, $0x0;
	v0 =	vadd.f32 v52, v0;
	v25 =	vsub.f32 $0.0e+00, v25;
	v26 =	vpop (erf)  }
0x430: {  	(erf) = vrcp.f32 v46;
	[tilespmem:v17+s20+$0x0] =	vst.idx.add.f32.msk vm1, v1;
	v36 =	vmin.f32 v48, $1.999999880e+00;
	v52 =	vadd.f32 $1.000000000e+00, v26  }
0x431: {  	[tilespmem:v17+s21+$0x0] =	vst.idx.add.f32.msk vm1, v28;
	vm1 =	veq.s32 v49, $0x0;
	v54 =	vshra.s32 v36, $0xC;
	v17 =	vmul.f32 $1.442695020e+00, v25;
	v28 =	vpop (erf)  }
0x432: {  	v55 =	vadd.s32 $0xFFFC0800, v54;
	(erf) = vpow2.f32 v31;
	v31 =	vld [tilespmem:s18+$0x3000];
	v60 =	vpop (erf);
	v25 =	vmin.f32 v52, $1.999999880e+00  }
0x433: {  	(erf) = vpow2.f32 v17;
	[tilespmem:v50+s20+$0x0] =	vst.idx.add.f32.msk vm2, v1;
	v17 =	vadd.f32 $1.000000000e+00, v60;
	v58 =	vshra.s32 v25, $0xC  }
0x434: {  	[tilespmem:v50+s21+$0x0] =	vst.idx.add.f32.msk vm2, v24;
	v43 =	vadd.s32 $0xFFFC0800, v58  }
0x435: {  	v0 =	vadd.f32 v51, v0;
	(erf) = vrcp.f32 v17;
	v17 =	vld [tilespmem:$0x1FFA0];
	_ =	sdelay $0x1  }
0x436: {  	v0 =	vadd.f32 v19, v0;
	vm2 =	veq.s32 v31, $0x0;
	v31 =	vpop (erf)  }
0x437: {  	v59 =	vadd.f32 $1.000000000e+00, v28;
	[tilespmem:v55+s20+$0x0] =	vst.idx.add.f32.msk vm0, v1;
	v31 =	vadd.f32 $1.000000000e+00, v31  }
0x438: {  	[tilespmem:v43+s20+$0x0] =	vst.idx.add.f32.msk vm1, v1  }
0x439: {  	v24 =	vmin.f32 v59, $1.999999880e+00;
	v0 =	vadd.f32 v17, v0;
	v17 =	vpop (erf);
	(erf) = vrcp.f32 v31;
	v31 =	vld [tilespmem:$0x1FFB0]  }
0x43a: {  	v19 =	vshra.s32 v24, $0xC  }
0x43b: {  	v19 =	vadd.s32 $0xFFFC0800, v19  }
0x43c: {  	v57 =	vld [tilespmem:s7+$0x2080];
	_ =	sdelay $0x1  }
0x43d: {  	[tilespmem:v43+s21+$0x0] =	vst.idx.add.f32.msk vm1, v25;
	v0 =	vadd.f32 v31, v0;
	v31 =	vpop (erf)  }
0x43e: {  	v43 =	vld [tilespmem:$0x1FFC0];
	v31 =	vadd.f32 $1.000000000e+00, v31  }
0x43f: {  	[tilespmem:v19+s20+$0x0] =	vst.idx.add.f32.msk vm2, v1  }
0x440: {  	v25 =	vsub.f32 $0.0e+00, v57;
	[tilespmem:v19+s21+$0x0] =	vst.idx.add.f32.msk vm2, v24  }
0x441: {  	v19 =	vld [tilespmem:$0x1FFD0]  }
0x442: {  	v25 =	vmul.f32 $1.442695020e+00, v25;
	(erf) = vrcp.f32 v31;
	v31 =	vpop (erf)  }
0x443: {  	v41 =	vld [tilespmem:s7+$0x3010];
	v50 =	vadd.f32 $1.000000000e+00, v17;
	v31 =	vadd.f32 $1.000000000e+00, v31  }
0x444: {  	[tilespmem:v55+s21+$0x0] =	vst.idx.add.f32.msk vm0, v36;
	v0 =	vadd.f32 v43, v0;
	(erf) = vpow2.f32 v25  }
0x445: {  	s16 =	sor.u32 s11, s11;
	v24 =	vmin.f32 v50, $1.999999880e+00;
	(erf) = vrcp.f32 v31;
	v31 =	vld [tilespmem:$0x1FFE0]  }
0x446: {  	s4 =	sor.u32 $0x380, s16;
	v49 =	vld [tilespmem:s17+$0x2290];
	v0 =	vadd.f32 v19, v0;
	v19 =	vshra.s32 v24, $0xC  }
0x447: {  	v51 =	vld [tilespmem:s4+$0x2000]  }
0x448: {  	vm1 =	veq.s32 v41, $0x0  }
0x449: {  	v25 =	vadd.s32 $0xFFFC0800, v19;
	v19 =	vpop (erf)  }
0x44a: {  	v47 =	vld [tilespmem:s6+$0x3100];
	v0 =	vadd.f32 v31, v0;
	v31 =	vadd.f32 $1.000000000e+00, v19  }
0x44b: {  	v54 =	vld [tilespmem:s19+$0x3000];
	v52 =	vsub.f32 $0.0e+00, v49  }
0x44c: {  	v48 =	vld [tilespmem:s6+$0x2110];
	v46 =	vmin.f32 v31, $1.999999880e+00;
	v31 =	vsub.f32 $0.0e+00, v51  }
0x44d: {  	v36 =	vld [tilespmem:s8+$0x2200];
	v38 =	vmul.f32 $1.442695020e+00, v52  }
0x44e: {  	[tilespmem:v25+s20+$0x0] =	vst.idx.add.f32.msk vm1, v1;
	v31 =	vmul.f32 $1.442695020e+00, v31  }
0x44f: {  	s11 =	simm.s32 $0x500;
	s12 =	simm.s32 $0xA0;
	v40 =	vpop (erf);
	(erf) = vpow2.f32 v38;
	[tilespmem:v25+s21+$0x0] =	vst.idx.add.f32.msk vm1, v24  }
0x450: {  	s16 =	sand.u32 $0xC00, s11;
	s18 =	sand.u32 $0x60, s12;
	v57 =	vadd.f32 $1.000000000e+00, v40;
	v25 =	vpop (erf);
	(erf) = vpow2.f32 v31;
	v31 =	vld [tilespmem:$0x1FFF0]  }
0x451: {  	s13 =	sor.u32 s18, s16;
	v59 =	vld [tilespmem:s8+$0x3190];
	vm0 =	veq.s32 v47, $0x0;
	v55 =	vsub.f32 $0.0e+00, v48;
	v58 =	vshra.s32 v46, $0xC  }
0x452: {  	v42 =	vld [tilespmem:s13+$0x2010];
	vm2 =	veq.s32 v54, $0x0;
	v43 =	vmin.f32 v57, $1.999999880e+00;
	v60 =	vadd.s32 $0xFFFC0800, v58  }
0x453: {  	v44 =	vld [tilespmem:s13+$0x2000];
	v35 =	vmul.f32 $1.442695020e+00, v55;
	v24 =	vsub.f32 $0.0e+00, v36;
	v52 =	vshra.s32 v43, $0xC  }
0x454: {  	v41 =	vld [tilespmem:s7+$0x3080];
	v54 =	vadd.f32 $1.000000000e+00, v25;
	v36 =	vadd.s32 $0xFFFC0800, v52  }
0x455: {  	v55 =	vld [tilespmem:s17+$0x3280];
	v24 =	vmul.f32 $1.442695020e+00, v24;
	(erf) = vpow2.f32 v35;
	v0 =	vadd.f32 v31, v0;
	v31 =	vpop (erf)  }
0x456: {  	vm1 =	veq.s32 v59, $0x0;
	v47 =	vmin.f32 v54, $1.999999880e+00;
	v58 =	vld [tilespmem:s7+$0x2090];
	v57 =	vadd.f32 $1.000000000e+00, v31;
	v31 =	vpop (erf)  }
0x457: {  	v59 =	vshra.s32 v47, $0xC;
	[tilespmem:v60+s20+$0x0] =	vst.idx.add.f32.msk vm0, v1;
	(erf) = vpow2.f32 v24;
	v24 =	vadd.f32 $1.000000000e+00, v31  }
0x458: {  	[tilespmem:v60+s21+$0x0] =	vst.idx.add.f32.msk vm0, v46;
	v60 =	vadd.s32 $0xFFFC0800, v59  }
0x459: {  	v44 =	vsub.f32 $0.0e+00, v44;
	[tilespmem:v36+s20+$0x0] =	vst.idx.add.f32.msk vm2, v1;
	v24 =	vmin.f32 v24, $1.999999880e+00  }
0x45a: {  	s3 =	sor.u32 $0x380, s3;
	s1 =	sor.u32 s1, s15;
	[tilespmem:v36+s21+$0x0] =	vst.idx.add.f32.msk vm2, v43;
	vm0 =	veq.s32 v55, $0x0;
	v0 =	vadd.f32 v63, v0;
	v51 =	vshra.s32 v24, $0xC  }
0x45b: {  	s9 =	sor.u32 $0x180, s1;
	v44 =	vmul.f32 $1.442695020e+00, v44;
	v43 =	vld [tilespmem:s3+$0x2000];
	v52 =	vpop (erf);
	(erf) = vrcp.f32 v57;
	v36 =	vadd.s32 $0xFFFC0800, v51  }
0x45c: {  	v54 =	vld [tilespmem:s9+$0x2000];
	v35 =	vadd.f32 $1.000000000e+00, v52;
	v0 =	vadd.f32 v56, v0  }
0x45d: {  	s10 =	simm.s32 $0x1;
	v55 =	vsub.f32 $0.0e+00, v58;
	(erf) = vpow2.f32 v44;
	[tilespmem:v60+s20+$0x0] =	vst.idx.add.f32.msk vm1, v1;
	v56 =	vpop (erf)  }
0x45e: {  	s19 =	sand.u32 $0x3, s10;
	(erf) = vrcp.f32 v35;
	v57 =	vpop (erf);
	[tilespmem:v60+s21+$0x0] =	vst.idx.add.f32.msk vm1, v47;
	v35 =	vadd.f32 $1.000000000e+00, v56;
	v0 =	vadd.f32 v53, v0  }
0x45f: {  	s1 =	sshll.u32 s19, $0x5;
	v58 =	vsub.f32 $0.0e+00, v42;
	v60 =	vadd.f32 $1.000000000e+00, v57;
	v47 =	vld [tilespmem:s8+$0x2210]  }
0x460: {  	s1 =	sadd.s32 $0x100, s1;
	v43 =	vsub.f32 $0.0e+00, v43;
	(erf) = vrcp.f32 v35;
	v0 =	vadd.f32 v45, v0;
	[tilespmem:v36+s20+$0x0] =	vst.idx.add.f32.msk vm0, v1  }
0x461: {  	s18 =	sor.u32 $0x300, s1;
	v59 =	vmul.f32 $1.442695020e+00, v55;
	v51 =	vsub.f32 $0.0e+00, v54;
	(erf) = vrcp.f32 v60;
	v63 =	vpop (erf);
	[tilespmem:v36+s21+$0x0] =	vst.idx.add.f32.msk vm0, v24  }
0x462: {  	v0 =	vadd.f32 v27, v0;
	v27 =	vmul.f32 $1.442695020e+00, v43;
	v52 =	vadd.f32 $1.000000000e+00, v63;
	v36 =	vld [tilespmem:s18+$0x2000]  }
0x463: {  	v38 =	vmul.f32 $1.442695020e+00, v58;
	(erf) = vpow2.f32 v59  }
0x464: {  	v35 =	vmul.f32 $1.442695020e+00, v51;
	v24 =	vpop (erf);
	v0 =	vadd.f32 v32, v0;
	(erf) = vrcp.f32 v52  }
0x465: {  	v54 =	vsub.f32 $0.0e+00, v47;
	v53 =	vadd.f32 $1.000000000e+00, v24;
	(erf) = vpow2.f32 v27  }
0x466: {  	v55 =	vld [tilespmem:s17+$0x3290];
	vm0 =	veq.s32 v41, $0x0;
	v27 =	vpop (erf);
	v0 =	vadd.f32 v33, v0;
	(erf) = vpow2.f32 v35  }
0x467: {  	v41 =	vmin.f32 v53, $1.999999880e+00;
	v32 =	vpop (erf);
	v27 =	vadd.f32 $1.000000000e+00, v27;
	v36 =	vsub.f32 $0.0e+00, v36  }
0x468: {  	v56 =	vmul.f32 $1.442695020e+00, v54;
	v57 =	vshra.s32 v41, $0xC;
	v58 =	vadd.f32 $1.000000000e+00, v32  }
0x469: {  	v0 =	vadd.f32 v28, v0;
	v33 =	vadd.s32 $0xFFFC0800, v57;
	v28 =	vmul.f32 $1.442695020e+00, v36  }
0x46a: {  	v59 =	vld [tilespmem:s6+$0x3110];
	(erf) = vpow2.f32 v56;
	v42 =	vpop (erf)  }
0x46b: {  	vm1 =	veq.s32 v55, $0x0;
	(erf) = vrcp.f32 v27;
	v27 =	vpop (erf);
	v36 =	vmin.f32 v58, $1.999999880e+00  }
0x46c: {  	v44 =	vld [tilespmem:s13+$0x3000];
	v63 =	vadd.f32 $1.000000000e+00, v27;
	v60 =	vshra.s32 v36, $0xC;
	(erf) = vpow2.f32 v28  }
0x46d: {  	v53 =	vld [tilespmem:s8+$0x3200];
	v0 =	vadd.f32 v42, v0;
	v52 =	vadd.s32 $0xFFFC0800, v60;
	v28 =	vpop (erf)  }
0x46e: {  	[tilespmem:v33+s20+$0x0] =	vst.idx.add.f32.msk vm0, v1;
	(erf) = vpow2.f32 v38;
	v38 =	vmin.f32 v63, $1.999999880e+00;
	v28 =	vadd.f32 $1.000000000e+00, v28;
	v35 =	vpop (erf)  }
0x46f: {  	vm2 =	veq.s32 v59, $0x0;
	v0 =	vadd.f32 v62, v0;
	[tilespmem:v33+s21+$0x0] =	vst.idx.add.f32.msk vm0, v41;
	v56 =	vshra.s32 v38, $0xC;
	v55 =	vpop (erf)  }
0x470: {  	v58 =	vld [tilespmem:s7+$0x2100];
	v54 =	vadd.f32 $1.000000000e+00, v35;
	v57 =	vpop (erf);
	(erf) = vrcp.f32 v28;
	v28 =	vadd.s32 $0xFFFC0800, v56  }
0x471: {  	v45 =	vld [tilespmem:s4+$0x3000];
	v0 =	vadd.f32 v61, v0;
	v46 =	vadd.f32 $1.000000000e+00, v55  }
0x472: {  	s1 =	sadd.s32 $0x10, s1;
	vm3 =	veq.s32 v53, $0x0;
	[tilespmem:v52+s20+$0x0] =	vst.idx.add.f32.msk vm1, v1;
	v59 =	vadd.f32 $1.000000000e+00, v57;
	v60 =	vmin.f32 v54, $1.999999880e+00  }
0x473: {  	s4 =	sor.u32 $0x300, s1;
	v0 =	vadd.f32 v30, v0;
	v62 =	vpop (erf);
	[tilespmem:v52+s21+$0x0] =	vst.idx.add.f32.msk vm1, v36;
	(erf) = vrcp.f32 v46;
	v43 =	vshra.s32 v60, $0xC  }
0x474: {  	v52 =	vadd.f32 $1.000000000e+00, v62;
	v53 =	vld [tilespmem:s4+$0x2000];
	v33 =	vpop (erf);
	(erf) = vrcp.f32 v59;
	v63 =	vadd.s32 $0xFFFC0800, v43  }
0x475: {  	v0 =	vadd.f32 v34, v0;
	v30 =	vsub.f32 $0.0e+00, v58;
	v55 =	vpop (erf);
	[tilespmem:v28+s20+$0x0] =	vst.idx.add.f32.msk vm2, v1  }
0x476: {  	v56 =	vadd.f32 $1.000000000e+00, v33;
	(erf) = vrcp.f32 v52;
	[tilespmem:v28+s21+$0x0] =	vst.idx.add.f32.msk vm2, v38;
	v28 =	vadd.f32 $1.000000000e+00, v55  }
0x477: {  	v54 =	vld [tilespmem:s7+$0x3090];
	v0 =	vadd.f32 v37, v0  }
0x478: {  	v30 =	vmul.f32 $1.442695020e+00, v30;
	v48 =	vmin.f32 v56, $1.999999880e+00;
	v57 =	vld [tilespmem:s6+$0x2190];
	(erf) = vrcp.f32 v28  }
0x479: {  	vm0 =	veq.s32 v44, $0x0;
	v58 =	vpop (erf);
	v59 =	vshra.s32 v48, $0xC;
	v46 =	vsub.f32 $0.0e+00, v53;
	[tilespmem:v63+s20+$0x0] =	vst.idx.add.f32.msk vm3, v1  }
0x47a: {  	v0 =	vadd.f32 v39, v0;
	v41 =	vadd.s32 $0xFFFC0800, v59;
	[tilespmem:v63+s21+$0x0] =	vst.idx.add.f32.msk vm3, v60;
	v28 =	vpop (erf)  }
0x47b: {  	v46 =	vmul.f32 $1.442695020e+00, v46;
	v61 =	vld [tilespmem:s8+$0x2280];
	(erf) = vpow2.f32 v30;
	v60 =	vadd.f32 $1.000000000e+00, v28  }
0x47c: {  	v49 =	vld [tilespmem:s9+$0x3000];
	v0 =	vadd.f32 v40, v0;
	v62 =	vadd.f32 $1.000000000e+00, v58;
	v30 =	vpop (erf)  }
0x47d: {  	v50 =	vld [tilespmem:s3+$0x3000];
	(erf) = vpow2.f32 v46;
	v38 =	vpop (erf);
	v63 =	vsub.f32 $0.0e+00, v57;
	v51 =	vmin.f32 v60, $1.999999880e+00  }
0x47e: {  	vm1 =	veq.s32 v54, $0x0;
	v58 =	vld [tilespmem:s8+$0x3210];
	v57 =	vadd.f32 $1.000000000e+00, v38;
	v56 =	vshra.s32 v51, $0xC  }
0x47f: {  	(erf) = vrcp.f32 v62;
	[tilespmem:v41+s20+$0x0] =	vst.idx.add.f32.msk vm0, v1;
	v36 =	vpop (erf);
	v59 =	vmul.f32 $1.442695020e+00, v63;
	v34 =	vadd.s32 $0xFFFC0800, v56  }
0x480: {  	v62 =	vld [tilespmem:s18+$0x3000];
	v60 =	vadd.f32 $1.000000000e+00, v36;
	v53 =	vmin.f32 v57, $1.999999880e+00;
	v44 =	vsub.f32 $0.0e+00, v61  }
0x481: {  	vm2 =	veq.s32 v49, $0x0;
	[tilespmem:v41+s21+$0x0] =	vst.idx.add.f32.msk vm0, v48;
	v61 =	vshra.s32 v53, $0xC;
	(erf) = vpow2.f32 v59;
	v41 =	vpop (erf)  }
0x482: {  	v43 =	vld [tilespmem:s7+$0x3100];
	v46 =	vmin.f32 v60, $1.999999880e+00;
	v63 =	vmul.f32 $1.442695020e+00, v44;
	v57 =	vadd.f32 $1.000000000e+00, v41  }
0x483: {  	v52 =	vld [tilespmem:s13+$0x3010];
	vm4 =	veq.s32 v58, $0x0;
	v54 =	vadd.s32 $0xFFFC0800, v61;
	v56 =	vshra.s32 v46, $0xC  }
0x484: {  	v59 =	vadd.f32 $1.000000000e+00, v42;
	v58 =	vadd.s32 $0xFFFC0800, v56;
	(erf) = vpow2.f32 v63;
	v61 =	vpop (erf);
	[tilespmem:v34+s20+$0x0] =	vst.idx.add.f32.msk vm1, v1  }
0x485: {  	v42 =	vadd.f32 v30, v0;
	v56 =	vadd.f32 $1.000000000e+00, v61;
	[tilespmem:v34+s21+$0x0] =	vst.idx.add.f32.msk vm1, v51;
	v51 =	vmin.f32 v57, $1.999999880e+00  }
0x486: {  	v48 =	vld [tilespmem:s13+$0x2080];
	vm3 =	veq.s32 v62, $0x0;
	vm1 =	veq.s32 v45, $0x0;
	v60 =	vshra.s32 v51, $0xC;
	v57 =	vpop (erf)  }
0x487: {  	v44 =	vld [tilespmem:s7+$0x2110];
	(erf) = vrcp.f32 v56;
	v45 =	vadd.s32 $0xFFFC0800, v60;
	v0 =	vadd.f32 $1.000000000e+00, v57  }
0x488: {  	[tilespmem:v54+s20+$0x0] =	vst.idx.add.f32.msk vm2, v1  }
0x489: {  	v62 =	vadd.f32 $1.000000000e+00, v30;
	v34 =	vmin.f32 v59, $1.999999880e+00;
	[tilespmem:v58+s20+$0x0] =	vst.idx.add.f32.msk vm4, v1;
	v30 =	vpop (erf);
	(erf) = vrcp.f32 v0  }
0x48a: {  	v63 =	vshra.s32 v34, $0xC;
	[tilespmem:v58+s21+$0x0] =	vst.idx.add.f32.msk vm4, v46;
	v58 =	vpop (erf)  }
0x48b: {  	vm0 =	veq.s32 v50, $0x0;
	v59 =	vsub.f32 $0.0e+00, v48;
	v47 =	vld [tilespmem:s8+$0x2290];
	v61 =	vadd.f32 $1.000000000e+00, v58  }
0x48c: {  	s26 =	sor.u32 s26, s29;
	v37 =	vmin.f32 v62, $1.999999880e+00;
	v39 =	vadd.s32 $0xFFFC0800, v63;
	v62 =	vadd.f32 $1.000000000e+00, v30;
	[tilespmem:v45+s20+$0x0] =	vst.idx.add.f32.msk vm3, v1  }
0x48d: {  	s26 =	sor.u32 $0x380, s26;
	v60 =	vshra.s32 v37, $0xC;
	v0 =	vmul.f32 $1.442695020e+00, v59;
	v63 =	vpop (erf);
	(erf) = vrcp.f32 v61;
	[tilespmem:v45+s21+$0x0] =	vst.idx.add.f32.msk vm3, v51  }
0x48e: {  	v40 =	vadd.s32 $0xFFFC0800, v60;
	v46 =	vmin.f32 v62, $1.999999880e+00;
	v49 =	vadd.f32 $1.000000000e+00, v63;
	v48 =	vld [tilespmem:s26+$0x2000]  }
0x48f: {  	s29 =	simm.s32 $0x600;
	s3 =	simm.s32 $0xC0;
	s17 =	simm.s32 $0xA;
	[tilespmem:v54+s21+$0x0] =	vst.idx.add.f32.msk vm2, v53;
	v45 =	vshra.s32 v46, $0xC;
	vm3 =	veq.s32 v52, $0x0;
	(erf) = vpow2.f32 v0  }
.LBB2_7:
0x490: {  	s9 =	sand.u32 $0x60, s3;
	s18 =	sand.u32 $0xC00, s29;
	v0 =	vadd.s32 $0xFFFC0800, v45;
	v45 =	vpop (erf);
	v50 =	vld [tilespmem:s6+$0x2200];
	v47 =	vsub.f32 $0.0e+00, v47;
	(erf) = vrcp.f32 v49  }
0x491: {  	s19 =	sor.u32 s9, s18;
	v49 =	vadd.f32 $1.000000000e+00, v45;
	v51 =	vld [tilespmem:s4+$0x3000]  }
0x492: {  	vm2 =	veq.s32 v43, $0x0;
	v44 =	vsub.f32 $0.0e+00, v44;
	v52 =	vld [tilespmem:s19+$0x2010];
	v47 =	vmul.f32 $1.442695020e+00, v47;
	v43 =	vpop (erf)  }
0x493: {  	v53 =	vld [tilespmem:s19+$0x2000];
	v49 =	vmin.f32 v49, $1.999999880e+00;
	v48 =	vsub.f32 $0.0e+00, v48;
	v54 =	vadd.f32 $1.000000000e+00, v43  }
0x494: {  	v56 =	vmul.f32 $1.442695020e+00, v44;
	v55 =	vshra.s32 v49, $0xC;
	v57 =	vld [tilespmem:s6+$0x3190];
	(erf) = vpow2.f32 v47  }
0x495: {  	[tilespmem:v0+s20+$0x0] =	vst.idx.add.f32.msk vm3, v1;
	v47 =	vadd.s32 $0xFFFC0800, v55;
	v48 =	vmul.f32 $1.442695020e+00, v48;
	v54 =	vmin.f32 v54, $1.999999880e+00  }
0x496: {  	[tilespmem:v0+s21+$0x0] =	vst.idx.add.f32.msk vm3, v46;
	v0 =	vsub.f32 $0.0e+00, v50;
	v44 =	vpop (erf);
	v46 =	vshra.s32 v54, $0xC;
	vm4 =	veq.s32 v51, $0x0  }
0x497: {  	v50 =	vld [tilespmem:s13+$0x3080];
	v51 =	vadd.f32 $1.000000000e+00, v44;
	v46 =	vadd.s32 $0xFFFC0800, v46;
	(erf) = vpow2.f32 v48  }
0x498: {  	v48 =	vsub.f32 $0.0e+00, v53;
	v53 =	vpop (erf);
	(erf) = vpow2.f32 v56;
	v0 =	vmul.f32 $1.442695020e+00, v0;
	v55 =	vld [tilespmem:s8+$0x3280]  }
0x499: {  	v53 =	vadd.f32 $1.000000000e+00, v53;
	v56 =	vld [tilespmem:s13+$0x2090];
	v51 =	vmin.f32 v51, $1.999999880e+00;
	vm3 =	veq.s32 v57, $0x0;
	v57 =	vpop (erf)  }
0x49a: {  	[tilespmem:v47+s20+$0x0] =	vst.idx.add.f32.msk vm2, v1;
	v58 =	vshra.s32 v51, $0xC;
	(erf) = vpow2.f32 v0;
	v0 =	vadd.f32 $1.000000000e+00, v57  }
0x49b: {  	[tilespmem:v47+s21+$0x0] =	vst.idx.add.f32.msk vm2, v49;
	v47 =	vadd.s32 $0xFFFC0800, v58  }
0x49c: {  	v48 =	vmul.f32 $1.442695020e+00, v48;
	(erf) = vrcp.f32 v53;
	v0 =	vmin.f32 v0, $1.999999880e+00;
	[tilespmem:v46+s20+$0x0] =	vst.idx.add.f32.msk vm4, v1  }
0x49d: {  	s9 =	sor.u32 s14, s24;
	s4 =	sor.u32 $0x380, s1;
	s14 =	smov.u32 s16;
	v49 =	vshra.s32 v0, $0xC;
	vm2 =	veq.s32 v55, $0x0;
	v53 =	vpop (erf);
	[tilespmem:v46+s21+$0x0] =	vst.idx.add.f32.msk vm4, v54  }
0x49e: {  	s16 =	smov.u32 s18;
	s9 =	sor.u32 $0x180, s9;
	(erf) = vpow2.f32 v48;
	v46 =	vadd.s32 $0xFFFC0800, v49;
	v55 =	vadd.f32 $1.000000000e+00, v53;
	v49 =	vld [tilespmem:s4+$0x2000]  }
0x49f: {  	v42 =	vadd.f32 v23, v42;
	v23 =	vmovc v2;
	v2 =	vmovc v3;
	v3 =	vmov v14;
	v14 =	vmov v33;
	v53 =	vld [tilespmem:s9+$0x2000]  }
0x4a0: {  	s10 =	sadd.s32 $0x1, s10;
	v33 =	vsub.f32 $0.0e+00, v52;
	v52 =	vsub.f32 $0.0e+00, v56;
	[tilespmem:v47+s20+$0x0] =	vst.idx.add.f32.msk vm3, v1;
	(erf) = vrcp.f32 v55;
	v48 =	vpop (erf)  }
0x4a1: {  	s1 =	sand.u32 $0x3, s10;
	v42 =	vadd.f32 v5, v42;
	v5 =	vmov v9;
	v54 =	vpop (erf);
	[tilespmem:v47+s21+$0x0] =	vst.idx.add.f32.msk vm3, v51;
	v47 =	vadd.f32 $1.000000000e+00, v48  }
0x4a2: {  	s1 =	sshll.u32 s1, $0x5;
	v9 =	vmovc v13;
	v13 =	vmovc v24;
	v33 =	vmul.f32 $1.442695020e+00, v33;
	v48 =	vmul.f32 $1.442695020e+00, v52;
	v51 =	vadd.f32 $1.000000000e+00, v54;
	v52 =	vld [tilespmem:s6+$0x2210]  }
0x4a3: {  	s1 =	sadd.s32 s1, s28;
	v42 =	vadd.f32 v10, v42;
	v24 =	vpop (erf);
	[tilespmem:v46+s20+$0x0] =	vst.idx.add.f32.msk vm2, v1;
	v49 =	vsub.f32 $0.0e+00, v49;
	(erf) = vrcp.f32 v47  }
0x4a4: {  	s18 =	sor.u32 $0x300, s1;
	v10 =	vmovc v12;
	v12 =	vmovc v19;
	v47 =	vsub.f32 $0.0e+00, v53;
	(erf) = vrcp.f32 v51;
	v51 =	vadd.f32 $1.000000000e+00, v24;
	[tilespmem:v46+s21+$0x0] =	vst.idx.add.f32.msk vm2, v0  }
0x4a5: {  	v42 =	vadd.f32 v15, v42;
	v24 =	vpop (erf);
	(erf) = vpow2.f32 v48;
	v0 =	vld [tilespmem:s18+$0x2000];
	v46 =	vmul.f32 $1.442695020e+00, v49  }
0x4a6: {  	v19 =	vmovc v45;
	v15 =	vmovc v21;
	v48 =	vadd.f32 $1.000000000e+00, v24;
	v47 =	vmul.f32 $1.442695020e+00, v47;
	(erf) = vrcp.f32 v51;
	v49 =	vld [tilespmem:s26+$0x3000]  }
0x4a7: {  	v42 =	vadd.f32 v22, v42;
	v21 =	vpop (erf);
	v52 =	vsub.f32 $0.0e+00, v52;
	v51 =	vld [tilespmem:s4+$0x3000];
	(erf) = vpow2.f32 v46  }
0x4a8: {  	v22 =	vmovc v35;
	vm2 =	veq.s32 v50, $0x0;
	v46 =	vadd.f32 $1.000000000e+00, v21;
	(erf) = vpow2.f32 v47;
	v47 =	vld [tilespmem:s8+$0x3290];
	v21 =	vmovc v38;
	s8 =	smov.u32 s6;
	s6 =	smov.u32 s7;
	s7 =	smov.u32 s13  }
0x4a9: {  	v38 =	vmin.f32 v48, $1.999999880e+00;
	s13 =	smov.u32 s19;
	v35 =	vmul.f32 $1.442695020e+00, v52;
	v45 =	vpop (erf);
	v52 =	vadd.f32 v31, v42;
	[tilespmem:v39+s20+$0x0] =	vst.idx.add.f32.msk vm1, v1  }
0x4aa: {  	v48 =	vshra.s32 v38, $0xC;
	v31 =	vmovc v57;
	v0 =	vsub.f32 $0.0e+00, v0;
	v50 =	vadd.f32 $1.000000000e+00, v45;
	[tilespmem:v39+s21+$0x0] =	vst.idx.add.f32.msk vm1, v34  }
0x4ab: {  	v34 =	vadd.s32 $0xFFFC0800, v48;
	v39 =	vld [tilespmem:s6+$0x3110];
	(erf) = vpow2.f32 v35;
	v52 =	vadd.f32 v41, v52  }
0x4ac: {  	(erf) = vrcp.f32 v46;
	v0 =	vmul.f32 $1.442695020e+00, v0;
	v41 =	vmin.f32 v50, $1.999999880e+00;
	v42 =	vpop (erf);
	[tilespmem:v40+s20+$0x0] =	vst.idx.add.f32.msk vm0, v1  }
0x4ad: {  	v46 =	vpop (erf);
	v48 =	vshra.s32 v41, $0xC;
	vm1 =	veq.s32 v47, $0x0;
	v50 =	vadd.f32 v42, v52;
	[tilespmem:v40+s21+$0x0] =	vst.idx.add.f32.msk vm0, v37  }
0x4ae: {  	v37 =	vld [tilespmem:s13+$0x3000];
	v35 =	vpop (erf);
	v40 =	vadd.f32 $1.000000000e+00, v46;
	v48 =	vadd.s32 $0xFFFC0800, v48;
	(erf) = vpow2.f32 v0  }
0x4af: {  	(erf) = vpow2.f32 v33;
	v0 =	vadd.f32 $1.000000000e+00, v35;
	v33 =	vld [tilespmem:s8+$0x3200];
	v35 =	vpop (erf);
	v29 =	vadd.f32 v29, v50  }
0x4b0: {  	[tilespmem:v34+s20+$0x0] =	vst.idx.add.f32.msk vm2, v1;
	v40 =	vmin.f32 v40, $1.999999880e+00;
	vm3 =	veq.s32 v39, $0x0;
	v39 =	vadd.f32 $1.000000000e+00, v35;
	v47 =	vpop (erf)  }
0x4b1: {  	[tilespmem:v34+s21+$0x0] =	vst.idx.add.f32.msk vm2, v38;
	v34 =	vshra.s32 v40, $0xC;
	v38 =	vpop (erf);
	v29 =	vadd.f32 v8, v29;
	v47 =	vadd.f32 $1.000000000e+00, v47  }
0x4b2: {  	s17 =	sadd.s32 $0x2, s17;
	v8 =	vmovc v7;
	v7 =	vmovc v20;
	v50 =	vld [tilespmem:s7+$0x2100];
	(erf) = vrcp.f32 v0;
	v0 =	vadd.f32 $1.000000000e+00, v38;
	v34 =	vadd.s32 $0xFFFC0800, v34  }
0x4b3: {  	p1 =	slt.u32 s17, $0x1E;
	s1 =	sadd.s32 $0x10, s1;
	v38 =	vmin.f32 v39, $1.999999880e+00;
	[tilespmem:v48+s20+$0x0] =	vst.idx.add.f32.msk vm1, v1;
	v20 =	vadd.f32 v11, v29;
	(erf) = vrcp.f32 v47;
	v11 =	vmovc v18  }
0x4b4: {  	s4 =	sor.u32 $0x300, s1;
	(erf) = vrcp.f32 v0;
	v0 =	vshra.s32 v38, $0xC;
	vm2 =	veq.s32 v33, $0x0;
	v18 =	vpop (erf);
	[tilespmem:v48+s21+$0x0] =	vst.idx.add.f32.msk vm1, v41  }
0x4b5: {  	v33 =	vpop (erf);
	v0 =	vadd.s32 $0xFFFC0800, v0;
	v47 =	vadd.f32 $1.000000000e+00, v18;
	v29 =	vld [tilespmem:s4+$0x2000];
	v20 =	vadd.f32 v16, v20  }
0x4b6: {  	v42 =	vadd.f32 $1.000000000e+00, v42;
	vm1 =	veq.s32 v49, $0x0;
	v16 =	vmovc v25;
	v25 =	vmovc v44;
	v39 =	vadd.f32 $1.000000000e+00, v33;
	v41 =	vld [tilespmem:s7+$0x3090]  }
0x4b7: {  	vm0 =	veq.s32 v51, $0x0;
	[tilespmem:v34+s20+$0x0] =	vst.idx.add.f32.msk vm3, v1;
	(erf) = vrcp.f32 v47;
	v18 =	vpop (erf);
	v49 =	vadd.f32 v26, v20  }
0x4b8: {  	v44 =	vsub.f32 $0.0e+00, v50;
	v39 =	vmin.f32 v39, $1.999999880e+00;
	v26 =	vpop (erf);
	[tilespmem:v34+s21+$0x0] =	vst.idx.add.f32.msk vm3, v40;
	v40 =	vadd.f32 $1.000000000e+00, v18  }
0x4b9: {  	v34 =	vmin.f32 v42, $1.999999880e+00;
	v18 =	vmovc v27;
	v47 =	vshra.s32 v39, $0xC;
	v48 =	vld [tilespmem:s6+$0x2190];
	v42 =	vadd.f32 v32, v49;
	v32 =	vmovc v45  }
0x4ba: {  	v27 =	vmovc v46;
	v45 =	vmul.f32 $1.442695020e+00, v44;
	v20 =	vmovc v28;
	[tilespmem:v0+s20+$0x0] =	vst.idx.add.f32.msk vm2, v1;
	v29 =	vsub.f32 $0.0e+00, v29;
	(erf) = vrcp.f32 v40  }
0x4bb: {  	vm3 =	veq.s32 v37, $0x0;
	v37 =	vadd.s32 $0xFFFC0800, v47;
	v28 =	vpop (erf);
	[tilespmem:v0+s21+$0x0] =	vst.idx.add.f32.msk vm2, v38;
	v0 =	vadd.f32 v43, v42  }
0x4bc: {  	v40 =	vadd.f32 $1.000000000e+00, v28;
	(erf) = vpow2.f32 v45;
	v43 =	vld [tilespmem:s8+$0x2280];
	v49 =	vmul.f32 $1.442695020e+00, v29;
	v44 =	vpop (erf)  }
0x4bd: {  	v47 =	vshra.s32 v34, $0xC;
	v45 =	vadd.f32 $1.000000000e+00, v26;
	v46 =	vld [tilespmem:s9+$0x3000];
	v38 =	vpop (erf);
	v42 =	vadd.f32 v44, v0  }
0x4be: {  	v26 =	vmovc v36;
	v0 =	vmin.f32 v40, $1.999999880e+00;
	v40 =	vsub.f32 $0.0e+00, v48;
	(erf) = vpow2.f32 v49;
	v29 =	vmovc v4  }
0x4bf: {  	vm4 =	veq.s32 v41, $0x0;
	v41 =	vadd.f32 $1.000000000e+00, v38;
	v4 =	vmovc v6;
	v6 =	vmovc v17;
	v49 =	vshra.s32 v0, $0xC;
	v48 =	vld [tilespmem:s8+$0x3210]  }
0x4c0: {  	v50 =	vld [tilespmem:s13+$0x3010];
	(erf) = vrcp.f32 v45;
	v45 =	vadd.s32 $0xFFFC0800, v49;
	v40 =	vmul.f32 $1.442695020e+00, v40;
	v36 =	vpop (erf)  }
0x4c1: {  	v17 =	vmovc v30;
	v51 =	vmin.f32 v41, $1.999999880e+00;
	[tilespmem:v37+s20+$0x0] =	vst.idx.add.f32.msk vm3, v1;
	v49 =	vsub.f32 $0.0e+00, v43;
	v43 =	vadd.f32 $1.000000000e+00, v36  }
0x4c2: {  	v30 =	vshra.s32 v51, $0xC;
	vm2 =	veq.s32 v46, $0x0;
	(erf) = vpow2.f32 v40;
	v40 =	vld [tilespmem:s18+$0x3000]  }
0x4c3: {  	v52 =	vadd.s32 $0xFFFC0800, v30;
	[tilespmem:v37+s21+$0x0] =	vst.idx.add.f32.msk vm3, v39;
	v30 =	vmul.f32 $1.442695020e+00, v49;
	v46 =	vmin.f32 v43, $1.999999880e+00;
	v41 =	vpop (erf)  }
0x4c4: {  	v49 =	vld [tilespmem:s13+$0x2080];
	v37 =	vshra.s32 v46, $0xC;
	vm3 =	veq.s32 v48, $0x0;
	v39 =	vadd.f32 $1.000000000e+00, v41  }
0x4c5: {  	[tilespmem:v45+s20+$0x0] =	vst.idx.add.f32.msk vm4, v1;
	v43 =	vpop (erf);
	v48 =	vadd.s32 $0xFFFC0800, v37;
	(erf) = vpow2.f32 v30;
	v30 =	vadd.f32 $1.000000000e+00, v44  }
0x4c6: {  	v53 =	vadd.f32 $1.000000000e+00, v43;
	[tilespmem:v45+s21+$0x0] =	vst.idx.add.f32.msk vm4, v0;
	v0 =	vmin.f32 v39, $1.999999880e+00;
	v39 =	vadd.s32 $0xFFFC0800, v47  }
0x4c7: {  	v43 =	vld [tilespmem:s7+$0x3100];
	v45 =	vshra.s32 v0, $0xC;
	vm4 =	veq.s32 v40, $0x0;
	v40 =	vpop (erf);
	v37 =	vmin.f32 v30, $1.999999880e+00  }
0x4c8: {  	v44 =	vld [tilespmem:s7+$0x2110];
	(erf) = vrcp.f32 v53;
	v45 =	vadd.s32 $0xFFFC0800, v45;
	v40 =	vadd.f32 $1.000000000e+00, v40  }
0x4c9: {  	v53 =	vshra.s32 v37, $0xC;
	v30 =	vpop (erf);
	[tilespmem:v52+s20+$0x0] =	vst.idx.add.f32.msk vm2, v1  }
0x4ca: {  	[tilespmem:v48+s20+$0x0] =	vst.idx.add.f32.msk vm3, v1;
	(erf) = vrcp.f32 v40;
	v40 =	vadd.s32 $0xFFFC0800, v53  }
0x4cb: {  	v47 =	vpop (erf);
	[tilespmem:v48+s21+$0x0] =	vst.idx.add.f32.msk vm3, v46  }
.Ltmp4:
0x4cc: {  	v46 =	vsub.f32 $0.0e+00, v49;
	v54 =	vadd.f32 $1.000000000e+00, v47;
	v47 =	vld [tilespmem:s8+$0x2290];
	(pc) =	sbr.rel @p1 .LBB2_7-.Ltmp4, $4  }
0x4cd: {  	s5 =	sor.u32 s28, s5;
	s28 =	smov.u32 s0;
	s0 =	smov.u32 s25;
	v49 =	vadd.f32 $1.000000000e+00, v30;
	[tilespmem:v45+s20+$0x0] =	vst.idx.add.f32.msk vm4, v1  }
0x4ce: {  	s25 =	smov.u32 s11;
	s11 =	smov.u32 s29;
	s26 =	sor.u32 $0x380, s5;
	v53 =	vmul.f32 $1.442695020e+00, v46;
	(erf) = vrcp.f32 v54;
	v48 =	vpop (erf);
	[tilespmem:v45+s21+$0x0] =	vst.idx.add.f32.msk vm4, v0  }
0x4cf: {  	s5 =	smov.u32 s15;
	s15 =	smov.u32 s24;
	s24 =	smov.u32 s12;
	v46 =	vmin.f32 v49, $1.999999880e+00;
	v49 =	vadd.f32 $1.000000000e+00, v48;
	v48 =	vld [tilespmem:s26+$0x2000]  }
0x4d0: {  	s29 =	sadd.s32 $0x100, s29;
	s12 =	smov.u32 s3;
	s3 =	sadd.s32 $0x20, s3;
	vm3 =	veq.s32 v50, $0x0;
	v45 =	vshra.s32 v46, $0xC;
	(erf) = vpow2.f32 v53;
	[tilespmem:v52+s21+$0x0] =	vst.idx.add.f32.msk vm2, v51  }
0x4d1: {  	v50 =	vpop (erf);
	(erf) = vrcp.f32 v49  }
0x4d2: {  	v0 =	vadd.s32 $0xFFFC0800, v45;
	[tilespmem:$0x1FDD0] =	vst v50  }
0x4d3: {  	v60 =	vsub.f32 $0.0e+00, v47;
	v61 =	vadd.f32 $1.000000000e+00, v50;
	v62 =	vld [tilespmem:s4+$0x3000]  }
0x4d4: {  	vm2 =	veq.s32 v43, $0x0;
	v55 =	vsub.f32 $0.0e+00, v44;
	v63 =	vld [tilespmem:s6+$0x2200];
	v51 =	vpop (erf)  }
0x4d5: {  	v56 =	vmul.f32 $1.442695020e+00, v60;
	[tilespmem:$0x1FD60] =	vst v51;
	v45 =	vmin.f32 v61, $1.999999880e+00;
	v57 =	vadd.f32 $1.000000000e+00, v51  }
0x4d6: {  	v43 =	vmul.f32 $1.442695020e+00, v55;
	v48 =	vsub.f32 $0.0e+00, v48;
	v58 =	vshra.s32 v45, $0xC;
	v52 =	vld [tilespmem:s6+$0x3190]  }
0x4d7: {  	(erf) = vpow2.f32 v56;
	v59 =	vadd.s32 $0xFFFC0800, v58;
	v47 =	vmin.f32 v57, $1.999999880e+00;
	[tilespmem:v0+s20+$0x0] =	vst.idx.add.f32.msk vm3, v1;
	v53 =	vpop (erf)  }
0x4d8: {  	v48 =	vmul.f32 $1.442695020e+00, v48;
	v60 =	vshra.s32 v47, $0xC;
	[tilespmem:$0x1FDB0] =	vst v53;
	vm4 =	veq.s32 v62, $0x0  }
0x4d9: {  	v61 =	vadd.f32 $1.000000000e+00, v53;
	v49 =	vadd.s32 $0xFFFC0800, v60;
	[tilespmem:v0+s21+$0x0] =	vst.idx.add.f32.msk vm3, v46;
	v0 =	vsub.f32 $0.0e+00, v63;
	v62 =	vpop (erf)  }
0x4da: {  	(erf) = vpow2.f32 v48;
	v63 =	vld [tilespmem:s8+$0x3280];
	v56 =	vpop (erf)  }
0x4db: {  	(erf) = vpow2.f32 v43;
	v43 =	vld [tilespmem:s13+$0x2090];
	v46 =	vmin.f32 v61, $1.999999880e+00;
	v0 =	vmul.f32 $1.442695020e+00, v0;
	[tilespmem:$0x1FD80] =	vst v56  }
0x4dc: {  	vm12 =	veq.s32 v52, $0x0;
	v57 =	vshra.s32 v46, $0xC;
	v58 =	vadd.f32 $1.000000000e+00, v56;
	[tilespmem:v59+s20+$0x0] =	vst.idx.add.f32.msk vm2, v1  }
0x4dd: {  	s3 =	sor.u32 s14, s24;
	[tilespmem:v59+s21+$0x0] =	vst.idx.add.f32.msk vm2, v45;
	v59 =	vadd.s32 $0xFFFC0800, v57;
	(erf) = vpow2.f32 v0  }
0x4de: {  	s18 =	sor.u32 $0x180, s3;
	v60 =	vadd.f32 $1.000000000e+00, v62;
	v0 =	vmin.f32 v58, $1.999999880e+00;
	[tilespmem:v49+s20+$0x0] =	vst.idx.add.f32.msk vm4, v1  }
0x4df: {  	v61 =	vshra.s32 v0, $0xC;
	vm13 =	veq.s32 v63, $0x0;
	v53 =	vld [tilespmem:s18+$0x2000]  }
0x4e0: {  	s14 =	sor.u32 $0x380, s1;
	(erf) = vrcp.f32 v60;
	[tilespmem:v49+s21+$0x0] =	vst.idx.add.f32.msk vm4, v47;
	v62 =	vadd.s32 $0xFFFC0800, v61  }
0x4e1: {  	v52 =	vpop (erf);
	v63 =	vld [tilespmem:s14+$0x2000]  }
0x4e2: {  	v45 =	vadd.f32 $1.000000000e+00, v52;
	[tilespmem:v59+s20+$0x0] =	vst.idx.add.f32.msk vm12, v1  }
0x4e3: {  	s3 =	sadd.s32 $0x1, s10;
	v54 =	vpop (erf);
	[tilespmem:v59+s21+$0x0] =	vst.idx.add.f32.msk vm12, v46  }
0x4e4: {  	s19 =	sand.u32 $0x3, s3;
	v43 =	vsub.f32 $0.0e+00, v43;
	(erf) = vrcp.f32 v45;
	v55 =	vpop (erf);
	v56 =	vadd.f32 $1.000000000e+00, v54;
	v46 =	vld [tilespmem:s6+$0x2210]  }
0x4e5: {  	s1 =	sshll.u32 s19, $0x5;
	v44 =	vadd.f32 $1.000000000e+00, v55;
	[tilespmem:v62+s20+$0x0] =	vst.idx.add.f32.msk vm13, v1  }
0x4e6: {  	s1 =	sadd.s32 s1, s28;
	(erf) = vrcp.f32 v56;
	[tilespmem:v62+s21+$0x0] =	vst.idx.add.f32.msk vm13, v0;
	v0 =	vmul.f32 $1.442695020e+00, v43;
	v57 =	vpop (erf)  }
0x4e7: {  	s9 =	sor.u32 $0x300, s1;
	v60 =	vld [tilespmem:s13+$0x3080];
	v58 =	vsub.f32 $0.0e+00, v63;
	(erf) = vrcp.f32 v44;
	v43 =	vadd.f32 $1.000000000e+00, v57  }
0x4e8: {  	v61 =	vsub.f32 $0.0e+00, v53;
	v59 =	vld [tilespmem:s9+$0x2000];
	(erf) = vpow2.f32 v0  }
0x4e9: {  	v0 =	vmul.f32 $1.442695020e+00, v58;
	v63 =	vpop (erf);
	(erf) = vrcp.f32 v43  }
0x4ea: {  	v50 =	vmul.f32 $1.442695020e+00, v61;
	v62 =	vsub.f32 $0.0e+00, v46  }
0x4eb: {  	[tilespmem:$0x1FE00] =	vst v63;
	v51 =	vadd.f32 $1.000000000e+00, v63;
	(erf) = vpow2.f32 v0  }
0x4ec: {  	v52 =	vld [tilespmem:s8+$0x3290];
	v0 =	vmul.f32 $1.442695020e+00, v62;
	(erf) = vpow2.f32 v50  }
0x4ed: {  	vm14 =	veq.s32 v60, $0x0;
	v43 =	vmin.f32 v51, $1.999999880e+00;
	v53 =	vpop (erf);
	v44 =	vsub.f32 $0.0e+00, v59  }
0x4ee: {  	[tilespmem:$0x1FD90] =	vst v53;
	v46 =	vadd.f32 $1.000000000e+00, v53;
	(erf) = vpow2.f32 v0;
	v0 =	vshra.s32 v43, $0xC  }
0x4ef: {  	v54 =	vld [tilespmem:s7+$0x3110];
	v55 =	vpop (erf);
	v0 =	vadd.s32 $0xFFFC0800, v0  }
0x4f0: {  	v44 =	vmul.f32 $1.442695020e+00, v44;
	v46 =	vmin.f32 v46, $1.999999880e+00;
	v56 =	vpop (erf)  }
0x4f1: {  	[tilespmem:$0x1FD50] =	vst v55;
	v57 =	vshra.s32 v46, $0xC;
	vm15 =	veq.s32 v52, $0x0;
	v58 =	vadd.f32 $1.000000000e+00, v56;
	v59 =	vpop (erf)  }
0x4f2: {  	[tilespmem:$0x1FDF0] =	vst v56;
	(erf) = vpow2.f32 v44;
	v44 =	vadd.s32 $0xFFFC0800, v57;
	v60 =	vpop (erf)  }
0x4f3: {  	v49 =	vld [tilespmem:s6+$0x3200];
	v45 =	vmin.f32 v58, $1.999999880e+00;
	v48 =	vadd.f32 $1.000000000e+00, v59;
	[tilespmem:$0x1FDA0] =	vst v60  }
0x4f4: {  	vm8 =	veq.s32 v54, $0x0;
	v62 =	vshra.s32 v45, $0xC;
	v61 =	vpop (erf);
	[tilespmem:v0+s20+$0x0] =	vst.idx.add.f32.msk vm14, v1  }
0x4f5: {  	v57 =	vadd.f32 $1.000000000e+00, v60;
	(erf) = vrcp.f32 v48;
	v63 =	vadd.f32 $1.000000000e+00, v61;
	[tilespmem:v0+s21+$0x0] =	vst.idx.add.f32.msk vm14, v43;
	v0 =	vpop (erf)  }
0x4f6: {  	v56 =	vadd.s32 $0xFFFC0800, v62;
	v0 =	vadd.f32 $1.000000000e+00, v0  }
0x4f7: {  	[tilespmem:v44+s20+$0x0] =	vst.idx.add.f32.msk vm15, v1;
	v61 =	vmin.f32 v57, $1.999999880e+00;
	v59 =	vpop (erf);
	(erf) = vrcp.f32 v63  }
0x4f8: {  	s1 =	sadd.s32 $0x10, s1;
	[tilespmem:v44+s21+$0x0] =	vst.idx.add.f32.msk vm15, v46;
	vm9 =	veq.s32 v49, $0x0;
	(erf) = vrcp.f32 v0;
	v0 =	vshra.s32 v61, $0xC  }
0x4f9: {  	s29 =	sor.u32 $0x300, s1;
	v58 =	vld [tilespmem:s13+$0x2100];
	v60 =	vadd.f32 $1.000000000e+00, v59;
	v0 =	vadd.s32 $0xFFFC0800, v0  }
0x4fa: {  	v44 =	vld [tilespmem:s29+$0x2000]  }
0x4fb: {  	v62 =	vpop (erf);
	[tilespmem:v56+s20+$0x0] =	vst.idx.add.f32.msk vm8, v1;
	(erf) = vrcp.f32 v60  }
0x4fc: {  	v43 =	vadd.f32 $1.000000000e+00, v62;
	[tilespmem:v56+s21+$0x0] =	vst.idx.add.f32.msk vm8, v45  }
0x4fd: {  	v45 =	vld [tilespmem:s7+$0x2190]  }
0x4fe: {  	(erf) = vrcp.f32 v43;
	v54 =	vpop (erf);
	[tilespmem:v0+s20+$0x0] =	vst.idx.add.f32.msk vm9, v1  }
0x4ff: {  	v63 =	vld [tilespmem:s13+$0x3090];
	v53 =	vsub.f32 $0.0e+00, v58;
	[tilespmem:$0x1FE20] =	vst v54  }
0x500: {  	[tilespmem:v0+s21+$0x0] =	vst.idx.add.f32.msk vm9, v61;
	v0 =	vpop (erf)  }
0x501: {  	v46 =	vmul.f32 $1.442695020e+00, v53;
	[tilespmem:$0x1FD70] =	vst v0;
	v51 =	vpop (erf)  }
0x502: {  	v44 =	vsub.f32 $0.0e+00, v44;
	[tilespmem:$0x1FDE0] =	vst v51  }
0x503: {  	v45 =	vsub.f32 $0.0e+00, v45;
	(erf) = vpow2.f32 v46;
	v55 =	vld [tilespmem:s6+$0x3210]  }
0x504: {  	v44 =	vmul.f32 $1.442695020e+00, v44;
	v0 =	vadd.f32 $1.000000000e+00, v54;
	v57 =	vpop (erf);
	v56 =	vld [tilespmem:s6+$0x2280]  }
0x505: {  	v45 =	vmul.f32 $1.442695020e+00, v45;
	[tilespmem:$0x1FDC0] =	vst v57  }
0x506: {  	(erf) = vpow2.f32 v44;
	v0 =	vmin.f32 v0, $1.999999880e+00;
	v48 =	vadd.f32 $1.000000000e+00, v57;
	v59 =	vld [tilespmem:s9+$0x3000]  }
0x507: {  	vm10 =	veq.s32 v63, $0x0;
	(erf) = vpow2.f32 v45;
	v58 =	vshra.s32 v0, $0xC;
	v61 =	vpop (erf)  }
0x508: {  	v44 =	vadd.s32 $0xFFFC0800, v58;
	v52 =	vmin.f32 v48, $1.999999880e+00;
	v53 =	vadd.f32 $1.000000000e+00, v61  }
0x509: {  	v48 =	vshra.s32 v52, $0xC;
	vm11 =	veq.s32 v55, $0x0;
	v46 =	vsub.f32 $0.0e+00, v56  }
0x50a: {  	v48 =	vadd.s32 $0xFFFC0800, v48;
	v47 =	vmin.f32 v53, $1.999999880e+00  }
0x50b: {  	v55 =	vshra.s32 v47, $0xC;
	vm12 =	veq.s32 v59, $0x0;
	v46 =	vmul.f32 $1.442695020e+00, v46  }
0x50c: {  	v54 =	vld [tilespmem:s18+$0x3000];
	v57 =	vpop (erf);
	v56 =	vadd.s32 $0xFFFC0800, v55  }
0x50d: {  	v58 =	vadd.f32 $1.000000000e+00, v57;
	[tilespmem:v44+s20+$0x0] =	vst.idx.add.f32.msk vm10, v1;
	(erf) = vpow2.f32 v46  }
0x50e: {  	[tilespmem:v44+s21+$0x0] =	vst.idx.add.f32.msk vm10, v0;
	v0 =	vadd.f32 $1.000000000e+00, v51  }
0x50f: {  	(erf) = vrcp.f32 v58;
	[tilespmem:v48+s20+$0x0] =	vst.idx.add.f32.msk vm11, v1  }
0x510: {  	v59 =	vpop (erf);
	v0 =	vmin.f32 v0, $1.999999880e+00;
	[tilespmem:v48+s21+$0x0] =	vst.idx.add.f32.msk vm11, v52  }
0x511: {  	vm13 =	veq.s32 v54, $0x0;
	v60 =	vadd.f32 $1.000000000e+00, v59;
	v62 =	vshra.s32 v0, $0xC;
	[tilespmem:v56+s20+$0x0] =	vst.idx.add.f32.msk vm12, v1  }
0x512: {  	s10 =	sor.u32 s28, s5;
	v63 =	vpop (erf);
	v53 =	vadd.s32 $0xFFFC0800, v62;
	v45 =	vld [tilespmem:s6+$0x2290]  }
0x513: {  	s5 =	sor.u32 $0x380, s10;
	(erf) = vrcp.f32 v60;
	v52 =	vadd.f32 $1.000000000e+00, v63;
	[tilespmem:v56+s21+$0x0] =	vst.idx.add.f32.msk vm12, v47  }
0x514: {  	v54 =	vld [tilespmem:s5+$0x2000]  }
0x515: {  	v55 =	vld [tilespmem:s13+$0x2110];
	(erf) = vrcp.f32 v52  }
0x516: {  	v57 =	vld [tilespmem:s13+$0x3100];
	v56 =	vpop (erf)  }
0x517: {  	[tilespmem:v53+s20+$0x0] =	vst.idx.add.f32.msk vm13, v1;
	v45 =	vsub.f32 $0.0e+00, v45;
	v44 =	vadd.f32 $1.000000000e+00, v56  }
0x518: {  	[tilespmem:v53+s21+$0x0] =	vst.idx.add.f32.msk vm13, v0;
	v58 =	vpop (erf)  }
0x519: {  	v46 =	vsub.f32 $0.0e+00, v54;
	[tilespmem:$0x1FE10] =	vst v58;
	v59 =	vmul.f32 $1.442695020e+00, v45;
	(erf) = vrcp.f32 v44  }
0x51a: {  	v0 =	vsub.f32 $0.0e+00, v55;
	v60 =	vadd.f32 $1.000000000e+00, v58;
	v62 =	vld [tilespmem:s29+$0x3000]  }
0x51b: {  	v46 =	vmul.f32 $1.442695020e+00, v46;
	v63 =	vld [tilespmem:s7+$0x2200];
	(erf) = vpow2.f32 v59  }
0x51c: {  	vm14 =	veq.s32 v57, $0x0;
	v54 =	vpop (erf);
	v0 =	vmul.f32 $1.442695020e+00, v0;
	v43 =	vmin.f32 v60, $1.999999880e+00  }
0x51d: {  	v52 =	vadd.f32 $1.000000000e+00, v54;
	(erf) = vpow2.f32 v46;
	v55 =	vshra.s32 v43, $0xC  }
0x51e: {  	v53 =	vld [tilespmem:s7+$0x3190];
	v58 =	vpop (erf);
	(erf) = vpow2.f32 v0;
	v0 =	vadd.s32 $0xFFFC0800, v55  }
0x51f: {  	v44 =	vmin.f32 v52, $1.999999880e+00;
	v59 =	vadd.f32 $1.000000000e+00, v58  }
0x520: {  	v60 =	vshra.s32 v44, $0xC;
	vm15 =	veq.s32 v62, $0x0;
	v47 =	vsub.f32 $0.0e+00, v63  }
0x521: {  	v45 =	vadd.s32 $0xFFFC0800, v60;
	v62 =	vld [tilespmem:s6+$0x3280]  }
0x522: {  	v48 =	vmin.f32 v59, $1.999999880e+00;
	v47 =	vmul.f32 $1.442695020e+00, v47;
	v55 =	vpop (erf)  }
0x523: {  	s17 =	sor.u32 s16, s12;
	vm8 =	veq.s32 v53, $0x0;
	v63 =	vshra.s32 v48, $0xC;
	[tilespmem:v0+s20+$0x0] =	vst.idx.add.f32.msk vm14, v1;
	v59 =	vadd.f32 $1.000000000e+00, v55  }
0x524: {  	s18 =	sor.u32 $0x180, s17;
	v57 =	vadd.s32 $0xFFFC0800, v63;
	[tilespmem:v0+s21+$0x0] =	vst.idx.add.f32.msk vm14, v43;
	(erf) = vpow2.f32 v47;
	v0 =	vpop (erf)  }
0x525: {  	v60 =	vld [tilespmem:s18+$0x2000];
	v0 =	vadd.f32 $1.000000000e+00, v0;
	v50 =	vmin.f32 v59, $1.999999880e+00  }
0x526: {  	vm9 =	veq.s32 v62, $0x0;
	[tilespmem:v45+s20+$0x0] =	vst.idx.add.f32.msk vm15, v1;
	v52 =	vpop (erf);
	v51 =	vshra.s32 v50, $0xC  }
0x527: {  	s1 =	sor.u32 $0x380, s1;
	[tilespmem:v45+s21+$0x0] =	vst.idx.add.f32.msk vm15, v44;
	v53 =	vadd.f32 $1.000000000e+00, v52;
	v56 =	vpop (erf);
	(erf) = vrcp.f32 v0;
	v0 =	vadd.s32 $0xFFFC0800, v51  }
0x528: {  	v45 =	vadd.f32 $1.000000000e+00, v56;
	v59 =	vld [tilespmem:s1+$0x2000]  }
0x529: {  	[tilespmem:v57+s20+$0x0] =	vst.idx.add.f32.msk vm8, v1;
	(erf) = vrcp.f32 v53  }
0x52a: {  	[tilespmem:v57+s21+$0x0] =	vst.idx.add.f32.msk vm8, v48;
	(erf) = vrcp.f32 v45  }
0x52b: {  	s19 =	sadd.s32 $0x1, s3;
	v62 =	vld [tilespmem:s7+$0x2210]  }
0x52c: {  	s3 =	sand.u32 $0x3, s19;
	[tilespmem:v0+s20+$0x0] =	vst.idx.add.f32.msk vm9, v1  }
0x52d: {  	s3 =	sshll.u32 s3, $0x5;
	v63 =	vsub.f32 $0.0e+00, v59;
	[tilespmem:v0+s21+$0x0] =	vst.idx.add.f32.msk vm9, v50;
	v0 =	vpop (erf)  }
0x52e: {  	s3 =	sadd.s32 s3, s0;
	v49 =	vld [tilespmem:s6+$0x3290];
	v44 =	vsub.f32 $0.0e+00, v60;
	v0 =	vadd.f32 $1.000000000e+00, v0  }
0x52f: {  	s28 =	sor.u32 $0x300, s3;
	v43 =	vmul.f32 $1.442695020e+00, v63  }
0x530: {  	v48 =	vld [tilespmem:s28+$0x2000];
	v53 =	vpop (erf);
	(erf) = vrcp.f32 v0;
	v0 =	vmul.f32 $1.442695020e+00, v44  }
0x531: {  	v51 =	vadd.f32 $1.000000000e+00, v53;
	(erf) = vpow2.f32 v43  }
0x532: {  	v50 =	vsub.f32 $0.0e+00, v62;
	v59 =	vpop (erf);
	(erf) = vpow2.f32 v0;
	v0 =	vld [tilespmem:s13+$0x3110]  }
0x533: {  	vm10 =	veq.s32 v49, $0x0;
	v57 =	vpop (erf);
	v44 =	vmin.f32 v51, $1.999999880e+00  }
0x534: {  	v43 =	vmul.f32 $1.442695020e+00, v50;
	v62 =	vadd.f32 $1.000000000e+00, v57;
	v60 =	vshra.s32 v44, $0xC  }
0x535: {  	v52 =	vsub.f32 $0.0e+00, v48;
	v48 =	vadd.s32 $0xFFFC0800, v60  }
0x536: {  	(erf) = vpow2.f32 v43;
	v49 =	vmin.f32 v62, $1.999999880e+00  }
0x537: {  	v63 =	vmul.f32 $1.442695020e+00, v52;
	vm11 =	veq.s32 v0, $0x0;
	v0 =	vshra.s32 v49, $0xC  }
0x538: {  	v0 =	vadd.s32 $0xFFFC0800, v0  }
0x539: {  	v50 =	vld [tilespmem:s7+$0x3200];
	(erf) = vpow2.f32 v63  }
0x53a: {  	s3 =	sadd.s32 $0x10, s3;
	[tilespmem:v48+s20+$0x0] =	vst.idx.add.f32.msk vm10, v1  }
0x53b: {  	s29 =	sor.u32 $0x300, s3;
	v52 =	vpop (erf);
	[tilespmem:v48+s21+$0x0] =	vst.idx.add.f32.msk vm10, v44  }
0x53c: {  	v51 =	vpop (erf);
	v56 =	vadd.f32 $1.000000000e+00, v52;
	v48 =	vld [tilespmem:s29+$0x2000]  }
0x53d: {  	v44 =	vadd.f32 $1.000000000e+00, v51;
	[tilespmem:v0+s20+$0x0] =	vst.idx.add.f32.msk vm11, v1  }
0x53e: {  	vm12 =	veq.s32 v50, $0x0;
	v60 =	vpop (erf);
	[tilespmem:v0+s21+$0x0] =	vst.idx.add.f32.msk vm11, v49;
	v0 =	vmin.f32 v56, $1.999999880e+00  }
0x53f: {  	v60 =	vadd.f32 $1.000000000e+00, v60;
	v62 =	vpop (erf);
	(erf) = vrcp.f32 v44;
	v45 =	vshra.s32 v0, $0xC;
	v51 =	vld [tilespmem:s13+$0x2190]  }
0x540: {  	v49 =	vadd.f32 $1.000000000e+00, v62;
	v56 =	vadd.s32 $0xFFFC0800, v45  }
0x541: {  	(erf) = vrcp.f32 v60  }
0x542: {  	v50 =	vpop (erf);
	(erf) = vrcp.f32 v49  }
0x543: {  	v43 =	vsub.f32 $0.0e+00, v48;
	v60 =	vadd.f32 $1.000000000e+00, v50  }
0x544: {  	v62 =	vsub.f32 $0.0e+00, v51  }
0x545: {  	v43 =	vmul.f32 $1.442695020e+00, v43;
	(erf) = vrcp.f32 v60;
	[tilespmem:v56+s20+$0x0] =	vst.idx.add.f32.msk vm12, v1  }
0x546: {  	[tilespmem:v56+s21+$0x0] =	vst.idx.add.f32.msk vm12, v0;
	v0 =	vmul.f32 $1.442695020e+00, v62  }
0x547: {  	(erf) = vpow2.f32 v43;
	v43 =	vld [tilespmem:s7+$0x2280]  }
0x548: {  	v62 =	vpop (erf);
	(erf) = vpow2.f32 v0;
	v0 =	vld [tilespmem:s7+$0x3210];
	_ =	sdelay $0x1  }
0x549: {  	v60 =	vpop (erf)  }
0x54a: {  	v56 =	vld [tilespmem:s28+$0x3000];
	v51 =	vpop (erf)  }
0x54b: {  	v63 =	vadd.f32 $1.000000000e+00, v51  }
0x54c: {  	vm13 =	veq.s32 v0, $0x0;
	v0 =	vsub.f32 $0.0e+00, v43  }
0x54d: {  	v50 =	vpop (erf);
	v46 =	vmin.f32 v63, $1.999999880e+00  }
0x54e: {  	v63 =	vadd.f32 $1.000000000e+00, v50;
	v49 =	vshra.s32 v46, $0xC  }
0x54f: {  	v48 =	vld [tilespmem:s18+$0x3000];
	vm14 =	veq.s32 v56, $0x0;
	v43 =	vadd.s32 $0xFFFC0800, v49;
	v56 =	vmul.f32 $1.442695020e+00, v0  }
0x550: {  	v63 =	vmin.f32 v63, $1.999999880e+00;
	v0 =	vpop (erf)  }
0x551: {  	v44 =	vadd.f32 $1.000000000e+00, v60;
	v49 =	vshra.s32 v63, $0xC;
	v0 =	vadd.f32 $1.000000000e+00, v0  }
0x552: {  	v47 =	vadd.s32 $0xFFFC0800, v49;
	(erf) = vpow2.f32 v56  }
0x553: {  	v44 =	vmin.f32 v44, $1.999999880e+00;
	v56 =	vpop (erf);
	(erf) = vrcp.f32 v0  }
0x554: {  	vm15 =	veq.s32 v48, $0x0;
	v45 =	vshra.s32 v44, $0xC;
	v56 =	vadd.f32 $1.000000000e+00, v56;
	[tilespmem:v43+s20+$0x0] =	vst.idx.add.f32.msk vm13, v1  }
0x555: {  	v0 =	vadd.s32 $0xFFFC0800, v45;
	v45 =	vld [tilespmem:s29+$0x3000]  }
0x556: {  	[tilespmem:v43+s21+$0x0] =	vst.idx.add.f32.msk vm13, v46;
	(erf) = vrcp.f32 v56  }
0x557: {  	[tilespmem:v47+s20+$0x0] =	vst.idx.add.f32.msk vm14, v1  }
0x558: {  	v43 =	vld [tilespmem:s7+$0x2290]  }
0x559: {  	[tilespmem:v47+s21+$0x0] =	vst.idx.add.f32.msk vm14, v63  }
0x55a: {  	s8 =	sor.u32 s0, s15;
	[tilespmem:v0+s20+$0x0] =	vst.idx.add.f32.msk vm15, v1  }
0x55b: {  	s0 =	sor.u32 $0x380, s8;
	[tilespmem:v0+s21+$0x0] =	vst.idx.add.f32.msk vm15, v44;
	v0 =	vpop (erf)  }
0x55c: {  	v46 =	vld [tilespmem:s0+$0x2000];
	v49 =	vpop (erf)  }
0x55d: {  	v44 =	vld [tilespmem:s13+$0x2200];
	v43 =	vsub.f32 $0.0e+00, v43;
	v47 =	vadd.f32 $1.000000000e+00, v49  }
0x55e: {  	v48 =	vld [tilespmem:s13+$0x3190];
	v63 =	vadd.f32 $1.000000000e+00, v0  }
0x55f: {  	vm6 =	veq.s32 v45, $0x0;
	v43 =	vmul.f32 $1.442695020e+00, v43;
	v56 =	vpop (erf);
	v47 =	vmin.f32 v47, $1.999999880e+00  }
0x560: {  	(erf) = vrcp.f32 v63;
	v0 =	vadd.f32 $1.000000000e+00, v56;
	v63 =	vshra.s32 v47, $0xC  }
0x561: {  	v46 =	vsub.f32 $0.0e+00, v46;
	(erf) = vpow2.f32 v43;
	v45 =	vadd.s32 $0xFFFC0800, v63  }
0x562: {  	v0 =	vmin.f32 v0, $1.999999880e+00;
	v63 =	vsub.f32 $0.0e+00, v44  }
0x563: {  	vm7 =	veq.s32 v48, $0x0;
	v46 =	vmul.f32 $1.442695020e+00, v46;
	v48 =	vshra.s32 v0, $0xC  }
0x564: {  	v48 =	vadd.s32 $0xFFFC0800, v48;
	v43 =	vmul.f32 $1.442695020e+00, v63  }
0x565: {  	(erf) = vpow2.f32 v46  }
0x566: {  	(erf) = vpow2.f32 v43;
	[tilespmem:v45+s20+$0x0] =	vst.idx.add.f32.msk vm6, v1  }
0x567: {  	[tilespmem:v45+s21+$0x0] =	vst.idx.add.f32.msk vm6, v47  }
0x568: {  	v45 =	vld [tilespmem:s7+$0x3280]  }
0x569: {  	s3 =	sor.u32 $0x380, s3;
	v43 =	vpop (erf);
	[tilespmem:v48+s20+$0x0] =	vst.idx.add.f32.msk vm7, v1  }
0x56a: {  	v44 =	vld [tilespmem:s3+$0x2000];
	v63 =	vpop (erf)  }
0x56b: {  	[tilespmem:v48+s21+$0x0] =	vst.idx.add.f32.msk vm7, v0;
	v0 =	vadd.f32 $1.000000000e+00, v43;
	v48 =	vadd.f32 $1.000000000e+00, v63  }
0x56c: {  	v23 =	vadd.f32 v23, v42;
	v47 =	vld [tilespmem:s13+$0x2210]  }
0x56d: {  	v0 =	vmin.f32 v0, $1.999999880e+00  }
0x56e: {  	v5 =	vadd.f32 v5, v23;
	v46 =	vpop (erf);
	vm8 =	veq.s32 v45, $0x0;
	v63 =	vshra.s32 v0, $0xC  }
0x56f: {  	v42 =	vadd.f32 $1.000000000e+00, v46;
	(erf) = vrcp.f32 v48;
	v23 =	vadd.s32 $0xFFFC0800, v63;
	v48 =	vpop (erf)  }
0x570: {  	v44 =	vsub.f32 $0.0e+00, v44;
	v45 =	vadd.f32 $1.000000000e+00, v48  }
0x571: {  	s9 =	sadd.s32 $0x1, s19;
	(erf) = vrcp.f32 v42;
	v63 =	vsub.f32 $0.0e+00, v47  }
0x572: {  	v5 =	vadd.f32 v10, v5;
	s4 =	sand.u32 $0x3, s9;
	v48 =	vmul.f32 $1.442695020e+00, v44;
	(erf) = vrcp.f32 v45;
	v45 =	vld [tilespmem:s7+$0x3290]  }
0x573: {  	s4 =	sshll.u32 s4, $0x5;
	v63 =	vmul.f32 $1.442695020e+00, v63  }
0x574: {  	v5 =	vadd.f32 v15, v5;
	s10 =	sadd.s32 s4, s25;
	(erf) = vpow2.f32 v48;
	[tilespmem:v23+s20+$0x0] =	vst.idx.add.f32.msk vm8, v1  }
0x575: {  	s4 =	sor.u32 $0x300, s10;
	[tilespmem:v23+s21+$0x0] =	vst.idx.add.f32.msk vm8, v0;
	(erf) = vpow2.f32 v63  }
0x576: {  	v0 =	vadd.f32 v22, v5;
	v44 =	vld [tilespmem:s4+$0x2000]  }
0x577: {  	vm9 =	veq.s32 v45, $0x0;
	v45 =	vld [tilespmem:$0x1FD50]  }
0x578: {  	v22 =	vpop (erf);
	v0 =	vadd.f32 v31, v0;
	v31 =	vld [tilespmem:s13+$0x3200]  }
0x579: {  	v46 =	vadd.f32 $1.000000000e+00, v22  }
0x57a: {  	v10 =	vpop (erf);
	v0 =	vadd.f32 v41, v0  }
0x57b: {  	v23 =	vmin.f32 v46, $1.999999880e+00;
	v5 =	vsub.f32 $0.0e+00, v44;
	v15 =	vpop (erf)  }
0x57c: {  	v47 =	vshra.s32 v23, $0xC;
	v0 =	vadd.f32 v45, v0;
	v42 =	vadd.f32 $1.000000000e+00, v15  }
0x57d: {  	v41 =	vadd.s32 $0xFFFC0800, v47;
	vm10 =	veq.s32 v31, $0x0;
	v5 =	vmul.f32 $1.442695020e+00, v5;
	v48 =	vpop (erf)  }
0x57e: {  	v63 =	vpop (erf);
	v0 =	vadd.f32 v29, v0;
	v29 =	vadd.f32 $1.000000000e+00, v48;
	v47 =	vmin.f32 v42, $1.999999880e+00  }
0x57f: {  	(erf) = vpow2.f32 v5;
	v48 =	vadd.f32 $1.000000000e+00, v63;
	v63 =	vshra.s32 v47, $0xC  }
0x580: {  	(erf) = vrcp.f32 v29;
	v29 =	vadd.s32 $0xFFFC0800, v63  }
0x581: {  	(erf) = vrcp.f32 v48  }
0x582: {  	s15 =	sadd.s32 $0x10, s10;
	[tilespmem:v41+s20+$0x0] =	vst.idx.add.f32.msk vm9, v1  }
0x583: {  	s8 =	sor.u32 $0x300, s15;
	v0 =	vadd.f32 v8, v0;
	[tilespmem:v41+s21+$0x0] =	vst.idx.add.f32.msk vm9, v23  }
0x584: {  	v41 =	vld [tilespmem:s8+$0x2000]  }
0x585: {  	v0 =	vadd.f32 v11, v0;
	[tilespmem:v29+s20+$0x0] =	vst.idx.add.f32.msk vm10, v1  }
0x586: {  	[tilespmem:v29+s21+$0x0] =	vst.idx.add.f32.msk vm10, v47  }
0x587: {  	v0 =	vadd.f32 v16, v0;
	v44 =	vld [tilespmem:s13+$0x2280]  }
0x588: {  	v42 =	vpop (erf);
	v63 =	vld [tilespmem:$0x1FD60]  }
0x589: {  	v23 =	vld [tilespmem:s13+$0x3210];
	v0 =	vadd.f32 v26, v0;
	v8 =	vpop (erf)  }
0x58a: {  	v46 =	vsub.f32 $0.0e+00, v41;
	v26 =	vld [tilespmem:$0x1FD70];
	v47 =	vadd.f32 $1.000000000e+00, v42;
	v5 =	vpop (erf)  }
0x58b: {  	v0 =	vadd.f32 v32, v0;
	v48 =	vadd.f32 $1.000000000e+00, v5  }
0x58c: {  	v16 =	vmul.f32 $1.442695020e+00, v46;
	(erf) = vrcp.f32 v47  }
0x58d: {  	v0 =	vadd.f32 v63, v0;
	v11 =	vsub.f32 $0.0e+00, v44;
	v29 =	vmin.f32 v48, $1.999999880e+00  }
0x58e: {  	vm11 =	veq.s32 v23, $0x0;
	(erf) = vpow2.f32 v16;
	v23 =	vshra.s32 v29, $0xC  }
0x58f: {  	v0 =	vadd.f32 v26, v0;
	v11 =	vmul.f32 $1.442695020e+00, v11;
	v23 =	vadd.s32 $0xFFFC0800, v23;
	_ =	sdelay $0x1  }
0x590: {  	v0 =	vadd.f32 v2, v0;
	(erf) = vpow2.f32 v11;
	_ =	sdelay $0x1  }
0x591: {  	v2 =	vld [tilespmem:s4+$0x3000];
	v0 =	vadd.f32 v9, v0  }
0x592: {  	[tilespmem:v23+s20+$0x0] =	vst.idx.add.f32.msk vm11, v1  }
0x593: {  	v0 =	vadd.f32 v12, v0;
	[tilespmem:v23+s21+$0x0] =	vst.idx.add.f32.msk vm11, v29  }
0x594: {  	v9 =	vpop (erf);
	v32 =	vld [tilespmem:s13+$0x2290]  }
0x595: {  	v31 =	vadd.f32 $1.000000000e+00, v9;
	v0 =	vadd.f32 v21, v0;
	v21 =	vld [tilespmem:$0x1FD80]  }
0x596: {  	v41 =	vpop (erf)  }
0x597: {  	v16 =	vadd.f32 $1.000000000e+00, v41;
	v11 =	vmin.f32 v31, $1.999999880e+00  }
0x598: {  	vm12 =	veq.s32 v2, $0x0;
	v2 =	vshra.s32 v11, $0xC;
	v0 =	vadd.f32 v35, v0;
	v42 =	vpop (erf)  }
0x599: {  	(erf) = vrcp.f32 v16;
	v2 =	vadd.s32 $0xFFFC0800, v2;
	v16 =	vadd.f32 $1.000000000e+00, v42  }
0x59a: {  	v0 =	vadd.f32 v21, v0;
	v12 =	vsub.f32 $0.0e+00, v32;
	_ =	sdelay $0x1  }
0x59b: {  	(erf) = vrcp.f32 v16;
	v0 =	vadd.f32 v61, v0;
	v12 =	vmul.f32 $1.442695020e+00, v12  }
0x59c: {  	v44 =	vld [tilespmem:s8+$0x3000]  }
0x59d: {  	s16 =	sor.u32 s25, s24;
	[tilespmem:v2+s20+$0x0] =	vst.idx.add.f32.msk vm12, v1;
	v0 =	vadd.f32 v59, v0;
	(erf) = vpow2.f32 v12  }
0x59e: {  	s4 =	sor.u32 $0x380, s16;
	[tilespmem:v2+s21+$0x0] =	vst.idx.add.f32.msk vm12, v11  }
0x59f: {  	v2 =	vld [tilespmem:s4+$0x2000];
	v0 =	vadd.f32 v4, v0;
	_ =	sdelay $0x1  }
0x5a0: {  	v0 =	vadd.f32 v7, v0;
	v7 =	vpop (erf)  }
0x5a1: {  	v47 =	vld [tilespmem:s13+$0x3280];
	v46 =	vadd.f32 $1.000000000e+00, v7  }
0x5a2: {  	v0 =	vadd.f32 v18, v0  }
0x5a3: {  	vm13 =	veq.s32 v44, $0x0;
	v2 =	vsub.f32 $0.0e+00, v2;
	v4 =	vpop (erf);
	v48 =	vmin.f32 v46, $1.999999880e+00  }
0x5a4: {  	v63 =	vadd.f32 $1.000000000e+00, v4;
	v0 =	vadd.f32 v25, v0;
	v61 =	vshra.s32 v48, $0xC;
	v25 =	vld [tilespmem:$0x1FD90]  }
0x5a5: {  	v2 =	vmul.f32 $1.442695020e+00, v2;
	v18 =	vadd.s32 $0xFFFC0800, v61;
	v21 =	vpop (erf)  }
0x5a6: {  	vm14 =	veq.s32 v47, $0x0;
	v11 =	vmin.f32 v63, $1.999999880e+00;
	v21 =	vadd.f32 $1.000000000e+00, v21  }
0x5a7: {  	(erf) = vpow2.f32 v2;
	v0 =	vadd.f32 v36, v0;
	v2 =	vshra.s32 v11, $0xC  }
0x5a8: {  	v2 =	vadd.s32 $0xFFFC0800, v2;
	(erf) = vrcp.f32 v21  }
0x5a9: {  	v0 =	vadd.f32 v25, v0  }
0x5aa: {  	s17 =	sadd.s32 $0x1, s9;
	[tilespmem:v18+s20+$0x0] =	vst.idx.add.f32.msk vm13, v1  }
0x5ab: {  	s19 =	sand.u32 $0x3, s17;
	s18 =	sor.u32 $0x380, s15;
	v0 =	vadd.f32 v54, v0;
	[tilespmem:v18+s21+$0x0] =	vst.idx.add.f32.msk vm13, v48  }
0x5ac: {  	s7 =	sshll.u32 s19, $0x5;
	v29 =	vld [tilespmem:s18+$0x2000]  }
0x5ad: {  	s7 =	sadd.s32 s7, s11;
	[tilespmem:v2+s20+$0x0] =	vst.idx.add.f32.msk vm14, v1;
	v0 =	vadd.f32 v62, v0  }
0x5ae: {  	s24 =	sor.u32 $0x300, s7;
	[tilespmem:v2+s21+$0x0] =	vst.idx.add.f32.msk vm14, v11  }
0x5af: {  	v0 =	vadd.f32 v3, v0;
	v3 =	vld [tilespmem:s24+$0x2000]  }
0x5b0: {  	v32 =	vld [tilespmem:s13+$0x3290];
	v31 =	vpop (erf)  }
0x5b1: {  	v2 =	vpop (erf)  }
0x5b2: {  	v35 =	vadd.f32 $1.000000000e+00, v2  }
0x5b3: {  	v11 =	vadd.f32 $1.000000000e+00, v31;
	v12 =	vsub.f32 $0.0e+00, v29  }
0x5b4: {  	v0 =	vadd.f32 v13, v0;
	v3 =	vsub.f32 $0.0e+00, v3;
	v13 =	vmin.f32 v35, $1.999999880e+00  }
0x5b5: {  	vm15 =	veq.s32 v32, $0x0;
	v12 =	vmul.f32 $1.442695020e+00, v12;
	v36 =	vshra.s32 v13, $0xC  }
0x5b6: {  	(erf) = vrcp.f32 v11;
	v3 =	vmul.f32 $1.442695020e+00, v3;
	v41 =	vadd.s32 $0xFFFC0800, v36  }
0x5b7: {  	(erf) = vpow2.f32 v12  }
0x5b8: {  	(erf) = vpow2.f32 v3;
	v3 =	vld [tilespmem:$0x1FDA0]  }
0x5b9: {  	v0 =	vadd.f32 v19, v0;
	_ =	sdelay $0x1  }
0x5ba: {  	s25 =	sadd.s32 $0x10, s7;
	v0 =	vadd.f32 v38, v0;
	[tilespmem:v41+s20+$0x0] =	vst.idx.add.f32.msk vm15, v1  }
0x5bb: {  	s28 =	sor.u32 $0x300, s25;
	[tilespmem:v41+s21+$0x0] =	vst.idx.add.f32.msk vm15, v13  }
0x5bc: {  	v0 =	vadd.f32 v3, v0;
	v3 =	vld [tilespmem:s28+$0x2000];
	_ =	sdelay $0x1  }
0x5bd: {  	v0 =	vadd.f32 v55, v0  }
0x5be: {  	v11 =	vpop (erf)  }
0x5bf: {  	v12 =	vpop (erf);
	v0 =	vadd.f32 v50, v0  }
0x5c0: {  	v42 =	vadd.f32 $1.000000000e+00, v12;
	v44 =	vpop (erf);
	v3 =	vsub.f32 $0.0e+00, v3  }
0x5c1: {  	v12 =	vadd.f32 $1.000000000e+00, v44;
	v0 =	vadd.f32 v10, v0  }
0x5c2: {  	(erf) = vrcp.f32 v42;
	v3 =	vmul.f32 $1.442695020e+00, v3  }
0x5c3: {  	(erf) = vrcp.f32 v12;
	v0 =	vadd.f32 v6, v0  }
0x5c4: {  	(erf) = vpow2.f32 v3;
	v3 =	vld [tilespmem:$0x1FDB0]  }
0x5c5: {  	v0 =	vadd.f32 v20, v0;
	_ =	sdelay $0x1  }
0x5c6: {  	v0 =	vadd.f32 v27, v0;
	_ =	sdelay $0x1  }
0x5c7: {  	v0 =	vadd.f32 v3, v0;
	v3 =	vld [tilespmem:$0x1FDC0];
	_ =	sdelay $0x4  }
0x5c8: {  	v6 =	vpop (erf);
	v0 =	vadd.f32 v3, v0;
	v3 =	vld [tilespmem:s24+$0x3000]  }
0x5c9: {  	v12 =	vpop (erf)  }
0x5ca: {  	v46 =	vadd.f32 $1.000000000e+00, v12;
	_ =	sdelay $0x1  }
0x5cb: {  	v13 =	vmin.f32 v46, $1.999999880e+00  }
0x5cc: {  	v48 =	vshra.s32 v13, $0xC;
	v0 =	vadd.f32 v53, v0;
	vm4 =	veq.s32 v3, $0x0  }
0x5cd: {  	v3 =	vadd.s32 $0xFFFC0800, v48  }
0x5ce: {  	v0 =	vadd.f32 v49, v0  }
0x5cf: {  	v47 =	vpop (erf)  }
0x5d0: {  	v16 =	vadd.f32 $1.000000000e+00, v47;
	v0 =	vadd.f32 v8, v0  }
0x5d1: {  	v49 =	vld [tilespmem:$0x1FDD0]  }
0x5d2: {  	(erf) = vrcp.f32 v16;
	v0 =	vadd.f32 v14, v0;
	[tilespmem:v3+s20+$0x0] =	vst.idx.add.f32.msk vm4, v1  }
0x5d3: {  	v50 =	vld [tilespmem:$0x1FDE0]  }
0x5d4: {  	v0 =	vadd.f32 v24, v0;
	_ =	sdelay $0x1  }
0x5d5: {  	v0 =	vadd.f32 v49, v0;
	_ =	sdelay $0x1  }
0x5d6: {  	v0 =	vadd.f32 v50, v0;
	_ =	sdelay $0x1  }
0x5d7: {  	v0 =	vadd.f32 v52, v0;
	v52 =	vld [tilespmem:s28+$0x3000]  }
0x5d8: {  	[tilespmem:v3+s21+$0x0] =	vst.idx.add.f32.msk vm4, v13;
	v3 =	vpop (erf)  }
0x5d9: {  	s29 =	sor.u32 s11, s12;
	v53 =	vadd.f32 $1.000000000e+00, v3  }
0x5da: {  	s7 =	sor.u32 $0x380, s29  }
0x5db: {  	v13 =	vld [tilespmem:s7+$0x2000];
	v54 =	vmin.f32 v53, $1.999999880e+00  }
0x5dc: {  	v16 =	vshra.s32 v54, $0xC;
	vm5 =	veq.s32 v52, $0x0  }
0x5dd: {  	v55 =	vadd.s32 $0xFFFC0800, v16  }
0x5de: {  	v0 =	vadd.f32 v43, v0;
	_ =	sdelay $0x1  }
0x5df: {  	v13 =	vsub.f32 $0.0e+00, v13;
	v0 =	vadd.f32 v9, v0;
	_ =	sdelay $0x1  }
0x5e0: {  	v13 =	vmul.f32 $1.442695020e+00, v13;
	v0 =	vadd.f32 v11, v0;
	[tilespmem:v55+s20+$0x0] =	vst.idx.add.f32.msk vm5, v1  }
0x5e1: {  	v61 =	vld [tilespmem:$0x1FDF0]  }
0x5e2: {  	(erf) = vpow2.f32 v13;
	v0 =	vadd.f32 v17, v0;
	_ =	sdelay $0x1  }
0x5e3: {  	v0 =	vadd.f32 v28, v0  }
0x5e4: {  	s8 =	sor.u32 $0x380, s25;
	[tilespmem:v55+s21+$0x0] =	vst.idx.add.f32.msk vm5, v54  }
0x5e5: {  	v9 =	vld [tilespmem:s8+$0x2000];
	v0 =	vadd.f32 v61, v0;
	_ =	sdelay $0x1  }
0x5e6: {  	v32 =	vld [tilespmem:s5+$0x3000];
	v0 =	vadd.f32 v58, v0  }
0x5e7: {  	v27 =	vld [tilespmem:s14+$0x3000]  }
0x5e8: {  	[tilespmem:v39+s20+$0x0] =	vst.idx.add.f32.msk vm1, v1;
	v0 =	vadd.f32 v51, v0  }
0x5e9: {  	v19 =	vpop (erf);
	[tilespmem:v40+s20+$0x0] =	vst.idx.add.f32.msk vm0, v1;
	v9 =	vsub.f32 $0.0e+00, v9  }
0x5ea: {  	v14 =	vadd.f32 $1.000000000e+00, v19;
	[tilespmem:v39+s21+$0x0] =	vst.idx.add.f32.msk vm1, v34;
	v0 =	vadd.f32 v22, v0  }
0x5eb: {  	v34 =	vadd.f32 $1.000000000e+00, v59;
	v35 =	vld [tilespmem:$0x1FE00];
	v25 =	vmul.f32 $1.442695020e+00, v9  }
0x5ec: {  	vm8 =	veq.s32 v32, $0x0;
	[tilespmem:v40+s21+$0x0] =	vst.idx.add.f32.msk vm0, v37;
	(erf) = vrcp.f32 v14;
	v0 =	vadd.f32 v7, v0  }
0x5ed: {  	v31 =	vadd.f32 $1.000000000e+00, v26;
	v37 =	vld [tilespmem:s1+$0x3000];
	v17 =	vmin.f32 v34, $1.999999880e+00;
	(erf) = vpow2.f32 v25  }
0x5ee: {  	v40 =	vadd.f32 $1.000000000e+00, v62;
	v39 =	vshra.s32 v17, $0xC;
	v0 =	vadd.f32 v6, v0  }
0x5ef: {  	vm7 =	veq.s32 v27, $0x0;
	v38 =	vld [tilespmem:$0x1FE10];
	v16 =	vadd.s32 $0xFFFC0800, v39  }
0x5f0: {  	v63 =	vld [tilespmem:s26+$0x3000];
	v13 =	vmin.f32 v31, $1.999999880e+00;
	v41 =	vmin.f32 v40, $1.999999880e+00;
	v0 =	vadd.f32 v33, v0  }
0x5f1: {  	v20 =	vld [tilespmem:s0+$0x3000];
	v24 =	vadd.f32 $1.000000000e+00, v45;
	v36 =	vshra.s32 v13, $0xC;
	v19 =	vshra.s32 v41, $0xC  }
0x5f2: {  	v46 =	vld [tilespmem:s4+$0x3000];
	vm9 =	veq.s32 v37, $0x0;
	v9 =	vadd.s32 $0xFFFC0800, v36;
	v0 =	vadd.f32 v35, v0  }
0x5f3: {  	v48 =	vld [tilespmem:s18+$0x3000];
	v43 =	vadd.s32 $0xFFFC0800, v19  }
0x5f4: {  	v28 =	vmin.f32 v24, $1.999999880e+00;
	[tilespmem:v16+s20+$0x0] =	vst.idx.add.f32.msk vm8, v1;
	v0 =	vadd.f32 v38, v0  }
0x5f5: {  	vm6 =	veq.s32 v63, $0x0;
	v29 =	vshra.s32 v28, $0xC;
	v22 =	vld [tilespmem:s3+$0x3000];
	v21 =	vpop (erf)  }
0x5f6: {  	[tilespmem:v16+s21+$0x0] =	vst.idx.add.f32.msk vm8, v17;
	v7 =	vadd.s32 $0xFFFC0800, v29;
	v42 =	vpop (erf);
	v0 =	vadd.f32 v60, v0  }
0x5f7: {  	[tilespmem:v9+s20+$0x0] =	vst.idx.add.f32.msk vm7, v1;
	v14 =	vadd.f32 $1.000000000e+00, v42  }
0x5f8: {  	[tilespmem:v43+s20+$0x0] =	vst.idx.add.f32.msk vm9, v1;
	v0 =	vadd.f32 v15, v0  }
0x5f9: {  	v44 =	vadd.f32 $1.000000000e+00, v10;
	[tilespmem:v9+s21+$0x0] =	vst.idx.add.f32.msk vm7, v13;
	(erf) = vrcp.f32 v14  }
0x5fa: {  	v8 =	vadd.f32 $1.000000000e+00, v8;
	[tilespmem:v43+s21+$0x0] =	vst.idx.add.f32.msk vm9, v41;
	v0 =	vadd.f32 v4, v0  }
0x5fb: {  	vm10 =	veq.s32 v20, $0x0;
	v45 =	vmin.f32 v44, $1.999999880e+00;
	[tilespmem:v7+s20+$0x0] =	vst.idx.add.f32.msk vm6, v1  }
0x5fc: {  	v8 =	vmin.f32 v8, $1.999999880e+00;
	v47 =	vshra.s32 v45, $0xC;
	[tilespmem:v7+s21+$0x0] =	vst.idx.add.f32.msk vm6, v28;
	v0 =	vadd.f32 v12, v0  }
0x5fd: {  	v10 =	vadd.s32 $0xFFFC0800, v47;
	v49 =	vshra.s32 v8, $0xC;
	v11 =	vadd.f32 $1.000000000e+00, v11;
	v15 =	vld [tilespmem:$0x1FE20]  }
0x5fe: {  	v6 =	vadd.f32 $1.000000000e+00, v6;
	vm11 =	veq.s32 v22, $0x0;
	v0 =	vadd.f32 v21, v0  }
0x5ff: {  	vm12 =	veq.s32 v46, $0x0;
	v11 =	vmin.f32 v11, $1.999999880e+00;
	v54 =	vld [tilespmem:s8+$0x3000];
	v13 =	vadd.s32 $0xFFFC0800, v49  }
0x600: {  	v50 =	vshra.s32 v11, $0xC;
	v51 =	vld [tilespmem:s7+$0x3000];
	v6 =	vmin.f32 v6, $1.999999880e+00;
	v0 =	vadd.f32 v30, v0  }
0x601: {  	vm13 =	veq.s32 v48, $0x0;
	v52 =	vadd.s32 $0xFFFC0800, v50;
	v53 =	vshra.s32 v6, $0xC  }
0x602: {  	v55 =	vadd.f32 $1.000000000e+00, v21;
	v9 =	vadd.s32 $0xFFFC0800, v53;
	v58 =	vpop (erf);
	v0 =	vadd.f32 v15, v0  }
0x603: {  	[tilespmem:v10+s20+$0x0] =	vst.idx.add.f32.msk vm10, v1;
	v60 =	vadd.f32 $1.000000000e+00, v58  }
0x604: {  	vm15 =	veq.s32 v54, $0x0;
	v59 =	vmin.f32 v55, $1.999999880e+00;
	[tilespmem:v13+s20+$0x0] =	vst.idx.add.f32.msk vm11, v1;
	v0 =	vadd.f32 v57, v0  }
0x605: {  	vm14 =	veq.s32 v51, $0x0;
	[tilespmem:v10+s21+$0x0] =	vst.idx.add.f32.msk vm10, v45;
	v10 =	vmin.f32 v60, $1.999999880e+00;
	v15 =	vshra.s32 v59, $0xC  }
0x606: {  	[tilespmem:v52+s20+$0x0] =	vst.idx.add.f32.msk vm12, v1;
	v62 =	vshra.s32 v10, $0xC;
	v61 =	vadd.s32 $0xFFFC0800, v15;
	v0 =	vadd.f32 v56, v0  }
0x607: {  	[tilespmem:v9+s20+$0x0] =	vst.idx.add.f32.msk vm13, v1;
	v63 =	vadd.s32 $0xFFFC0800, v62  }
0x608: {  	[tilespmem:v13+s21+$0x0] =	vst.idx.add.f32.msk vm11, v8;
	v0 =	vadd.f32 v5, v0  }
0x609: {  	[tilespmem:v52+s21+$0x0] =	vst.idx.add.f32.msk vm12, v11  }
.Ltmp5:
0x60a: {  	[tilespmem:v9+s21+$0x0] =	vst.idx.add.f32.msk vm13, v6;
	v0 =	vadd.f32 v2, v0;
	(pc) =	sbr.rel @p0 .LBB2_10-.Ltmp5, $4  }
0x60b: {  	[tilespmem:v61+s20+$0x0] =	vst.idx.add.f32.msk vm14, v1  }
0x60c: {  	[tilespmem:v63+s20+$0x0] =	vst.idx.add.f32.msk vm15, v1;
	v0 =	vadd.f32 v3, v0  }
0x60d: {  	[tilespmem:v61+s21+$0x0] =	vst.idx.add.f32.msk vm14, v59  }
0x60e: {  	[tilespmem:v63+s21+$0x0] =	vst.idx.add.f32.msk vm15, v10;
	v23 =	vadd.f32 v58, v0  }
0x60f: {  	s0 =	rddreg [dreg:$0x9]  }
0x610: {  	s1 =	rddreg [dreg:$0x0]  }
.Ltmp6:
0x611: {  	s26 =	simm.s32 $0x0;
	s0 =	sadd.s32 s2, s0;
	(pc) =	sbr.rel .LBB2_4-.Ltmp6, $4  }
0x612: {  	s3 =	simm.s32 $0x2000;
	s28 =	rddreg [dreg:$0x1];
	s1 =	sadd.s32 s1, s0  }
0x613: {  	[tilespmem:s3], [sflag:$0x3] =	stream.linear.gather [hbm4b:s1+s26], $0x1000, $0x38;
	[tilespmem:$0x5080] =	vst v63  }
0x614: {  	s29 =	simm.s32 $0x3000;
	s31 =	sadd.s32 $0x1, s31;
	s0 =	sadd.s32 s28, s0  }
0x615: {  	[tilespmem:s29], [sflag:$0x4] =	stream.linear.gather [hbm4b:s0+s26], $0x1000, $0x38;
	[tilespmem:$0x5080] =	vst v63  }
.LBB2_11:
0x616: {  	_ =	sfence.sel $0x180000  }
0x617: {  	[bflag:$0x0] =	sbarrier.arrive $0xFFFF  }
0x618: {  	_ =	strace $0x90000047  }
0x619: {  	s0 =	stileid.u32;
	[bflag:$0x2] =	sbarrier.arrive $0xFFFF  }
0x61a: {  	p0 =	sne.s32 s0, $0x0;
	s0 =	rddreg [dreg:$0x3]  }
0x61b: {  	s0 =	sadd.s32 @!p0 $0x100000, s0  }
0x61c: {  	[sflag:s0] =	ssyncadd.tile.s32 @!p0 $0x1;
	_ =	shalt  }
.Lfunc_end2:
_tile_overlayer_lowered:
.L_overlay_start_2:
0x61d: {  	(tag) =	ssettag $0x2  }
0x61e: {  	s0 =	rddreg [dreg:$0x0];
	s2 =	stileid.u32  }
0x61f: {  	s1 =	rddreg [dreg:$0x1];
	p0 =	sne.s32 s2, $0x0  }
0x620: {  	s3 =	rddreg [dreg:$0x2];
	[bflag:$0x3] =	sbarrier.arrive $0xFFFF;
	s2 =	simm.s32 @!p0 $0x1C05  }
0x621: {  	[timem:s3], [sflag:s2] =	dma.local @!p0 [hbm:s0], s1  }
0x622: {  	s0 =	simm.s32 @!p0 $0x5  }
0x623: {  	_ =	swait.ge @!p0 [sflag:s0], s1  }
0x624: {  	s1 =	ssub.s32 @!p0 $0x0, s1;
	[sflag:s0] =	ssyncset.done @!p0 $0x0  }
0x625: {  	[sflag:s0] =	ssyncadd.s32 @!p0 s1  }
0x626: {  	[bflag:$0x3] =	sbarrier.arrive $0xFFFF  }
0x627: {  	_ =	shalt  }

</sc_bundles>
